<compile_context>
chip_gen: v7x
topology: tpu7x:2x2x1
jax: 0.10.2.dev20260603
libtpu: 0.0.44.dev20260713+nightly
codegen_flags: <defaults>
</compile_context>

<pallas_src>
import functools

import jax
import jax.numpy as jnp
from jax import lax
from jax.experimental import pallas as pl
from jax.experimental.pallas import tpu as pltpu
from jax.experimental.pallas import tpu_sc as plsc

N = 10000
E = 320000
D = 128
EPS = 1e-7
LN_EPS = 1e-5

RB = 1000
GRID = N // RB

SC_TILES = 16
IDX_B = 128
CHUNKS = 160
EDGES_PER_TILE = CHUNKS * IDX_B
E_PAD = SC_TILES * EDGES_PER_TILE
E_ALLOC = E_PAD + 2 * IDX_B
NP = 10112
RPT = NP // SC_TILES


def _fc_body(x_ref, w_ref, b_ref, h_ref, k_ref):
    h = jnp.dot(x_ref[...], w_ref[...], preferred_element_type=jnp.float32)
    h = jnp.maximum(h + b_ref[...], 0.0)
    h_ref[...] = h
    m = jnp.max(h, axis=0, keepdims=True) + EPS
    @pl.when(pl.program_id(0) == 0)
    def _():
        k_ref[...] = m
    k_ref[...] = jnp.maximum(k_ref[...], m)


def _fc_call(x, w, b):
    return pl.pallas_call(
        _fc_body,
        grid=(GRID,),
        in_specs=[
            pl.BlockSpec((RB, D), lambda i: (i, 0)),
            pl.BlockSpec((D, D), lambda i: (0, 0)),
            pl.BlockSpec((1, D), lambda i: (0, 0)),
        ],
        out_specs=[
            pl.BlockSpec((RB, D), lambda i: (i, 0)),
            pl.BlockSpec((1, D), lambda i: (0, 0)),
        ],
        out_shape=[
            jax.ShapeDtypeStruct((N, D), jnp.float32),
            jax.ShapeDtypeStruct((1, D), jnp.float32),
        ],
    )(x, w, b)


def _prep_body(h_ref, k_ref, t_ref, u_ref, v_ref):
    r = jnp.maximum(h_ref[...], 0.0) + EPS
    t = t_ref[0, 0]
    w = jnp.exp(t * (r - k_ref[...]))
    u_ref[...] = r * w
    v_ref[...] = w


def _prep_call(h, k, t):
    return pl.pallas_call(
        _prep_body,
        grid=(GRID,),
        in_specs=[
            pl.BlockSpec((RB, D), lambda i: (i, 0)),
            pl.BlockSpec((1, D), lambda i: (0, 0)),
            pl.BlockSpec((1, 1), lambda i: (0, 0)),
        ],
        out_specs=[
            pl.BlockSpec((RB, D), lambda i: (i, 0)),
            pl.BlockSpec((RB, D), lambda i: (i, 0)),
        ],
        out_shape=[
            jax.ShapeDtypeStruct((N, D), jnp.float32),
            jax.ShapeDtypeStruct((N, D), jnp.float32),
        ],
    )(h, k, t)


def _agg_body(u_hbm, v_hbm, src_hbm, dst_hbm, z_hbm,
              num_hbm, den_hbm,
              si0, di0, si1, di1, si2, di2, si3, di3, rows, rows1, acc,
              g0, g1, isem_s, isem_d, ssem0, ssem1):
    c = lax.axis_index("c")
    s = lax.axis_index("s")
    sidx = (si0, si1, si2, si3)
    didx = (di0, di1, di2, di3)
    rowsb = (rows, rows1)
    gsem = (g0, g1)
    ssem = (ssem0, ssem1)
    r0 = s * RPT

    pltpu.sync_copy(z_hbm, rows)
    pltpu.sync_copy(z_hbm, rows1)
    for kk in range(4):
        pltpu.sync_copy(rows, acc.at[pl.ds(r0 + kk * IDX_B, IDX_B)])
    pltpu.sync_copy(rows.at[pl.ds(0, RPT - 4 * IDX_B)],
                    acc.at[pl.ds(r0 + 4 * IDX_B, RPT - 4 * IDX_B)])
    plsc.subcore_barrier()

    def run(tab_hbm):
        ebase = s * EDGES_PER_TILE
        pltpu.sync_copy(src_hbm.at[pl.ds(ebase, IDX_B)], si0)
        pltpu.sync_copy(dst_hbm.at[pl.ds(ebase, IDX_B)], di0)
        pltpu.sync_copy(src_hbm.at[pl.ds(ebase + IDX_B, IDX_B)], si1)
        pltpu.sync_copy(dst_hbm.at[pl.ds(ebase + IDX_B, IDX_B)], di1)
        pltpu.async_copy(rows, acc.at[di0], ssem0, add=True)
        pltpu.async_copy(rows1, acc.at[di0], ssem1, add=True)
        pltpu.async_copy(tab_hbm.at[si0], rows, g0)

        def outer(jj, carry):
            for u4 in range(4):
                j = 4 * jj + u4
                b = u4 % 2
                bn = (u4 + 1) % 2
                q = u4 % 4
                q1 = (u4 + 1) % 4
                q2 = (u4 + 2) % 4
                pltpu.make_async_copy(rowsb[bn], acc.at[didx[q1]],
                                      ssem[bn]).wait()
                pltpu.async_copy(tab_hbm.at[sidx[q1]], rowsb[bn], gsem[bn])
                e2 = ebase + (j + 2) * IDX_B
                dS = pltpu.async_copy(src_hbm.at[pl.ds(e2, IDX_B)],
                                      sidx[q2], isem_s)
                dD = pltpu.async_copy(dst_hbm.at[pl.ds(e2, IDX_B)],
                                      didx[q2], isem_d)
                pltpu.make_async_copy(tab_hbm.at[sidx[q]],
                                      rowsb[b], gsem[b]).wait()
                pltpu.async_copy(rowsb[b], acc.at[didx[q]],
                                 ssem[b], add=True)
                dS.wait()
                dD.wait()
            return carry

        lax.fori_loop(0, CHUNKS // 4, outer, 0)
        pltpu.make_async_copy(tab_hbm.at[si0], rows, g0).wait()
        pltpu.make_async_copy(rows, acc.at[di0], ssem0).wait()
        pltpu.make_async_copy(rows1, acc.at[di0], ssem1).wait()

    @pl.when(c == 0)
    def _():
        run(u_hbm)

    @pl.when(c == 1)
    def _():
        run(v_hbm)

    plsc.subcore_barrier()

    @pl.when(c == 0)
    def _():
        pltpu.sync_copy(acc.at[pl.ds(r0, RPT)], num_hbm.at[pl.ds(r0, RPT)])

    @pl.when(c == 1)
    def _():
        pltpu.sync_copy(acc.at[pl.ds(r0, RPT)], den_hbm.at[pl.ds(r0, RPT)])


def _agg_call(u, v, srcp, dstp, zrows):
    fn = pl.kernel(
        _agg_body,
        out_type=[
            jax.ShapeDtypeStruct((NP, D), jnp.float32),
            jax.ShapeDtypeStruct((NP, D), jnp.float32),
        ],
        mesh=plsc.VectorSubcoreMesh(core_axis_name="c", subcore_axis_name="s"),
        scratch_types=(
            [pltpu.VMEM((IDX_B,), jnp.int32)] * 8
            + [pltpu.VMEM((IDX_B, D), jnp.float32)] * 2
            + [pltpu.VMEM_SHARED((NP, D), jnp.float32)]
            + [pltpu.SemaphoreType.DMA] * 6
        ),
    )
    return fn(u, v, srcp, dstp, zrows)


def _post_body(first, num_ref, den_ref, h_ref, w1_ref, b1_ref, g1_ref,
               bt1_ref, w2_ref, b2_ref, ng_ref, nb_ref, h_out, k_ref):
    h = h_ref[...]
    agg = num_ref[...] / (den_ref[...] + 1e-16) + h
    hm = jnp.dot(agg, w1_ref[...], preferred_element_type=jnp.float32)
    hm = hm + b1_ref[...]
    mu = jnp.mean(hm, axis=-1, keepdims=True)
    dv = hm - mu
    var = jnp.mean(dv * dv, axis=-1, keepdims=True)
    hm = dv * lax.rsqrt(var + LN_EPS) * g1_ref[...] + bt1_ref[...]
    hm = jnp.maximum(hm, 0.0)
    hc = jnp.dot(hm, w2_ref[...], preferred_element_type=jnp.float32)
    hc = hc + b2_ref[...]
    if first:
        hnew = hc
    else:
        mu2 = jnp.mean(hc, axis=-1, keepdims=True)
        dv2 = hc - mu2
        var2 = jnp.mean(dv2 * dv2, axis=-1, keepdims=True)
        hc = dv2 * lax.rsqrt(var2 + LN_EPS) * ng_ref[...] + nb_ref[...]
        hnew = h + jnp.maximum(hc, 0.0)
    h_out[...] = hnew
    m = jnp.max(jnp.maximum(hnew, 0.0), axis=0, keepdims=True) + EPS
    @pl.when(pl.program_id(0) == 0)
    def _():
        k_ref[...] = m
    k_ref[...] = jnp.maximum(k_ref[...], m)


def _post_call(first, nump, denp, h, w1, b1, g1, bt1, w2, b2, ng, nb):
    return pl.pallas_call(
        functools.partial(_post_body, first),
        grid=(GRID,),
        in_specs=[
            pl.BlockSpec((RB, D), lambda i: (i, 0)),
            pl.BlockSpec((RB, D), lambda i: (i, 0)),
            pl.BlockSpec((RB, D), lambda i: (i, 0)),
            pl.BlockSpec((D, 2 * D), lambda i: (0, 0)),
            pl.BlockSpec((1, 2 * D), lambda i: (0, 0)),
            pl.BlockSpec((1, 2 * D), lambda i: (0, 0)),
            pl.BlockSpec((1, 2 * D), lambda i: (0, 0)),
            pl.BlockSpec((2 * D, D), lambda i: (0, 0)),
            pl.BlockSpec((1, D), lambda i: (0, 0)),
            pl.BlockSpec((1, D), lambda i: (0, 0)),
            pl.BlockSpec((1, D), lambda i: (0, 0)),
        ],
        out_specs=[
            pl.BlockSpec((RB, D), lambda i: (i, 0)),
            pl.BlockSpec((1, D), lambda i: (0, 0)),
        ],
        out_shape=[
            jax.ShapeDtypeStruct((N, D), jnp.float32),
            jax.ShapeDtypeStruct((1, D), jnp.float32),
        ],
    )(nump, denp, h, w1, b1, g1, bt1, w2, b2, ng, nb)


def _pool_body(h0_ref, h1_ref, h2_ref, h3_ref, wp0_ref, wp1_ref, wp2_ref,
               wp3_ref, bp_ref, wa_ref, ba_ref, wb_ref, bb_ref, wc_ref,
               bc_ref, out_ref, m_ref, d_ref, acc_ref):
    hp = jnp.dot(h0_ref[...], wp0_ref[...], preferred_element_type=jnp.float32)
    hp = hp + jnp.dot(h1_ref[...], wp1_ref[...], preferred_element_type=jnp.float32)
    hp = hp + jnp.dot(h2_ref[...], wp2_ref[...], preferred_element_type=jnp.float32)
    hp = hp + jnp.dot(h3_ref[...], wp3_ref[...], preferred_element_type=jnp.float32)
    hp = jnp.maximum(hp + bp_ref[...], 0.0)
    a = jnp.tanh(jnp.dot(hp, wa_ref[...], preferred_element_type=jnp.float32) + ba_ref[...])
    g = jnp.dot(hp, wb_ref[...], preferred_element_type=jnp.float32) + bb_ref[...]
    g = 1.0 / (1.0 + jnp.exp(-g))
    s = jnp.dot(a * g, wc_ref[...], preferred_element_type=jnp.float32) + bc_ref[...]

    @pl.when(pl.program_id(0) == 0)
    def _():
        m_ref[0, 0] = -1e30
        d_ref[0, 0] = 0.0
        acc_ref[...] = jnp.zeros_like(acc_ref)

    bm = jnp.max(s)
    m_old = m_ref[0, 0]
    m_new = jnp.maximum(m_old, bm)
    scale = jnp.exp(m_old - m_new)
    w = jnp.exp(s - m_new)
    d_ref[0, 0] = d_ref[0, 0] * scale + jnp.sum(w)
    acc_ref[...] = acc_ref[...] * scale + jnp.sum(w * hp, axis=0, keepdims=True)
    m_ref[0, 0] = m_new

    @pl.when(pl.program_id(0) == pl.num_programs(0) - 1)
    def _():
        out_ref[...] = acc_ref[...] / d_ref[0, 0]


def _pool_call(h0, h1, h2, h3, wp0, wp1, wp2, wp3, bp, wa, ba, wb, bb, wc, bc):
    blk = pl.BlockSpec((RB, D), lambda i: (i, 0))
    wblk = pl.BlockSpec((D, D), lambda i: (0, 0))
    vblk = pl.BlockSpec((1, D), lambda i: (0, 0))
    return pl.pallas_call(
        _pool_body,
        grid=(GRID,),
        in_specs=[blk, blk, blk, blk, wblk, wblk, wblk, wblk, vblk,
                  wblk, vblk, wblk, vblk,
                  pl.BlockSpec((D, 1), lambda i: (0, 0)),
                  pl.BlockSpec((1, 1), lambda i: (0, 0))],
        out_specs=pl.BlockSpec((1, D), lambda i: (0, 0)),
        out_shape=jax.ShapeDtypeStruct((1, D), jnp.float32),
        scratch_shapes=[
            pltpu.SMEM((1, 1), jnp.float32),
            pltpu.SMEM((1, 1), jnp.float32),
            pltpu.VMEM((1, D), jnp.float32),
        ],
    )(h0, h1, h2, h3, wp0, wp1, wp2, wp3, bp, wa, ba, wb, bb, wc, bc)


def kernel(x, edge_index, W_fc, b_fc, conv_W1, conv_b1, conv_ln_g,
           conv_ln_b, conv_W2, conv_b2, conv_t, norm_g, norm_b, W_phi,
           b_phi, Wa, ba, Wb, bb, Wc, bc):
    src = edge_index[0]
    dst = edge_index[1]
    pad = E_ALLOC - E
    srcp = jnp.concatenate([src, jnp.zeros((pad,), jnp.int32)])
    dstp = jnp.concatenate([dst, jnp.full((pad,), N, jnp.int32)])
    zrows = jnp.zeros((IDX_B, D), jnp.float32)

    h, k = _fc_call(x, W_fc, b_fc.reshape(1, D))
    hs = [h]
    for i in range(3):
        u, v = _prep_call(h, k, conv_t[i].reshape(1, 1))
        nump, denp = _agg_call(u, v, srcp, dstp, zrows)
        h, k = _post_call(
            i == 0, nump, denp, h,
            conv_W1[i], conv_b1[i].reshape(1, 2 * D),
            conv_ln_g[i].reshape(1, 2 * D), conv_ln_b[i].reshape(1, 2 * D),
            conv_W2[i], conv_b2[i].reshape(1, D),
            norm_g[i].reshape(1, D), norm_b[i].reshape(1, D),
        )
        hs.append(h)

    H = _pool_call(
        hs[0], hs[1], hs[2], hs[3],
        W_phi[0:D], W_phi[D:2 * D], W_phi[2 * D:3 * D], W_phi[3 * D:4 * D],
        b_phi.reshape(1, D), Wa, ba.reshape(1, D), Wb, bb.reshape(1, D),
        Wc, bc.reshape(1, 1),
    )
    return H

# --- scband reference (transcript-rebuilt; emitter-appended) ---
"""Pipeline reference for scband-patch-gcn-27204322853676 (READ-ONLY COPY).

The authoritative reference and input builder live on the scoring server;
editing this copy changes nothing except your own understanding.
"""

import jax, jax.numpy as jnp
import numpy as np

N = 10000
E = 320000
D_IN, D_H, D_OUT = 128, 128, 128
EPS = 1e-7

def _layer_norm(x, g, b, eps=1e-5):
    mu = jnp.mean(x, axis=-1, keepdims=True)
    var = jnp.mean((x - mu) ** 2, axis=-1, keepdims=True)
    return (x - mu) / jnp.sqrt(var + eps) * g + b

def _scatter_softmax(vals, index, n):
    vmax = jax.ops.segment_max(vals, index, num_segments=n)
    vmax = jnp.where(jnp.isfinite(vmax), vmax, 0.0)
    ex = jnp.exp(vals - vmax[index])
    den = jax.ops.segment_sum(ex, index, num_segments=n)
    return ex / (den[index] + 1e-16)

def _gen_conv(x, src, dst, W1, b1, g1, bt1, W2, b2, t):
    n = x.shape[0]
    msg = jax.nn.relu(x[src]) + EPS
    alpha = _scatter_softmax(msg * t, dst, n)
    out = jax.ops.segment_sum(msg * alpha, dst, num_segments=n)
    out = out + x
    h = out @ W1 + b1
    h = _layer_norm(h, g1, bt1)
    h = jax.nn.relu(h)
    return h @ W2 + b2

def setup_inputs(seed: int = 0):
    key = jax.random.key(seed)
    ks = jax.random.split(key, 16)
    def w(k, shape, fan):
        return (jax.random.normal(k, shape, jnp.float32) / np.sqrt(fan)).astype(jnp.float32)
    inp = {}
    inp["x"] = jax.random.normal(ks[0], (N, D_IN), jnp.float32)
    inp["edge_index"] = jax.random.randint(ks[1], (2, E), 0, N, dtype=jnp.int32)
    inp["W_fc"] = w(ks[2], (D_IN, D_H), D_IN)
    inp["b_fc"] = jnp.zeros((D_H,), jnp.float32)
    inp["conv_W1"] = w(ks[3], (3, D_H, 2 * D_H), D_H)
    inp["conv_b1"] = jnp.zeros((3, 2 * D_H), jnp.float32)
    inp["conv_ln_g"] = jnp.ones((3, 2 * D_H), jnp.float32)
    inp["conv_ln_b"] = jnp.zeros((3, 2 * D_H), jnp.float32)
    inp["conv_W2"] = w(ks[4], (3, 2 * D_H, D_H), 2 * D_H)
    inp["conv_b2"] = jnp.zeros((3, D_H), jnp.float32)
    inp["conv_t"] = jnp.ones((3,), jnp.float32)
    inp["norm_g"] = jnp.ones((3, D_H), jnp.float32)
    inp["norm_b"] = jnp.zeros((3, D_H), jnp.float32)
    inp["W_phi"] = w(ks[5], (4 * D_H, D_OUT), 4 * D_H)
    inp["b_phi"] = jnp.zeros((D_OUT,), jnp.float32)
    inp["Wa"] = w(ks[6], (D_OUT, D_OUT), D_OUT)
    inp["ba"] = jnp.zeros((D_OUT,), jnp.float32)
    inp["Wb"] = w(ks[7], (D_OUT, D_OUT), D_OUT)
    inp["bb"] = jnp.zeros((D_OUT,), jnp.float32)
    inp["Wc"] = w(ks[8], (D_OUT, 1), D_OUT)
    inp["bc"] = jnp.zeros((1,), jnp.float32)
    return inp

def reference(x, edge_index, W_fc, b_fc, conv_W1, conv_b1, conv_ln_g, conv_ln_b, conv_W2, conv_b2, conv_t, norm_g, norm_b, W_phi, b_phi, Wa, ba, Wb, bb, Wc, bc):
    src, dst = edge_index[0], edge_index[1]
    h = jax.nn.relu(x @ W_fc + b_fc)
    x_ = h
    h = _gen_conv(h, src, dst, conv_W1[0], conv_b1[0], conv_ln_g[0], conv_ln_b[0], conv_W2[0], conv_b2[0], conv_t[0])
    x_ = jnp.concatenate([x_, h], axis=1)
    for i in range(1, 3):
        hc = _gen_conv(h, src, dst, conv_W1[i], conv_b1[i], conv_ln_g[i], conv_ln_b[i], conv_W2[i], conv_b2[i], conv_t[i])
        hc = _layer_norm(hc, norm_g[i], norm_b[i])
        hc = jax.nn.relu(hc)
        h = h + hc
        x_ = jnp.concatenate([x_, h], axis=1)
    hp = jax.nn.relu(x_ @ W_phi + b_phi)
    a = jnp.tanh(hp @ Wa + ba)
    bgate = jax.nn.sigmoid(hp @ Wb + bb)
    A = (a * bgate) @ Wc + bc
    A = A.T
    H = jax.nn.softmax(A, axis=1) @ hp
    return H

if __name__ == "__main__":
    import jax
    _d = setup_inputs()
    print(jax.jit(kernel)(*tuple(_d.values())))

</pallas_src>

<mosaic_0001>
#map = affine_map<(d0, d1) -> (0, 0)>
#map1 = affine_map<(d0, d1) -> (0)>
module attributes {stable_mosaic.version = 14 : i64} {
  func.func @_agg_body(%arg0: i32, %arg1: i32, %arg2: memref<10000x128xf32, #tpu.memory_space<hbm>>, %arg3: memref<10000x128xf32, #tpu.memory_space<hbm>>, %arg4: memref<327936xi32, #tpu.memory_space<hbm>>, %arg5: memref<327936xi32, #tpu.memory_space<hbm>>, %arg6: memref<128x128xf32, #tpu.memory_space<hbm>>, %arg7: memref<10112x128xf32, #tpu.memory_space<hbm>>, %arg8: memref<10112x128xf32, #tpu.memory_space<hbm>>, %arg9: memref<128xi32, #tpu.memory_space<vmem>>, %arg10: memref<128xi32, #tpu.memory_space<vmem>>, %arg11: memref<128xi32, #tpu.memory_space<vmem>>, %arg12: memref<128xi32, #tpu.memory_space<vmem>>, %arg13: memref<128xi32, #tpu.memory_space<vmem>>, %arg14: memref<128xi32, #tpu.memory_space<vmem>>, %arg15: memref<128xi32, #tpu.memory_space<vmem>>, %arg16: memref<128xi32, #tpu.memory_space<vmem>>, %arg17: memref<128x128xf32, #tpu.memory_space<vmem>>, %arg18: memref<128x128xf32, #tpu.memory_space<vmem>>, %arg19: memref<10112x128xf32, #tpu.memory_space<vmem_shared>>, %arg20: memref<!tpu.dma_semaphore, #tpu.memory_space<semaphore_mem>>, %arg21: memref<!tpu.dma_semaphore, #tpu.memory_space<semaphore_mem>>, %arg22: memref<!tpu.dma_semaphore, #tpu.memory_space<semaphore_mem>>, %arg23: memref<!tpu.dma_semaphore, #tpu.memory_space<semaphore_mem>>, %arg24: memref<!tpu.dma_semaphore, #tpu.memory_space<semaphore_mem>>, %arg25: memref<!tpu.dma_semaphore, #tpu.memory_space<semaphore_mem>>) attributes {dimension_semantics = [#tpu.dimension_semantics<core_parallel>, #tpu.dimension_semantics<subcore_parallel>], iteration_bounds = array<i64: 2, 16>, scalar_prefetch = 0 : i64, scratch_operands = 17 : i64, tpu.core_type = #tpu.core_type<sc_vector_subcore>, window_params = [{transform_indices = #map}, {transform_indices = #map}, {transform_indices = #map1}, {transform_indices = #map1}, {transform_indices = #map}, {transform_indices = #map}, {transform_indices = #map}]} {
    %mul3A = arith.constant 632 : i32
    %mul3A_0 = arith.muli %arg1, %mul3A : i32
    "tpu.region"() ({
      %run_scoped3A = tpu.sem_alloc : memref<!tpu.dma_semaphore, #tpu.memory_space<semaphore_mem>>
      tpu.enqueue_dma source(%arg6 : memref<128x128xf32, #tpu.memory_space<hbm>>) target(%arg17 : memref<128x128xf32, #tpu.memory_space<vmem>>) target_semaphore(%run_scoped3A : memref<!tpu.dma_semaphore, #tpu.memory_space<semaphore_mem>>)
      tpu.wait_dma2 semaphore(%run_scoped3A : memref<!tpu.dma_semaphore, #tpu.memory_space<semaphore_mem>>) src(%arg6 : memref<128x128xf32, #tpu.memory_space<hbm>>) dst(%arg17 : memref<128x128xf32, #tpu.memory_space<vmem>>)
      tpu.yield
    }) : () -> ()
    "tpu.region"() ({
      %run_scoped3A = tpu.sem_alloc : memref<!tpu.dma_semaphore, #tpu.memory_space<semaphore_mem>>
      tpu.enqueue_dma source(%arg6 : memref<128x128xf32, #tpu.memory_space<hbm>>) target(%arg18 : memref<128x128xf32, #tpu.memory_space<vmem>>) target_semaphore(%run_scoped3A : memref<!tpu.dma_semaphore, #tpu.memory_space<semaphore_mem>>)
      tpu.wait_dma2 semaphore(%run_scoped3A : memref<!tpu.dma_semaphore, #tpu.memory_space<semaphore_mem>>) src(%arg6 : memref<128x128xf32, #tpu.memory_space<hbm>>) dst(%arg18 : memref<128x128xf32, #tpu.memory_space<vmem>>)
      tpu.yield
    }) : () -> ()
    %add3A = arith.constant 0 : i32
    %add3A_1 = arith.addi %mul3A_0, %add3A : i32
    "tpu.region"() ({
      %run_scoped3A = tpu.sem_alloc : memref<!tpu.dma_semaphore, #tpu.memory_space<semaphore_mem>>
      %dma_start3A = arith.constant 0 : i32
      %dma_start3A_28 = tpu.memref_slice %arg19[%add3A_1, %dma_start3A] : memref<10112x128xf32, #tpu.memory_space<vmem_shared>> -> memref<128x128xf32, #tpu.memory_space<vmem_shared>>
      %dma_start3A_29 = arith.constant 0 : i32
      %dma_start3A_30 = tpu.memref_slice %arg19[%add3A_1, %dma_start3A_29] : memref<10112x128xf32, #tpu.memory_space<vmem_shared>> -> memref<128x128xf32, #tpu.memory_space<vmem_shared>>
      tpu.enqueue_dma source(%arg17 : memref<128x128xf32, #tpu.memory_space<vmem>>) target(%dma_start3A_30 : memref<128x128xf32, #tpu.memory_space<vmem_shared>>) target_semaphore(%run_scoped3A : memref<!tpu.dma_semaphore, #tpu.memory_space<semaphore_mem>>)
      %dma_wait3A = arith.constant 0 : i32
      %dma_wait3A_31 = tpu.memref_slice %arg19[%add3A_1, %dma_wait3A] : memref<10112x128xf32, #tpu.memory_space<vmem_shared>> -> memref<128x128xf32, #tpu.memory_space<vmem_shared>>
      %dma_wait3A_32 = arith.constant 0 : i32
      %dma_wait3A_33 = tpu.memref_slice %arg19[%add3A_1, %dma_wait3A_32] : memref<10112x128xf32, #tpu.memory_space<vmem_shared>> -> memref<128x128xf32, #tpu.memory_space<vmem_shared>>
      tpu.wait_dma2 semaphore(%run_scoped3A : memref<!tpu.dma_semaphore, #tpu.memory_space<semaphore_mem>>) src(%arg17 : memref<128x128xf32, #tpu.memory_space<vmem>>) dst(%dma_wait3A_33 : memref<128x128xf32, #tpu.memory_space<vmem_shared>>)
      tpu.yield
    }) : () -> ()
    %add3A_2 = arith.constant 128 : i32
    %add3A_3 = arith.addi %mul3A_0, %add3A_2 : i32
    "tpu.region"() ({
      %run_scoped3A = tpu.sem_alloc : memref<!tpu.dma_semaphore, #tpu.memory_space<semaphore_mem>>
      %dma_start3A = arith.constant 0 : i32
      %dma_start3A_28 = tpu.memref_slice %arg19[%add3A_3, %dma_start3A] : memref<10112x128xf32, #tpu.memory_space<vmem_shared>> -> memref<128x128xf32, #tpu.memory_space<vmem_shared>>
      %dma_start3A_29 = arith.constant 0 : i32
      %dma_start3A_30 = tpu.memref_slice %arg19[%add3A_3, %dma_start3A_29] : memref<10112x128xf32, #tpu.memory_space<vmem_shared>> -> memref<128x128xf32, #tpu.memory_space<vmem_shared>>
      tpu.enqueue_dma source(%arg17 : memref<128x128xf32, #tpu.memory_space<vmem>>) target(%dma_start3A_30 : memref<128x128xf32, #tpu.memory_space<vmem_shared>>) target_semaphore(%run_scoped3A : memref<!tpu.dma_semaphore, #tpu.memory_space<semaphore_mem>>)
      %dma_wait3A = arith.constant 0 : i32
      %dma_wait3A_31 = tpu.memref_slice %arg19[%add3A_3, %dma_wait3A] : memref<10112x128xf32, #tpu.memory_space<vmem_shared>> -> memref<128x128xf32, #tpu.memory_space<vmem_shared>>
      %dma_wait3A_32 = arith.constant 0 : i32
      %dma_wait3A_33 = tpu.memref_slice %arg19[%add3A_3, %dma_wait3A_32] : memref<10112x128xf32, #tpu.memory_space<vmem_shared>> -> memref<128x128xf32, #tpu.memory_space<vmem_shared>>
      tpu.wait_dma2 semaphore(%run_scoped3A : memref<!tpu.dma_semaphore, #tpu.memory_space<semaphore_mem>>) src(%arg17 : memref<128x128xf32, #tpu.memory_space<vmem>>) dst(%dma_wait3A_33 : memref<128x128xf32, #tpu.memory_space<vmem_shared>>)
      tpu.yield
    }) : () -> ()
    %add3A_4 = arith.constant 256 : i32
    %add3A_5 = arith.addi %mul3A_0, %add3A_4 : i32
    "tpu.region"() ({
      %run_scoped3A = tpu.sem_alloc : memref<!tpu.dma_semaphore, #tpu.memory_space<semaphore_mem>>
      %dma_start3A = arith.constant 0 : i32
      %dma_start3A_28 = tpu.memref_slice %arg19[%add3A_5, %dma_start3A] : memref<10112x128xf32, #tpu.memory_space<vmem_shared>> -> memref<128x128xf32, #tpu.memory_space<vmem_shared>>
      %dma_start3A_29 = arith.constant 0 : i32
      %dma_start3A_30 = tpu.memref_slice %arg19[%add3A_5, %dma_start3A_29] : memref<10112x128xf32, #tpu.memory_space<vmem_shared>> -> memref<128x128xf32, #tpu.memory_space<vmem_shared>>
      tpu.enqueue_dma source(%arg17 : memref<128x128xf32, #tpu.memory_space<vmem>>) target(%dma_start3A_30 : memref<128x128xf32, #tpu.memory_space<vmem_shared>>) target_semaphore(%run_scoped3A : memref<!tpu.dma_semaphore, #tpu.memory_space<semaphore_mem>>)
      %dma_wait3A = arith.constant 0 : i32
      %dma_wait3A_31 = tpu.memref_slice %arg19[%add3A_5, %dma_wait3A] : memref<10112x128xf32, #tpu.memory_space<vmem_shared>> -> memref<128x128xf32, #tpu.memory_space<vmem_shared>>
      %dma_wait3A_32 = arith.constant 0 : i32
      %dma_wait3A_33 = tpu.memref_slice %arg19[%add3A_5, %dma_wait3A_32] : memref<10112x128xf32, #tpu.memory_space<vmem_shared>> -> memref<128x128xf32, #tpu.memory_space<vmem_shared>>
      tpu.wait_dma2 semaphore(%run_scoped3A : memref<!tpu.dma_semaphore, #tpu.memory_space<semaphore_mem>>) src(%arg17 : memref<128x128xf32, #tpu.memory_space<vmem>>) dst(%dma_wait3A_33 : memref<128x128xf32, #tpu.memory_space<vmem_shared>>)
      tpu.yield
    }) : () -> ()
    %add3A_6 = arith.constant 384 : i32
    %add3A_7 = arith.addi %mul3A_0, %add3A_6 : i32
    "tpu.region"() ({
      %run_scoped3A = tpu.sem_alloc : memref<!tpu.dma_semaphore, #tpu.memory_space<semaphore_mem>>
      %dma_start3A = arith.constant 0 : i32
      %dma_start3A_28 = tpu.memref_slice %arg19[%add3A_7, %dma_start3A] : memref<10112x128xf32, #tpu.memory_space<vmem_shared>> -> memref<128x128xf32, #tpu.memory_space<vmem_shared>>
      %dma_start3A_29 = arith.constant 0 : i32
      %dma_start3A_30 = tpu.memref_slice %arg19[%add3A_7, %dma_start3A_29] : memref<10112x128xf32, #tpu.memory_space<vmem_shared>> -> memref<128x128xf32, #tpu.memory_space<vmem_shared>>
      tpu.enqueue_dma source(%arg17 : memref<128x128xf32, #tpu.memory_space<vmem>>) target(%dma_start3A_30 : memref<128x128xf32, #tpu.memory_space<vmem_shared>>) target_semaphore(%run_scoped3A : memref<!tpu.dma_semaphore, #tpu.memory_space<semaphore_mem>>)
      %dma_wait3A = arith.constant 0 : i32
      %dma_wait3A_31 = tpu.memref_slice %arg19[%add3A_7, %dma_wait3A] : memref<10112x128xf32, #tpu.memory_space<vmem_shared>> -> memref<128x128xf32, #tpu.memory_space<vmem_shared>>
      %dma_wait3A_32 = arith.constant 0 : i32
      %dma_wait3A_33 = tpu.memref_slice %arg19[%add3A_7, %dma_wait3A_32] : memref<10112x128xf32, #tpu.memory_space<vmem_shared>> -> memref<128x128xf32, #tpu.memory_space<vmem_shared>>
      tpu.wait_dma2 semaphore(%run_scoped3A : memref<!tpu.dma_semaphore, #tpu.memory_space<semaphore_mem>>) src(%arg17 : memref<128x128xf32, #tpu.memory_space<vmem>>) dst(%dma_wait3A_33 : memref<128x128xf32, #tpu.memory_space<vmem_shared>>)
      tpu.yield
    }) : () -> ()
    %add3A_8 = arith.constant 512 : i32
    %add3A_9 = arith.addi %mul3A_0, %add3A_8 : i32
    "tpu.region"() ({
      %run_scoped3A = tpu.sem_alloc : memref<!tpu.dma_semaphore, #tpu.memory_space<semaphore_mem>>
      %dma_start3A = arith.constant 0 : i32
      %dma_start3A_28 = arith.constant 0 : i32
      %dma_start3A_29 = tpu.memref_slice %arg17[%dma_start3A, %dma_start3A_28] : memref<128x128xf32, #tpu.memory_space<vmem>> -> memref<120x128xf32, #tpu.memory_space<vmem>>
      %dma_start3A_30 = arith.constant 0 : i32
      %dma_start3A_31 = tpu.memref_slice %arg19[%add3A_9, %dma_start3A_30] : memref<10112x128xf32, #tpu.memory_space<vmem_shared>> -> memref<120x128xf32, #tpu.memory_space<vmem_shared>>
      %dma_start3A_32 = arith.constant 0 : i32
      %dma_start3A_33 = tpu.memref_slice %arg19[%add3A_9, %dma_start3A_32] : memref<10112x128xf32, #tpu.memory_space<vmem_shared>> -> memref<120x128xf32, #tpu.memory_space<vmem_shared>>
      %dma_start3A_34 = arith.constant 0 : i32
      %dma_start3A_35 = arith.constant 0 : i32
      %dma_start3A_36 = tpu.memref_slice %arg17[%dma_start3A_34, %dma_start3A_35] : memref<128x128xf32, #tpu.memory_space<vmem>> -> memref<120x128xf32, #tpu.memory_space<vmem>>
      tpu.enqueue_dma source(%dma_start3A_36 : memref<120x128xf32, #tpu.memory_space<vmem>>) target(%dma_start3A_33 : memref<120x128xf32, #tpu.memory_space<vmem_shared>>) target_semaphore(%run_scoped3A : memref<!tpu.dma_semaphore, #tpu.memory_space<semaphore_mem>>)
      %dma_wait3A = arith.constant 0 : i32
      %dma_wait3A_37 = arith.constant 0 : i32
      %dma_wait3A_38 = tpu.memref_slice %arg17[%dma_wait3A, %dma_wait3A_37] : memref<128x128xf32, #tpu.memory_space<vmem>> -> memref<120x128xf32, #tpu.memory_space<vmem>>
      %dma_wait3A_39 = arith.constant 0 : i32
      %dma_wait3A_40 = tpu.memref_slice %arg19[%add3A_9, %dma_wait3A_39] : memref<10112x128xf32, #tpu.memory_space<vmem_shared>> -> memref<120x128xf32, #tpu.memory_space<vmem_shared>>
      %dma_wait3A_41 = arith.constant 0 : i32
      %dma_wait3A_42 = tpu.memref_slice %arg19[%add3A_9, %dma_wait3A_41] : memref<10112x128xf32, #tpu.memory_space<vmem_shared>> -> memref<120x128xf32, #tpu.memory_space<vmem_shared>>
      %dma_wait3A_43 = arith.constant 0 : i32
      %dma_wait3A_44 = arith.constant 0 : i32
      %dma_wait3A_45 = tpu.memref_slice %arg17[%dma_wait3A_43, %dma_wait3A_44] : memref<128x128xf32, #tpu.memory_space<vmem>> -> memref<120x128xf32, #tpu.memory_space<vmem>>
      tpu.wait_dma2 semaphore(%run_scoped3A : memref<!tpu.dma_semaphore, #tpu.memory_space<semaphore_mem>>) src(%dma_wait3A_45 : memref<120x128xf32, #tpu.memory_space<vmem>>) dst(%dma_wait3A_42 : memref<120x128xf32, #tpu.memory_space<vmem_shared>>)
      tpu.yield
    }) : () -> ()
    %barrier3A = arith.constant 0 : index
    tpu.barrier barrier_id(%barrier3A)
    %eq3A = arith.constant 0 : i32
    %eq3A_10 = arith.cmpi eq, %arg0, %eq3A : i32
    %convert_element_type3A = arith.extui %eq3A_10 : i1 to i32
    %cond3A = arith.constant 0 : i32
    %cond3A_11 = arith.cmpi ne, %convert_element_type3A, %cond3A : i32
    scf.if %cond3A_11 {
      %mul3A_28 = arith.constant 20480 : i32
      %mul3A_29 = arith.muli %arg1, %mul3A_28 : i32
      "tpu.region"() ({
        %run_scoped3A = tpu.sem_alloc : memref<!tpu.dma_semaphore, #tpu.memory_space<semaphore_mem>>
        %dma_start3A_55 = tpu.memref_slice %arg4[%mul3A_29] : memref<327936xi32, #tpu.memory_space<hbm>> -> memref<128xi32, #tpu.memory_space<hbm>>
        %dma_start3A_56 = tpu.memref_slice %arg4[%mul3A_29] : memref<327936xi32, #tpu.memory_space<hbm>> -> memref<128xi32, #tpu.memory_space<hbm>>
        tpu.enqueue_dma source(%dma_start3A_56 : memref<128xi32, #tpu.memory_space<hbm>>) target(%arg9 : memref<128xi32, #tpu.memory_space<vmem>>) target_semaphore(%run_scoped3A : memref<!tpu.dma_semaphore, #tpu.memory_space<semaphore_mem>>)
        %dma_wait3A_57 = tpu.memref_slice %arg4[%mul3A_29] : memref<327936xi32, #tpu.memory_space<hbm>> -> memref<128xi32, #tpu.memory_space<hbm>>
        %dma_wait3A_58 = tpu.memref_slice %arg4[%mul3A_29] : memref<327936xi32, #tpu.memory_space<hbm>> -> memref<128xi32, #tpu.memory_space<hbm>>
        tpu.wait_dma2 semaphore(%run_scoped3A : memref<!tpu.dma_semaphore, #tpu.memory_space<semaphore_mem>>) src(%dma_wait3A_58 : memref<128xi32, #tpu.memory_space<hbm>>) dst(%arg9 : memref<128xi32, #tpu.memory_space<vmem>>)
        tpu.yield
      }) : () -> ()
      "tpu.region"() ({
        %run_scoped3A = tpu.sem_alloc : memref<!tpu.dma_semaphore, #tpu.memory_space<semaphore_mem>>
        %dma_start3A_55 = tpu.memref_slice %arg5[%mul3A_29] : memref<327936xi32, #tpu.memory_space<hbm>> -> memref<128xi32, #tpu.memory_space<hbm>>
        %dma_start3A_56 = tpu.memref_slice %arg5[%mul3A_29] : memref<327936xi32, #tpu.memory_space<hbm>> -> memref<128xi32, #tpu.memory_space<hbm>>
        tpu.enqueue_dma source(%dma_start3A_56 : memref<128xi32, #tpu.memory_space<hbm>>) target(%arg10 : memref<128xi32, #tpu.memory_space<vmem>>) target_semaphore(%run_scoped3A : memref<!tpu.dma_semaphore, #tpu.memory_space<semaphore_mem>>)
        %dma_wait3A_57 = tpu.memref_slice %arg5[%mul3A_29] : memref<327936xi32, #tpu.memory_space<hbm>> -> memref<128xi32, #tpu.memory_space<hbm>>
        %dma_wait3A_58 = tpu.memref_slice %arg5[%mul3A_29] : memref<327936xi32, #tpu.memory_space<hbm>> -> memref<128xi32, #tpu.memory_space<hbm>>
        tpu.wait_dma2 semaphore(%run_scoped3A : memref<!tpu.dma_semaphore, #tpu.memory_space<semaphore_mem>>) src(%dma_wait3A_58 : memref<128xi32, #tpu.memory_space<hbm>>) dst(%arg10 : memref<128xi32, #tpu.memory_space<vmem>>)
        tpu.yield
      }) : () -> ()
      %add3A_30 = arith.constant 128 : i32
      %add3A_31 = arith.addi %mul3A_29, %add3A_30 : i32
      "tpu.region"() ({
        %run_scoped3A = tpu.sem_alloc : memref<!tpu.dma_semaphore, #tpu.memory_space<semaphore_mem>>
        %dma_start3A_55 = tpu.memref_slice %arg4[%add3A_31] : memref<327936xi32, #tpu.memory_space<hbm>> -> memref<128xi32, #tpu.memory_space<hbm>>
        %dma_start3A_56 = tpu.memref_slice %arg4[%add3A_31] : memref<327936xi32, #tpu.memory_space<hbm>> -> memref<128xi32, #tpu.memory_space<hbm>>
        tpu.enqueue_dma source(%dma_start3A_56 : memref<128xi32, #tpu.memory_space<hbm>>) target(%arg11 : memref<128xi32, #tpu.memory_space<vmem>>) target_semaphore(%run_scoped3A : memref<!tpu.dma_semaphore, #tpu.memory_space<semaphore_mem>>)
        %dma_wait3A_57 = tpu.memref_slice %arg4[%add3A_31] : memref<327936xi32, #tpu.memory_space<hbm>> -> memref<128xi32, #tpu.memory_space<hbm>>
        %dma_wait3A_58 = tpu.memref_slice %arg4[%add3A_31] : memref<327936xi32, #tpu.memory_space<hbm>> -> memref<128xi32, #tpu.memory_space<hbm>>
        tpu.wait_dma2 semaphore(%run_scoped3A : memref<!tpu.dma_semaphore, #tpu.memory_space<semaphore_mem>>) src(%dma_wait3A_58 : memref<128xi32, #tpu.memory_space<hbm>>) dst(%arg11 : memref<128xi32, #tpu.memory_space<vmem>>)
        tpu.yield
      }) : () -> ()
      %add3A_32 = arith.constant 128 : i32
      %add3A_33 = arith.addi %mul3A_29, %add3A_32 : i32
      "tpu.region"() ({
        %run_scoped3A = tpu.sem_alloc : memref<!tpu.dma_semaphore, #tpu.memory_space<semaphore_mem>>
        %dma_start3A_55 = tpu.memref_slice %arg5[%add3A_33] : memref<327936xi32, #tpu.memory_space<hbm>> -> memref<128xi32, #tpu.memory_space<hbm>>
        %dma_start3A_56 = tpu.memref_slice %arg5[%add3A_33] : memref<327936xi32, #tpu.memory_space<hbm>> -> memref<128xi32, #tpu.memory_space<hbm>>
        tpu.enqueue_dma source(%dma_start3A_56 : memref<128xi32, #tpu.memory_space<hbm>>) target(%arg12 : memref<128xi32, #tpu.memory_space<vmem>>) target_semaphore(%run_scoped3A : memref<!tpu.dma_semaphore, #tpu.memory_space<semaphore_mem>>)
        %dma_wait3A_57 = tpu.memref_slice %arg5[%add3A_33] : memref<327936xi32, #tpu.memory_space<hbm>> -> memref<128xi32, #tpu.memory_space<hbm>>
        %dma_wait3A_58 = tpu.memref_slice %arg5[%add3A_33] : memref<327936xi32, #tpu.memory_space<hbm>> -> memref<128xi32, #tpu.memory_space<hbm>>
        tpu.wait_dma2 semaphore(%run_scoped3A : memref<!tpu.dma_semaphore, #tpu.memory_space<semaphore_mem>>) src(%dma_wait3A_58 : memref<128xi32, #tpu.memory_space<hbm>>) dst(%arg12 : memref<128xi32, #tpu.memory_space<vmem>>)
        tpu.yield
      }) : () -> ()
      %dma_start3A = arith.constant 0 : i32
      %dma_start3A_34 = arith.constant 0 : i32
      %dma_start3A_35 = tpu.memref_slice %arg19[%dma_start3A, %dma_start3A_34] : memref<10112x128xf32, #tpu.memory_space<vmem_shared>> -> memref<10112x128xf32, #tpu.memory_space<vmem_shared>>
      tpu.enqueue_indirect_dma source(%arg17 : memref<128x128xf32, #tpu.memory_space<vmem>>) target(%dma_start3A_35 : memref<10112x128xf32, #tpu.memory_space<vmem_shared>>) offsets(%arg10 : memref<128xi32, #tpu.memory_space<vmem>>) semaphore(%arg24 : memref<!tpu.dma_semaphore, #tpu.memory_space<semaphore_mem>>) {add = true}
      %dma_start3A_36 = arith.constant 0 : i32
      %dma_start3A_37 = arith.constant 0 : i32
      %dma_start3A_38 = tpu.memref_slice %arg19[%dma_start3A_36, %dma_start3A_37] : memref<10112x128xf32, #tpu.memory_space<vmem_shared>> -> memref<10112x128xf32, #tpu.memory_space<vmem_shared>>
      tpu.enqueue_indirect_dma source(%arg18 : memref<128x128xf32, #tpu.memory_space<vmem>>) target(%dma_start3A_38 : memref<10112x128xf32, #tpu.memory_space<vmem_shared>>) offsets(%arg10 : memref<128xi32, #tpu.memory_space<vmem>>) semaphore(%arg25 : memref<!tpu.dma_semaphore, #tpu.memory_space<semaphore_mem>>) {add = true}
      %dma_start3A_39 = arith.constant 0 : i32
      %dma_start3A_40 = arith.constant 0 : i32
      %dma_start3A_41 = tpu.memref_slice %arg2[%dma_start3A_39, %dma_start3A_40] : memref<10000x128xf32, #tpu.memory_space<hbm>> -> memref<10000x128xf32, #tpu.memory_space<hbm>>
      tpu.enqueue_indirect_dma source(%dma_start3A_41 : memref<10000x128xf32, #tpu.memory_space<hbm>>) target(%arg17 : memref<128x128xf32, #tpu.memory_space<vmem>>) offsets(%arg9 : memref<128xi32, #tpu.memory_space<vmem>>) semaphore(%arg20 : memref<!tpu.dma_semaphore, #tpu.memory_space<semaphore_mem>>)
      %scan3A = arith.constant 0 : i32
      %scan3A_42 = arith.constant 0 : i32
      %scan3A_43 = arith.constant 40 : i32
      %scan3A_44 = arith.addi %scan3A_42, %scan3A_43 : i32
      %scan3A_45 = arith.constant 1 : i32
      scf.for %scan3A_55 = %scan3A_42 to %scan3A_44 step %scan3A_45  : i32 {
        %mul3A_56 = arith.constant 4 : i32
        %mul3A_57 = arith.muli %mul3A_56, %scan3A_55 : i32
        %add3A_58 = arith.constant 0 : i32
        %add3A_59 = arith.addi %mul3A_57, %add3A_58 : i32
        %dma_wait3A_60 = arith.constant 0 : i32
        %dma_wait3A_61 = arith.constant 0 : i32
        %dma_wait3A_62 = tpu.memref_slice %arg19[%dma_wait3A_60, %dma_wait3A_61] : memref<10112x128xf32, #tpu.memory_space<vmem_shared>> -> memref<10112x128xf32, #tpu.memory_space<vmem_shared>>
        tpu.wait_indirect_dma semaphore(%arg25 : memref<!tpu.dma_semaphore, #tpu.memory_space<semaphore_mem>>) src(%arg18 : memref<128x128xf32, #tpu.memory_space<vmem>>) dst(%dma_wait3A_62 : memref<10112x128xf32, #tpu.memory_space<vmem_shared>>)
        %dma_start3A_63 = arith.constant 0 : i32
        %dma_start3A_64 = arith.constant 0 : i32
        %dma_start3A_65 = tpu.memref_slice %arg2[%dma_start3A_63, %dma_start3A_64] : memref<10000x128xf32, #tpu.memory_space<hbm>> -> memref<10000x128xf32, #tpu.memory_space<hbm>>
        tpu.enqueue_indirect_dma source(%dma_start3A_65 : memref<10000x128xf32, #tpu.memory_space<hbm>>) target(%arg18 : memref<128x128xf32, #tpu.memory_space<vmem>>) offsets(%arg11 : memref<128xi32, #tpu.memory_space<vmem>>) semaphore(%arg21 : memref<!tpu.dma_semaphore, #tpu.memory_space<semaphore_mem>>)
        %add3A_66 = arith.constant 2 : i32
        %add3A_67 = arith.addi %add3A_59, %add3A_66 : i32
        %mul3A_68 = arith.constant 128 : i32
        %mul3A_69 = arith.muli %add3A_67, %mul3A_68 : i32
        %add3A_70 = arith.addi %mul3A_29, %mul3A_69 : i32
        %dma_start3A_71 = tpu.memref_slice %arg4[%add3A_70] : memref<327936xi32, #tpu.memory_space<hbm>> -> memref<128xi32, #tpu.memory_space<hbm>>
        %dma_start3A_72 = tpu.memref_slice %arg4[%add3A_70] : memref<327936xi32, #tpu.memory_space<hbm>> -> memref<128xi32, #tpu.memory_space<hbm>>
        tpu.enqueue_dma source(%dma_start3A_72 : memref<128xi32, #tpu.memory_space<hbm>>) target(%arg13 : memref<128xi32, #tpu.memory_space<vmem>>) target_semaphore(%arg22 : memref<!tpu.dma_semaphore, #tpu.memory_space<semaphore_mem>>)
        %dma_start3A_73 = tpu.memref_slice %arg5[%add3A_70] : memref<327936xi32, #tpu.memory_space<hbm>> -> memref<128xi32, #tpu.memory_space<hbm>>
        %dma_start3A_74 = tpu.memref_slice %arg5[%add3A_70] : memref<327936xi32, #tpu.memory_space<hbm>> -> memref<128xi32, #tpu.memory_space<hbm>>
        tpu.enqueue_dma source(%dma_start3A_74 : memref<128xi32, #tpu.memory_space<hbm>>) target(%arg14 : memref<128xi32, #tpu.memory_space<vmem>>) target_semaphore(%arg23 : memref<!tpu.dma_semaphore, #tpu.memory_space<semaphore_mem>>)
        %dma_wait3A_75 = arith.constant 0 : i32
        %dma_wait3A_76 = arith.constant 0 : i32
        %dma_wait3A_77 = tpu.memref_slice %arg2[%dma_wait3A_75, %dma_wait3A_76] : memref<10000x128xf32, #tpu.memory_space<hbm>> -> memref<10000x128xf32, #tpu.memory_space<hbm>>
        tpu.wait_indirect_dma semaphore(%arg20 : memref<!tpu.dma_semaphore, #tpu.memory_space<semaphore_mem>>) src(%dma_wait3A_77 : memref<10000x128xf32, #tpu.memory_space<hbm>>) dst(%arg17 : memref<128x128xf32, #tpu.memory_space<vmem>>)
        %dma_start3A_78 = arith.constant 0 : i32
        %dma_start3A_79 = arith.constant 0 : i32
        %dma_start3A_80 = tpu.memref_slice %arg19[%dma_start3A_78, %dma_start3A_79] : memref<10112x128xf32, #tpu.memory_space<vmem_shared>> -> memref<10112x128xf32, #tpu.memory_space<vmem_shared>>
        tpu.enqueue_indirect_dma source(%arg17 : memref<128x128xf32, #tpu.memory_space<vmem>>) target(%dma_start3A_80 : memref<10112x128xf32, #tpu.memory_space<vmem_shared>>) offsets(%arg10 : memref<128xi32, #tpu.memory_space<vmem>>) semaphore(%arg24 : memref<!tpu.dma_semaphore, #tpu.memory_space<semaphore_mem>>) {add = true}
        %dma_wait3A_81 = tpu.memref_slice %arg4[%add3A_70] : memref<327936xi32, #tpu.memory_space<hbm>> -> memref<128xi32, #tpu.memory_space<hbm>>
        %dma_wait3A_82 = tpu.memref_slice %arg4[%add3A_70] : memref<327936xi32, #tpu.memory_space<hbm>> -> memref<128xi32, #tpu.memory_space<hbm>>
        tpu.wait_dma2 semaphore(%arg22 : memref<!tpu.dma_semaphore, #tpu.memory_space<semaphore_mem>>) src(%dma_wait3A_82 : memref<128xi32, #tpu.memory_space<hbm>>) dst(%arg13 : memref<128xi32, #tpu.memory_space<vmem>>)
        %dma_wait3A_83 = tpu.memref_slice %arg5[%add3A_70] : memref<327936xi32, #tpu.memory_space<hbm>> -> memref<128xi32, #tpu.memory_space<hbm>>
        %dma_wait3A_84 = tpu.memref_slice %arg5[%add3A_70] : memref<327936xi32, #tpu.memory_space<hbm>> -> memref<128xi32, #tpu.memory_space<hbm>>
        tpu.wait_dma2 semaphore(%arg23 : memref<!tpu.dma_semaphore, #tpu.memory_space<semaphore_mem>>) src(%dma_wait3A_84 : memref<128xi32, #tpu.memory_space<hbm>>) dst(%arg14 : memref<128xi32, #tpu.memory_space<vmem>>)
        %mul3A_85 = arith.constant 4 : i32
        %mul3A_86 = arith.muli %mul3A_85, %scan3A_55 : i32
        %add3A_87 = arith.constant 1 : i32
        %add3A_88 = arith.addi %mul3A_86, %add3A_87 : i32
        %dma_wait3A_89 = arith.constant 0 : i32
        %dma_wait3A_90 = arith.constant 0 : i32
        %dma_wait3A_91 = tpu.memref_slice %arg19[%dma_wait3A_89, %dma_wait3A_90] : memref<10112x128xf32, #tpu.memory_space<vmem_shared>> -> memref<10112x128xf32, #tpu.memory_space<vmem_shared>>
        tpu.wait_indirect_dma semaphore(%arg24 : memref<!tpu.dma_semaphore, #tpu.memory_space<semaphore_mem>>) src(%arg17 : memref<128x128xf32, #tpu.memory_space<vmem>>) dst(%dma_wait3A_91 : memref<10112x128xf32, #tpu.memory_space<vmem_shared>>)
        %dma_start3A_92 = arith.constant 0 : i32
        %dma_start3A_93 = arith.constant 0 : i32
        %dma_start3A_94 = tpu.memref_slice %arg2[%dma_start3A_92, %dma_start3A_93] : memref<10000x128xf32, #tpu.memory_space<hbm>> -> memref<10000x128xf32, #tpu.memory_space<hbm>>
        tpu.enqueue_indirect_dma source(%dma_start3A_94 : memref<10000x128xf32, #tpu.memory_space<hbm>>) target(%arg17 : memref<128x128xf32, #tpu.memory_space<vmem>>) offsets(%arg13 : memref<128xi32, #tpu.memory_space<vmem>>) semaphore(%arg20 : memref<!tpu.dma_semaphore, #tpu.memory_space<semaphore_mem>>)
        %add3A_95 = arith.constant 2 : i32
        %add3A_96 = arith.addi %add3A_88, %add3A_95 : i32
        %mul3A_97 = arith.constant 128 : i32
        %mul3A_98 = arith.muli %add3A_96, %mul3A_97 : i32
        %add3A_99 = arith.addi %mul3A_29, %mul3A_98 : i32
        %dma_start3A_100 = tpu.memref_slice %arg4[%add3A_99] : memref<327936xi32, #tpu.memory_space<hbm>> -> memref<128xi32, #tpu.memory_space<hbm>>
        %dma_start3A_101 = tpu.memref_slice %arg4[%add3A_99] : memref<327936xi32, #tpu.memory_space<hbm>> -> memref<128xi32, #tpu.memory_space<hbm>>
        tpu.enqueue_dma source(%dma_start3A_101 : memref<128xi32, #tpu.memory_space<hbm>>) target(%arg15 : memref<128xi32, #tpu.memory_space<vmem>>) target_semaphore(%arg22 : memref<!tpu.dma_semaphore, #tpu.memory_space<semaphore_mem>>)
        %dma_start3A_102 = tpu.memref_slice %arg5[%add3A_99] : memref<327936xi32, #tpu.memory_space<hbm>> -> memref<128xi32, #tpu.memory_space<hbm>>
        %dma_start3A_103 = tpu.memref_slice %arg5[%add3A_99] : memref<327936xi32, #tpu.memory_space<hbm>> -> memref<128xi32, #tpu.memory_space<hbm>>
        tpu.enqueue_dma source(%dma_start3A_103 : memref<128xi32, #tpu.memory_space<hbm>>) target(%arg16 : memref<128xi32, #tpu.memory_space<vmem>>) target_semaphore(%arg23 : memref<!tpu.dma_semaphore, #tpu.memory_space<semaphore_mem>>)
        %dma_wait3A_104 = arith.constant 0 : i32
        %dma_wait3A_105 = arith.constant 0 : i32
        %dma_wait3A_106 = tpu.memref_slice %arg2[%dma_wait3A_104, %dma_wait3A_105] : memref<10000x128xf32, #tpu.memory_space<hbm>> -> memref<10000x128xf32, #tpu.memory_space<hbm>>
        tpu.wait_indirect_dma semaphore(%arg21 : memref<!tpu.dma_semaphore, #tpu.memory_space<semaphore_mem>>) src(%dma_wait3A_106 : memref<10000x128xf32, #tpu.memory_space<hbm>>) dst(%arg18 : memref<128x128xf32, #tpu.memory_space<vmem>>)
        %dma_start3A_107 = arith.constant 0 : i32
        %dma_start3A_108 = arith.constant 0 : i32
        %dma_start3A_109 = tpu.memref_slice %arg19[%dma_start3A_107, %dma_start3A_108] : memref<10112x128xf32, #tpu.memory_space<vmem_shared>> -> memref<10112x128xf32, #tpu.memory_space<vmem_shared>>
        tpu.enqueue_indirect_dma source(%arg18 : memref<128x128xf32, #tpu.memory_space<vmem>>) target(%dma_start3A_109 : memref<10112x128xf32, #tpu.memory_space<vmem_shared>>) offsets(%arg12 : memref<128xi32, #tpu.memory_space<vmem>>) semaphore(%arg25 : memref<!tpu.dma_semaphore, #tpu.memory_space<semaphore_mem>>) {add = true}
        %dma_wait3A_110 = tpu.memref_slice %arg4[%add3A_99] : memref<327936xi32, #tpu.memory_space<hbm>> -> memref<128xi32, #tpu.memory_space<hbm>>
        %dma_wait3A_111 = tpu.memref_slice %arg4[%add3A_99] : memref<327936xi32, #tpu.memory_space<hbm>> -> memref<128xi32, #tpu.memory_space<hbm>>
        tpu.wait_dma2 semaphore(%arg22 : memref<!tpu.dma_semaphore, #tpu.memory_space<semaphore_mem>>) src(%dma_wait3A_111 : memref<128xi32, #tpu.memory_space<hbm>>) dst(%arg15 : memref<128xi32, #tpu.memory_space<vmem>>)
        %dma_wait3A_112 = tpu.memref_slice %arg5[%add3A_99] : memref<327936xi32, #tpu.memory_space<hbm>> -> memref<128xi32, #tpu.memory_space<hbm>>
        %dma_wait3A_113 = tpu.memref_slice %arg5[%add3A_99] : memref<327936xi32, #tpu.memory_space<hbm>> -> memref<128xi32, #tpu.memory_space<hbm>>
        tpu.wait_dma2 semaphore(%arg23 : memref<!tpu.dma_semaphore, #tpu.memory_space<semaphore_mem>>) src(%dma_wait3A_113 : memref<128xi32, #tpu.memory_space<hbm>>) dst(%arg16 : memref<128xi32, #tpu.memory_space<vmem>>)
        %mul3A_114 = arith.constant 4 : i32
        %mul3A_115 = arith.muli %mul3A_114, %scan3A_55 : i32
        %add3A_116 = arith.constant 2 : i32
        %add3A_117 = arith.addi %mul3A_115, %add3A_116 : i32
        %dma_wait3A_118 = arith.constant 0 : i32
        %dma_wait3A_119 = arith.constant 0 : i32
        %dma_wait3A_120 = tpu.memref_slice %arg19[%dma_wait3A_118, %dma_wait3A_119] : memref<10112x128xf32, #tpu.memory_space<vmem_shared>> -> memref<10112x128xf32, #tpu.memory_space<vmem_shared>>
        tpu.wait_indirect_dma semaphore(%arg25 : memref<!tpu.dma_semaphore, #tpu.memory_space<semaphore_mem>>) src(%arg18 : memref<128x128xf32, #tpu.memory_space<vmem>>) dst(%dma_wait3A_120 : memref<10112x128xf32, #tpu.memory_space<vmem_shared>>)
        %dma_start3A_121 = arith.constant 0 : i32
        %dma_start3A_122 = arith.constant 0 : i32
        %dma_start3A_123 = tpu.memref_slice %arg2[%dma_start3A_121, %dma_start3A_122] : memref<10000x128xf32, #tpu.memory_space<hbm>> -> memref<10000x128xf32, #tpu.memory_space<hbm>>
        tpu.enqueue_indirect_dma source(%dma_start3A_123 : memref<10000x128xf32, #tpu.memory_space<hbm>>) target(%arg18 : memref<128x128xf32, #tpu.memory_space<vmem>>) offsets(%arg15 : memref<128xi32, #tpu.memory_space<vmem>>) semaphore(%arg21 : memref<!tpu.dma_semaphore, #tpu.memory_space<semaphore_mem>>)
        %add3A_124 = arith.constant 2 : i32
        %add3A_125 = arith.addi %add3A_117, %add3A_124 : i32
        %mul3A_126 = arith.constant 128 : i32
        %mul3A_127 = arith.muli %add3A_125, %mul3A_126 : i32
        %add3A_128 = arith.addi %mul3A_29, %mul3A_127 : i32
        %dma_start3A_129 = tpu.memref_slice %arg4[%add3A_128] : memref<327936xi32, #tpu.memory_space<hbm>> -> memref<128xi32, #tpu.memory_space<hbm>>
        %dma_start3A_130 = tpu.memref_slice %arg4[%add3A_128] : memref<327936xi32, #tpu.memory_space<hbm>> -> memref<128xi32, #tpu.memory_space<hbm>>
        tpu.enqueue_dma source(%dma_start3A_130 : memref<128xi32, #tpu.memory_space<hbm>>) target(%arg9 : memref<128xi32, #tpu.memory_space<vmem>>) target_semaphore(%arg22 : memref<!tpu.dma_semaphore, #tpu.memory_space<semaphore_mem>>)
        %dma_start3A_131 = tpu.memref_slice %arg5[%add3A_128] : memref<327936xi32, #tpu.memory_space<hbm>> -> memref<128xi32, #tpu.memory_space<hbm>>
        %dma_start3A_132 = tpu.memref_slice %arg5[%add3A_128] : memref<327936xi32, #tpu.memory_space<hbm>> -> memref<128xi32, #tpu.memory_space<hbm>>
        tpu.enqueue_dma source(%dma_start3A_132 : memref<128xi32, #tpu.memory_space<hbm>>) target(%arg10 : memref<128xi32, #tpu.memory_space<vmem>>) target_semaphore(%arg23 : memref<!tpu.dma_semaphore, #tpu.memory_space<semaphore_mem>>)
        %dma_wait3A_133 = arith.constant 0 : i32
        %dma_wait3A_134 = arith.constant 0 : i32
        %dma_wait3A_135 = tpu.memref_slice %arg2[%dma_wait3A_133, %dma_wait3A_134] : memref<10000x128xf32, #tpu.memory_space<hbm>> -> memref<10000x128xf32, #tpu.memory_space<hbm>>
        tpu.wait_indirect_dma semaphore(%arg20 : memref<!tpu.dma_semaphore, #tpu.memory_space<semaphore_mem>>) src(%dma_wait3A_135 : memref<10000x128xf32, #tpu.memory_space<hbm>>) dst(%arg17 : memref<128x128xf32, #tpu.memory_space<vmem>>)
        %dma_start3A_136 = arith.constant 0 : i32
        %dma_start3A_137 = arith.constant 0 : i32
        %dma_start3A_138 = tpu.memref_slice %arg19[%dma_start3A_136, %dma_start3A_137] : memref<10112x128xf32, #tpu.memory_space<vmem_shared>> -> memref<10112x128xf32, #tpu.memory_space<vmem_shared>>
        tpu.enqueue_indirect_dma source(%arg17 : memref<128x128xf32, #tpu.memory_space<vmem>>) target(%dma_start3A_138 : memref<10112x128xf32, #tpu.memory_space<vmem_shared>>) offsets(%arg14 : memref<128xi32, #tpu.memory_space<vmem>>) semaphore(%arg24 : memref<!tpu.dma_semaphore, #tpu.memory_space<semaphore_mem>>) {add = true}
        %dma_wait3A_139 = tpu.memref_slice %arg4[%add3A_128] : memref<327936xi32, #tpu.memory_space<hbm>> -> memref<128xi32, #tpu.memory_space<hbm>>
        %dma_wait3A_140 = tpu.memref_slice %arg4[%add3A_128] : memref<327936xi32, #tpu.memory_space<hbm>> -> memref<128xi32, #tpu.memory_space<hbm>>
        tpu.wait_dma2 semaphore(%arg22 : memref<!tpu.dma_semaphore, #tpu.memory_space<semaphore_mem>>) src(%dma_wait3A_140 : memref<128xi32, #tpu.memory_space<hbm>>) dst(%arg9 : memref<128xi32, #tpu.memory_space<vmem>>)
        %dma_wait3A_141 = tpu.memref_slice %arg5[%add3A_128] : memref<327936xi32, #tpu.memory_space<hbm>> -> memref<128xi32, #tpu.memory_space<hbm>>
        %dma_wait3A_142 = tpu.memref_slice %arg5[%add3A_128] : memref<327936xi32, #tpu.memory_space<hbm>> -> memref<128xi32, #tpu.memory_space<hbm>>
        tpu.wait_dma2 semaphore(%arg23 : memref<!tpu.dma_semaphore, #tpu.memory_space<semaphore_mem>>) src(%dma_wait3A_142 : memref<128xi32, #tpu.memory_space<hbm>>) dst(%arg10 : memref<128xi32, #tpu.memory_space<vmem>>)
        %mul3A_143 = arith.constant 4 : i32
        %mul3A_144 = arith.muli %mul3A_143, %scan3A_55 : i32
        %add3A_145 = arith.constant 3 : i32
        %add3A_146 = arith.addi %mul3A_144, %add3A_145 : i32
        %dma_wait3A_147 = arith.constant 0 : i32
        %dma_wait3A_148 = arith.constant 0 : i32
        %dma_wait3A_149 = tpu.memref_slice %arg19[%dma_wait3A_147, %dma_wait3A_148] : memref<10112x128xf32, #tpu.memory_space<vmem_shared>> -> memref<10112x128xf32, #tpu.memory_space<vmem_shared>>
        tpu.wait_indirect_dma semaphore(%arg24 : memref<!tpu.dma_semaphore, #tpu.memory_space<semaphore_mem>>) src(%arg17 : memref<128x128xf32, #tpu.memory_space<vmem>>) dst(%dma_wait3A_149 : memref<10112x128xf32, #tpu.memory_space<vmem_shared>>)
        %dma_start3A_150 = arith.constant 0 : i32
        %dma_start3A_151 = arith.constant 0 : i32
        %dma_start3A_152 = tpu.memref_slice %arg2[%dma_start3A_150, %dma_start3A_151] : memref<10000x128xf32, #tpu.memory_space<hbm>> -> memref<10000x128xf32, #tpu.memory_space<hbm>>
        tpu.enqueue_indirect_dma source(%dma_start3A_152 : memref<10000x128xf32, #tpu.memory_space<hbm>>) target(%arg17 : memref<128x128xf32, #tpu.memory_space<vmem>>) offsets(%arg9 : memref<128xi32, #tpu.memory_space<vmem>>) semaphore(%arg20 : memref<!tpu.dma_semaphore, #tpu.memory_space<semaphore_mem>>)
        %add3A_153 = arith.constant 2 : i32
        %add3A_154 = arith.addi %add3A_146, %add3A_153 : i32
        %mul3A_155 = arith.constant 128 : i32
        %mul3A_156 = arith.muli %add3A_154, %mul3A_155 : i32
        %add3A_157 = arith.addi %mul3A_29, %mul3A_156 : i32
        %dma_start3A_158 = tpu.memref_slice %arg4[%add3A_157] : memref<327936xi32, #tpu.memory_space<hbm>> -> memref<128xi32, #tpu.memory_space<hbm>>
        %dma_start3A_159 = tpu.memref_slice %arg4[%add3A_157] : memref<327936xi32, #tpu.memory_space<hbm>> -> memref<128xi32, #tpu.memory_space<hbm>>
        tpu.enqueue_dma source(%dma_start3A_159 : memref<128xi32, #tpu.memory_space<hbm>>) target(%arg11 : memref<128xi32, #tpu.memory_space<vmem>>) target_semaphore(%arg22 : memref<!tpu.dma_semaphore, #tpu.memory_space<semaphore_mem>>)
        %dma_start3A_160 = tpu.memref_slice %arg5[%add3A_157] : memref<327936xi32, #tpu.memory_space<hbm>> -> memref<128xi32, #tpu.memory_space<hbm>>
        %dma_start3A_161 = tpu.memref_slice %arg5[%add3A_157] : memref<327936xi32, #tpu.memory_space<hbm>> -> memref<128xi32, #tpu.memory_space<hbm>>
        tpu.enqueue_dma source(%dma_start3A_161 : memref<128xi32, #tpu.memory_space<hbm>>) target(%arg12 : memref<128xi32, #tpu.memory_space<vmem>>) target_semaphore(%arg23 : memref<!tpu.dma_semaphore, #tpu.memory_space<semaphore_mem>>)
        %dma_wait3A_162 = arith.constant 0 : i32
        %dma_wait3A_163 = arith.constant 0 : i32
        %dma_wait3A_164 = tpu.memref_slice %arg2[%dma_wait3A_162, %dma_wait3A_163] : memref<10000x128xf32, #tpu.memory_space<hbm>> -> memref<10000x128xf32, #tpu.memory_space<hbm>>
        tpu.wait_indirect_dma semaphore(%arg21 : memref<!tpu.dma_semaphore, #tpu.memory_space<semaphore_mem>>) src(%dma_wait3A_164 : memref<10000x128xf32, #tpu.memory_space<hbm>>) dst(%arg18 : memref<128x128xf32, #tpu.memory_space<vmem>>)
        %dma_start3A_165 = arith.constant 0 : i32
        %dma_start3A_166 = arith.constant 0 : i32
        %dma_start3A_167 = tpu.memref_slice %arg19[%dma_start3A_165, %dma_start3A_166] : memref<10112x128xf32, #tpu.memory_space<vmem_shared>> -> memref<10112x128xf32, #tpu.memory_space<vmem_shared>>
        tpu.enqueue_indirect_dma source(%arg18 : memref<128x128xf32, #tpu.memory_space<vmem>>) target(%dma_start3A_167 : memref<10112x128xf32, #tpu.memory_space<vmem_shared>>) offsets(%arg16 : memref<128xi32, #tpu.memory_space<vmem>>) semaphore(%arg25 : memref<!tpu.dma_semaphore, #tpu.memory_space<semaphore_mem>>) {add = true}
        %dma_wait3A_168 = tpu.memref_slice %arg4[%add3A_157] : memref<327936xi32, #tpu.memory_space<hbm>> -> memref<128xi32, #tpu.memory_space<hbm>>
        %dma_wait3A_169 = tpu.memref_slice %arg4[%add3A_157] : memref<327936xi32, #tpu.memory_space<hbm>> -> memref<128xi32, #tpu.memory_space<hbm>>
        tpu.wait_dma2 semaphore(%arg22 : memref<!tpu.dma_semaphore, #tpu.memory_space<semaphore_mem>>) src(%dma_wait3A_169 : memref<128xi32, #tpu.memory_space<hbm>>) dst(%arg11 : memref<128xi32, #tpu.memory_space<vmem>>)
        %dma_wait3A_170 = tpu.memref_slice %arg5[%add3A_157] : memref<327936xi32, #tpu.memory_space<hbm>> -> memref<128xi32, #tpu.memory_space<hbm>>
        %dma_wait3A_171 = tpu.memref_slice %arg5[%add3A_157] : memref<327936xi32, #tpu.memory_space<hbm>> -> memref<128xi32, #tpu.memory_space<hbm>>
        tpu.wait_dma2 semaphore(%arg23 : memref<!tpu.dma_semaphore, #tpu.memory_space<semaphore_mem>>) src(%dma_wait3A_171 : memref<128xi32, #tpu.memory_space<hbm>>) dst(%arg12 : memref<128xi32, #tpu.memory_space<vmem>>)
      }
      %scan3A_46 = arith.constant 40 : i32
      %dma_wait3A = arith.constant 0 : i32
      %dma_wait3A_47 = arith.constant 0 : i32
      %dma_wait3A_48 = tpu.memref_slice %arg2[%dma_wait3A, %dma_wait3A_47] : memref<10000x128xf32, #tpu.memory_space<hbm>> -> memref<10000x128xf32, #tpu.memory_space<hbm>>
      tpu.wait_indirect_dma semaphore(%arg20 : memref<!tpu.dma_semaphore, #tpu.memory_space<semaphore_mem>>) src(%dma_wait3A_48 : memref<10000x128xf32, #tpu.memory_space<hbm>>) dst(%arg17 : memref<128x128xf32, #tpu.memory_space<vmem>>)
      %dma_wait3A_49 = arith.constant 0 : i32
      %dma_wait3A_50 = arith.constant 0 : i32
      %dma_wait3A_51 = tpu.memref_slice %arg19[%dma_wait3A_49, %dma_wait3A_50] : memref<10112x128xf32, #tpu.memory_space<vmem_shared>> -> memref<10112x128xf32, #tpu.memory_space<vmem_shared>>
      tpu.wait_indirect_dma semaphore(%arg24 : memref<!tpu.dma_semaphore, #tpu.memory_space<semaphore_mem>>) src(%arg17 : memref<128x128xf32, #tpu.memory_space<vmem>>) dst(%dma_wait3A_51 : memref<10112x128xf32, #tpu.memory_space<vmem_shared>>)
      %dma_wait3A_52 = arith.constant 0 : i32
      %dma_wait3A_53 = arith.constant 0 : i32
      %dma_wait3A_54 = tpu.memref_slice %arg19[%dma_wait3A_52, %dma_wait3A_53] : memref<10112x128xf32, #tpu.memory_space<vmem_shared>> -> memref<10112x128xf32, #tpu.memory_space<vmem_shared>>
      tpu.wait_indirect_dma semaphore(%arg25 : memref<!tpu.dma_semaphore, #tpu.memory_space<semaphore_mem>>) src(%arg18 : memref<128x128xf32, #tpu.memory_space<vmem>>) dst(%dma_wait3A_54 : memref<10112x128xf32, #tpu.memory_space<vmem_shared>>)
    } else {
    }
    %eq3A_12 = arith.constant 1 : i32
    %eq3A_13 = arith.cmpi eq, %arg0, %eq3A_12 : i32
    %convert_element_type3A_14 = arith.extui %eq3A_13 : i1 to i32
    %cond3A_15 = arith.constant 0 : i32
    %cond3A_16 = arith.cmpi ne, %convert_element_type3A_14, %cond3A_15 : i32
    scf.if %cond3A_16 {
      %mul3A_28 = arith.constant 20480 : i32
      %mul3A_29 = arith.muli %arg1, %mul3A_28 : i32
      "tpu.region"() ({
        %run_scoped3A = tpu.sem_alloc : memref<!tpu.dma_semaphore, #tpu.memory_space<semaphore_mem>>
        %dma_start3A_55 = tpu.memref_slice %arg4[%mul3A_29] : memref<327936xi32, #tpu.memory_space<hbm>> -> memref<128xi32, #tpu.memory_space<hbm>>
        %dma_start3A_56 = tpu.memref_slice %arg4[%mul3A_29] : memref<327936xi32, #tpu.memory_space<hbm>> -> memref<128xi32, #tpu.memory_space<hbm>>
        tpu.enqueue_dma source(%dma_start3A_56 : memref<128xi32, #tpu.memory_space<hbm>>) target(%arg9 : memref<128xi32, #tpu.memory_space<vmem>>) target_semaphore(%run_scoped3A : memref<!tpu.dma_semaphore, #tpu.memory_space<semaphore_mem>>)
        %dma_wait3A_57 = tpu.memref_slice %arg4[%mul3A_29] : memref<327936xi32, #tpu.memory_space<hbm>> -> memref<128xi32, #tpu.memory_space<hbm>>
        %dma_wait3A_58 = tpu.memref_slice %arg4[%mul3A_29] : memref<327936xi32, #tpu.memory_space<hbm>> -> memref<128xi32, #tpu.memory_space<hbm>>
        tpu.wait_dma2 semaphore(%run_scoped3A : memref<!tpu.dma_semaphore, #tpu.memory_space<semaphore_mem>>) src(%dma_wait3A_58 : memref<128xi32, #tpu.memory_space<hbm>>) dst(%arg9 : memref<128xi32, #tpu.memory_space<vmem>>)
        tpu.yield
      }) : () -> ()
      "tpu.region"() ({
        %run_scoped3A = tpu.sem_alloc : memref<!tpu.dma_semaphore, #tpu.memory_space<semaphore_mem>>
        %dma_start3A_55 = tpu.memref_slice %arg5[%mul3A_29] : memref<327936xi32, #tpu.memory_space<hbm>> -> memref<128xi32, #tpu.memory_space<hbm>>
        %dma_start3A_56 = tpu.memref_slice %arg5[%mul3A_29] : memref<327936xi32, #tpu.memory_space<hbm>> -> memref<128xi32, #tpu.memory_space<hbm>>
        tpu.enqueue_dma source(%dma_start3A_56 : memref<128xi32, #tpu.memory_space<hbm>>) target(%arg10 : memref<128xi32, #tpu.memory_space<vmem>>) target_semaphore(%run_scoped3A : memref<!tpu.dma_semaphore, #tpu.memory_space<semaphore_mem>>)
        %dma_wait3A_57 = tpu.memref_slice %arg5[%mul3A_29] : memref<327936xi32, #tpu.memory_space<hbm>> -> memref<128xi32, #tpu.memory_space<hbm>>
        %dma_wait3A_58 = tpu.memref_slice %arg5[%mul3A_29] : memref<327936xi32, #tpu.memory_space<hbm>> -> memref<128xi32, #tpu.memory_space<hbm>>
        tpu.wait_dma2 semaphore(%run_scoped3A : memref<!tpu.dma_semaphore, #tpu.memory_space<semaphore_mem>>) src(%dma_wait3A_58 : memref<128xi32, #tpu.memory_space<hbm>>) dst(%arg10 : memref<128xi32, #tpu.memory_space<vmem>>)
        tpu.yield
      }) : () -> ()
      %add3A_30 = arith.constant 128 : i32
      %add3A_31 = arith.addi %mul3A_29, %add3A_30 : i32
      "tpu.region"() ({
        %run_scoped3A = tpu.sem_alloc : memref<!tpu.dma_semaphore, #tpu.memory_space<semaphore_mem>>
        %dma_start3A_55 = tpu.memref_slice %arg4[%add3A_31] : memref<327936xi32, #tpu.memory_space<hbm>> -> memref<128xi32, #tpu.memory_space<hbm>>
        %dma_start3A_56 = tpu.memref_slice %arg4[%add3A_31] : memref<327936xi32, #tpu.memory_space<hbm>> -> memref<128xi32, #tpu.memory_space<hbm>>
        tpu.enqueue_dma source(%dma_start3A_56 : memref<128xi32, #tpu.memory_space<hbm>>) target(%arg11 : memref<128xi32, #tpu.memory_space<vmem>>) target_semaphore(%run_scoped3A : memref<!tpu.dma_semaphore, #tpu.memory_space<semaphore_mem>>)
        %dma_wait3A_57 = tpu.memref_slice %arg4[%add3A_31] : memref<327936xi32, #tpu.memory_space<hbm>> -> memref<128xi32, #tpu.memory_space<hbm>>
        %dma_wait3A_58 = tpu.memref_slice %arg4[%add3A_31] : memref<327936xi32, #tpu.memory_space<hbm>> -> memref<128xi32, #tpu.memory_space<hbm>>
        tpu.wait_dma2 semaphore(%run_scoped3A : memref<!tpu.dma_semaphore, #tpu.memory_space<semaphore_mem>>) src(%dma_wait3A_58 : memref<128xi32, #tpu.memory_space<hbm>>) dst(%arg11 : memref<128xi32, #tpu.memory_space<vmem>>)
        tpu.yield
      }) : () -> ()
      %add3A_32 = arith.constant 128 : i32
      %add3A_33 = arith.addi %mul3A_29, %add3A_32 : i32
      "tpu.region"() ({
        %run_scoped3A = tpu.sem_alloc : memref<!tpu.dma_semaphore, #tpu.memory_space<semaphore_mem>>
        %dma_start3A_55 = tpu.memref_slice %arg5[%add3A_33] : memref<327936xi32, #tpu.memory_space<hbm>> -> memref<128xi32, #tpu.memory_space<hbm>>
        %dma_start3A_56 = tpu.memref_slice %arg5[%add3A_33] : memref<327936xi32, #tpu.memory_space<hbm>> -> memref<128xi32, #tpu.memory_space<hbm>>
        tpu.enqueue_dma source(%dma_start3A_56 : memref<128xi32, #tpu.memory_space<hbm>>) target(%arg12 : memref<128xi32, #tpu.memory_space<vmem>>) target_semaphore(%run_scoped3A : memref<!tpu.dma_semaphore, #tpu.memory_space<semaphore_mem>>)
        %dma_wait3A_57 = tpu.memref_slice %arg5[%add3A_33] : memref<327936xi32, #tpu.memory_space<hbm>> -> memref<128xi32, #tpu.memory_space<hbm>>
        %dma_wait3A_58 = tpu.memref_slice %arg5[%add3A_33] : memref<327936xi32, #tpu.memory_space<hbm>> -> memref<128xi32, #tpu.memory_space<hbm>>
        tpu.wait_dma2 semaphore(%run_scoped3A : memref<!tpu.dma_semaphore, #tpu.memory_space<semaphore_mem>>) src(%dma_wait3A_58 : memref<128xi32, #tpu.memory_space<hbm>>) dst(%arg12 : memref<128xi32, #tpu.memory_space<vmem>>)
        tpu.yield
      }) : () -> ()
      %dma_start3A = arith.constant 0 : i32
      %dma_start3A_34 = arith.constant 0 : i32
      %dma_start3A_35 = tpu.memref_slice %arg19[%dma_start3A, %dma_start3A_34] : memref<10112x128xf32, #tpu.memory_space<vmem_shared>> -> memref<10112x128xf32, #tpu.memory_space<vmem_shared>>
      tpu.enqueue_indirect_dma source(%arg17 : memref<128x128xf32, #tpu.memory_space<vmem>>) target(%dma_start3A_35 : memref<10112x128xf32, #tpu.memory_space<vmem_shared>>) offsets(%arg10 : memref<128xi32, #tpu.memory_space<vmem>>) semaphore(%arg24 : memref<!tpu.dma_semaphore, #tpu.memory_space<semaphore_mem>>) {add = true}
      %dma_start3A_36 = arith.constant 0 : i32
      %dma_start3A_37 = arith.constant 0 : i32
      %dma_start3A_38 = tpu.memref_slice %arg19[%dma_start3A_36, %dma_start3A_37] : memref<10112x128xf32, #tpu.memory_space<vmem_shared>> -> memref<10112x128xf32, #tpu.memory_space<vmem_shared>>
      tpu.enqueue_indirect_dma source(%arg18 : memref<128x128xf32, #tpu.memory_space<vmem>>) target(%dma_start3A_38 : memref<10112x128xf32, #tpu.memory_space<vmem_shared>>) offsets(%arg10 : memref<128xi32, #tpu.memory_space<vmem>>) semaphore(%arg25 : memref<!tpu.dma_semaphore, #tpu.memory_space<semaphore_mem>>) {add = true}
      %dma_start3A_39 = arith.constant 0 : i32
      %dma_start3A_40 = arith.constant 0 : i32
      %dma_start3A_41 = tpu.memref_slice %arg3[%dma_start3A_39, %dma_start3A_40] : memref<10000x128xf32, #tpu.memory_space<hbm>> -> memref<10000x128xf32, #tpu.memory_space<hbm>>
      tpu.enqueue_indirect_dma source(%dma_start3A_41 : memref<10000x128xf32, #tpu.memory_space<hbm>>) target(%arg17 : memref<128x128xf32, #tpu.memory_space<vmem>>) offsets(%arg9 : memref<128xi32, #tpu.memory_space<vmem>>) semaphore(%arg20 : memref<!tpu.dma_semaphore, #tpu.memory_space<semaphore_mem>>)
      %scan3A = arith.constant 0 : i32
      %scan3A_42 = arith.constant 0 : i32
      %scan3A_43 = arith.constant 40 : i32
      %scan3A_44 = arith.addi %scan3A_42, %scan3A_43 : i32
      %scan3A_45 = arith.constant 1 : i32
      scf.for %scan3A_55 = %scan3A_42 to %scan3A_44 step %scan3A_45  : i32 {
        %mul3A_56 = arith.constant 4 : i32
        %mul3A_57 = arith.muli %mul3A_56, %scan3A_55 : i32
        %add3A_58 = arith.constant 0 : i32
        %add3A_59 = arith.addi %mul3A_57, %add3A_58 : i32
        %dma_wait3A_60 = arith.constant 0 : i32
        %dma_wait3A_61 = arith.constant 0 : i32
        %dma_wait3A_62 = tpu.memref_slice %arg19[%dma_wait3A_60, %dma_wait3A_61] : memref<10112x128xf32, #tpu.memory_space<vmem_shared>> -> memref<10112x128xf32, #tpu.memory_space<vmem_shared>>
        tpu.wait_indirect_dma semaphore(%arg25 : memref<!tpu.dma_semaphore, #tpu.memory_space<semaphore_mem>>) src(%arg18 : memref<128x128xf32, #tpu.memory_space<vmem>>) dst(%dma_wait3A_62 : memref<10112x128xf32, #tpu.memory_space<vmem_shared>>)
        %dma_start3A_63 = arith.constant 0 : i32
        %dma_start3A_64 = arith.constant 0 : i32
        %dma_start3A_65 = tpu.memref_slice %arg3[%dma_start3A_63, %dma_start3A_64] : memref<10000x128xf32, #tpu.memory_space<hbm>> -> memref<10000x128xf32, #tpu.memory_space<hbm>>
        tpu.enqueue_indirect_dma source(%dma_start3A_65 : memref<10000x128xf32, #tpu.memory_space<hbm>>) target(%arg18 : memref<128x128xf32, #tpu.memory_space<vmem>>) offsets(%arg11 : memref<128xi32, #tpu.memory_space<vmem>>) semaphore(%arg21 : memref<!tpu.dma_semaphore, #tpu.memory_space<semaphore_mem>>)
        %add3A_66 = arith.constant 2 : i32
        %add3A_67 = arith.addi %add3A_59, %add3A_66 : i32
        %mul3A_68 = arith.constant 128 : i32
        %mul3A_69 = arith.muli %add3A_67, %mul3A_68 : i32
        %add3A_70 = arith.addi %mul3A_29, %mul3A_69 : i32
        %dma_start3A_71 = tpu.memref_slice %arg4[%add3A_70] : memref<327936xi32, #tpu.memory_space<hbm>> -> memref<128xi32, #tpu.memory_space<hbm>>
        %dma_start3A_72 = tpu.memref_slice %arg4[%add3A_70] : memref<327936xi32, #tpu.memory_space<hbm>> -> memref<128xi32, #tpu.memory_space<hbm>>
        tpu.enqueue_dma source(%dma_start3A_72 : memref<128xi32, #tpu.memory_space<hbm>>) target(%arg13 : memref<128xi32, #tpu.memory_space<vmem>>) target_semaphore(%arg22 : memref<!tpu.dma_semaphore, #tpu.memory_space<semaphore_mem>>)
        %dma_start3A_73 = tpu.memref_slice %arg5[%add3A_70] : memref<327936xi32, #tpu.memory_space<hbm>> -> memref<128xi32, #tpu.memory_space<hbm>>
        %dma_start3A_74 = tpu.memref_slice %arg5[%add3A_70] : memref<327936xi32, #tpu.memory_space<hbm>> -> memref<128xi32, #tpu.memory_space<hbm>>
        tpu.enqueue_dma source(%dma_start3A_74 : memref<128xi32, #tpu.memory_space<hbm>>) target(%arg14 : memref<128xi32, #tpu.memory_space<vmem>>) target_semaphore(%arg23 : memref<!tpu.dma_semaphore, #tpu.memory_space<semaphore_mem>>)
        %dma_wait3A_75 = arith.constant 0 : i32
        %dma_wait3A_76 = arith.constant 0 : i32
        %dma_wait3A_77 = tpu.memref_slice %arg3[%dma_wait3A_75, %dma_wait3A_76] : memref<10000x128xf32, #tpu.memory_space<hbm>> -> memref<10000x128xf32, #tpu.memory_space<hbm>>
        tpu.wait_indirect_dma semaphore(%arg20 : memref<!tpu.dma_semaphore, #tpu.memory_space<semaphore_mem>>) src(%dma_wait3A_77 : memref<10000x128xf32, #tpu.memory_space<hbm>>) dst(%arg17 : memref<128x128xf32, #tpu.memory_space<vmem>>)
        %dma_start3A_78 = arith.constant 0 : i32
        %dma_start3A_79 = arith.constant 0 : i32
        %dma_start3A_80 = tpu.memref_slice %arg19[%dma_start3A_78, %dma_start3A_79] : memref<10112x128xf32, #tpu.memory_space<vmem_shared>> -> memref<10112x128xf32, #tpu.memory_space<vmem_shared>>
        tpu.enqueue_indirect_dma source(%arg17 : memref<128x128xf32, #tpu.memory_space<vmem>>) target(%dma_start3A_80 : memref<10112x128xf32, #tpu.memory_space<vmem_shared>>) offsets(%arg10 : memref<128xi32, #tpu.memory_space<vmem>>) semaphore(%arg24 : memref<!tpu.dma_semaphore, #tpu.memory_space<semaphore_mem>>) {add = true}
        %dma_wait3A_81 = tpu.memref_slice %arg4[%add3A_70] : memref<327936xi32, #tpu.memory_space<hbm>> -> memref<128xi32, #tpu.memory_space<hbm>>
        %dma_wait3A_82 = tpu.memref_slice %arg4[%add3A_70] : memref<327936xi32, #tpu.memory_space<hbm>> -> memref<128xi32, #tpu.memory_space<hbm>>
        tpu.wait_dma2 semaphore(%arg22 : memref<!tpu.dma_semaphore, #tpu.memory_space<semaphore_mem>>) src(%dma_wait3A_82 : memref<128xi32, #tpu.memory_space<hbm>>) dst(%arg13 : memref<128xi32, #tpu.memory_space<vmem>>)
        %dma_wait3A_83 = tpu.memref_slice %arg5[%add3A_70] : memref<327936xi32, #tpu.memory_space<hbm>> -> memref<128xi32, #tpu.memory_space<hbm>>
        %dma_wait3A_84 = tpu.memref_slice %arg5[%add3A_70] : memref<327936xi32, #tpu.memory_space<hbm>> -> memref<128xi32, #tpu.memory_space<hbm>>
        tpu.wait_dma2 semaphore(%arg23 : memref<!tpu.dma_semaphore, #tpu.memory_space<semaphore_mem>>) src(%dma_wait3A_84 : memref<128xi32, #tpu.memory_space<hbm>>) dst(%arg14 : memref<128xi32, #tpu.memory_space<vmem>>)
        %mul3A_85 = arith.constant 4 : i32
        %mul3A_86 = arith.muli %mul3A_85, %scan3A_55 : i32
        %add3A_87 = arith.constant 1 : i32
        %add3A_88 = arith.addi %mul3A_86, %add3A_87 : i32
        %dma_wait3A_89 = arith.constant 0 : i32
        %dma_wait3A_90 = arith.constant 0 : i32
        %dma_wait3A_91 = tpu.memref_slice %arg19[%dma_wait3A_89, %dma_wait3A_90] : memref<10112x128xf32, #tpu.memory_space<vmem_shared>> -> memref<10112x128xf32, #tpu.memory_space<vmem_shared>>
        tpu.wait_indirect_dma semaphore(%arg24 : memref<!tpu.dma_semaphore, #tpu.memory_space<semaphore_mem>>) src(%arg17 : memref<128x128xf32, #tpu.memory_space<vmem>>) dst(%dma_wait3A_91 : memref<10112x128xf32, #tpu.memory_space<vmem_shared>>)
        %dma_start3A_92 = arith.constant 0 : i32
        %dma_start3A_93 = arith.constant 0 : i32
        %dma_start3A_94 = tpu.memref_slice %arg3[%dma_start3A_92, %dma_start3A_93] : memref<10000x128xf32, #tpu.memory_space<hbm>> -> memref<10000x128xf32, #tpu.memory_space<hbm>>
        tpu.enqueue_indirect_dma source(%dma_start3A_94 : memref<10000x128xf32, #tpu.memory_space<hbm>>) target(%arg17 : memref<128x128xf32, #tpu.memory_space<vmem>>) offsets(%arg13 : memref<128xi32, #tpu.memory_space<vmem>>) semaphore(%arg20 : memref<!tpu.dma_semaphore, #tpu.memory_space<semaphore_mem>>)
        %add3A_95 = arith.constant 2 : i32
        %add3A_96 = arith.addi %add3A_88, %add3A_95 : i32
        %mul3A_97 = arith.constant 128 : i32
        %mul3A_98 = arith.muli %add3A_96, %mul3A_97 : i32
        %add3A_99 = arith.addi %mul3A_29, %mul3A_98 : i32
        %dma_start3A_100 = tpu.memref_slice %arg4[%add3A_99] : memref<327936xi32, #tpu.memory_space<hbm>> -> memref<128xi32, #tpu.memory_space<hbm>>
        %dma_start3A_101 = tpu.memref_slice %arg4[%add3A_99] : memref<327936xi32, #tpu.memory_space<hbm>> -> memref<128xi32, #tpu.memory_space<hbm>>
        tpu.enqueue_dma source(%dma_start3A_101 : memref<128xi32, #tpu.memory_space<hbm>>) target(%arg15 : memref<128xi32, #tpu.memory_space<vmem>>) target_semaphore(%arg22 : memref<!tpu.dma_semaphore, #tpu.memory_space<semaphore_mem>>)
        %dma_start3A_102 = tpu.memref_slice %arg5[%add3A_99] : memref<327936xi32, #tpu.memory_space<hbm>> -> memref<128xi32, #tpu.memory_space<hbm>>
        %dma_start3A_103 = tpu.memref_slice %arg5[%add3A_99] : memref<327936xi32, #tpu.memory_space<hbm>> -> memref<128xi32, #tpu.memory_space<hbm>>
        tpu.enqueue_dma source(%dma_start3A_103 : memref<128xi32, #tpu.memory_space<hbm>>) target(%arg16 : memref<128xi32, #tpu.memory_space<vmem>>) target_semaphore(%arg23 : memref<!tpu.dma_semaphore, #tpu.memory_space<semaphore_mem>>)
        %dma_wait3A_104 = arith.constant 0 : i32
        %dma_wait3A_105 = arith.constant 0 : i32
        %dma_wait3A_106 = tpu.memref_slice %arg3[%dma_wait3A_104, %dma_wait3A_105] : memref<10000x128xf32, #tpu.memory_space<hbm>> -> memref<10000x128xf32, #tpu.memory_space<hbm>>
        tpu.wait_indirect_dma semaphore(%arg21 : memref<!tpu.dma_semaphore, #tpu.memory_space<semaphore_mem>>) src(%dma_wait3A_106 : memref<10000x128xf32, #tpu.memory_space<hbm>>) dst(%arg18 : memref<128x128xf32, #tpu.memory_space<vmem>>)
        %dma_start3A_107 = arith.constant 0 : i32
        %dma_start3A_108 = arith.constant 0 : i32
        %dma_start3A_109 = tpu.memref_slice %arg19[%dma_start3A_107, %dma_start3A_108] : memref<10112x128xf32, #tpu.memory_space<vmem_shared>> -> memref<10112x128xf32, #tpu.memory_space<vmem_shared>>
        tpu.enqueue_indirect_dma source(%arg18 : memref<128x128xf32, #tpu.memory_space<vmem>>) target(%dma_start3A_109 : memref<10112x128xf32, #tpu.memory_space<vmem_shared>>) offsets(%arg12 : memref<128xi32, #tpu.memory_space<vmem>>) semaphore(%arg25 : memref<!tpu.dma_semaphore, #tpu.memory_space<semaphore_mem>>) {add = true}
        %dma_wait3A_110 = tpu.memref_slice %arg4[%add3A_99] : memref<327936xi32, #tpu.memory_space<hbm>> -> memref<128xi32, #tpu.memory_space<hbm>>
        %dma_wait3A_111 = tpu.memref_slice %arg4[%add3A_99] : memref<327936xi32, #tpu.memory_space<hbm>> -> memref<128xi32, #tpu.memory_space<hbm>>
        tpu.wait_dma2 semaphore(%arg22 : memref<!tpu.dma_semaphore, #tpu.memory_space<semaphore_mem>>) src(%dma_wait3A_111 : memref<128xi32, #tpu.memory_space<hbm>>) dst(%arg15 : memref<128xi32, #tpu.memory_space<vmem>>)
        %dma_wait3A_112 = tpu.memref_slice %arg5[%add3A_99] : memref<327936xi32, #tpu.memory_space<hbm>> -> memref<128xi32, #tpu.memory_space<hbm>>
        %dma_wait3A_113 = tpu.memref_slice %arg5[%add3A_99] : memref<327936xi32, #tpu.memory_space<hbm>> -> memref<128xi32, #tpu.memory_space<hbm>>
        tpu.wait_dma2 semaphore(%arg23 : memref<!tpu.dma_semaphore, #tpu.memory_space<semaphore_mem>>) src(%dma_wait3A_113 : memref<128xi32, #tpu.memory_space<hbm>>) dst(%arg16 : memref<128xi32, #tpu.memory_space<vmem>>)
        %mul3A_114 = arith.constant 4 : i32
        %mul3A_115 = arith.muli %mul3A_114, %scan3A_55 : i32
        %add3A_116 = arith.constant 2 : i32
        %add3A_117 = arith.addi %mul3A_115, %add3A_116 : i32
        %dma_wait3A_118 = arith.constant 0 : i32
        %dma_wait3A_119 = arith.constant 0 : i32
        %dma_wait3A_120 = tpu.memref_slice %arg19[%dma_wait3A_118, %dma_wait3A_119] : memref<10112x128xf32, #tpu.memory_space<vmem_shared>> -> memref<10112x128xf32, #tpu.memory_space<vmem_shared>>
        tpu.wait_indirect_dma semaphore(%arg25 : memref<!tpu.dma_semaphore, #tpu.memory_space<semaphore_mem>>) src(%arg18 : memref<128x128xf32, #tpu.memory_space<vmem>>) dst(%dma_wait3A_120 : memref<10112x128xf32, #tpu.memory_space<vmem_shared>>)
        %dma_start3A_121 = arith.constant 0 : i32
        %dma_start3A_122 = arith.constant 0 : i32
        %dma_start3A_123 = tpu.memref_slice %arg3[%dma_start3A_121, %dma_start3A_122] : memref<10000x128xf32, #tpu.memory_space<hbm>> -> memref<10000x128xf32, #tpu.memory_space<hbm>>
        tpu.enqueue_indirect_dma source(%dma_start3A_123 : memref<10000x128xf32, #tpu.memory_space<hbm>>) target(%arg18 : memref<128x128xf32, #tpu.memory_space<vmem>>) offsets(%arg15 : memref<128xi32, #tpu.memory_space<vmem>>) semaphore(%arg21 : memref<!tpu.dma_semaphore, #tpu.memory_space<semaphore_mem>>)
        %add3A_124 = arith.constant 2 : i32
        %add3A_125 = arith.addi %add3A_117, %add3A_124 : i32
        %mul3A_126 = arith.constant 128 : i32
        %mul3A_127 = arith.muli %add3A_125, %mul3A_126 : i32
        %add3A_128 = arith.addi %mul3A_29, %mul3A_127 : i32
        %dma_start3A_129 = tpu.memref_slice %arg4[%add3A_128] : memref<327936xi32, #tpu.memory_space<hbm>> -> memref<128xi32, #tpu.memory_space<hbm>>
        %dma_start3A_130 = tpu.memref_slice %arg4[%add3A_128] : memref<327936xi32, #tpu.memory_space<hbm>> -> memref<128xi32, #tpu.memory_space<hbm>>
        tpu.enqueue_dma source(%dma_start3A_130 : memref<128xi32, #tpu.memory_space<hbm>>) target(%arg9 : memref<128xi32, #tpu.memory_space<vmem>>) target_semaphore(%arg22 : memref<!tpu.dma_semaphore, #tpu.memory_space<semaphore_mem>>)
        %dma_start3A_131 = tpu.memref_slice %arg5[%add3A_128] : memref<327936xi32, #tpu.memory_space<hbm>> -> memref<128xi32, #tpu.memory_space<hbm>>
        %dma_start3A_132 = tpu.memref_slice %arg5[%add3A_128] : memref<327936xi32, #tpu.memory_space<hbm>> -> memref<128xi32, #tpu.memory_space<hbm>>
        tpu.enqueue_dma source(%dma_start3A_132 : memref<128xi32, #tpu.memory_space<hbm>>) target(%arg10 : memref<128xi32, #tpu.memory_space<vmem>>) target_semaphore(%arg23 : memref<!tpu.dma_semaphore, #tpu.memory_space<semaphore_mem>>)
        %dma_wait3A_133 = arith.constant 0 : i32
        %dma_wait3A_134 = arith.constant 0 : i32
        %dma_wait3A_135 = tpu.memref_slice %arg3[%dma_wait3A_133, %dma_wait3A_134] : memref<10000x128xf32, #tpu.memory_space<hbm>> -> memref<10000x128xf32, #tpu.memory_space<hbm>>
        tpu.wait_indirect_dma semaphore(%arg20 : memref<!tpu.dma_semaphore, #tpu.memory_space<semaphore_mem>>) src(%dma_wait3A_135 : memref<10000x128xf32, #tpu.memory_space<hbm>>) dst(%arg17 : memref<128x128xf32, #tpu.memory_space<vmem>>)
        %dma_start3A_136 = arith.constant 0 : i32
        %dma_start3A_137 = arith.constant 0 : i32
        %dma_start3A_138 = tpu.memref_slice %arg19[%dma_start3A_136, %dma_start3A_137] : memref<10112x128xf32, #tpu.memory_space<vmem_shared>> -> memref<10112x128xf32, #tpu.memory_space<vmem_shared>>
        tpu.enqueue_indirect_dma source(%arg17 : memref<128x128xf32, #tpu.memory_space<vmem>>) target(%dma_start3A_138 : memref<10112x128xf32, #tpu.memory_space<vmem_shared>>) offsets(%arg14 : memref<128xi32, #tpu.memory_space<vmem>>) semaphore(%arg24 : memref<!tpu.dma_semaphore, #tpu.memory_space<semaphore_mem>>) {add = true}
        %dma_wait3A_139 = tpu.memref_slice %arg4[%add3A_128] : memref<327936xi32, #tpu.memory_space<hbm>> -> memref<128xi32, #tpu.memory_space<hbm>>
        %dma_wait3A_140 = tpu.memref_slice %arg4[%add3A_128] : memref<327936xi32, #tpu.memory_space<hbm>> -> memref<128xi32, #tpu.memory_space<hbm>>
        tpu.wait_dma2 semaphore(%arg22 : memref<!tpu.dma_semaphore, #tpu.memory_space<semaphore_mem>>) src(%dma_wait3A_140 : memref<128xi32, #tpu.memory_space<hbm>>) dst(%arg9 : memref<128xi32, #tpu.memory_space<vmem>>)
        %dma_wait3A_141 = tpu.memref_slice %arg5[%add3A_128] : memref<327936xi32, #tpu.memory_space<hbm>> -> memref<128xi32, #tpu.memory_space<hbm>>
        %dma_wait3A_142 = tpu.memref_slice %arg5[%add3A_128] : memref<327936xi32, #tpu.memory_space<hbm>> -> memref<128xi32, #tpu.memory_space<hbm>>
        tpu.wait_dma2 semaphore(%arg23 : memref<!tpu.dma_semaphore, #tpu.memory_space<semaphore_mem>>) src(%dma_wait3A_142 : memref<128xi32, #tpu.memory_space<hbm>>) dst(%arg10 : memref<128xi32, #tpu.memory_space<vmem>>)
        %mul3A_143 = arith.constant 4 : i32
        %mul3A_144 = arith.muli %mul3A_143, %scan3A_55 : i32
        %add3A_145 = arith.constant 3 : i32
        %add3A_146 = arith.addi %mul3A_144, %add3A_145 : i32
        %dma_wait3A_147 = arith.constant 0 : i32
        %dma_wait3A_148 = arith.constant 0 : i32
        %dma_wait3A_149 = tpu.memref_slice %arg19[%dma_wait3A_147, %dma_wait3A_148] : memref<10112x128xf32, #tpu.memory_space<vmem_shared>> -> memref<10112x128xf32, #tpu.memory_space<vmem_shared>>
        tpu.wait_indirect_dma semaphore(%arg24 : memref<!tpu.dma_semaphore, #tpu.memory_space<semaphore_mem>>) src(%arg17 : memref<128x128xf32, #tpu.memory_space<vmem>>) dst(%dma_wait3A_149 : memref<10112x128xf32, #tpu.memory_space<vmem_shared>>)
        %dma_start3A_150 = arith.constant 0 : i32
        %dma_start3A_151 = arith.constant 0 : i32
        %dma_start3A_152 = tpu.memref_slice %arg3[%dma_start3A_150, %dma_start3A_151] : memref<10000x128xf32, #tpu.memory_space<hbm>> -> memref<10000x128xf32, #tpu.memory_space<hbm>>
        tpu.enqueue_indirect_dma source(%dma_start3A_152 : memref<10000x128xf32, #tpu.memory_space<hbm>>) target(%arg17 : memref<128x128xf32, #tpu.memory_space<vmem>>) offsets(%arg9 : memref<128xi32, #tpu.memory_space<vmem>>) semaphore(%arg20 : memref<!tpu.dma_semaphore, #tpu.memory_space<semaphore_mem>>)
        %add3A_153 = arith.constant 2 : i32
        %add3A_154 = arith.addi %add3A_146, %add3A_153 : i32
        %mul3A_155 = arith.constant 128 : i32
        %mul3A_156 = arith.muli %add3A_154, %mul3A_155 : i32
        %add3A_157 = arith.addi %mul3A_29, %mul3A_156 : i32
        %dma_start3A_158 = tpu.memref_slice %arg4[%add3A_157] : memref<327936xi32, #tpu.memory_space<hbm>> -> memref<128xi32, #tpu.memory_space<hbm>>
        %dma_start3A_159 = tpu.memref_slice %arg4[%add3A_157] : memref<327936xi32, #tpu.memory_space<hbm>> -> memref<128xi32, #tpu.memory_space<hbm>>
        tpu.enqueue_dma source(%dma_start3A_159 : memref<128xi32, #tpu.memory_space<hbm>>) target(%arg11 : memref<128xi32, #tpu.memory_space<vmem>>) target_semaphore(%arg22 : memref<!tpu.dma_semaphore, #tpu.memory_space<semaphore_mem>>)
        %dma_start3A_160 = tpu.memref_slice %arg5[%add3A_157] : memref<327936xi32, #tpu.memory_space<hbm>> -> memref<128xi32, #tpu.memory_space<hbm>>
        %dma_start3A_161 = tpu.memref_slice %arg5[%add3A_157] : memref<327936xi32, #tpu.memory_space<hbm>> -> memref<128xi32, #tpu.memory_space<hbm>>
        tpu.enqueue_dma source(%dma_start3A_161 : memref<128xi32, #tpu.memory_space<hbm>>) target(%arg12 : memref<128xi32, #tpu.memory_space<vmem>>) target_semaphore(%arg23 : memref<!tpu.dma_semaphore, #tpu.memory_space<semaphore_mem>>)
        %dma_wait3A_162 = arith.constant 0 : i32
        %dma_wait3A_163 = arith.constant 0 : i32
        %dma_wait3A_164 = tpu.memref_slice %arg3[%dma_wait3A_162, %dma_wait3A_163] : memref<10000x128xf32, #tpu.memory_space<hbm>> -> memref<10000x128xf32, #tpu.memory_space<hbm>>
        tpu.wait_indirect_dma semaphore(%arg21 : memref<!tpu.dma_semaphore, #tpu.memory_space<semaphore_mem>>) src(%dma_wait3A_164 : memref<10000x128xf32, #tpu.memory_space<hbm>>) dst(%arg18 : memref<128x128xf32, #tpu.memory_space<vmem>>)
        %dma_start3A_165 = arith.constant 0 : i32
        %dma_start3A_166 = arith.constant 0 : i32
        %dma_start3A_167 = tpu.memref_slice %arg19[%dma_start3A_165, %dma_start3A_166] : memref<10112x128xf32, #tpu.memory_space<vmem_shared>> -> memref<10112x128xf32, #tpu.memory_space<vmem_shared>>
        tpu.enqueue_indirect_dma source(%arg18 : memref<128x128xf32, #tpu.memory_space<vmem>>) target(%dma_start3A_167 : memref<10112x128xf32, #tpu.memory_space<vmem_shared>>) offsets(%arg16 : memref<128xi32, #tpu.memory_space<vmem>>) semaphore(%arg25 : memref<!tpu.dma_semaphore, #tpu.memory_space<semaphore_mem>>) {add = true}
        %dma_wait3A_168 = tpu.memref_slice %arg4[%add3A_157] : memref<327936xi32, #tpu.memory_space<hbm>> -> memref<128xi32, #tpu.memory_space<hbm>>
        %dma_wait3A_169 = tpu.memref_slice %arg4[%add3A_157] : memref<327936xi32, #tpu.memory_space<hbm>> -> memref<128xi32, #tpu.memory_space<hbm>>
        tpu.wait_dma2 semaphore(%arg22 : memref<!tpu.dma_semaphore, #tpu.memory_space<semaphore_mem>>) src(%dma_wait3A_169 : memref<128xi32, #tpu.memory_space<hbm>>) dst(%arg11 : memref<128xi32, #tpu.memory_space<vmem>>)
        %dma_wait3A_170 = tpu.memref_slice %arg5[%add3A_157] : memref<327936xi32, #tpu.memory_space<hbm>> -> memref<128xi32, #tpu.memory_space<hbm>>
        %dma_wait3A_171 = tpu.memref_slice %arg5[%add3A_157] : memref<327936xi32, #tpu.memory_space<hbm>> -> memref<128xi32, #tpu.memory_space<hbm>>
        tpu.wait_dma2 semaphore(%arg23 : memref<!tpu.dma_semaphore, #tpu.memory_space<semaphore_mem>>) src(%dma_wait3A_171 : memref<128xi32, #tpu.memory_space<hbm>>) dst(%arg12 : memref<128xi32, #tpu.memory_space<vmem>>)
      }
      %scan3A_46 = arith.constant 40 : i32
      %dma_wait3A = arith.constant 0 : i32
      %dma_wait3A_47 = arith.constant 0 : i32
      %dma_wait3A_48 = tpu.memref_slice %arg3[%dma_wait3A, %dma_wait3A_47] : memref<10000x128xf32, #tpu.memory_space<hbm>> -> memref<10000x128xf32, #tpu.memory_space<hbm>>
      tpu.wait_indirect_dma semaphore(%arg20 : memref<!tpu.dma_semaphore, #tpu.memory_space<semaphore_mem>>) src(%dma_wait3A_48 : memref<10000x128xf32, #tpu.memory_space<hbm>>) dst(%arg17 : memref<128x128xf32, #tpu.memory_space<vmem>>)
      %dma_wait3A_49 = arith.constant 0 : i32
      %dma_wait3A_50 = arith.constant 0 : i32
      %dma_wait3A_51 = tpu.memref_slice %arg19[%dma_wait3A_49, %dma_wait3A_50] : memref<10112x128xf32, #tpu.memory_space<vmem_shared>> -> memref<10112x128xf32, #tpu.memory_space<vmem_shared>>
      tpu.wait_indirect_dma semaphore(%arg24 : memref<!tpu.dma_semaphore, #tpu.memory_space<semaphore_mem>>) src(%arg17 : memref<128x128xf32, #tpu.memory_space<vmem>>) dst(%dma_wait3A_51 : memref<10112x128xf32, #tpu.memory_space<vmem_shared>>)
      %dma_wait3A_52 = arith.constant 0 : i32
      %dma_wait3A_53 = arith.constant 0 : i32
      %dma_wait3A_54 = tpu.memref_slice %arg19[%dma_wait3A_52, %dma_wait3A_53] : memref<10112x128xf32, #tpu.memory_space<vmem_shared>> -> memref<10112x128xf32, #tpu.memory_space<vmem_shared>>
      tpu.wait_indirect_dma semaphore(%arg25 : memref<!tpu.dma_semaphore, #tpu.memory_space<semaphore_mem>>) src(%arg18 : memref<128x128xf32, #tpu.memory_space<vmem>>) dst(%dma_wait3A_54 : memref<10112x128xf32, #tpu.memory_space<vmem_shared>>)
    } else {
    }
    %barrier3A_17 = arith.constant 0 : index
    tpu.barrier barrier_id(%barrier3A_17)
    %eq3A_18 = arith.constant 0 : i32
    %eq3A_19 = arith.cmpi eq, %arg0, %eq3A_18 : i32
    %convert_element_type3A_20 = arith.extui %eq3A_19 : i1 to i32
    %cond3A_21 = arith.constant 0 : i32
    %cond3A_22 = arith.cmpi ne, %convert_element_type3A_20, %cond3A_21 : i32
    scf.if %cond3A_22 {
      "tpu.region"() ({
        %run_scoped3A = tpu.sem_alloc : memref<!tpu.dma_semaphore, #tpu.memory_space<semaphore_mem>>
        %dma_start3A = arith.constant 0 : i32
        %dma_start3A_28 = tpu.memref_slice %arg7[%mul3A_0, %dma_start3A] : memref<10112x128xf32, #tpu.memory_space<hbm>> -> memref<632x128xf32, #tpu.memory_space<hbm>>
        %dma_start3A_29 = arith.constant 0 : i32
        %dma_start3A_30 = tpu.memref_slice %arg19[%mul3A_0, %dma_start3A_29] : memref<10112x128xf32, #tpu.memory_space<vmem_shared>> -> memref<632x128xf32, #tpu.memory_space<vmem_shared>>
        tpu.enqueue_dma source(%dma_start3A_30 : memref<632x128xf32, #tpu.memory_space<vmem_shared>>) target(%dma_start3A_28 : memref<632x128xf32, #tpu.memory_space<hbm>>) target_semaphore(%run_scoped3A : memref<!tpu.dma_semaphore, #tpu.memory_space<semaphore_mem>>)
        %dma_wait3A = arith.constant 0 : i32
        %dma_wait3A_31 = tpu.memref_slice %arg7[%mul3A_0, %dma_wait3A] : memref<10112x128xf32, #tpu.memory_space<hbm>> -> memref<632x128xf32, #tpu.memory_space<hbm>>
        %dma_wait3A_32 = arith.constant 0 : i32
        %dma_wait3A_33 = tpu.memref_slice %arg19[%mul3A_0, %dma_wait3A_32] : memref<10112x128xf32, #tpu.memory_space<vmem_shared>> -> memref<632x128xf32, #tpu.memory_space<vmem_shared>>
        tpu.wait_dma2 semaphore(%run_scoped3A : memref<!tpu.dma_semaphore, #tpu.memory_space<semaphore_mem>>) src(%dma_wait3A_33 : memref<632x128xf32, #tpu.memory_space<vmem_shared>>) dst(%dma_wait3A_31 : memref<632x128xf32, #tpu.memory_space<hbm>>)
        tpu.yield
      }) : () -> ()
    } else {
    }
    %eq3A_23 = arith.constant 1 : i32
    %eq3A_24 = arith.cmpi eq, %arg0, %eq3A_23 : i32
    %convert_element_type3A_25 = arith.extui %eq3A_24 : i1 to i32
    %cond3A_26 = arith.constant 0 : i32
    %cond3A_27 = arith.cmpi ne, %convert_element_type3A_25, %cond3A_26 : i32
    scf.if %cond3A_27 {
      "tpu.region"() ({
        %run_scoped3A = tpu.sem_alloc : memref<!tpu.dma_semaphore, #tpu.memory_space<semaphore_mem>>
        %dma_start3A = arith.constant 0 : i32
        %dma_start3A_28 = tpu.memref_slice %arg8[%mul3A_0, %dma_start3A] : memref<10112x128xf32, #tpu.memory_space<hbm>> -> memref<632x128xf32, #tpu.memory_space<hbm>>
        %dma_start3A_29 = arith.constant 0 : i32
        %dma_start3A_30 = tpu.memref_slice %arg19[%mul3A_0, %dma_start3A_29] : memref<10112x128xf32, #tpu.memory_space<vmem_shared>> -> memref<632x128xf32, #tpu.memory_space<vmem_shared>>
        tpu.enqueue_dma source(%dma_start3A_30 : memref<632x128xf32, #tpu.memory_space<vmem_shared>>) target(%dma_start3A_28 : memref<632x128xf32, #tpu.memory_space<hbm>>) target_semaphore(%run_scoped3A : memref<!tpu.dma_semaphore, #tpu.memory_space<semaphore_mem>>)
        %dma_wait3A = arith.constant 0 : i32
        %dma_wait3A_31 = tpu.memref_slice %arg8[%mul3A_0, %dma_wait3A] : memref<10112x128xf32, #tpu.memory_space<hbm>> -> memref<632x128xf32, #tpu.memory_space<hbm>>
        %dma_wait3A_32 = arith.constant 0 : i32
        %dma_wait3A_33 = tpu.memref_slice %arg19[%mul3A_0, %dma_wait3A_32] : memref<10112x128xf32, #tpu.memory_space<vmem_shared>> -> memref<632x128xf32, #tpu.memory_space<vmem_shared>>
        tpu.wait_dma2 semaphore(%run_scoped3A : memref<!tpu.dma_semaphore, #tpu.memory_space<semaphore_mem>>) src(%dma_wait3A_33 : memref<632x128xf32, #tpu.memory_space<vmem_shared>>) dst(%dma_wait3A_31 : memref<632x128xf32, #tpu.memory_space<hbm>>)
        tpu.yield
      }) : () -> ()
    } else {
    }
    return
  }
}

#map = affine_map<(d0, d1) -> (0, 0)>
#map1 = affine_map<(d0, d1) -> (0)>
module attributes {stable_mosaic.version = 14 : i64} {
  func.func @_agg_body(%arg0: i32, %arg1: i32, %arg2: memref<10000x128xf32, #tpu.memory_space<hbm>>, %arg3: memref<10000x128xf32, #tpu.memory_space<hbm>>, %arg4: memref<327936xi32, #tpu.memory_space<hbm>>, %arg5: memref<327936xi32, #tpu.memory_space<hbm>>, %arg6: memref<128x128xf32, #tpu.memory_space<hbm>>, %arg7: memref<10112x128xf32, #tpu.memory_space<hbm>>, %arg8: memref<10112x128xf32, #tpu.memory_space<hbm>>, %arg9: memref<128xi32, #tpu.memory_space<vmem>>, %arg10: memref<128xi32, #tpu.memory_space<vmem>>, %arg11: memref<128xi32, #tpu.memory_space<vmem>>, %arg12: memref<128xi32, #tpu.memory_space<vmem>>, %arg13: memref<128xi32, #tpu.memory_space<vmem>>, %arg14: memref<128xi32, #tpu.memory_space<vmem>>, %arg15: memref<128xi32, #tpu.memory_space<vmem>>, %arg16: memref<128xi32, #tpu.memory_space<vmem>>, %arg17: memref<128x128xf32, #tpu.memory_space<vmem>>, %arg18: memref<128x128xf32, #tpu.memory_space<vmem>>, %arg19: memref<10112x128xf32, #tpu.memory_space<vmem_shared>>, %arg20: memref<!tpu.dma_semaphore, #tpu.memory_space<semaphore_mem>>, %arg21: memref<!tpu.dma_semaphore, #tpu.memory_space<semaphore_mem>>, %arg22: memref<!tpu.dma_semaphore, #tpu.memory_space<semaphore_mem>>, %arg23: memref<!tpu.dma_semaphore, #tpu.memory_space<semaphore_mem>>, %arg24: memref<!tpu.dma_semaphore, #tpu.memory_space<semaphore_mem>>, %arg25: memref<!tpu.dma_semaphore, #tpu.memory_space<semaphore_mem>>) attributes {dimension_semantics = [#tpu.dimension_semantics<core_parallel>, #tpu.dimension_semantics<subcore_parallel>], iteration_bounds = array<i64: 2, 16>, scalar_prefetch = 0 : i64, scratch_operands = 17 : i64, tpu.core_type = #tpu.core_type<sc_vector_subcore>, window_params = [{transform_indices = #map}, {transform_indices = #map}, {transform_indices = #map1}, {transform_indices = #map1}, {transform_indices = #map}, {transform_indices = #map}, {transform_indices = #map}]} {
    %mul3A = arith.constant 632 : i32
    %mul3A_0 = arith.muli %arg1, %mul3A : i32
    "tpu.region"() ({
      %run_scoped3A = tpu.sem_alloc : memref<!tpu.dma_semaphore, #tpu.memory_space<semaphore_mem>>
      tpu.enqueue_dma source(%arg6 : memref<128x128xf32, #tpu.memory_space<hbm>>) target(%arg17 : memref<128x128xf32, #tpu.memory_space<vmem>>) target_semaphore(%run_scoped3A : memref<!tpu.dma_semaphore, #tpu.memory_space<semaphore_mem>>)
      tpu.wait_dma2 semaphore(%run_scoped3A : memref<!tpu.dma_semaphore, #tpu.memory_space<semaphore_mem>>) src(%arg6 : memref<128x128xf32, #tpu.memory_space<hbm>>) dst(%arg17 : memref<128x128xf32, #tpu.memory_space<vmem>>)
      tpu.yield
    }) : () -> ()
    "tpu.region"() ({
      %run_scoped3A = tpu.sem_alloc : memref<!tpu.dma_semaphore, #tpu.memory_space<semaphore_mem>>
      tpu.enqueue_dma source(%arg6 : memref<128x128xf32, #tpu.memory_space<hbm>>) target(%arg18 : memref<128x128xf32, #tpu.memory_space<vmem>>) target_semaphore(%run_scoped3A : memref<!tpu.dma_semaphore, #tpu.memory_space<semaphore_mem>>)
      tpu.wait_dma2 semaphore(%run_scoped3A : memref<!tpu.dma_semaphore, #tpu.memory_space<semaphore_mem>>) src(%arg6 : memref<128x128xf32, #tpu.memory_space<hbm>>) dst(%arg18 : memref<128x128xf32, #tpu.memory_space<vmem>>)
      tpu.yield
    }) : () -> ()
    %add3A = arith.constant 0 : i32
    %add3A_1 = arith.addi %mul3A_0, %add3A : i32
    "tpu.region"() ({
      %run_scoped3A = tpu.sem_alloc : memref<!tpu.dma_semaphore, #tpu.memory_space<semaphore_mem>>
      %dma_start3A = arith.constant 0 : i32
      %dma_start3A_28 = tpu.memref_slice %arg19[%add3A_1, %dma_start3A] : memref<10112x128xf32, #tpu.memory_space<vmem_shared>> -> memref<128x128xf32, #tpu.memory_space<vmem_shared>>
      %dma_start3A_29 = arith.constant 0 : i32
      %dma_start3A_30 = tpu.memref_slice %arg19[%add3A_1, %dma_start3A_29] : memref<10112x128xf32, #tpu.memory_space<vmem_shared>> -> memref<128x128xf32, #tpu.memory_space<vmem_shared>>
      tpu.enqueue_dma source(%arg17 : memref<128x128xf32, #tpu.memory_space<vmem>>) target(%dma_start3A_30 : memref<128x128xf32, #tpu.memory_space<vmem_shared>>) target_semaphore(%run_scoped3A : memref<!tpu.dma_semaphore, #tpu.memory_space<semaphore_mem>>)
      %dma_wait3A = arith.constant 0 : i32
      %dma_wait3A_31 = tpu.memref_slice %arg19[%add3A_1, %dma_wait3A] : memref<10112x128xf32, #tpu.memory_space<vmem_shared>> -> memref<128x128xf32, #tpu.memory_space<vmem_shared>>
      %dma_wait3A_32 = arith.constant 0 : i32
      %dma_wait3A_33 = tpu.memref_slice %arg19[%add3A_1, %dma_wait3A_32] : memref<10112x128xf32, #tpu.memory_space<vmem_shared>> -> memref<128x128xf32, #tpu.memory_space<vmem_shared>>
      tpu.wait_dma2 semaphore(%run_scoped3A : memref<!tpu.dma_semaphore, #tpu.memory_space<semaphore_mem>>) src(%arg17 : memref<128x128xf32, #tpu.memory_space<vmem>>) dst(%dma_wait3A_33 : memref<128x128xf32, #tpu.memory_space<vmem_shared>>)
      tpu.yield
    }) : () -> ()
    %add3A_2 = arith.constant 128 : i32
    %add3A_3 = arith.addi %mul3A_0, %add3A_2 : i32
    "tpu.region"() ({
      %run_scoped3A = tpu.sem_alloc : memref<!tpu.dma_semaphore, #tpu.memory_space<semaphore_mem>>
      %dma_start3A = arith.constant 0 : i32
      %dma_start3A_28 = tpu.memref_slice %arg19[%add3A_3, %dma_start3A] : memref<10112x128xf32, #tpu.memory_space<vmem_shared>> -> memref<128x128xf32, #tpu.memory_space<vmem_shared>>
      %dma_start3A_29 = arith.constant 0 : i32
      %dma_start3A_30 = tpu.memref_slice %arg19[%add3A_3, %dma_start3A_29] : memref<10112x128xf32, #tpu.memory_space<vmem_shared>> -> memref<128x128xf32, #tpu.memory_space<vmem_shared>>
      tpu.enqueue_dma source(%arg17 : memref<128x128xf32, #tpu.memory_space<vmem>>) target(%dma_start3A_30 : memref<128x128xf32, #tpu.memory_space<vmem_shared>>) target_semaphore(%run_scoped3A : memref<!tpu.dma_semaphore, #tpu.memory_space<semaphore_mem>>)
      %dma_wait3A = arith.constant 0 : i32
      %dma_wait3A_31 = tpu.memref_slice %arg19[%add3A_3, %dma_wait3A] : memref<10112x128xf32, #tpu.memory_space<vmem_shared>> -> memref<128x128xf32, #tpu.memory_space<vmem_shared>>
      %dma_wait3A_32 = arith.constant 0 : i32
      %dma_wait3A_33 = tpu.memref_slice %arg19[%add3A_3, %dma_wait3A_32] : memref<10112x128xf32, #tpu.memory_space<vmem_shared>> -> memref<128x128xf32, #tpu.memory_space<vmem_shared>>
      tpu.wait_dma2 semaphore(%run_scoped3A : memref<!tpu.dma_semaphore, #tpu.memory_space<semaphore_mem>>) src(%arg17 : memref<128x128xf32, #tpu.memory_space<vmem>>) dst(%dma_wait3A_33 : memref<128x128xf32, #tpu.memory_space<vmem_shared>>)
      tpu.yield
    }) : () -> ()
    %add3A_4 = arith.constant 256 : i32
    %add3A_5 = arith.addi %mul3A_0, %add3A_4 : i32
    "tpu.region"() ({
      %run_scoped3A = tpu.sem_alloc : memref<!tpu.dma_semaphore, #tpu.memory_space<semaphore_mem>>
      %dma_start3A = arith.constant 0 : i32
      %dma_start3A_28 = tpu.memref_slice %arg19[%add3A_5, %dma_start3A] : memref<10112x128xf32, #tpu.memory_space<vmem_shared>> -> memref<128x128xf32, #tpu.memory_space<vmem_shared>>
      %dma_start3A_29 = arith.constant 0 : i32
      %dma_start3A_30 = tpu.memref_slice %arg19[%add3A_5, %dma_start3A_29] : memref<10112x128xf32, #tpu.memory_space<vmem_shared>> -> memref<128x128xf32, #tpu.memory_space<vmem_shared>>
      tpu.enqueue_dma source(%arg17 : memref<128x128xf32, #tpu.memory_space<vmem>>) target(%dma_start3A_30 : memref<128x128xf32, #tpu.memory_space<vmem_shared>>) target_semaphore(%run_scoped3A : memref<!tpu.dma_semaphore, #tpu.memory_space<semaphore_mem>>)
      %dma_wait3A = arith.constant 0 : i32
      %dma_wait3A_31 = tpu.memref_slice %arg19[%add3A_5, %dma_wait3A] : memref<10112x128xf32, #tpu.memory_space<vmem_shared>> -> memref<128x128xf32, #tpu.memory_space<vmem_shared>>
      %dma_wait3A_32 = arith.constant 0 : i32
      %dma_wait3A_33 = tpu.memref_slice %arg19[%add3A_5, %dma_wait3A_32] : memref<10112x128xf32, #tpu.memory_space<vmem_shared>> -> memref<128x128xf32, #tpu.memory_space<vmem_shared>>
      tpu.wait_dma2 semaphore(%run_scoped3A : memref<!tpu.dma_semaphore, #tpu.memory_space<semaphore_mem>>) src(%arg17 : memref<128x128xf32, #tpu.memory_space<vmem>>) dst(%dma_wait3A_33 : memref<128x128xf32, #tpu.memory_space<vmem_shared>>)
      tpu.yield
    }) : () -> ()
    %add3A_6 = arith.constant 384 : i32
    %add3A_7 = arith.addi %mul3A_0, %add3A_6 : i32
    "tpu.region"() ({
      %run_scoped3A = tpu.sem_alloc : memref<!tpu.dma_semaphore, #tpu.memory_space<semaphore_mem>>
      %dma_start3A = arith.constant 0 : i32
      %dma_start3A_28 = tpu.memref_slice %arg19[%add3A_7, %dma_start3A] : memref<10112x128xf32, #tpu.memory_space<vmem_shared>> -> memref<128x128xf32, #tpu.memory_space<vmem_shared>>
      %dma_start3A_29 = arith.constant 0 : i32
      %dma_start3A_30 = tpu.memref_slice %arg19[%add3A_7, %dma_start3A_29] : memref<10112x128xf32, #tpu.memory_space<vmem_shared>> -> memref<128x128xf32, #tpu.memory_space<vmem_shared>>
      tpu.enqueue_dma source(%arg17 : memref<128x128xf32, #tpu.memory_space<vmem>>) target(%dma_start3A_30 : memref<128x128xf32, #tpu.memory_space<vmem_shared>>) target_semaphore(%run_scoped3A : memref<!tpu.dma_semaphore, #tpu.memory_space<semaphore_mem>>)
      %dma_wait3A = arith.constant 0 : i32
      %dma_wait3A_31 = tpu.memref_slice %arg19[%add3A_7, %dma_wait3A] : memref<10112x128xf32, #tpu.memory_space<vmem_shared>> -> memref<128x128xf32, #tpu.memory_space<vmem_shared>>
      %dma_wait3A_32 = arith.constant 0 : i32
      %dma_wait3A_33 = tpu.memref_slice %arg19[%add3A_7, %dma_wait3A_32] : memref<10112x128xf32, #tpu.memory_space<vmem_shared>> -> memref<128x128xf32, #tpu.memory_space<vmem_shared>>
      tpu.wait_dma2 semaphore(%run_scoped3A : memref<!tpu.dma_semaphore, #tpu.memory_space<semaphore_mem>>) src(%arg17 : memref<128x128xf32, #tpu.memory_space<vmem>>) dst(%dma_wait3A_33 : memref<128x128xf32, #tpu.memory_space<vmem_shared>>)
      tpu.yield
    }) : () -> ()
    %add3A_8 = arith.constant 512 : i32
    %add3A_9 = arith.addi %mul3A_0, %add3A_8 : i32
    "tpu.region"() ({
      %run_scoped3A = tpu.sem_alloc : memref<!tpu.dma_semaphore, #tpu.memory_space<semaphore_mem>>
      %dma_start3A = arith.constant 0 : i32
      %dma_start3A_28 = arith.constant 0 : i32
      %dma_start3A_29 = tpu.memref_slice %arg17[%dma_start3A, %dma_start3A_28] : memref<128x128xf32, #tpu.memory_space<vmem>> -> memref<120x128xf32, #tpu.memory_space<vmem>>
      %dma_start3A_30 = arith.constant 0 : i32
      %dma_start3A_31 = tpu.memref_slice %arg19[%add3A_9, %dma_start3A_30] : memref<10112x128xf32, #tpu.memory_space<vmem_shared>> -> memref<120x128xf32, #tpu.memory_space<vmem_shared>>
      %dma_start3A_32 = arith.constant 0 : i32
      %dma_start3A_33 = tpu.memref_slice %arg19[%add3A_9, %dma_start3A_32] : memref<10112x128xf32, #tpu.memory_space<vmem_shared>> -> memref<120x128xf32, #tpu.memory_space<vmem_shared>>
      %dma_start3A_34 = arith.constant 0 : i32
      %dma_start3A_35 = arith.constant 0 : i32
      %dma_start3A_36 = tpu.memref_slice %arg17[%dma_start3A_34, %dma_start3A_35] : memref<128x128xf32, #tpu.memory_space<vmem>> -> memref<120x128xf32, #tpu.memory_space<vmem>>
      tpu.enqueue_dma source(%dma_start3A_36 : memref<120x128xf32, #tpu.memory_space<vmem>>) target(%dma_start3A_33 : memref<120x128xf32, #tpu.memory_space<vmem_shared>>) target_semaphore(%run_scoped3A : memref<!tpu.dma_semaphore, #tpu.memory_space<semaphore_mem>>)
      %dma_wait3A = arith.constant 0 : i32
      %dma_wait3A_37 = arith.constant 0 : i32
      %dma_wait3A_38 = tpu.memref_slice %arg17[%dma_wait3A, %dma_wait3A_37] : memref<128x128xf32, #tpu.memory_space<vmem>> -> memref<120x128xf32, #tpu.memory_space<vmem>>
      %dma_wait3A_39 = arith.constant 0 : i32
      %dma_wait3A_40 = tpu.memref_slice %arg19[%add3A_9, %dma_wait3A_39] : memref<10112x128xf32, #tpu.memory_space<vmem_shared>> -> memref<120x128xf32, #tpu.memory_space<vmem_shared>>
      %dma_wait3A_41 = arith.constant 0 : i32
      %dma_wait3A_42 = tpu.memref_slice %arg19[%add3A_9, %dma_wait3A_41] : memref<10112x128xf32, #tpu.memory_space<vmem_shared>> -> memref<120x128xf32, #tpu.memory_space<vmem_shared>>
      %dma_wait3A_43 = arith.constant 0 : i32
      %dma_wait3A_44 = arith.constant 0 : i32
      %dma_wait3A_45 = tpu.memref_slice %arg17[%dma_wait3A_43, %dma_wait3A_44] : memref<128x128xf32, #tpu.memory_space<vmem>> -> memref<120x128xf32, #tpu.memory_space<vmem>>
      tpu.wait_dma2 semaphore(%run_scoped3A : memref<!tpu.dma_semaphore, #tpu.memory_space<semaphore_mem>>) src(%dma_wait3A_45 : memref<120x128xf32, #tpu.memory_space<vmem>>) dst(%dma_wait3A_42 : memref<120x128xf32, #tpu.memory_space<vmem_shared>>)
      tpu.yield
    }) : () -> ()
    %barrier3A = arith.constant 0 : index
    tpu.barrier barrier_id(%barrier3A)
    %eq3A = arith.constant 0 : i32
    %eq3A_10 = arith.cmpi eq, %arg0, %eq3A : i32
    %convert_element_type3A = arith.extui %eq3A_10 : i1 to i32
    %cond3A = arith.constant 0 : i32
    %cond3A_11 = arith.cmpi ne, %convert_element_type3A, %cond3A : i32
    scf.if %cond3A_11 {
      %mul3A_28 = arith.constant 20480 : i32
      %mul3A_29 = arith.muli %arg1, %mul3A_28 : i32
      "tpu.region"() ({
        %run_scoped3A = tpu.sem_alloc : memref<!tpu.dma_semaphore, #tpu.memory_space<semaphore_mem>>
        %dma_start3A_55 = tpu.memref_slice %arg4[%mul3A_29] : memref<327936xi32, #tpu.memory_space<hbm>> -> memref<128xi32, #tpu.memory_space<hbm>>
        %dma_start3A_56 = tpu.memref_slice %arg4[%mul3A_29] : memref<327936xi32, #tpu.memory_space<hbm>> -> memref<128xi32, #tpu.memory_space<hbm>>
        tpu.enqueue_dma source(%dma_start3A_56 : memref<128xi32, #tpu.memory_space<hbm>>) target(%arg9 : memref<128xi32, #tpu.memory_space<vmem>>) target_semaphore(%run_scoped3A : memref<!tpu.dma_semaphore, #tpu.memory_space<semaphore_mem>>)
        %dma_wait3A_57 = tpu.memref_slice %arg4[%mul3A_29] : memref<327936xi32, #tpu.memory_space<hbm>> -> memref<128xi32, #tpu.memory_space<hbm>>
        %dma_wait3A_58 = tpu.memref_slice %arg4[%mul3A_29] : memref<327936xi32, #tpu.memory_space<hbm>> -> memref<128xi32, #tpu.memory_space<hbm>>
        tpu.wait_dma2 semaphore(%run_scoped3A : memref<!tpu.dma_semaphore, #tpu.memory_space<semaphore_mem>>) src(%dma_wait3A_58 : memref<128xi32, #tpu.memory_space<hbm>>) dst(%arg9 : memref<128xi32, #tpu.memory_space<vmem>>)
        tpu.yield
      }) : () -> ()
      "tpu.region"() ({
        %run_scoped3A = tpu.sem_alloc : memref<!tpu.dma_semaphore, #tpu.memory_space<semaphore_mem>>
        %dma_start3A_55 = tpu.memref_slice %arg5[%mul3A_29] : memref<327936xi32, #tpu.memory_space<hbm>> -> memref<128xi32, #tpu.memory_space<hbm>>
        %dma_start3A_56 = tpu.memref_slice %arg5[%mul3A_29] : memref<327936xi32, #tpu.memory_space<hbm>> -> memref<128xi32, #tpu.memory_space<hbm>>
        tpu.enqueue_dma source(%dma_start3A_56 : memref<128xi32, #tpu.memory_space<hbm>>) target(%arg10 : memref<128xi32, #tpu.memory_space<vmem>>) target_semaphore(%run_scoped3A : memref<!tpu.dma_semaphore, #tpu.memory_space<semaphore_mem>>)
        %dma_wait3A_57 = tpu.memref_slice %arg5[%mul3A_29] : memref<327936xi32, #tpu.memory_space<hbm>> -> memref<128xi32, #tpu.memory_space<hbm>>
        %dma_wait3A_58 = tpu.memref_slice %arg5[%mul3A_29] : memref<327936xi32, #tpu.memory_space<hbm>> -> memref<128xi32, #tpu.memory_space<hbm>>
        tpu.wait_dma2 semaphore(%run_scoped3A : memref<!tpu.dma_semaphore, #tpu.memory_space<semaphore_mem>>) src(%dma_wait3A_58 : memref<128xi32, #tpu.memory_space<hbm>>) dst(%arg10 : memref<128xi32, #tpu.memory_space<vmem>>)
        tpu.yield
      }) : () -> ()
      %add3A_30 = arith.constant 128 : i32
      %add3A_31 = arith.addi %mul3A_29, %add3A_30 : i32
      "tpu.region"() ({
        %run_scoped3A = tpu.sem_alloc : memref<!tpu.dma_semaphore, #tpu.memory_space<semaphore_mem>>
        %dma_start3A_55 = tpu.memref_slice %arg4[%add3A_31] : memref<327936xi32, #tpu.memory_space<hbm>> -> memref<128xi32, #tpu.memory_space<hbm>>
        %dma_start3A_56 = tpu.memref_slice %arg4[%add3A_31] : memref<327936xi32, #tpu.memory_space<hbm>> -> memref<128xi32, #tpu.memory_space<hbm>>
        tpu.enqueue_dma source(%dma_start3A_56 : memref<128xi32, #tpu.memory_space<hbm>>) target(%arg11 : memref<128xi32, #tpu.memory_space<vmem>>) target_semaphore(%run_scoped3A : memref<!tpu.dma_semaphore, #tpu.memory_space<semaphore_mem>>)
        %dma_wait3A_57 = tpu.memref_slice %arg4[%add3A_31] : memref<327936xi32, #tpu.memory_space<hbm>> -> memref<128xi32, #tpu.memory_space<hbm>>
        %dma_wait3A_58 = tpu.memref_slice %arg4[%add3A_31] : memref<327936xi32, #tpu.memory_space<hbm>> -> memref<128xi32, #tpu.memory_space<hbm>>
        tpu.wait_dma2 semaphore(%run_scoped3A : memref<!tpu.dma_semaphore, #tpu.memory_space<semaphore_mem>>) src(%dma_wait3A_58 : memref<128xi32, #tpu.memory_space<hbm>>) dst(%arg11 : memref<128xi32, #tpu.memory_space<vmem>>)
        tpu.yield
      }) : () -> ()
      %add3A_32 = arith.constant 128 : i32
      %add3A_33 = arith.addi %mul3A_29, %add3A_32 : i32
      "tpu.region"() ({
        %run_scoped3A = tpu.sem_alloc : memref<!tpu.dma_semaphore, #tpu.memory_space<semaphore_mem>>
        %dma_start3A_55 = tpu.memref_slice %arg5[%add3A_33] : memref<327936xi32, #tpu.memory_space<hbm>> -> memref<128xi32, #tpu.memory_space<hbm>>
        %dma_start3A_56 = tpu.memref_slice %arg5[%add3A_33] : memref<327936xi32, #tpu.memory_space<hbm>> -> memref<128xi32, #tpu.memory_space<hbm>>
        tpu.enqueue_dma source(%dma_start3A_56 : memref<128xi32, #tpu.memory_space<hbm>>) target(%arg12 : memref<128xi32, #tpu.memory_space<vmem>>) target_semaphore(%run_scoped3A : memref<!tpu.dma_semaphore, #tpu.memory_space<semaphore_mem>>)
        %dma_wait3A_57 = tpu.memref_slice %arg5[%add3A_33] : memref<327936xi32, #tpu.memory_space<hbm>> -> memref<128xi32, #tpu.memory_space<hbm>>
        %dma_wait3A_58 = tpu.memref_slice %arg5[%add3A_33] : memref<327936xi32, #tpu.memory_space<hbm>> -> memref<128xi32, #tpu.memory_space<hbm>>
        tpu.wait_dma2 semaphore(%run_scoped3A : memref<!tpu.dma_semaphore, #tpu.memory_space<semaphore_mem>>) src(%dma_wait3A_58 : memref<128xi32, #tpu.memory_space<hbm>>) dst(%arg12 : memref<128xi32, #tpu.memory_space<vmem>>)
        tpu.yield
      }) : () -> ()
      %dma_start3A = arith.constant 0 : i32
      %dma_start3A_34 = arith.constant 0 : i32
      %dma_start3A_35 = tpu.memref_slice %arg19[%dma_start3A, %dma_start3A_34] : memref<10112x128xf32, #tpu.memory_space<vmem_shared>> -> memref<10112x128xf32, #tpu.memory_space<vmem_shared>>
      tpu.enqueue_indirect_dma source(%arg17 : memref<128x128xf32, #tpu.memory_space<vmem>>) target(%dma_start3A_35 : memref<10112x128xf32, #tpu.memory_space<vmem_shared>>) offsets(%arg10 : memref<128xi32, #tpu.memory_space<vmem>>) semaphore(%arg24 : memref<!tpu.dma_semaphore, #tpu.memory_space<semaphore_mem>>) {add = true}
      %dma_start3A_36 = arith.constant 0 : i32
      %dma_start3A_37 = arith.constant 0 : i32
      %dma_start3A_38 = tpu.memref_slice %arg19[%dma_start3A_36, %dma_start3A_37] : memref<10112x128xf32, #tpu.memory_space<vmem_shared>> -> memref<10112x128xf32, #tpu.memory_space<vmem_shared>>
      tpu.enqueue_indirect_dma source(%arg18 : memref<128x128xf32, #tpu.memory_space<vmem>>) target(%dma_start3A_38 : memref<10112x128xf32, #tpu.memory_space<vmem_shared>>) offsets(%arg10 : memref<128xi32, #tpu.memory_space<vmem>>) semaphore(%arg25 : memref<!tpu.dma_semaphore, #tpu.memory_space<semaphore_mem>>) {add = true}
      %dma_start3A_39 = arith.constant 0 : i32
      %dma_start3A_40 = arith.constant 0 : i32
      %dma_start3A_41 = tpu.memref_slice %arg2[%dma_start3A_39, %dma_start3A_40] : memref<10000x128xf32, #tpu.memory_space<hbm>> -> memref<10000x128xf32, #tpu.memory_space<hbm>>
      tpu.enqueue_indirect_dma source(%dma_start3A_41 : memref<10000x128xf32, #tpu.memory_space<hbm>>) target(%arg17 : memref<128x128xf32, #tpu.memory_space<vmem>>) offsets(%arg9 : memref<128xi32, #tpu.memory_space<vmem>>) semaphore(%arg20 : memref<!tpu.dma_semaphore, #tpu.memory_space<semaphore_mem>>)
      %scan3A = arith.constant 0 : i32
      %scan3A_42 = arith.constant 0 : i32
      %scan3A_43 = arith.constant 40 : i32
      %scan3A_44 = arith.addi %scan3A_42, %scan3A_43 : i32
      %scan3A_45 = arith.constant 1 : i32
      scf.for %scan3A_55 = %scan3A_42 to %scan3A_44 step %scan3A_45  : i32 {
        %mul3A_56 = arith.constant 4 : i32
        %mul3A_57 = arith.muli %mul3A_56, %scan3A_55 : i32
        %add3A_58 = arith.constant 0 : i32
        %add3A_59 = arith.addi %mul3A_57, %add3A_58 : i32
        %dma_wait3A_60 = arith.constant 0 : i32
        %dma_wait3A_61 = arith.constant 0 : i32
        %dma_wait3A_62 = tpu.memref_slice %arg19[%dma_wait3A_60, %dma_wait3A_61] : memref<10112x128xf32, #tpu.memory_space<vmem_shared>> -> memref<10112x128xf32, #tpu.memory_space<vmem_shared>>
        tpu.wait_indirect_dma semaphore(%arg25 : memref<!tpu.dma_semaphore, #tpu.memory_space<semaphore_mem>>) src(%arg18 : memref<128x128xf32, #tpu.memory_space<vmem>>) dst(%dma_wait3A_62 : memref<10112x128xf32, #tpu.memory_space<vmem_shared>>)
        %dma_start3A_63 = arith.constant 0 : i32
        %dma_start3A_64 = arith.constant 0 : i32
        %dma_start3A_65 = tpu.memref_slice %arg2[%dma_start3A_63, %dma_start3A_64] : memref<10000x128xf32, #tpu.memory_space<hbm>> -> memref<10000x128xf32, #tpu.memory_space<hbm>>
        tpu.enqueue_indirect_dma source(%dma_start3A_65 : memref<10000x128xf32, #tpu.memory_space<hbm>>) target(%arg18 : memref<128x128xf32, #tpu.memory_space<vmem>>) offsets(%arg11 : memref<128xi32, #tpu.memory_space<vmem>>) semaphore(%arg21 : memref<!tpu.dma_semaphore, #tpu.memory_space<semaphore_mem>>)
        %add3A_66 = arith.constant 2 : i32
        %add3A_67 = arith.addi %add3A_59, %add3A_66 : i32
        %mul3A_68 = arith.constant 128 : i32
        %mul3A_69 = arith.muli %add3A_67, %mul3A_68 : i32
        %add3A_70 = arith.addi %mul3A_29, %mul3A_69 : i32
        %dma_start3A_71 = tpu.memref_slice %arg4[%add3A_70] : memref<327936xi32, #tpu.memory_space<hbm>> -> memref<128xi32, #tpu.memory_space<hbm>>
        %dma_start3A_72 = tpu.memref_slice %arg4[%add3A_70] : memref<327936xi32, #tpu.memory_space<hbm>> -> memref<128xi32, #tpu.memory_space<hbm>>
        tpu.enqueue_dma source(%dma_start3A_72 : memref<128xi32, #tpu.memory_space<hbm>>) target(%arg13 : memref<128xi32, #tpu.memory_space<vmem>>) target_semaphore(%arg22 : memref<!tpu.dma_semaphore, #tpu.memory_space<semaphore_mem>>)
        %dma_start3A_73 = tpu.memref_slice %arg5[%add3A_70] : memref<327936xi32, #tpu.memory_space<hbm>> -> memref<128xi32, #tpu.memory_space<hbm>>
        %dma_start3A_74 = tpu.memref_slice %arg5[%add3A_70] : memref<327936xi32, #tpu.memory_space<hbm>> -> memref<128xi32, #tpu.memory_space<hbm>>
        tpu.enqueue_dma source(%dma_start3A_74 : memref<128xi32, #tpu.memory_space<hbm>>) target(%arg14 : memref<128xi32, #tpu.memory_space<vmem>>) target_semaphore(%arg23 : memref<!tpu.dma_semaphore, #tpu.memory_space<semaphore_mem>>)
        %dma_wait3A_75 = arith.constant 0 : i32
        %dma_wait3A_76 = arith.constant 0 : i32
        %dma_wait3A_77 = tpu.memref_slice %arg2[%dma_wait3A_75, %dma_wait3A_76] : memref<10000x128xf32, #tpu.memory_space<hbm>> -> memref<10000x128xf32, #tpu.memory_space<hbm>>
        tpu.wait_indirect_dma semaphore(%arg20 : memref<!tpu.dma_semaphore, #tpu.memory_space<semaphore_mem>>) src(%dma_wait3A_77 : memref<10000x128xf32, #tpu.memory_space<hbm>>) dst(%arg17 : memref<128x128xf32, #tpu.memory_space<vmem>>)
        %dma_start3A_78 = arith.constant 0 : i32
        %dma_start3A_79 = arith.constant 0 : i32
        %dma_start3A_80 = tpu.memref_slice %arg19[%dma_start3A_78, %dma_start3A_79] : memref<10112x128xf32, #tpu.memory_space<vmem_shared>> -> memref<10112x128xf32, #tpu.memory_space<vmem_shared>>
        tpu.enqueue_indirect_dma source(%arg17 : memref<128x128xf32, #tpu.memory_space<vmem>>) target(%dma_start3A_80 : memref<10112x128xf32, #tpu.memory_space<vmem_shared>>) offsets(%arg10 : memref<128xi32, #tpu.memory_space<vmem>>) semaphore(%arg24 : memref<!tpu.dma_semaphore, #tpu.memory_space<semaphore_mem>>) {add = true}
        %dma_wait3A_81 = tpu.memref_slice %arg4[%add3A_70] : memref<327936xi32, #tpu.memory_space<hbm>> -> memref<128xi32, #tpu.memory_space<hbm>>
        %dma_wait3A_82 = tpu.memref_slice %arg4[%add3A_70] : memref<327936xi32, #tpu.memory_space<hbm>> -> memref<128xi32, #tpu.memory_space<hbm>>
        tpu.wait_dma2 semaphore(%arg22 : memref<!tpu.dma_semaphore, #tpu.memory_space<semaphore_mem>>) src(%dma_wait3A_82 : memref<128xi32, #tpu.memory_space<hbm>>) dst(%arg13 : memref<128xi32, #tpu.memory_space<vmem>>)
        %dma_wait3A_83 = tpu.memref_slice %arg5[%add3A_70] : memref<327936xi32, #tpu.memory_space<hbm>> -> memref<128xi32, #tpu.memory_space<hbm>>
        %dma_wait3A_84 = tpu.memref_slice %arg5[%add3A_70] : memref<327936xi32, #tpu.memory_space<hbm>> -> memref<128xi32, #tpu.memory_space<hbm>>
        tpu.wait_dma2 semaphore(%arg23 : memref<!tpu.dma_semaphore, #tpu.memory_space<semaphore_mem>>) src(%dma_wait3A_84 : memref<128xi32, #tpu.memory_space<hbm>>) dst(%arg14 : memref<128xi32, #tpu.memory_space<vmem>>)
        %mul3A_85 = arith.constant 4 : i32
        %mul3A_86 = arith.muli %mul3A_85, %scan3A_55 : i32
        %add3A_87 = arith.constant 1 : i32
        %add3A_88 = arith.addi %mul3A_86, %add3A_87 : i32
        %dma_wait3A_89 = arith.constant 0 : i32
        %dma_wait3A_90 = arith.constant 0 : i32
        %dma_wait3A_91 = tpu.memref_slice %arg19[%dma_wait3A_89, %dma_wait3A_90] : memref<10112x128xf32, #tpu.memory_space<vmem_shared>> -> memref<10112x128xf32, #tpu.memory_space<vmem_shared>>
        tpu.wait_indirect_dma semaphore(%arg24 : memref<!tpu.dma_semaphore, #tpu.memory_space<semaphore_mem>>) src(%arg17 : memref<128x128xf32, #tpu.memory_space<vmem>>) dst(%dma_wait3A_91 : memref<10112x128xf32, #tpu.memory_space<vmem_shared>>)
        %dma_start3A_92 = arith.constant 0 : i32
        %dma_start3A_93 = arith.constant 0 : i32
        %dma_start3A_94 = tpu.memref_slice %arg2[%dma_start3A_92, %dma_start3A_93] : memref<10000x128xf32, #tpu.memory_space<hbm>> -> memref<10000x128xf32, #tpu.memory_space<hbm>>
        tpu.enqueue_indirect_dma source(%dma_start3A_94 : memref<10000x128xf32, #tpu.memory_space<hbm>>) target(%arg17 : memref<128x128xf32, #tpu.memory_space<vmem>>) offsets(%arg13 : memref<128xi32, #tpu.memory_space<vmem>>) semaphore(%arg20 : memref<!tpu.dma_semaphore, #tpu.memory_space<semaphore_mem>>)
        %add3A_95 = arith.constant 2 : i32
        %add3A_96 = arith.addi %add3A_88, %add3A_95 : i32
        %mul3A_97 = arith.constant 128 : i32
        %mul3A_98 = arith.muli %add3A_96, %mul3A_97 : i32
        %add3A_99 = arith.addi %mul3A_29, %mul3A_98 : i32
        %dma_start3A_100 = tpu.memref_slice %arg4[%add3A_99] : memref<327936xi32, #tpu.memory_space<hbm>> -> memref<128xi32, #tpu.memory_space<hbm>>
        %dma_start3A_101 = tpu.memref_slice %arg4[%add3A_99] : memref<327936xi32, #tpu.memory_space<hbm>> -> memref<128xi32, #tpu.memory_space<hbm>>
        tpu.enqueue_dma source(%dma_start3A_101 : memref<128xi32, #tpu.memory_space<hbm>>) target(%arg15 : memref<128xi32, #tpu.memory_space<vmem>>) target_semaphore(%arg22 : memref<!tpu.dma_semaphore, #tpu.memory_space<semaphore_mem>>)
        %dma_start3A_102 = tpu.memref_slice %arg5[%add3A_99] : memref<327936xi32, #tpu.memory_space<hbm>> -> memref<128xi32, #tpu.memory_space<hbm>>
        %dma_start3A_103 = tpu.memref_slice %arg5[%add3A_99] : memref<327936xi32, #tpu.memory_space<hbm>> -> memref<128xi32, #tpu.memory_space<hbm>>
        tpu.enqueue_dma source(%dma_start3A_103 : memref<128xi32, #tpu.memory_space<hbm>>) target(%arg16 : memref<128xi32, #tpu.memory_space<vmem>>) target_semaphore(%arg23 : memref<!tpu.dma_semaphore, #tpu.memory_space<semaphore_mem>>)
        %dma_wait3A_104 = arith.constant 0 : i32
        %dma_wait3A_105 = arith.constant 0 : i32
        %dma_wait3A_106 = tpu.memref_slice %arg2[%dma_wait3A_104, %dma_wait3A_105] : memref<10000x128xf32, #tpu.memory_space<hbm>> -> memref<10000x128xf32, #tpu.memory_space<hbm>>
        tpu.wait_indirect_dma semaphore(%arg21 : memref<!tpu.dma_semaphore, #tpu.memory_space<semaphore_mem>>) src(%dma_wait3A_106 : memref<10000x128xf32, #tpu.memory_space<hbm>>) dst(%arg18 : memref<128x128xf32, #tpu.memory_space<vmem>>)
        %dma_start3A_107 = arith.constant 0 : i32
        %dma_start3A_108 = arith.constant 0 : i32
        %dma_start3A_109 = tpu.memref_slice %arg19[%dma_start3A_107, %dma_start3A_108] : memref<10112x128xf32, #tpu.memory_space<vmem_shared>> -> memref<10112x128xf32, #tpu.memory_space<vmem_shared>>
        tpu.enqueue_indirect_dma source(%arg18 : memref<128x128xf32, #tpu.memory_space<vmem>>) target(%dma_start3A_109 : memref<10112x128xf32, #tpu.memory_space<vmem_shared>>) offsets(%arg12 : memref<128xi32, #tpu.memory_space<vmem>>) semaphore(%arg25 : memref<!tpu.dma_semaphore, #tpu.memory_space<semaphore_mem>>) {add = true}
        %dma_wait3A_110 = tpu.memref_slice %arg4[%add3A_99] : memref<327936xi32, #tpu.memory_space<hbm>> -> memref<128xi32, #tpu.memory_space<hbm>>
        %dma_wait3A_111 = tpu.memref_slice %arg4[%add3A_99] : memref<327936xi32, #tpu.memory_space<hbm>> -> memref<128xi32, #tpu.memory_space<hbm>>
        tpu.wait_dma2 semaphore(%arg22 : memref<!tpu.dma_semaphore, #tpu.memory_space<semaphore_mem>>) src(%dma_wait3A_111 : memref<128xi32, #tpu.memory_space<hbm>>) dst(%arg15 : memref<128xi32, #tpu.memory_space<vmem>>)
        %dma_wait3A_112 = tpu.memref_slice %arg5[%add3A_99] : memref<327936xi32, #tpu.memory_space<hbm>> -> memref<128xi32, #tpu.memory_space<hbm>>
        %dma_wait3A_113 = tpu.memref_slice %arg5[%add3A_99] : memref<327936xi32, #tpu.memory_space<hbm>> -> memref<128xi32, #tpu.memory_space<hbm>>
        tpu.wait_dma2 semaphore(%arg23 : memref<!tpu.dma_semaphore, #tpu.memory_space<semaphore_mem>>) src(%dma_wait3A_113 : memref<128xi32, #tpu.memory_space<hbm>>) dst(%arg16 : memref<128xi32, #tpu.memory_space<vmem>>)
        %mul3A_114 = arith.constant 4 : i32
        %mul3A_115 = arith.muli %mul3A_114, %scan3A_55 : i32
        %add3A_116 = arith.constant 2 : i32
        %add3A_117 = arith.addi %mul3A_115, %add3A_116 : i32
        %dma_wait3A_118 = arith.constant 0 : i32
        %dma_wait3A_119 = arith.constant 0 : i32
        %dma_wait3A_120 = tpu.memref_slice %arg19[%dma_wait3A_118, %dma_wait3A_119] : memref<10112x128xf32, #tpu.memory_space<vmem_shared>> -> memref<10112x128xf32, #tpu.memory_space<vmem_shared>>
        tpu.wait_indirect_dma semaphore(%arg25 : memref<!tpu.dma_semaphore, #tpu.memory_space<semaphore_mem>>) src(%arg18 : memref<128x128xf32, #tpu.memory_space<vmem>>) dst(%dma_wait3A_120 : memref<10112x128xf32, #tpu.memory_space<vmem_shared>>)
        %dma_start3A_121 = arith.constant 0 : i32
        %dma_start3A_122 = arith.constant 0 : i32
        %dma_start3A_123 = tpu.memref_slice %arg2[%dma_start3A_121, %dma_start3A_122] : memref<10000x128xf32, #tpu.memory_space<hbm>> -> memref<10000x128xf32, #tpu.memory_space<hbm>>
        tpu.enqueue_indirect_dma source(%dma_start3A_123 : memref<10000x128xf32, #tpu.memory_space<hbm>>) target(%arg18 : memref<128x128xf32, #tpu.memory_space<vmem>>) offsets(%arg15 : memref<128xi32, #tpu.memory_space<vmem>>) semaphore(%arg21 : memref<!tpu.dma_semaphore, #tpu.memory_space<semaphore_mem>>)
        %add3A_124 = arith.constant 2 : i32
        %add3A_125 = arith.addi %add3A_117, %add3A_124 : i32
        %mul3A_126 = arith.constant 128 : i32
        %mul3A_127 = arith.muli %add3A_125, %mul3A_126 : i32
        %add3A_128 = arith.addi %mul3A_29, %mul3A_127 : i32
        %dma_start3A_129 = tpu.memref_slice %arg4[%add3A_128] : memref<327936xi32, #tpu.memory_space<hbm>> -> memref<128xi32, #tpu.memory_space<hbm>>
        %dma_start3A_130 = tpu.memref_slice %arg4[%add3A_128] : memref<327936xi32, #tpu.memory_space<hbm>> -> memref<128xi32, #tpu.memory_space<hbm>>
        tpu.enqueue_dma source(%dma_start3A_130 : memref<128xi32, #tpu.memory_space<hbm>>) target(%arg9 : memref<128xi32, #tpu.memory_space<vmem>>) target_semaphore(%arg22 : memref<!tpu.dma_semaphore, #tpu.memory_space<semaphore_mem>>)
        %dma_start3A_131 = tpu.memref_slice %arg5[%add3A_128] : memref<327936xi32, #tpu.memory_space<hbm>> -> memref<128xi32, #tpu.memory_space<hbm>>
        %dma_start3A_132 = tpu.memref_slice %arg5[%add3A_128] : memref<327936xi32, #tpu.memory_space<hbm>> -> memref<128xi32, #tpu.memory_space<hbm>>
        tpu.enqueue_dma source(%dma_start3A_132 : memref<128xi32, #tpu.memory_space<hbm>>) target(%arg10 : memref<128xi32, #tpu.memory_space<vmem>>) target_semaphore(%arg23 : memref<!tpu.dma_semaphore, #tpu.memory_space<semaphore_mem>>)
        %dma_wait3A_133 = arith.constant 0 : i32
        %dma_wait3A_134 = arith.constant 0 : i32
        %dma_wait3A_135 = tpu.memref_slice %arg2[%dma_wait3A_133, %dma_wait3A_134] : memref<10000x128xf32, #tpu.memory_space<hbm>> -> memref<10000x128xf32, #tpu.memory_space<hbm>>
        tpu.wait_indirect_dma semaphore(%arg20 : memref<!tpu.dma_semaphore, #tpu.memory_space<semaphore_mem>>) src(%dma_wait3A_135 : memref<10000x128xf32, #tpu.memory_space<hbm>>) dst(%arg17 : memref<128x128xf32, #tpu.memory_space<vmem>>)
        %dma_start3A_136 = arith.constant 0 : i32
        %dma_start3A_137 = arith.constant 0 : i32
        %dma_start3A_138 = tpu.memref_slice %arg19[%dma_start3A_136, %dma_start3A_137] : memref<10112x128xf32, #tpu.memory_space<vmem_shared>> -> memref<10112x128xf32, #tpu.memory_space<vmem_shared>>
        tpu.enqueue_indirect_dma source(%arg17 : memref<128x128xf32, #tpu.memory_space<vmem>>) target(%dma_start3A_138 : memref<10112x128xf32, #tpu.memory_space<vmem_shared>>) offsets(%arg14 : memref<128xi32, #tpu.memory_space<vmem>>) semaphore(%arg24 : memref<!tpu.dma_semaphore, #tpu.memory_space<semaphore_mem>>) {add = true}
        %dma_wait3A_139 = tpu.memref_slice %arg4[%add3A_128] : memref<327936xi32, #tpu.memory_space<hbm>> -> memref<128xi32, #tpu.memory_space<hbm>>
        %dma_wait3A_140 = tpu.memref_slice %arg4[%add3A_128] : memref<327936xi32, #tpu.memory_space<hbm>> -> memref<128xi32, #tpu.memory_space<hbm>>
        tpu.wait_dma2 semaphore(%arg22 : memref<!tpu.dma_semaphore, #tpu.memory_space<semaphore_mem>>) src(%dma_wait3A_140 : memref<128xi32, #tpu.memory_space<hbm>>) dst(%arg9 : memref<128xi32, #tpu.memory_space<vmem>>)
        %dma_wait3A_141 = tpu.memref_slice %arg5[%add3A_128] : memref<327936xi32, #tpu.memory_space<hbm>> -> memref<128xi32, #tpu.memory_space<hbm>>
        %dma_wait3A_142 = tpu.memref_slice %arg5[%add3A_128] : memref<327936xi32, #tpu.memory_space<hbm>> -> memref<128xi32, #tpu.memory_space<hbm>>
        tpu.wait_dma2 semaphore(%arg23 : memref<!tpu.dma_semaphore, #tpu.memory_space<semaphore_mem>>) src(%dma_wait3A_142 : memref<128xi32, #tpu.memory_space<hbm>>) dst(%arg10 : memref<128xi32, #tpu.memory_space<vmem>>)
        %mul3A_143 = arith.constant 4 : i32
        %mul3A_144 = arith.muli %mul3A_143, %scan3A_55 : i32
        %add3A_145 = arith.constant 3 : i32
        %add3A_146 = arith.addi %mul3A_144, %add3A_145 : i32
        %dma_wait3A_147 = arith.constant 0 : i32
        %dma_wait3A_148 = arith.constant 0 : i32
        %dma_wait3A_149 = tpu.memref_slice %arg19[%dma_wait3A_147, %dma_wait3A_148] : memref<10112x128xf32, #tpu.memory_space<vmem_shared>> -> memref<10112x128xf32, #tpu.memory_space<vmem_shared>>
        tpu.wait_indirect_dma semaphore(%arg24 : memref<!tpu.dma_semaphore, #tpu.memory_space<semaphore_mem>>) src(%arg17 : memref<128x128xf32, #tpu.memory_space<vmem>>) dst(%dma_wait3A_149 : memref<10112x128xf32, #tpu.memory_space<vmem_shared>>)
        %dma_start3A_150 = arith.constant 0 : i32
        %dma_start3A_151 = arith.constant 0 : i32
        %dma_start3A_152 = tpu.memref_slice %arg2[%dma_start3A_150, %dma_start3A_151] : memref<10000x128xf32, #tpu.memory_space<hbm>> -> memref<10000x128xf32, #tpu.memory_space<hbm>>
        tpu.enqueue_indirect_dma source(%dma_start3A_152 : memref<10000x128xf32, #tpu.memory_space<hbm>>) target(%arg17 : memref<128x128xf32, #tpu.memory_space<vmem>>) offsets(%arg9 : memref<128xi32, #tpu.memory_space<vmem>>) semaphore(%arg20 : memref<!tpu.dma_semaphore, #tpu.memory_space<semaphore_mem>>)
        %add3A_153 = arith.constant 2 : i32
        %add3A_154 = arith.addi %add3A_146, %add3A_153 : i32
        %mul3A_155 = arith.constant 128 : i32
        %mul3A_156 = arith.muli %add3A_154, %mul3A_155 : i32
        %add3A_157 = arith.addi %mul3A_29, %mul3A_156 : i32
        %dma_start3A_158 = tpu.memref_slice %arg4[%add3A_157] : memref<327936xi32, #tpu.memory_space<hbm>> -> memref<128xi32, #tpu.memory_space<hbm>>
        %dma_start3A_159 = tpu.memref_slice %arg4[%add3A_157] : memref<327936xi32, #tpu.memory_space<hbm>> -> memref<128xi32, #tpu.memory_space<hbm>>
        tpu.enqueue_dma source(%dma_start3A_159 : memref<128xi32, #tpu.memory_space<hbm>>) target(%arg11 : memref<128xi32, #tpu.memory_space<vmem>>) target_semaphore(%arg22 : memref<!tpu.dma_semaphore, #tpu.memory_space<semaphore_mem>>)
        %dma_start3A_160 = tpu.memref_slice %arg5[%add3A_157] : memref<327936xi32, #tpu.memory_space<hbm>> -> memref<128xi32, #tpu.memory_space<hbm>>
        %dma_start3A_161 = tpu.memref_slice %arg5[%add3A_157] : memref<327936xi32, #tpu.memory_space<hbm>> -> memref<128xi32, #tpu.memory_space<hbm>>
        tpu.enqueue_dma source(%dma_start3A_161 : memref<128xi32, #tpu.memory_space<hbm>>) target(%arg12 : memref<128xi32, #tpu.memory_space<vmem>>) target_semaphore(%arg23 : memref<!tpu.dma_semaphore, #tpu.memory_space<semaphore_mem>>)
        %dma_wait3A_162 = arith.constant 0 : i32
        %dma_wait3A_163 = arith.constant 0 : i32
        %dma_wait3A_164 = tpu.memref_slice %arg2[%dma_wait3A_162, %dma_wait3A_163] : memref<10000x128xf32, #tpu.memory_space<hbm>> -> memref<10000x128xf32, #tpu.memory_space<hbm>>
        tpu.wait_indirect_dma semaphore(%arg21 : memref<!tpu.dma_semaphore, #tpu.memory_space<semaphore_mem>>) src(%dma_wait3A_164 : memref<10000x128xf32, #tpu.memory_space<hbm>>) dst(%arg18 : memref<128x128xf32, #tpu.memory_space<vmem>>)
        %dma_start3A_165 = arith.constant 0 : i32
        %dma_start3A_166 = arith.constant 0 : i32
        %dma_start3A_167 = tpu.memref_slice %arg19[%dma_start3A_165, %dma_start3A_166] : memref<10112x128xf32, #tpu.memory_space<vmem_shared>> -> memref<10112x128xf32, #tpu.memory_space<vmem_shared>>
        tpu.enqueue_indirect_dma source(%arg18 : memref<128x128xf32, #tpu.memory_space<vmem>>) target(%dma_start3A_167 : memref<10112x128xf32, #tpu.memory_space<vmem_shared>>) offsets(%arg16 : memref<128xi32, #tpu.memory_space<vmem>>) semaphore(%arg25 : memref<!tpu.dma_semaphore, #tpu.memory_space<semaphore_mem>>) {add = true}
        %dma_wait3A_168 = tpu.memref_slice %arg4[%add3A_157] : memref<327936xi32, #tpu.memory_space<hbm>> -> memref<128xi32, #tpu.memory_space<hbm>>
        %dma_wait3A_169 = tpu.memref_slice %arg4[%add3A_157] : memref<327936xi32, #tpu.memory_space<hbm>> -> memref<128xi32, #tpu.memory_space<hbm>>
        tpu.wait_dma2 semaphore(%arg22 : memref<!tpu.dma_semaphore, #tpu.memory_space<semaphore_mem>>) src(%dma_wait3A_169 : memref<128xi32, #tpu.memory_space<hbm>>) dst(%arg11 : memref<128xi32, #tpu.memory_space<vmem>>)
        %dma_wait3A_170 = tpu.memref_slice %arg5[%add3A_157] : memref<327936xi32, #tpu.memory_space<hbm>> -> memref<128xi32, #tpu.memory_space<hbm>>
        %dma_wait3A_171 = tpu.memref_slice %arg5[%add3A_157] : memref<327936xi32, #tpu.memory_space<hbm>> -> memref<128xi32, #tpu.memory_space<hbm>>
        tpu.wait_dma2 semaphore(%arg23 : memref<!tpu.dma_semaphore, #tpu.memory_space<semaphore_mem>>) src(%dma_wait3A_171 : memref<128xi32, #tpu.memory_space<hbm>>) dst(%arg12 : memref<128xi32, #tpu.memory_space<vmem>>)
      }
      %scan3A_46 = arith.constant 40 : i32
      %dma_wait3A = arith.constant 0 : i32
      %dma_wait3A_47 = arith.constant 0 : i32
      %dma_wait3A_48 = tpu.memref_slice %arg2[%dma_wait3A, %dma_wait3A_47] : memref<10000x128xf32, #tpu.memory_space<hbm>> -> memref<10000x128xf32, #tpu.memory_space<hbm>>
      tpu.wait_indirect_dma semaphore(%arg20 : memref<!tpu.dma_semaphore, #tpu.memory_space<semaphore_mem>>) src(%dma_wait3A_48 : memref<10000x128xf32, #tpu.memory_space<hbm>>) dst(%arg17 : memref<128x128xf32, #tpu.memory_space<vmem>>)
      %dma_wait3A_49 = arith.constant 0 : i32
      %dma_wait3A_50 = arith.constant 0 : i32
      %dma_wait3A_51 = tpu.memref_slice %arg19[%dma_wait3A_49, %dma_wait3A_50] : memref<10112x128xf32, #tpu.memory_space<vmem_shared>> -> memref<10112x128xf32, #tpu.memory_space<vmem_shared>>
      tpu.wait_indirect_dma semaphore(%arg24 : memref<!tpu.dma_semaphore, #tpu.memory_space<semaphore_mem>>) src(%arg17 : memref<128x128xf32, #tpu.memory_space<vmem>>) dst(%dma_wait3A_51 : memref<10112x128xf32, #tpu.memory_space<vmem_shared>>)
      %dma_wait3A_52 = arith.constant 0 : i32
      %dma_wait3A_53 = arith.constant 0 : i32
      %dma_wait3A_54 = tpu.memref_slice %arg19[%dma_wait3A_52, %dma_wait3A_53] : memref<10112x128xf32, #tpu.memory_space<vmem_shared>> -> memref<10112x128xf32, #tpu.memory_space<vmem_shared>>
      tpu.wait_indirect_dma semaphore(%arg25 : memref<!tpu.dma_semaphore, #tpu.memory_space<semaphore_mem>>) src(%arg18 : memref<128x128xf32, #tpu.memory_space<vmem>>) dst(%dma_wait3A_54 : memref<10112x128xf32, #tpu.memory_space<vmem_shared>>)
    } else {
    }
    %eq3A_12 = arith.constant 1 : i32
    %eq3A_13 = arith.cmpi eq, %arg0, %eq3A_12 : i32
    %convert_element_type3A_14 = arith.extui %eq3A_13 : i1 to i32
    %cond3A_15 = arith.constant 0 : i32
    %cond3A_16 = arith.cmpi ne, %convert_element_type3A_14, %cond3A_15 : i32
    scf.if %cond3A_16 {
      %mul3A_28 = arith.constant 20480 : i32
      %mul3A_29 = arith.muli %arg1, %mul3A_28 : i32
      "tpu.region"() ({
        %run_scoped3A = tpu.sem_alloc : memref<!tpu.dma_semaphore, #tpu.memory_space<semaphore_mem>>
        %dma_start3A_55 = tpu.memref_slice %arg4[%mul3A_29] : memref<327936xi32, #tpu.memory_space<hbm>> -> memref<128xi32, #tpu.memory_space<hbm>>
        %dma_start3A_56 = tpu.memref_slice %arg4[%mul3A_29] : memref<327936xi32, #tpu.memory_space<hbm>> -> memref<128xi32, #tpu.memory_space<hbm>>
        tpu.enqueue_dma source(%dma_start3A_56 : memref<128xi32, #tpu.memory_space<hbm>>) target(%arg9 : memref<128xi32, #tpu.memory_space<vmem>>) target_semaphore(%run_scoped3A : memref<!tpu.dma_semaphore, #tpu.memory_space<semaphore_mem>>)
        %dma_wait3A_57 = tpu.memref_slice %arg4[%mul3A_29] : memref<327936xi32, #tpu.memory_space<hbm>> -> memref<128xi32, #tpu.memory_space<hbm>>
        %dma_wait3A_58 = tpu.memref_slice %arg4[%mul3A_29] : memref<327936xi32, #tpu.memory_space<hbm>> -> memref<128xi32, #tpu.memory_space<hbm>>
        tpu.wait_dma2 semaphore(%run_scoped3A : memref<!tpu.dma_semaphore, #tpu.memory_space<semaphore_mem>>) src(%dma_wait3A_58 : memref<128xi32, #tpu.memory_space<hbm>>) dst(%arg9 : memref<128xi32, #tpu.memory_space<vmem>>)
        tpu.yield
      }) : () -> ()
      "tpu.region"() ({
        %run_scoped3A = tpu.sem_alloc : memref<!tpu.dma_semaphore, #tpu.memory_space<semaphore_mem>>
        %dma_start3A_55 = tpu.memref_slice %arg5[%mul3A_29] : memref<327936xi32, #tpu.memory_space<hbm>> -> memref<128xi32, #tpu.memory_space<hbm>>
        %dma_start3A_56 = tpu.memref_slice %arg5[%mul3A_29] : memref<327936xi32, #tpu.memory_space<hbm>> -> memref<128xi32, #tpu.memory_space<hbm>>
        tpu.enqueue_dma source(%dma_start3A_56 : memref<128xi32, #tpu.memory_space<hbm>>) target(%arg10 : memref<128xi32, #tpu.memory_space<vmem>>) target_semaphore(%run_scoped3A : memref<!tpu.dma_semaphore, #tpu.memory_space<semaphore_mem>>)
        %dma_wait3A_57 = tpu.memref_slice %arg5[%mul3A_29] : memref<327936xi32, #tpu.memory_space<hbm>> -> memref<128xi32, #tpu.memory_space<hbm>>
        %dma_wait3A_58 = tpu.memref_slice %arg5[%mul3A_29] : memref<327936xi32, #tpu.memory_space<hbm>> -> memref<128xi32, #tpu.memory_space<hbm>>
        tpu.wait_dma2 semaphore(%run_scoped3A : memref<!tpu.dma_semaphore, #tpu.memory_space<semaphore_mem>>) src(%dma_wait3A_58 : memref<128xi32, #tpu.memory_space<hbm>>) dst(%arg10 : memref<128xi32, #tpu.memory_space<vmem>>)
        tpu.yield
      }) : () -> ()
      %add3A_30 = arith.constant 128 : i32
      %add3A_31 = arith.addi %mul3A_29, %add3A_30 : i32
      "tpu.region"() ({
        %run_scoped3A = tpu.sem_alloc : memref<!tpu.dma_semaphore, #tpu.memory_space<semaphore_mem>>
        %dma_start3A_55 = tpu.memref_slice %arg4[%add3A_31] : memref<327936xi32, #tpu.memory_space<hbm>> -> memref<128xi32, #tpu.memory_space<hbm>>
        %dma_start3A_56 = tpu.memref_slice %arg4[%add3A_31] : memref<327936xi32, #tpu.memory_space<hbm>> -> memref<128xi32, #tpu.memory_space<hbm>>
        tpu.enqueue_dma source(%dma_start3A_56 : memref<128xi32, #tpu.memory_space<hbm>>) target(%arg11 : memref<128xi32, #tpu.memory_space<vmem>>) target_semaphore(%run_scoped3A : memref<!tpu.dma_semaphore, #tpu.memory_space<semaphore_mem>>)
        %dma_wait3A_57 = tpu.memref_slice %arg4[%add3A_31] : memref<327936xi32, #tpu.memory_space<hbm>> -> memref<128xi32, #tpu.memory_space<hbm>>
        %dma_wait3A_58 = tpu.memref_slice %arg4[%add3A_31] : memref<327936xi32, #tpu.memory_space<hbm>> -> memref<128xi32, #tpu.memory_space<hbm>>
        tpu.wait_dma2 semaphore(%run_scoped3A : memref<!tpu.dma_semaphore, #tpu.memory_space<semaphore_mem>>) src(%dma_wait3A_58 : memref<128xi32, #tpu.memory_space<hbm>>) dst(%arg11 : memref<128xi32, #tpu.memory_space<vmem>>)
        tpu.yield
      }) : () -> ()
      %add3A_32 = arith.constant 128 : i32
      %add3A_33 = arith.addi %mul3A_29, %add3A_32 : i32
      "tpu.region"() ({
        %run_scoped3A = tpu.sem_alloc : memref<!tpu.dma_semaphore, #tpu.memory_space<semaphore_mem>>
        %dma_start3A_55 = tpu.memref_slice %arg5[%add3A_33] : memref<327936xi32, #tpu.memory_space<hbm>> -> memref<128xi32, #tpu.memory_space<hbm>>
        %dma_start3A_56 = tpu.memref_slice %arg5[%add3A_33] : memref<327936xi32, #tpu.memory_space<hbm>> -> memref<128xi32, #tpu.memory_space<hbm>>
        tpu.enqueue_dma source(%dma_start3A_56 : memref<128xi32, #tpu.memory_space<hbm>>) target(%arg12 : memref<128xi32, #tpu.memory_space<vmem>>) target_semaphore(%run_scoped3A : memref<!tpu.dma_semaphore, #tpu.memory_space<semaphore_mem>>)
        %dma_wait3A_57 = tpu.memref_slice %arg5[%add3A_33] : memref<327936xi32, #tpu.memory_space<hbm>> -> memref<128xi32, #tpu.memory_space<hbm>>
        %dma_wait3A_58 = tpu.memref_slice %arg5[%add3A_33] : memref<327936xi32, #tpu.memory_space<hbm>> -> memref<128xi32, #tpu.memory_space<hbm>>
        tpu.wait_dma2 semaphore(%run_scoped3A : memref<!tpu.dma_semaphore, #tpu.memory_space<semaphore_mem>>) src(%dma_wait3A_58 : memref<128xi32, #tpu.memory_space<hbm>>) dst(%arg12 : memref<128xi32, #tpu.memory_space<vmem>>)
        tpu.yield
      }) : () -> ()
      %dma_start3A = arith.constant 0 : i32
      %dma_start3A_34 = arith.constant 0 : i32
      %dma_start3A_35 = tpu.memref_slice %arg19[%dma_start3A, %dma_start3A_34] : memref<10112x128xf32, #tpu.memory_space<vmem_shared>> -> memref<10112x128xf32, #tpu.memory_space<vmem_shared>>
      tpu.enqueue_indirect_dma source(%arg17 : memref<128x128xf32, #tpu.memory_space<vmem>>) target(%dma_start3A_35 : memref<10112x128xf32, #tpu.memory_space<vmem_shared>>) offsets(%arg10 : memref<128xi32, #tpu.memory_space<vmem>>) semaphore(%arg24 : memref<!tpu.dma_semaphore, #tpu.memory_space<semaphore_mem>>) {add = true}
      %dma_start3A_36 = arith.constant 0 : i32
      %dma_start3A_37 = arith.constant 0 : i32
      %dma_start3A_38 = tpu.memref_slice %arg19[%dma_start3A_36, %dma_start3A_37] : memref<10112x128xf32, #tpu.memory_space<vmem_shared>> -> memref<10112x128xf32, #tpu.memory_space<vmem_shared>>
      tpu.enqueue_indirect_dma source(%arg18 : memref<128x128xf32, #tpu.memory_space<vmem>>) target(%dma_start3A_38 : memref<10112x128xf32, #tpu.memory_space<vmem_shared>>) offsets(%arg10 : memref<128xi32, #tpu.memory_space<vmem>>) semaphore(%arg25 : memref<!tpu.dma_semaphore, #tpu.memory_space<semaphore_mem>>) {add = true}
      %dma_start3A_39 = arith.constant 0 : i32
      %dma_start3A_40 = arith.constant 0 : i32
      %dma_start3A_41 = tpu.memref_slice %arg3[%dma_start3A_39, %dma_start3A_40] : memref<10000x128xf32, #tpu.memory_space<hbm>> -> memref<10000x128xf32, #tpu.memory_space<hbm>>
      tpu.enqueue_indirect_dma source(%dma_start3A_41 : memref<10000x128xf32, #tpu.memory_space<hbm>>) target(%arg17 : memref<128x128xf32, #tpu.memory_space<vmem>>) offsets(%arg9 : memref<128xi32, #tpu.memory_space<vmem>>) semaphore(%arg20 : memref<!tpu.dma_semaphore, #tpu.memory_space<semaphore_mem>>)
      %scan3A = arith.constant 0 : i32
      %scan3A_42 = arith.constant 0 : i32
      %scan3A_43 = arith.constant 40 : i32
      %scan3A_44 = arith.addi %scan3A_42, %scan3A_43 : i32
      %scan3A_45 = arith.constant 1 : i32
      scf.for %scan3A_55 = %scan3A_42 to %scan3A_44 step %scan3A_45  : i32 {
        %mul3A_56 = arith.constant 4 : i32
        %mul3A_57 = arith.muli %mul3A_56, %scan3A_55 : i32
        %add3A_58 = arith.constant 0 : i32
        %add3A_59 = arith.addi %mul3A_57, %add3A_58 : i32
        %dma_wait3A_60 = arith.constant 0 : i32
        %dma_wait3A_61 = arith.constant 0 : i32
        %dma_wait3A_62 = tpu.memref_slice %arg19[%dma_wait3A_60, %dma_wait3A_61] : memref<10112x128xf32, #tpu.memory_space<vmem_shared>> -> memref<10112x128xf32, #tpu.memory_space<vmem_shared>>
        tpu.wait_indirect_dma semaphore(%arg25 : memref<!tpu.dma_semaphore, #tpu.memory_space<semaphore_mem>>) src(%arg18 : memref<128x128xf32, #tpu.memory_space<vmem>>) dst(%dma_wait3A_62 : memref<10112x128xf32, #tpu.memory_space<vmem_shared>>)
        %dma_start3A_63 = arith.constant 0 : i32
        %dma_start3A_64 = arith.constant 0 : i32
        %dma_start3A_65 = tpu.memref_slice %arg3[%dma_start3A_63, %dma_start3A_64] : memref<10000x128xf32, #tpu.memory_space<hbm>> -> memref<10000x128xf32, #tpu.memory_space<hbm>>
        tpu.enqueue_indirect_dma source(%dma_start3A_65 : memref<10000x128xf32, #tpu.memory_space<hbm>>) target(%arg18 : memref<128x128xf32, #tpu.memory_space<vmem>>) offsets(%arg11 : memref<128xi32, #tpu.memory_space<vmem>>) semaphore(%arg21 : memref<!tpu.dma_semaphore, #tpu.memory_space<semaphore_mem>>)
        %add3A_66 = arith.constant 2 : i32
        %add3A_67 = arith.addi %add3A_59, %add3A_66 : i32
        %mul3A_68 = arith.constant 128 : i32
        %mul3A_69 = arith.muli %add3A_67, %mul3A_68 : i32
        %add3A_70 = arith.addi %mul3A_29, %mul3A_69 : i32
        %dma_start3A_71 = tpu.memref_slice %arg4[%add3A_70] : memref<327936xi32, #tpu.memory_space<hbm>> -> memref<128xi32, #tpu.memory_space<hbm>>
        %dma_start3A_72 = tpu.memref_slice %arg4[%add3A_70] : memref<327936xi32, #tpu.memory_space<hbm>> -> memref<128xi32, #tpu.memory_space<hbm>>
        tpu.enqueue_dma source(%dma_start3A_72 : memref<128xi32, #tpu.memory_space<hbm>>) target(%arg13 : memref<128xi32, #tpu.memory_space<vmem>>) target_semaphore(%arg22 : memref<!tpu.dma_semaphore, #tpu.memory_space<semaphore_mem>>)
        %dma_start3A_73 = tpu.memref_slice %arg5[%add3A_70] : memref<327936xi32, #tpu.memory_space<hbm>> -> memref<128xi32, #tpu.memory_space<hbm>>
        %dma_start3A_74 = tpu.memref_slice %arg5[%add3A_70] : memref<327936xi32, #tpu.memory_space<hbm>> -> memref<128xi32, #tpu.memory_space<hbm>>
        tpu.enqueue_dma source(%dma_start3A_74 : memref<128xi32, #tpu.memory_space<hbm>>) target(%arg14 : memref<128xi32, #tpu.memory_space<vmem>>) target_semaphore(%arg23 : memref<!tpu.dma_semaphore, #tpu.memory_space<semaphore_mem>>)
        %dma_wait3A_75 = arith.constant 0 : i32
        %dma_wait3A_76 = arith.constant 0 : i32
        %dma_wait3A_77 = tpu.memref_slice %arg3[%dma_wait3A_75, %dma_wait3A_76] : memref<10000x128xf32, #tpu.memory_space<hbm>> -> memref<10000x128xf32, #tpu.memory_space<hbm>>
        tpu.wait_indirect_dma semaphore(%arg20 : memref<!tpu.dma_semaphore, #tpu.memory_space<semaphore_mem>>) src(%dma_wait3A_77 : memref<10000x128xf32, #tpu.memory_space<hbm>>) dst(%arg17 : memref<128x128xf32, #tpu.memory_space<vmem>>)
        %dma_start3A_78 = arith.constant 0 : i32
        %dma_start3A_79 = arith.constant 0 : i32
        %dma_start3A_80 = tpu.memref_slice %arg19[%dma_start3A_78, %dma_start3A_79] : memref<10112x128xf32, #tpu.memory_space<vmem_shared>> -> memref<10112x128xf32, #tpu.memory_space<vmem_shared>>
        tpu.enqueue_indirect_dma source(%arg17 : memref<128x128xf32, #tpu.memory_space<vmem>>) target(%dma_start3A_80 : memref<10112x128xf32, #tpu.memory_space<vmem_shared>>) offsets(%arg10 : memref<128xi32, #tpu.memory_space<vmem>>) semaphore(%arg24 : memref<!tpu.dma_semaphore, #tpu.memory_space<semaphore_mem>>) {add = true}
        %dma_wait3A_81 = tpu.memref_slice %arg4[%add3A_70] : memref<327936xi32, #tpu.memory_space<hbm>> -> memref<128xi32, #tpu.memory_space<hbm>>
        %dma_wait3A_82 = tpu.memref_slice %arg4[%add3A_70] : memref<327936xi32, #tpu.memory_space<hbm>> -> memref<128xi32, #tpu.memory_space<hbm>>
        tpu.wait_dma2 semaphore(%arg22 : memref<!tpu.dma_semaphore, #tpu.memory_space<semaphore_mem>>) src(%dma_wait3A_82 : memref<128xi32, #tpu.memory_space<hbm>>) dst(%arg13 : memref<128xi32, #tpu.memory_space<vmem>>)
        %dma_wait3A_83 = tpu.memref_slice %arg5[%add3A_70] : memref<327936xi32, #tpu.memory_space<hbm>> -> memref<128xi32, #tpu.memory_space<hbm>>
        %dma_wait3A_84 = tpu.memref_slice %arg5[%add3A_70] : memref<327936xi32, #tpu.memory_space<hbm>> -> memref<128xi32, #tpu.memory_space<hbm>>
        tpu.wait_dma2 semaphore(%arg23 : memref<!tpu.dma_semaphore, #tpu.memory_space<semaphore_mem>>) src(%dma_wait3A_84 : memref<128xi32, #tpu.memory_space<hbm>>) dst(%arg14 : memref<128xi32, #tpu.memory_space<vmem>>)
        %mul3A_85 = arith.constant 4 : i32
        %mul3A_86 = arith.muli %mul3A_85, %scan3A_55 : i32
        %add3A_87 = arith.constant 1 : i32
        %add3A_88 = arith.addi %mul3A_86, %add3A_87 : i32
        %dma_wait3A_89 = arith.constant 0 : i32
        %dma_wait3A_90 = arith.constant 0 : i32
        %dma_wait3A_91 = tpu.memref_slice %arg19[%dma_wait3A_89, %dma_wait3A_90] : memref<10112x128xf32, #tpu.memory_space<vmem_shared>> -> memref<10112x128xf32, #tpu.memory_space<vmem_shared>>
        tpu.wait_indirect_dma semaphore(%arg24 : memref<!tpu.dma_semaphore, #tpu.memory_space<semaphore_mem>>) src(%arg17 : memref<128x128xf32, #tpu.memory_space<vmem>>) dst(%dma_wait3A_91 : memref<10112x128xf32, #tpu.memory_space<vmem_shared>>)
        %dma_start3A_92 = arith.constant 0 : i32
        %dma_start3A_93 = arith.constant 0 : i32
        %dma_start3A_94 = tpu.memref_slice %arg3[%dma_start3A_92, %dma_start3A_93] : memref<10000x128xf32, #tpu.memory_space<hbm>> -> memref<10000x128xf32, #tpu.memory_space<hbm>>
        tpu.enqueue_indirect_dma source(%dma_start3A_94 : memref<10000x128xf32, #tpu.memory_space<hbm>>) target(%arg17 : memref<128x128xf32, #tpu.memory_space<vmem>>) offsets(%arg13 : memref<128xi32, #tpu.memory_space<vmem>>) semaphore(%arg20 : memref<!tpu.dma_semaphore, #tpu.memory_space<semaphore_mem>>)
        %add3A_95 = arith.constant 2 : i32
        %add3A_96 = arith.addi %add3A_88, %add3A_95 : i32
        %mul3A_97 = arith.constant 128 : i32
        %mul3A_98 = arith.muli %add3A_96, %mul3A_97 : i32
        %add3A_99 = arith.addi %mul3A_29, %mul3A_98 : i32
        %dma_start3A_100 = tpu.memref_slice %arg4[%add3A_99] : memref<327936xi32, #tpu.memory_space<hbm>> -> memref<128xi32, #tpu.memory_space<hbm>>
        %dma_start3A_101 = tpu.memref_slice %arg4[%add3A_99] : memref<327936xi32, #tpu.memory_space<hbm>> -> memref<128xi32, #tpu.memory_space<hbm>>
        tpu.enqueue_dma source(%dma_start3A_101 : memref<128xi32, #tpu.memory_space<hbm>>) target(%arg15 : memref<128xi32, #tpu.memory_space<vmem>>) target_semaphore(%arg22 : memref<!tpu.dma_semaphore, #tpu.memory_space<semaphore_mem>>)
        %dma_start3A_102 = tpu.memref_slice %arg5[%add3A_99] : memref<327936xi32, #tpu.memory_space<hbm>> -> memref<128xi32, #tpu.memory_space<hbm>>
        %dma_start3A_103 = tpu.memref_slice %arg5[%add3A_99] : memref<327936xi32, #tpu.memory_space<hbm>> -> memref<128xi32, #tpu.memory_space<hbm>>
        tpu.enqueue_dma source(%dma_start3A_103 : memref<128xi32, #tpu.memory_space<hbm>>) target(%arg16 : memref<128xi32, #tpu.memory_space<vmem>>) target_semaphore(%arg23 : memref<!tpu.dma_semaphore, #tpu.memory_space<semaphore_mem>>)
        %dma_wait3A_104 = arith.constant 0 : i32
        %dma_wait3A_105 = arith.constant 0 : i32
        %dma_wait3A_106 = tpu.memref_slice %arg3[%dma_wait3A_104, %dma_wait3A_105] : memref<10000x128xf32, #tpu.memory_space<hbm>> -> memref<10000x128xf32, #tpu.memory_space<hbm>>
        tpu.wait_indirect_dma semaphore(%arg21 : memref<!tpu.dma_semaphore, #tpu.memory_space<semaphore_mem>>) src(%dma_wait3A_106 : memref<10000x128xf32, #tpu.memory_space<hbm>>) dst(%arg18 : memref<128x128xf32, #tpu.memory_space<vmem>>)
        %dma_start3A_107 = arith.constant 0 : i32
        %dma_start3A_108 = arith.constant 0 : i32
        %dma_start3A_109 = tpu.memref_slice %arg19[%dma_start3A_107, %dma_start3A_108] : memref<10112x128xf32, #tpu.memory_space<vmem_shared>> -> memref<10112x128xf32, #tpu.memory_space<vmem_shared>>
        tpu.enqueue_indirect_dma source(%arg18 : memref<128x128xf32, #tpu.memory_space<vmem>>) target(%dma_start3A_109 : memref<10112x128xf32, #tpu.memory_space<vmem_shared>>) offsets(%arg12 : memref<128xi32, #tpu.memory_space<vmem>>) semaphore(%arg25 : memref<!tpu.dma_semaphore, #tpu.memory_space<semaphore_mem>>) {add = true}
        %dma_wait3A_110 = tpu.memref_slice %arg4[%add3A_99] : memref<327936xi32, #tpu.memory_space<hbm>> -> memref<128xi32, #tpu.memory_space<hbm>>
        %dma_wait3A_111 = tpu.memref_slice %arg4[%add3A_99] : memref<327936xi32, #tpu.memory_space<hbm>> -> memref<128xi32, #tpu.memory_space<hbm>>
        tpu.wait_dma2 semaphore(%arg22 : memref<!tpu.dma_semaphore, #tpu.memory_space<semaphore_mem>>) src(%dma_wait3A_111 : memref<128xi32, #tpu.memory_space<hbm>>) dst(%arg15 : memref<128xi32, #tpu.memory_space<vmem>>)
        %dma_wait3A_112 = tpu.memref_slice %arg5[%add3A_99] : memref<327936xi32, #tpu.memory_space<hbm>> -> memref<128xi32, #tpu.memory_space<hbm>>
        %dma_wait3A_113 = tpu.memref_slice %arg5[%add3A_99] : memref<327936xi32, #tpu.memory_space<hbm>> -> memref<128xi32, #tpu.memory_space<hbm>>
        tpu.wait_dma2 semaphore(%arg23 : memref<!tpu.dma_semaphore, #tpu.memory_space<semaphore_mem>>) src(%dma_wait3A_113 : memref<128xi32, #tpu.memory_space<hbm>>) dst(%arg16 : memref<128xi32, #tpu.memory_space<vmem>>)
        %mul3A_114 = arith.constant 4 : i32
        %mul3A_115 = arith.muli %mul3A_114, %scan3A_55 : i32
        %add3A_116 = arith.constant 2 : i32
        %add3A_117 = arith.addi %mul3A_115, %add3A_116 : i32
        %dma_wait3A_118 = arith.constant 0 : i32
        %dma_wait3A_119 = arith.constant 0 : i32
        %dma_wait3A_120 = tpu.memref_slice %arg19[%dma_wait3A_118, %dma_wait3A_119] : memref<10112x128xf32, #tpu.memory_space<vmem_shared>> -> memref<10112x128xf32, #tpu.memory_space<vmem_shared>>
        tpu.wait_indirect_dma semaphore(%arg25 : memref<!tpu.dma_semaphore, #tpu.memory_space<semaphore_mem>>) src(%arg18 : memref<128x128xf32, #tpu.memory_space<vmem>>) dst(%dma_wait3A_120 : memref<10112x128xf32, #tpu.memory_space<vmem_shared>>)
        %dma_start3A_121 = arith.constant 0 : i32
        %dma_start3A_122 = arith.constant 0 : i32
        %dma_start3A_123 = tpu.memref_slice %arg3[%dma_start3A_121, %dma_start3A_122] : memref<10000x128xf32, #tpu.memory_space<hbm>> -> memref<10000x128xf32, #tpu.memory_space<hbm>>
        tpu.enqueue_indirect_dma source(%dma_start3A_123 : memref<10000x128xf32, #tpu.memory_space<hbm>>) target(%arg18 : memref<128x128xf32, #tpu.memory_space<vmem>>) offsets(%arg15 : memref<128xi32, #tpu.memory_space<vmem>>) semaphore(%arg21 : memref<!tpu.dma_semaphore, #tpu.memory_space<semaphore_mem>>)
        %add3A_124 = arith.constant 2 : i32
        %add3A_125 = arith.addi %add3A_117, %add3A_124 : i32
        %mul3A_126 = arith.constant 128 : i32
        %mul3A_127 = arith.muli %add3A_125, %mul3A_126 : i32
        %add3A_128 = arith.addi %mul3A_29, %mul3A_127 : i32
        %dma_start3A_129 = tpu.memref_slice %arg4[%add3A_128] : memref<327936xi32, #tpu.memory_space<hbm>> -> memref<128xi32, #tpu.memory_space<hbm>>
        %dma_start3A_130 = tpu.memref_slice %arg4[%add3A_128] : memref<327936xi32, #tpu.memory_space<hbm>> -> memref<128xi32, #tpu.memory_space<hbm>>
        tpu.enqueue_dma source(%dma_start3A_130 : memref<128xi32, #tpu.memory_space<hbm>>) target(%arg9 : memref<128xi32, #tpu.memory_space<vmem>>) target_semaphore(%arg22 : memref<!tpu.dma_semaphore, #tpu.memory_space<semaphore_mem>>)
        %dma_start3A_131 = tpu.memref_slice %arg5[%add3A_128] : memref<327936xi32, #tpu.memory_space<hbm>> -> memref<128xi32, #tpu.memory_space<hbm>>
        %dma_start3A_132 = tpu.memref_slice %arg5[%add3A_128] : memref<327936xi32, #tpu.memory_space<hbm>> -> memref<128xi32, #tpu.memory_space<hbm>>
        tpu.enqueue_dma source(%dma_start3A_132 : memref<128xi32, #tpu.memory_space<hbm>>) target(%arg10 : memref<128xi32, #tpu.memory_space<vmem>>) target_semaphore(%arg23 : memref<!tpu.dma_semaphore, #tpu.memory_space<semaphore_mem>>)
        %dma_wait3A_133 = arith.constant 0 : i32
        %dma_wait3A_134 = arith.constant 0 : i32
        %dma_wait3A_135 = tpu.memref_slice %arg3[%dma_wait3A_133, %dma_wait3A_134] : memref<10000x128xf32, #tpu.memory_space<hbm>> -> memref<10000x128xf32, #tpu.memory_space<hbm>>
        tpu.wait_indirect_dma semaphore(%arg20 : memref<!tpu.dma_semaphore, #tpu.memory_space<semaphore_mem>>) src(%dma_wait3A_135 : memref<10000x128xf32, #tpu.memory_space<hbm>>) dst(%arg17 : memref<128x128xf32, #tpu.memory_space<vmem>>)
        %dma_start3A_136 = arith.constant 0 : i32
        %dma_start3A_137 = arith.constant 0 : i32
        %dma_start3A_138 = tpu.memref_slice %arg19[%dma_start3A_136, %dma_start3A_137] : memref<10112x128xf32, #tpu.memory_space<vmem_shared>> -> memref<10112x128xf32, #tpu.memory_space<vmem_shared>>
        tpu.enqueue_indirect_dma source(%arg17 : memref<128x128xf32, #tpu.memory_space<vmem>>) target(%dma_start3A_138 : memref<10112x128xf32, #tpu.memory_space<vmem_shared>>) offsets(%arg14 : memref<128xi32, #tpu.memory_space<vmem>>) semaphore(%arg24 : memref<!tpu.dma_semaphore, #tpu.memory_space<semaphore_mem>>) {add = true}
        %dma_wait3A_139 = tpu.memref_slice %arg4[%add3A_128] : memref<327936xi32, #tpu.memory_space<hbm>> -> memref<128xi32, #tpu.memory_space<hbm>>
        %dma_wait3A_140 = tpu.memref_slice %arg4[%add3A_128] : memref<327936xi32, #tpu.memory_space<hbm>> -> memref<128xi32, #tpu.memory_space<hbm>>
        tpu.wait_dma2 semaphore(%arg22 : memref<!tpu.dma_semaphore, #tpu.memory_space<semaphore_mem>>) src(%dma_wait3A_140 : memref<128xi32, #tpu.memory_space<hbm>>) dst(%arg9 : memref<128xi32, #tpu.memory_space<vmem>>)
        %dma_wait3A_141 = tpu.memref_slice %arg5[%add3A_128] : memref<327936xi32, #tpu.memory_space<hbm>> -> memref<128xi32, #tpu.memory_space<hbm>>
        %dma_wait3A_142 = tpu.memref_slice %arg5[%add3A_128] : memref<327936xi32, #tpu.memory_space<hbm>> -> memref<128xi32, #tpu.memory_space<hbm>>
        tpu.wait_dma2 semaphore(%arg23 : memref<!tpu.dma_semaphore, #tpu.memory_space<semaphore_mem>>) src(%dma_wait3A_142 : memref<128xi32, #tpu.memory_space<hbm>>) dst(%arg10 : memref<128xi32, #tpu.memory_space<vmem>>)
        %mul3A_143 = arith.constant 4 : i32
        %mul3A_144 = arith.muli %mul3A_143, %scan3A_55 : i32
        %add3A_145 = arith.constant 3 : i32
        %add3A_146 = arith.addi %mul3A_144, %add3A_145 : i32
        %dma_wait3A_147 = arith.constant 0 : i32
        %dma_wait3A_148 = arith.constant 0 : i32
        %dma_wait3A_149 = tpu.memref_slice %arg19[%dma_wait3A_147, %dma_wait3A_148] : memref<10112x128xf32, #tpu.memory_space<vmem_shared>> -> memref<10112x128xf32, #tpu.memory_space<vmem_shared>>
        tpu.wait_indirect_dma semaphore(%arg24 : memref<!tpu.dma_semaphore, #tpu.memory_space<semaphore_mem>>) src(%arg17 : memref<128x128xf32, #tpu.memory_space<vmem>>) dst(%dma_wait3A_149 : memref<10112x128xf32, #tpu.memory_space<vmem_shared>>)
        %dma_start3A_150 = arith.constant 0 : i32
        %dma_start3A_151 = arith.constant 0 : i32
        %dma_start3A_152 = tpu.memref_slice %arg3[%dma_start3A_150, %dma_start3A_151] : memref<10000x128xf32, #tpu.memory_space<hbm>> -> memref<10000x128xf32, #tpu.memory_space<hbm>>
        tpu.enqueue_indirect_dma source(%dma_start3A_152 : memref<10000x128xf32, #tpu.memory_space<hbm>>) target(%arg17 : memref<128x128xf32, #tpu.memory_space<vmem>>) offsets(%arg9 : memref<128xi32, #tpu.memory_space<vmem>>) semaphore(%arg20 : memref<!tpu.dma_semaphore, #tpu.memory_space<semaphore_mem>>)
        %add3A_153 = arith.constant 2 : i32
        %add3A_154 = arith.addi %add3A_146, %add3A_153 : i32
        %mul3A_155 = arith.constant 128 : i32
        %mul3A_156 = arith.muli %add3A_154, %mul3A_155 : i32
        %add3A_157 = arith.addi %mul3A_29, %mul3A_156 : i32
        %dma_start3A_158 = tpu.memref_slice %arg4[%add3A_157] : memref<327936xi32, #tpu.memory_space<hbm>> -> memref<128xi32, #tpu.memory_space<hbm>>
        %dma_start3A_159 = tpu.memref_slice %arg4[%add3A_157] : memref<327936xi32, #tpu.memory_space<hbm>> -> memref<128xi32, #tpu.memory_space<hbm>>
        tpu.enqueue_dma source(%dma_start3A_159 : memref<128xi32, #tpu.memory_space<hbm>>) target(%arg11 : memref<128xi32, #tpu.memory_space<vmem>>) target_semaphore(%arg22 : memref<!tpu.dma_semaphore, #tpu.memory_space<semaphore_mem>>)
        %dma_start3A_160 = tpu.memref_slice %arg5[%add3A_157] : memref<327936xi32, #tpu.memory_space<hbm>> -> memref<128xi32, #tpu.memory_space<hbm>>
        %dma_start3A_161 = tpu.memref_slice %arg5[%add3A_157] : memref<327936xi32, #tpu.memory_space<hbm>> -> memref<128xi32, #tpu.memory_space<hbm>>
        tpu.enqueue_dma source(%dma_start3A_161 : memref<128xi32, #tpu.memory_space<hbm>>) target(%arg12 : memref<128xi32, #tpu.memory_space<vmem>>) target_semaphore(%arg23 : memref<!tpu.dma_semaphore, #tpu.memory_space<semaphore_mem>>)
        %dma_wait3A_162 = arith.constant 0 : i32
        %dma_wait3A_163 = arith.constant 0 : i32
        %dma_wait3A_164 = tpu.memref_slice %arg3[%dma_wait3A_162, %dma_wait3A_163] : memref<10000x128xf32, #tpu.memory_space<hbm>> -> memref<10000x128xf32, #tpu.memory_space<hbm>>
        tpu.wait_indirect_dma semaphore(%arg21 : memref<!tpu.dma_semaphore, #tpu.memory_space<semaphore_mem>>) src(%dma_wait3A_164 : memref<10000x128xf32, #tpu.memory_space<hbm>>) dst(%arg18 : memref<128x128xf32, #tpu.memory_space<vmem>>)
        %dma_start3A_165 = arith.constant 0 : i32
        %dma_start3A_166 = arith.constant 0 : i32
        %dma_start3A_167 = tpu.memref_slice %arg19[%dma_start3A_165, %dma_start3A_166] : memref<10112x128xf32, #tpu.memory_space<vmem_shared>> -> memref<10112x128xf32, #tpu.memory_space<vmem_shared>>
        tpu.enqueue_indirect_dma source(%arg18 : memref<128x128xf32, #tpu.memory_space<vmem>>) target(%dma_start3A_167 : memref<10112x128xf32, #tpu.memory_space<vmem_shared>>) offsets(%arg16 : memref<128xi32, #tpu.memory_space<vmem>>) semaphore(%arg25 : memref<!tpu.dma_semaphore, #tpu.memory_space<semaphore_mem>>) {add = true}
        %dma_wait3A_168 = tpu.memref_slice %arg4[%add3A_157] : memref<327936xi32, #tpu.memory_space<hbm>> -> memref<128xi32, #tpu.memory_space<hbm>>
        %dma_wait3A_169 = tpu.memref_slice %arg4[%add3A_157] : memref<327936xi32, #tpu.memory_space<hbm>> -> memref<128xi32, #tpu.memory_space<hbm>>
        tpu.wait_dma2 semaphore(%arg22 : memref<!tpu.dma_semaphore, #tpu.memory_space<semaphore_mem>>) src(%dma_wait3A_169 : memref<128xi32, #tpu.memory_space<hbm>>) dst(%arg11 : memref<128xi32, #tpu.memory_space<vmem>>)
        %dma_wait3A_170 = tpu.memref_slice %arg5[%add3A_157] : memref<327936xi32, #tpu.memory_space<hbm>> -> memref<128xi32, #tpu.memory_space<hbm>>
        %dma_wait3A_171 = tpu.memref_slice %arg5[%add3A_157] : memref<327936xi32, #tpu.memory_space<hbm>> -> memref<128xi32, #tpu.memory_space<hbm>>
        tpu.wait_dma2 semaphore(%arg23 : memref<!tpu.dma_semaphore, #tpu.memory_space<semaphore_mem>>) src(%dma_wait3A_171 : memref<128xi32, #tpu.memory_space<hbm>>) dst(%arg12 : memref<128xi32, #tpu.memory_space<vmem>>)
      }
      %scan3A_46 = arith.constant 40 : i32
      %dma_wait3A = arith.constant 0 : i32
      %dma_wait3A_47 = arith.constant 0 : i32
      %dma_wait3A_48 = tpu.memref_slice %arg3[%dma_wait3A, %dma_wait3A_47] : memref<10000x128xf32, #tpu.memory_space<hbm>> -> memref<10000x128xf32, #tpu.memory_space<hbm>>
      tpu.wait_indirect_dma semaphore(%arg20 : memref<!tpu.dma_semaphore, #tpu.memory_space<semaphore_mem>>) src(%dma_wait3A_48 : memref<10000x128xf32, #tpu.memory_space<hbm>>) dst(%arg17 : memref<128x128xf32, #tpu.memory_space<vmem>>)
      %dma_wait3A_49 = arith.constant 0 : i32
      %dma_wait3A_50 = arith.constant 0 : i32
      %dma_wait3A_51 = tpu.memref_slice %arg19[%dma_wait3A_49, %dma_wait3A_50] : memref<10112x128xf32, #tpu.memory_space<vmem_shared>> -> memref<10112x128xf32, #tpu.memory_space<vmem_shared>>
      tpu.wait_indirect_dma semaphore(%arg24 : memref<!tpu.dma_semaphore, #tpu.memory_space<semaphore_mem>>) src(%arg17 : memref<128x128xf32, #tpu.memory_space<vmem>>) dst(%dma_wait3A_51 : memref<10112x128xf32, #tpu.memory_space<vmem_shared>>)
      %dma_wait3A_52 = arith.constant 0 : i32
      %dma_wait3A_53 = arith.constant 0 : i32
      %dma_wait3A_54 = tpu.memref_slice %arg19[%dma_wait3A_52, %dma_wait3A_53] : memref<10112x128xf32, #tpu.memory_space<vmem_shared>> -> memref<10112x128xf32, #tpu.memory_space<vmem_shared>>
      tpu.wait_indirect_dma semaphore(%arg25 : memref<!tpu.dma_semaphore, #tpu.memory_space<semaphore_mem>>) src(%arg18 : memref<128x128xf32, #tpu.memory_space<vmem>>) dst(%dma_wait3A_54 : memref<10112x128xf32, #tpu.memory_space<vmem_shared>>)
    } else {
    }
    %barrier3A_17 = arith.constant 0 : index
    tpu.barrier barrier_id(%barrier3A_17)
    %eq3A_18 = arith.constant 0 : i32
    %eq3A_19 = arith.cmpi eq, %arg0, %eq3A_18 : i32
    %convert_element_type3A_20 = arith.extui %eq3A_19 : i1 to i32
    %cond3A_21 = arith.constant 0 : i32
    %cond3A_22 = arith.cmpi ne, %convert_element_type3A_20, %cond3A_21 : i32
    scf.if %cond3A_22 {
      "tpu.region"() ({
        %run_scoped3A = tpu.sem_alloc : memref<!tpu.dma_semaphore, #tpu.memory_space<semaphore_mem>>
        %dma_start3A = arith.constant 0 : i32
        %dma_start3A_28 = tpu.memref_slice %arg7[%mul3A_0, %dma_start3A] : memref<10112x128xf32, #tpu.memory_space<hbm>> -> memref<632x128xf32, #tpu.memory_space<hbm>>
        %dma_start3A_29 = arith.constant 0 : i32
        %dma_start3A_30 = tpu.memref_slice %arg19[%mul3A_0, %dma_start3A_29] : memref<10112x128xf32, #tpu.memory_space<vmem_shared>> -> memref<632x128xf32, #tpu.memory_space<vmem_shared>>
        tpu.enqueue_dma source(%dma_start3A_30 : memref<632x128xf32, #tpu.memory_space<vmem_shared>>) target(%dma_start3A_28 : memref<632x128xf32, #tpu.memory_space<hbm>>) target_semaphore(%run_scoped3A : memref<!tpu.dma_semaphore, #tpu.memory_space<semaphore_mem>>)
        %dma_wait3A = arith.constant 0 : i32
        %dma_wait3A_31 = tpu.memref_slice %arg7[%mul3A_0, %dma_wait3A] : memref<10112x128xf32, #tpu.memory_space<hbm>> -> memref<632x128xf32, #tpu.memory_space<hbm>>
        %dma_wait3A_32 = arith.constant 0 : i32
        %dma_wait3A_33 = tpu.memref_slice %arg19[%mul3A_0, %dma_wait3A_32] : memref<10112x128xf32, #tpu.memory_space<vmem_shared>> -> memref<632x128xf32, #tpu.memory_space<vmem_shared>>
        tpu.wait_dma2 semaphore(%run_scoped3A : memref<!tpu.dma_semaphore, #tpu.memory_space<semaphore_mem>>) src(%dma_wait3A_33 : memref<632x128xf32, #tpu.memory_space<vmem_shared>>) dst(%dma_wait3A_31 : memref<632x128xf32, #tpu.memory_space<hbm>>)
        tpu.yield
      }) : () -> ()
    } else {
    }
    %eq3A_23 = arith.constant 1 : i32
    %eq3A_24 = arith.cmpi eq, %arg0, %eq3A_23 : i32
    %convert_element_type3A_25 = arith.extui %eq3A_24 : i1 to i32
    %cond3A_26 = arith.constant 0 : i32
    %cond3A_27 = arith.cmpi ne, %convert_element_type3A_25, %cond3A_26 : i32
    scf.if %cond3A_27 {
      "tpu.region"() ({
        %run_scoped3A = tpu.sem_alloc : memref<!tpu.dma_semaphore, #tpu.memory_space<semaphore_mem>>
        %dma_start3A = arith.constant 0 : i32
        %dma_start3A_28 = tpu.memref_slice %arg8[%mul3A_0, %dma_start3A] : memref<10112x128xf32, #tpu.memory_space<hbm>> -> memref<632x128xf32, #tpu.memory_space<hbm>>
        %dma_start3A_29 = arith.constant 0 : i32
        %dma_start3A_30 = tpu.memref_slice %arg19[%mul3A_0, %dma_start3A_29] : memref<10112x128xf32, #tpu.memory_space<vmem_shared>> -> memref<632x128xf32, #tpu.memory_space<vmem_shared>>
        tpu.enqueue_dma source(%dma_start3A_30 : memref<632x128xf32, #tpu.memory_space<vmem_shared>>) target(%dma_start3A_28 : memref<632x128xf32, #tpu.memory_space<hbm>>) target_semaphore(%run_scoped3A : memref<!tpu.dma_semaphore, #tpu.memory_space<semaphore_mem>>)
        %dma_wait3A = arith.constant 0 : i32
        %dma_wait3A_31 = tpu.memref_slice %arg8[%mul3A_0, %dma_wait3A] : memref<10112x128xf32, #tpu.memory_space<hbm>> -> memref<632x128xf32, #tpu.memory_space<hbm>>
        %dma_wait3A_32 = arith.constant 0 : i32
        %dma_wait3A_33 = tpu.memref_slice %arg19[%mul3A_0, %dma_wait3A_32] : memref<10112x128xf32, #tpu.memory_space<vmem_shared>> -> memref<632x128xf32, #tpu.memory_space<vmem_shared>>
        tpu.wait_dma2 semaphore(%run_scoped3A : memref<!tpu.dma_semaphore, #tpu.memory_space<semaphore_mem>>) src(%dma_wait3A_33 : memref<632x128xf32, #tpu.memory_space<vmem_shared>>) dst(%dma_wait3A_31 : memref<632x128xf32, #tpu.memory_space<hbm>>)
        tpu.yield
      }) : () -> ()
    } else {
    }
    return
  }
}

#map = affine_map<(d0, d1) -> (0, 0)>
#map1 = affine_map<(d0, d1) -> (0)>
module attributes {stable_mosaic.version = 14 : i64} {
  func.func @_agg_body(%arg0: i32, %arg1: i32, %arg2: memref<10000x128xf32, #tpu.memory_space<hbm>>, %arg3: memref<10000x128xf32, #tpu.memory_space<hbm>>, %arg4: memref<327936xi32, #tpu.memory_space<hbm>>, %arg5: memref<327936xi32, #tpu.memory_space<hbm>>, %arg6: memref<128x128xf32, #tpu.memory_space<hbm>>, %arg7: memref<10112x128xf32, #tpu.memory_space<hbm>>, %arg8: memref<10112x128xf32, #tpu.memory_space<hbm>>, %arg9: memref<128xi32, #tpu.memory_space<vmem>>, %arg10: memref<128xi32, #tpu.memory_space<vmem>>, %arg11: memref<128xi32, #tpu.memory_space<vmem>>, %arg12: memref<128xi32, #tpu.memory_space<vmem>>, %arg13: memref<128xi32, #tpu.memory_space<vmem>>, %arg14: memref<128xi32, #tpu.memory_space<vmem>>, %arg15: memref<128xi32, #tpu.memory_space<vmem>>, %arg16: memref<128xi32, #tpu.memory_space<vmem>>, %arg17: memref<128x128xf32, #tpu.memory_space<vmem>>, %arg18: memref<128x128xf32, #tpu.memory_space<vmem>>, %arg19: memref<10112x128xf32, #tpu.memory_space<vmem_shared>>, %arg20: memref<!tpu.dma_semaphore, #tpu.memory_space<semaphore_mem>>, %arg21: memref<!tpu.dma_semaphore, #tpu.memory_space<semaphore_mem>>, %arg22: memref<!tpu.dma_semaphore, #tpu.memory_space<semaphore_mem>>, %arg23: memref<!tpu.dma_semaphore, #tpu.memory_space<semaphore_mem>>, %arg24: memref<!tpu.dma_semaphore, #tpu.memory_space<semaphore_mem>>, %arg25: memref<!tpu.dma_semaphore, #tpu.memory_space<semaphore_mem>>) attributes {dimension_semantics = [#tpu.dimension_semantics<core_parallel>, #tpu.dimension_semantics<subcore_parallel>], iteration_bounds = array<i64: 2, 16>, scalar_prefetch = 0 : i64, scratch_operands = 17 : i64, tpu.core_type = #tpu.core_type<sc_vector_subcore>, window_params = [{transform_indices = #map}, {transform_indices = #map}, {transform_indices = #map1}, {transform_indices = #map1}, {transform_indices = #map}, {transform_indices = #map}, {transform_indices = #map}]} {
    %mul3A = arith.constant 632 : i32
    %mul3A_0 = arith.muli %arg1, %mul3A : i32
    "tpu.region"() ({
      %run_scoped3A = tpu.sem_alloc : memref<!tpu.dma_semaphore, #tpu.memory_space<semaphore_mem>>
      tpu.enqueue_dma source(%arg6 : memref<128x128xf32, #tpu.memory_space<hbm>>) target(%arg17 : memref<128x128xf32, #tpu.memory_space<vmem>>) target_semaphore(%run_scoped3A : memref<!tpu.dma_semaphore, #tpu.memory_space<semaphore_mem>>)
      tpu.wait_dma2 semaphore(%run_scoped3A : memref<!tpu.dma_semaphore, #tpu.memory_space<semaphore_mem>>) src(%arg6 : memref<128x128xf32, #tpu.memory_space<hbm>>) dst(%arg17 : memref<128x128xf32, #tpu.memory_space<vmem>>)
      tpu.yield
    }) : () -> ()
    "tpu.region"() ({
      %run_scoped3A = tpu.sem_alloc : memref<!tpu.dma_semaphore, #tpu.memory_space<semaphore_mem>>
      tpu.enqueue_dma source(%arg6 : memref<128x128xf32, #tpu.memory_space<hbm>>) target(%arg18 : memref<128x128xf32, #tpu.memory_space<vmem>>) target_semaphore(%run_scoped3A : memref<!tpu.dma_semaphore, #tpu.memory_space<semaphore_mem>>)
      tpu.wait_dma2 semaphore(%run_scoped3A : memref<!tpu.dma_semaphore, #tpu.memory_space<semaphore_mem>>) src(%arg6 : memref<128x128xf32, #tpu.memory_space<hbm>>) dst(%arg18 : memref<128x128xf32, #tpu.memory_space<vmem>>)
      tpu.yield
    }) : () -> ()
    %add3A = arith.constant 0 : i32
    %add3A_1 = arith.addi %mul3A_0, %add3A : i32
    "tpu.region"() ({
      %run_scoped3A = tpu.sem_alloc : memref<!tpu.dma_semaphore, #tpu.memory_space<semaphore_mem>>
      %dma_start3A = arith.constant 0 : i32
      %dma_start3A_28 = tpu.memref_slice %arg19[%add3A_1, %dma_start3A] : memref<10112x128xf32, #tpu.memory_space<vmem_shared>> -> memref<128x128xf32, #tpu.memory_space<vmem_shared>>
      %dma_start3A_29 = arith.constant 0 : i32
      %dma_start3A_30 = tpu.memref_slice %arg19[%add3A_1, %dma_start3A_29] : memref<10112x128xf32, #tpu.memory_space<vmem_shared>> -> memref<128x128xf32, #tpu.memory_space<vmem_shared>>
      tpu.enqueue_dma source(%arg17 : memref<128x128xf32, #tpu.memory_space<vmem>>) target(%dma_start3A_30 : memref<128x128xf32, #tpu.memory_space<vmem_shared>>) target_semaphore(%run_scoped3A : memref<!tpu.dma_semaphore, #tpu.memory_space<semaphore_mem>>)
      %dma_wait3A = arith.constant 0 : i32
      %dma_wait3A_31 = tpu.memref_slice %arg19[%add3A_1, %dma_wait3A] : memref<10112x128xf32, #tpu.memory_space<vmem_shared>> -> memref<128x128xf32, #tpu.memory_space<vmem_shared>>
      %dma_wait3A_32 = arith.constant 0 : i32
      %dma_wait3A_33 = tpu.memref_slice %arg19[%add3A_1, %dma_wait3A_32] : memref<10112x128xf32, #tpu.memory_space<vmem_shared>> -> memref<128x128xf32, #tpu.memory_space<vmem_shared>>
      tpu.wait_dma2 semaphore(%run_scoped3A : memref<!tpu.dma_semaphore, #tpu.memory_space<semaphore_mem>>) src(%arg17 : memref<128x128xf32, #tpu.memory_space<vmem>>) dst(%dma_wait3A_33 : memref<128x128xf32, #tpu.memory_space<vmem_shared>>)
      tpu.yield
    }) : () -> ()
    %add3A_2 = arith.constant 128 : i32
    %add3A_3 = arith.addi %mul3A_0, %add3A_2 : i32
    "tpu.region"() ({
      %run_scoped3A = tpu.sem_alloc : memref<!tpu.dma_semaphore, #tpu.memory_space<semaphore_mem>>
      %dma_start3A = arith.constant 0 : i32
      %dma_start3A_28 = tpu.memref_slice %arg19[%add3A_3, %dma_start3A] : memref<10112x128xf32, #tpu.memory_space<vmem_shared>> -> memref<128x128xf32, #tpu.memory_space<vmem_shared>>
      %dma_start3A_29 = arith.constant 0 : i32
      %dma_start3A_30 = tpu.memref_slice %arg19[%add3A_3, %dma_start3A_29] : memref<10112x128xf32, #tpu.memory_space<vmem_shared>> -> memref<128x128xf32, #tpu.memory_space<vmem_shared>>
      tpu.enqueue_dma source(%arg17 : memref<128x128xf32, #tpu.memory_space<vmem>>) target(%dma_start3A_30 : memref<128x128xf32, #tpu.memory_space<vmem_shared>>) target_semaphore(%run_scoped3A : memref<!tpu.dma_semaphore, #tpu.memory_space<semaphore_mem>>)
      %dma_wait3A = arith.constant 0 : i32
      %dma_wait3A_31 = tpu.memref_slice %arg19[%add3A_3, %dma_wait3A] : memref<10112x128xf32, #tpu.memory_space<vmem_shared>> -> memref<128x128xf32, #tpu.memory_space<vmem_shared>>
      %dma_wait3A_32 = arith.constant 0 : i32
      %dma_wait3A_33 = tpu.memref_slice %arg19[%add3A_3, %dma_wait3A_32] : memref<10112x128xf32, #tpu.memory_space<vmem_shared>> -> memref<128x128xf32, #tpu.memory_space<vmem_shared>>
      tpu.wait_dma2 semaphore(%run_scoped3A : memref<!tpu.dma_semaphore, #tpu.memory_space<semaphore_mem>>) src(%arg17 : memref<128x128xf32, #tpu.memory_space<vmem>>) dst(%dma_wait3A_33 : memref<128x128xf32, #tpu.memory_space<vmem_shared>>)
      tpu.yield
    }) : () -> ()
    %add3A_4 = arith.constant 256 : i32
    %add3A_5 = arith.addi %mul3A_0, %add3A_4 : i32
    "tpu.region"() ({
      %run_scoped3A = tpu.sem_alloc : memref<!tpu.dma_semaphore, #tpu.memory_space<semaphore_mem>>
      %dma_start3A = arith.constant 0 : i32
      %dma_start3A_28 = tpu.memref_slice %arg19[%add3A_5, %dma_start3A] : memref<10112x128xf32, #tpu.memory_space<vmem_shared>> -> memref<128x128xf32, #tpu.memory_space<vmem_shared>>
      %dma_start3A_29 = arith.constant 0 : i32
      %dma_start3A_30 = tpu.memref_slice %arg19[%add3A_5, %dma_start3A_29] : memref<10112x128xf32, #tpu.memory_space<vmem_shared>> -> memref<128x128xf32, #tpu.memory_space<vmem_shared>>
      tpu.enqueue_dma source(%arg17 : memref<128x128xf32, #tpu.memory_space<vmem>>) target(%dma_start3A_30 : memref<128x128xf32, #tpu.memory_space<vmem_shared>>) target_semaphore(%run_scoped3A : memref<!tpu.dma_semaphore, #tpu.memory_space<semaphore_mem>>)
      %dma_wait3A = arith.constant 0 : i32
      %dma_wait3A_31 = tpu.memref_slice %arg19[%add3A_5, %dma_wait3A] : memref<10112x128xf32, #tpu.memory_space<vmem_shared>> -> memref<128x128xf32, #tpu.memory_space<vmem_shared>>
      %dma_wait3A_32 = arith.constant 0 : i32
      %dma_wait3A_33 = tpu.memref_slice %arg19[%add3A_5, %dma_wait3A_32] : memref<10112x128xf32, #tpu.memory_space<vmem_shared>> -> memref<128x128xf32, #tpu.memory_space<vmem_shared>>
      tpu.wait_dma2 semaphore(%run_scoped3A : memref<!tpu.dma_semaphore, #tpu.memory_space<semaphore_mem>>) src(%arg17 : memref<128x128xf32, #tpu.memory_space<vmem>>) dst(%dma_wait3A_33 : memref<128x128xf32, #tpu.memory_space<vmem_shared>>)
      tpu.yield
    }) : () -> ()
    %add3A_6 = arith.constant 384 : i32
    %add3A_7 = arith.addi %mul3A_0, %add3A_6 : i32
    "tpu.region"() ({
      %run_scoped3A = tpu.sem_alloc : memref<!tpu.dma_semaphore, #tpu.memory_space<semaphore_mem>>
      %dma_start3A = arith.constant 0 : i32
      %dma_start3A_28 = tpu.memref_slice %arg19[%add3A_7, %dma_start3A] : memref<10112x128xf32, #tpu.memory_space<vmem_shared>> -> memref<128x128xf32, #tpu.memory_space<vmem_shared>>
      %dma_start3A_29 = arith.constant 0 : i32
      %dma_start3A_30 = tpu.memref_slice %arg19[%add3A_7, %dma_start3A_29] : memref<10112x128xf32, #tpu.memory_space<vmem_shared>> -> memref<128x128xf32, #tpu.memory_space<vmem_shared>>
      tpu.enqueue_dma source(%arg17 : memref<128x128xf32, #tpu.memory_space<vmem>>) target(%dma_start3A_30 : memref<128x128xf32, #tpu.memory_space<vmem_shared>>) target_semaphore(%run_scoped3A : memref<!tpu.dma_semaphore, #tpu.memory_space<semaphore_mem>>)
      %dma_wait3A = arith.constant 0 : i32
      %dma_wait3A_31 = tpu.memref_slice %arg19[%add3A_7, %dma_wait3A] : memref<10112x128xf32, #tpu.memory_space<vmem_shared>> -> memref<128x128xf32, #tpu.memory_space<vmem_shared>>
      %dma_wait3A_32 = arith.constant 0 : i32
      %dma_wait3A_33 = tpu.memref_slice %arg19[%add3A_7, %dma_wait3A_32] : memref<10112x128xf32, #tpu.memory_space<vmem_shared>> -> memref<128x128xf32, #tpu.memory_space<vmem_shared>>
      tpu.wait_dma2 semaphore(%run_scoped3A : memref<!tpu.dma_semaphore, #tpu.memory_space<semaphore_mem>>) src(%arg17 : memref<128x128xf32, #tpu.memory_space<vmem>>) dst(%dma_wait3A_33 : memref<128x128xf32, #tpu.memory_space<vmem_shared>>)
      tpu.yield
    }) : () -> ()
    %add3A_8 = arith.constant 512 : i32
    %add3A_9 = arith.addi %mul3A_0, %add3A_8 : i32
    "tpu.region"() ({
      %run_scoped3A = tpu.sem_alloc : memref<!tpu.dma_semaphore, #tpu.memory_space<semaphore_mem>>
      %dma_start3A = arith.constant 0 : i32
      %dma_start3A_28 = arith.constant 0 : i32
      %dma_start3A_29 = tpu.memref_slice %arg17[%dma_start3A, %dma_start3A_28] : memref<128x128xf32, #tpu.memory_space<vmem>> -> memref<120x128xf32, #tpu.memory_space<vmem>>
      %dma_start3A_30 = arith.constant 0 : i32
      %dma_start3A_31 = tpu.memref_slice %arg19[%add3A_9, %dma_start3A_30] : memref<10112x128xf32, #tpu.memory_space<vmem_shared>> -> memref<120x128xf32, #tpu.memory_space<vmem_shared>>
      %dma_start3A_32 = arith.constant 0 : i32
      %dma_start3A_33 = tpu.memref_slice %arg19[%add3A_9, %dma_start3A_32] : memref<10112x128xf32, #tpu.memory_space<vmem_shared>> -> memref<120x128xf32, #tpu.memory_space<vmem_shared>>
      %dma_start3A_34 = arith.constant 0 : i32
      %dma_start3A_35 = arith.constant 0 : i32
      %dma_start3A_36 = tpu.memref_slice %arg17[%dma_start3A_34, %dma_start3A_35] : memref<128x128xf32, #tpu.memory_space<vmem>> -> memref<120x128xf32, #tpu.memory_space<vmem>>
      tpu.enqueue_dma source(%dma_start3A_36 : memref<120x128xf32, #tpu.memory_space<vmem>>) target(%dma_start3A_33 : memref<120x128xf32, #tpu.memory_space<vmem_shared>>) target_semaphore(%run_scoped3A : memref<!tpu.dma_semaphore, #tpu.memory_space<semaphore_mem>>)
      %dma_wait3A = arith.constant 0 : i32
      %dma_wait3A_37 = arith.constant 0 : i32
      %dma_wait3A_38 = tpu.memref_slice %arg17[%dma_wait3A, %dma_wait3A_37] : memref<128x128xf32, #tpu.memory_space<vmem>> -> memref<120x128xf32, #tpu.memory_space<vmem>>
      %dma_wait3A_39 = arith.constant 0 : i32
      %dma_wait3A_40 = tpu.memref_slice %arg19[%add3A_9, %dma_wait3A_39] : memref<10112x128xf32, #tpu.memory_space<vmem_shared>> -> memref<120x128xf32, #tpu.memory_space<vmem_shared>>
      %dma_wait3A_41 = arith.constant 0 : i32
      %dma_wait3A_42 = tpu.memref_slice %arg19[%add3A_9, %dma_wait3A_41] : memref<10112x128xf32, #tpu.memory_space<vmem_shared>> -> memref<120x128xf32, #tpu.memory_space<vmem_shared>>
      %dma_wait3A_43 = arith.constant 0 : i32
      %dma_wait3A_44 = arith.constant 0 : i32
      %dma_wait3A_45 = tpu.memref_slice %arg17[%dma_wait3A_43, %dma_wait3A_44] : memref<128x128xf32, #tpu.memory_space<vmem>> -> memref<120x128xf32, #tpu.memory_space<vmem>>
      tpu.wait_dma2 semaphore(%run_scoped3A : memref<!tpu.dma_semaphore, #tpu.memory_space<semaphore_mem>>) src(%dma_wait3A_45 : memref<120x128xf32, #tpu.memory_space<vmem>>) dst(%dma_wait3A_42 : memref<120x128xf32, #tpu.memory_space<vmem_shared>>)
      tpu.yield
    }) : () -> ()
    %barrier3A = arith.constant 0 : index
    tpu.barrier barrier_id(%barrier3A)
    %eq3A = arith.constant 0 : i32
    %eq3A_10 = arith.cmpi eq, %arg0, %eq3A : i32
    %convert_element_type3A = arith.extui %eq3A_10 : i1 to i32
    %cond3A = arith.constant 0 : i32
    %cond3A_11 = arith.cmpi ne, %convert_element_type3A, %cond3A : i32
    scf.if %cond3A_11 {
      %mul3A_28 = arith.constant 20480 : i32
      %mul3A_29 = arith.muli %arg1, %mul3A_28 : i32
      "tpu.region"() ({
        %run_scoped3A = tpu.sem_alloc : memref<!tpu.dma_semaphore, #tpu.memory_space<semaphore_mem>>
        %dma_start3A_55 = tpu.memref_slice %arg4[%mul3A_29] : memref<327936xi32, #tpu.memory_space<hbm>> -> memref<128xi32, #tpu.memory_space<hbm>>
        %dma_start3A_56 = tpu.memref_slice %arg4[%mul3A_29] : memref<327936xi32, #tpu.memory_space<hbm>> -> memref<128xi32, #tpu.memory_space<hbm>>
        tpu.enqueue_dma source(%dma_start3A_56 : memref<128xi32, #tpu.memory_space<hbm>>) target(%arg9 : memref<128xi32, #tpu.memory_space<vmem>>) target_semaphore(%run_scoped3A : memref<!tpu.dma_semaphore, #tpu.memory_space<semaphore_mem>>)
        %dma_wait3A_57 = tpu.memref_slice %arg4[%mul3A_29] : memref<327936xi32, #tpu.memory_space<hbm>> -> memref<128xi32, #tpu.memory_space<hbm>>
        %dma_wait3A_58 = tpu.memref_slice %arg4[%mul3A_29] : memref<327936xi32, #tpu.memory_space<hbm>> -> memref<128xi32, #tpu.memory_space<hbm>>
        tpu.wait_dma2 semaphore(%run_scoped3A : memref<!tpu.dma_semaphore, #tpu.memory_space<semaphore_mem>>) src(%dma_wait3A_58 : memref<128xi32, #tpu.memory_space<hbm>>) dst(%arg9 : memref<128xi32, #tpu.memory_space<vmem>>)
        tpu.yield
      }) : () -> ()
      "tpu.region"() ({
        %run_scoped3A = tpu.sem_alloc : memref<!tpu.dma_semaphore, #tpu.memory_space<semaphore_mem>>
        %dma_start3A_55 = tpu.memref_slice %arg5[%mul3A_29] : memref<327936xi32, #tpu.memory_space<hbm>> -> memref<128xi32, #tpu.memory_space<hbm>>
        %dma_start3A_56 = tpu.memref_slice %arg5[%mul3A_29] : memref<327936xi32, #tpu.memory_space<hbm>> -> memref<128xi32, #tpu.memory_space<hbm>>
        tpu.enqueue_dma source(%dma_start3A_56 : memref<128xi32, #tpu.memory_space<hbm>>) target(%arg10 : memref<128xi32, #tpu.memory_space<vmem>>) target_semaphore(%run_scoped3A : memref<!tpu.dma_semaphore, #tpu.memory_space<semaphore_mem>>)
        %dma_wait3A_57 = tpu.memref_slice %arg5[%mul3A_29] : memref<327936xi32, #tpu.memory_space<hbm>> -> memref<128xi32, #tpu.memory_space<hbm>>
        %dma_wait3A_58 = tpu.memref_slice %arg5[%mul3A_29] : memref<327936xi32, #tpu.memory_space<hbm>> -> memref<128xi32, #tpu.memory_space<hbm>>
        tpu.wait_dma2 semaphore(%run_scoped3A : memref<!tpu.dma_semaphore, #tpu.memory_space<semaphore_mem>>) src(%dma_wait3A_58 : memref<128xi32, #tpu.memory_space<hbm>>) dst(%arg10 : memref<128xi32, #tpu.memory_space<vmem>>)
        tpu.yield
      }) : () -> ()
      %add3A_30 = arith.constant 128 : i32
      %add3A_31 = arith.addi %mul3A_29, %add3A_30 : i32
      "tpu.region"() ({
        %run_scoped3A = tpu.sem_alloc : memref<!tpu.dma_semaphore, #tpu.memory_space<semaphore_mem>>
        %dma_start3A_55 = tpu.memref_slice %arg4[%add3A_31] : memref<327936xi32, #tpu.memory_space<hbm>> -> memref<128xi32, #tpu.memory_space<hbm>>
        %dma_start3A_56 = tpu.memref_slice %arg4[%add3A_31] : memref<327936xi32, #tpu.memory_space<hbm>> -> memref<128xi32, #tpu.memory_space<hbm>>
        tpu.enqueue_dma source(%dma_start3A_56 : memref<128xi32, #tpu.memory_space<hbm>>) target(%arg11 : memref<128xi32, #tpu.memory_space<vmem>>) target_semaphore(%run_scoped3A : memref<!tpu.dma_semaphore, #tpu.memory_space<semaphore_mem>>)
        %dma_wait3A_57 = tpu.memref_slice %arg4[%add3A_31] : memref<327936xi32, #tpu.memory_space<hbm>> -> memref<128xi32, #tpu.memory_space<hbm>>
        %dma_wait3A_58 = tpu.memref_slice %arg4[%add3A_31] : memref<327936xi32, #tpu.memory_space<hbm>> -> memref<128xi32, #tpu.memory_space<hbm>>
        tpu.wait_dma2 semaphore(%run_scoped3A : memref<!tpu.dma_semaphore, #tpu.memory_space<semaphore_mem>>) src(%dma_wait3A_58 : memref<128xi32, #tpu.memory_space<hbm>>) dst(%arg11 : memref<128xi32, #tpu.memory_space<vmem>>)
        tpu.yield
      }) : () -> ()
      %add3A_32 = arith.constant 128 : i32
      %add3A_33 = arith.addi %mul3A_29, %add3A_32 : i32
      "tpu.region"() ({
        %run_scoped3A = tpu.sem_alloc : memref<!tpu.dma_semaphore, #tpu.memory_space<semaphore_mem>>
        %dma_start3A_55 = tpu.memref_slice %arg5[%add3A_33] : memref<327936xi32, #tpu.memory_space<hbm>> -> memref<128xi32, #tpu.memory_space<hbm>>
        %dma_start3A_56 = tpu.memref_slice %arg5[%add3A_33] : memref<327936xi32, #tpu.memory_space<hbm>> -> memref<128xi32, #tpu.memory_space<hbm>>
        tpu.enqueue_dma source(%dma_start3A_56 : memref<128xi32, #tpu.memory_space<hbm>>) target(%arg12 : memref<128xi32, #tpu.memory_space<vmem>>) target_semaphore(%run_scoped3A : memref<!tpu.dma_semaphore, #tpu.memory_space<semaphore_mem>>)
        %dma_wait3A_57 = tpu.memref_slice %arg5[%add3A_33] : memref<327936xi32, #tpu.memory_space<hbm>> -> memref<128xi32, #tpu.memory_space<hbm>>
        %dma_wait3A_58 = tpu.memref_slice %arg5[%add3A_33] : memref<327936xi32, #tpu.memory_space<hbm>> -> memref<128xi32, #tpu.memory_space<hbm>>
        tpu.wait_dma2 semaphore(%run_scoped3A : memref<!tpu.dma_semaphore, #tpu.memory_space<semaphore_mem>>) src(%dma_wait3A_58 : memref<128xi32, #tpu.memory_space<hbm>>) dst(%arg12 : memref<128xi32, #tpu.memory_space<vmem>>)
        tpu.yield
      }) : () -> ()
      %dma_start3A = arith.constant 0 : i32
      %dma_start3A_34 = arith.constant 0 : i32
      %dma_start3A_35 = tpu.memref_slice %arg19[%dma_start3A, %dma_start3A_34] : memref<10112x128xf32, #tpu.memory_space<vmem_shared>> -> memref<10112x128xf32, #tpu.memory_space<vmem_shared>>
      tpu.enqueue_indirect_dma source(%arg17 : memref<128x128xf32, #tpu.memory_space<vmem>>) target(%dma_start3A_35 : memref<10112x128xf32, #tpu.memory_space<vmem_shared>>) offsets(%arg10 : memref<128xi32, #tpu.memory_space<vmem>>) semaphore(%arg24 : memref<!tpu.dma_semaphore, #tpu.memory_space<semaphore_mem>>) {add = true}
      %dma_start3A_36 = arith.constant 0 : i32
      %dma_start3A_37 = arith.constant 0 : i32
      %dma_start3A_38 = tpu.memref_slice %arg19[%dma_start3A_36, %dma_start3A_37] : memref<10112x128xf32, #tpu.memory_space<vmem_shared>> -> memref<10112x128xf32, #tpu.memory_space<vmem_shared>>
      tpu.enqueue_indirect_dma source(%arg18 : memref<128x128xf32, #tpu.memory_space<vmem>>) target(%dma_start3A_38 : memref<10112x128xf32, #tpu.memory_space<vmem_shared>>) offsets(%arg10 : memref<128xi32, #tpu.memory_space<vmem>>) semaphore(%arg25 : memref<!tpu.dma_semaphore, #tpu.memory_space<semaphore_mem>>) {add = true}
      %dma_start3A_39 = arith.constant 0 : i32
      %dma_start3A_40 = arith.constant 0 : i32
      %dma_start3A_41 = tpu.memref_slice %arg2[%dma_start3A_39, %dma_start3A_40] : memref<10000x128xf32, #tpu.memory_space<hbm>> -> memref<10000x128xf32, #tpu.memory_space<hbm>>
      tpu.enqueue_indirect_dma source(%dma_start3A_41 : memref<10000x128xf32, #tpu.memory_space<hbm>>) target(%arg17 : memref<128x128xf32, #tpu.memory_space<vmem>>) offsets(%arg9 : memref<128xi32, #tpu.memory_space<vmem>>) semaphore(%arg20 : memref<!tpu.dma_semaphore, #tpu.memory_space<semaphore_mem>>)
      %scan3A = arith.constant 0 : i32
      %scan3A_42 = arith.constant 0 : i32
      %scan3A_43 = arith.constant 40 : i32
      %scan3A_44 = arith.addi %scan3A_42, %scan3A_43 : i32
      %scan3A_45 = arith.constant 1 : i32
      scf.for %scan3A_55 = %scan3A_42 to %scan3A_44 step %scan3A_45  : i32 {
        %mul3A_56 = arith.constant 4 : i32
        %mul3A_57 = arith.muli %mul3A_56, %scan3A_55 : i32
        %add3A_58 = arith.constant 0 : i32
        %add3A_59 = arith.addi %mul3A_57, %add3A_58 : i32
        %dma_wait3A_60 = arith.constant 0 : i32
        %dma_wait3A_61 = arith.constant 0 : i32
        %dma_wait3A_62 = tpu.memref_slice %arg19[%dma_wait3A_60, %dma_wait3A_61] : memref<10112x128xf32, #tpu.memory_space<vmem_shared>> -> memref<10112x128xf32, #tpu.memory_space<vmem_shared>>
        tpu.wait_indirect_dma semaphore(%arg25 : memref<!tpu.dma_semaphore, #tpu.memory_space<semaphore_mem>>) src(%arg18 : memref<128x128xf32, #tpu.memory_space<vmem>>) dst(%dma_wait3A_62 : memref<10112x128xf32, #tpu.memory_space<vmem_shared>>)
        %dma_start3A_63 = arith.constant 0 : i32
        %dma_start3A_64 = arith.constant 0 : i32
        %dma_start3A_65 = tpu.memref_slice %arg2[%dma_start3A_63, %dma_start3A_64] : memref<10000x128xf32, #tpu.memory_space<hbm>> -> memref<10000x128xf32, #tpu.memory_space<hbm>>
        tpu.enqueue_indirect_dma source(%dma_start3A_65 : memref<10000x128xf32, #tpu.memory_space<hbm>>) target(%arg18 : memref<128x128xf32, #tpu.memory_space<vmem>>) offsets(%arg11 : memref<128xi32, #tpu.memory_space<vmem>>) semaphore(%arg21 : memref<!tpu.dma_semaphore, #tpu.memory_space<semaphore_mem>>)
        %add3A_66 = arith.constant 2 : i32
        %add3A_67 = arith.addi %add3A_59, %add3A_66 : i32
        %mul3A_68 = arith.constant 128 : i32
        %mul3A_69 = arith.muli %add3A_67, %mul3A_68 : i32
        %add3A_70 = arith.addi %mul3A_29, %mul3A_69 : i32
        %dma_start3A_71 = tpu.memref_slice %arg4[%add3A_70] : memref<327936xi32, #tpu.memory_space<hbm>> -> memref<128xi32, #tpu.memory_space<hbm>>
        %dma_start3A_72 = tpu.memref_slice %arg4[%add3A_70] : memref<327936xi32, #tpu.memory_space<hbm>> -> memref<128xi32, #tpu.memory_space<hbm>>
        tpu.enqueue_dma source(%dma_start3A_72 : memref<128xi32, #tpu.memory_space<hbm>>) target(%arg13 : memref<128xi32, #tpu.memory_space<vmem>>) target_semaphore(%arg22 : memref<!tpu.dma_semaphore, #tpu.memory_space<semaphore_mem>>)
        %dma_start3A_73 = tpu.memref_slice %arg5[%add3A_70] : memref<327936xi32, #tpu.memory_space<hbm>> -> memref<128xi32, #tpu.memory_space<hbm>>
        %dma_start3A_74 = tpu.memref_slice %arg5[%add3A_70] : memref<327936xi32, #tpu.memory_space<hbm>> -> memref<128xi32, #tpu.memory_space<hbm>>
        tpu.enqueue_dma source(%dma_start3A_74 : memref<128xi32, #tpu.memory_space<hbm>>) target(%arg14 : memref<128xi32, #tpu.memory_space<vmem>>) target_semaphore(%arg23 : memref<!tpu.dma_semaphore, #tpu.memory_space<semaphore_mem>>)
        %dma_wait3A_75 = arith.constant 0 : i32
        %dma_wait3A_76 = arith.constant 0 : i32
        %dma_wait3A_77 = tpu.memref_slice %arg2[%dma_wait3A_75, %dma_wait3A_76] : memref<10000x128xf32, #tpu.memory_space<hbm>> -> memref<10000x128xf32, #tpu.memory_space<hbm>>
        tpu.wait_indirect_dma semaphore(%arg20 : memref<!tpu.dma_semaphore, #tpu.memory_space<semaphore_mem>>) src(%dma_wait3A_77 : memref<10000x128xf32, #tpu.memory_space<hbm>>) dst(%arg17 : memref<128x128xf32, #tpu.memory_space<vmem>>)
        %dma_start3A_78 = arith.constant 0 : i32
        %dma_start3A_79 = arith.constant 0 : i32
        %dma_start3A_80 = tpu.memref_slice %arg19[%dma_start3A_78, %dma_start3A_79] : memref<10112x128xf32, #tpu.memory_space<vmem_shared>> -> memref<10112x128xf32, #tpu.memory_space<vmem_shared>>
        tpu.enqueue_indirect_dma source(%arg17 : memref<128x128xf32, #tpu.memory_space<vmem>>) target(%dma_start3A_80 : memref<10112x128xf32, #tpu.memory_space<vmem_shared>>) offsets(%arg10 : memref<128xi32, #tpu.memory_space<vmem>>) semaphore(%arg24 : memref<!tpu.dma_semaphore, #tpu.memory_space<semaphore_mem>>) {add = true}
        %dma_wait3A_81 = tpu.memref_slice %arg4[%add3A_70] : memref<327936xi32, #tpu.memory_space<hbm>> -> memref<128xi32, #tpu.memory_space<hbm>>
        %dma_wait3A_82 = tpu.memref_slice %arg4[%add3A_70] : memref<327936xi32, #tpu.memory_space<hbm>> -> memref<128xi32, #tpu.memory_space<hbm>>
        tpu.wait_dma2 semaphore(%arg22 : memref<!tpu.dma_semaphore, #tpu.memory_space<semaphore_mem>>) src(%dma_wait3A_82 : memref<128xi32, #tpu.memory_space<hbm>>) dst(%arg13 : memref<128xi32, #tpu.memory_space<vmem>>)
        %dma_wait3A_83 = tpu.memref_slice %arg5[%add3A_70] : memref<327936xi32, #tpu.memory_space<hbm>> -> memref<128xi32, #tpu.memory_space<hbm>>
        %dma_wait3A_84 = tpu.memref_slice %arg5[%add3A_70] : memref<327936xi32, #tpu.memory_space<hbm>> -> memref<128xi32, #tpu.memory_space<hbm>>
        tpu.wait_dma2 semaphore(%arg23 : memref<!tpu.dma_semaphore, #tpu.memory_space<semaphore_mem>>) src(%dma_wait3A_84 : memref<128xi32, #tpu.memory_space<hbm>>) dst(%arg14 : memref<128xi32, #tpu.memory_space<vmem>>)
        %mul3A_85 = arith.constant 4 : i32
        %mul3A_86 = arith.muli %mul3A_85, %scan3A_55 : i32
        %add3A_87 = arith.constant 1 : i32
        %add3A_88 = arith.addi %mul3A_86, %add3A_87 : i32
        %dma_wait3A_89 = arith.constant 0 : i32
        %dma_wait3A_90 = arith.constant 0 : i32
        %dma_wait3A_91 = tpu.memref_slice %arg19[%dma_wait3A_89, %dma_wait3A_90] : memref<10112x128xf32, #tpu.memory_space<vmem_shared>> -> memref<10112x128xf32, #tpu.memory_space<vmem_shared>>
        tpu.wait_indirect_dma semaphore(%arg24 : memref<!tpu.dma_semaphore, #tpu.memory_space<semaphore_mem>>) src(%arg17 : memref<128x128xf32, #tpu.memory_space<vmem>>) dst(%dma_wait3A_91 : memref<10112x128xf32, #tpu.memory_space<vmem_shared>>)
        %dma_start3A_92 = arith.constant 0 : i32
        %dma_start3A_93 = arith.constant 0 : i32
        %dma_start3A_94 = tpu.memref_slice %arg2[%dma_start3A_92, %dma_start3A_93] : memref<10000x128xf32, #tpu.memory_space<hbm>> -> memref<10000x128xf32, #tpu.memory_space<hbm>>
        tpu.enqueue_indirect_dma source(%dma_start3A_94 : memref<10000x128xf32, #tpu.memory_space<hbm>>) target(%arg17 : memref<128x128xf32, #tpu.memory_space<vmem>>) offsets(%arg13 : memref<128xi32, #tpu.memory_space<vmem>>) semaphore(%arg20 : memref<!tpu.dma_semaphore, #tpu.memory_space<semaphore_mem>>)
        %add3A_95 = arith.constant 2 : i32
        %add3A_96 = arith.addi %add3A_88, %add3A_95 : i32
        %mul3A_97 = arith.constant 128 : i32
        %mul3A_98 = arith.muli %add3A_96, %mul3A_97 : i32
        %add3A_99 = arith.addi %mul3A_29, %mul3A_98 : i32
        %dma_start3A_100 = tpu.memref_slice %arg4[%add3A_99] : memref<327936xi32, #tpu.memory_space<hbm>> -> memref<128xi32, #tpu.memory_space<hbm>>
        %dma_start3A_101 = tpu.memref_slice %arg4[%add3A_99] : memref<327936xi32, #tpu.memory_space<hbm>> -> memref<128xi32, #tpu.memory_space<hbm>>
        tpu.enqueue_dma source(%dma_start3A_101 : memref<128xi32, #tpu.memory_space<hbm>>) target(%arg15 : memref<128xi32, #tpu.memory_space<vmem>>) target_semaphore(%arg22 : memref<!tpu.dma_semaphore, #tpu.memory_space<semaphore_mem>>)
        %dma_start3A_102 = tpu.memref_slice %arg5[%add3A_99] : memref<327936xi32, #tpu.memory_space<hbm>> -> memref<128xi32, #tpu.memory_space<hbm>>
        %dma_start3A_103 = tpu.memref_slice %arg5[%add3A_99] : memref<327936xi32, #tpu.memory_space<hbm>> -> memref<128xi32, #tpu.memory_space<hbm>>
        tpu.enqueue_dma source(%dma_start3A_103 : memref<128xi32, #tpu.memory_space<hbm>>) target(%arg16 : memref<128xi32, #tpu.memory_space<vmem>>) target_semaphore(%arg23 : memref<!tpu.dma_semaphore, #tpu.memory_space<semaphore_mem>>)
        %dma_wait3A_104 = arith.constant 0 : i32
        %dma_wait3A_105 = arith.constant 0 : i32
        %dma_wait3A_106 = tpu.memref_slice %arg2[%dma_wait3A_104, %dma_wait3A_105] : memref<10000x128xf32, #tpu.memory_space<hbm>> -> memref<10000x128xf32, #tpu.memory_space<hbm>>
        tpu.wait_indirect_dma semaphore(%arg21 : memref<!tpu.dma_semaphore, #tpu.memory_space<semaphore_mem>>) src(%dma_wait3A_106 : memref<10000x128xf32, #tpu.memory_space<hbm>>) dst(%arg18 : memref<128x128xf32, #tpu.memory_space<vmem>>)
        %dma_start3A_107 = arith.constant 0 : i32
        %dma_start3A_108 = arith.constant 0 : i32
        %dma_start3A_109 = tpu.memref_slice %arg19[%dma_start3A_107, %dma_start3A_108] : memref<10112x128xf32, #tpu.memory_space<vmem_shared>> -> memref<10112x128xf32, #tpu.memory_space<vmem_shared>>
        tpu.enqueue_indirect_dma source(%arg18 : memref<128x128xf32, #tpu.memory_space<vmem>>) target(%dma_start3A_109 : memref<10112x128xf32, #tpu.memory_space<vmem_shared>>) offsets(%arg12 : memref<128xi32, #tpu.memory_space<vmem>>) semaphore(%arg25 : memref<!tpu.dma_semaphore, #tpu.memory_space<semaphore_mem>>) {add = true}
        %dma_wait3A_110 = tpu.memref_slice %arg4[%add3A_99] : memref<327936xi32, #tpu.memory_space<hbm>> -> memref<128xi32, #tpu.memory_space<hbm>>
        %dma_wait3A_111 = tpu.memref_slice %arg4[%add3A_99] : memref<327936xi32, #tpu.memory_space<hbm>> -> memref<128xi32, #tpu.memory_space<hbm>>
        tpu.wait_dma2 semaphore(%arg22 : memref<!tpu.dma_semaphore, #tpu.memory_space<semaphore_mem>>) src(%dma_wait3A_111 : memref<128xi32, #tpu.memory_space<hbm>>) dst(%arg15 : memref<128xi32, #tpu.memory_space<vmem>>)
        %dma_wait3A_112 = tpu.memref_slice %arg5[%add3A_99] : memref<327936xi32, #tpu.memory_space<hbm>> -> memref<128xi32, #tpu.memory_space<hbm>>
        %dma_wait3A_113 = tpu.memref_slice %arg5[%add3A_99] : memref<327936xi32, #tpu.memory_space<hbm>> -> memref<128xi32, #tpu.memory_space<hbm>>
        tpu.wait_dma2 semaphore(%arg23 : memref<!tpu.dma_semaphore, #tpu.memory_space<semaphore_mem>>) src(%dma_wait3A_113 : memref<128xi32, #tpu.memory_space<hbm>>) dst(%arg16 : memref<128xi32, #tpu.memory_space<vmem>>)
        %mul3A_114 = arith.constant 4 : i32
        %mul3A_115 = arith.muli %mul3A_114, %scan3A_55 : i32
        %add3A_116 = arith.constant 2 : i32
        %add3A_117 = arith.addi %mul3A_115, %add3A_116 : i32
        %dma_wait3A_118 = arith.constant 0 : i32
        %dma_wait3A_119 = arith.constant 0 : i32
        %dma_wait3A_120 = tpu.memref_slice %arg19[%dma_wait3A_118, %dma_wait3A_119] : memref<10112x128xf32, #tpu.memory_space<vmem_shared>> -> memref<10112x128xf32, #tpu.memory_space<vmem_shared>>
        tpu.wait_indirect_dma semaphore(%arg25 : memref<!tpu.dma_semaphore, #tpu.memory_space<semaphore_mem>>) src(%arg18 : memref<128x128xf32, #tpu.memory_space<vmem>>) dst(%dma_wait3A_120 : memref<10112x128xf32, #tpu.memory_space<vmem_shared>>)
        %dma_start3A_121 = arith.constant 0 : i32
        %dma_start3A_122 = arith.constant 0 : i32
        %dma_start3A_123 = tpu.memref_slice %arg2[%dma_start3A_121, %dma_start3A_122] : memref<10000x128xf32, #tpu.memory_space<hbm>> -> memref<10000x128xf32, #tpu.memory_space<hbm>>
        tpu.enqueue_indirect_dma source(%dma_start3A_123 : memref<10000x128xf32, #tpu.memory_space<hbm>>) target(%arg18 : memref<128x128xf32, #tpu.memory_space<vmem>>) offsets(%arg15 : memref<128xi32, #tpu.memory_space<vmem>>) semaphore(%arg21 : memref<!tpu.dma_semaphore, #tpu.memory_space<semaphore_mem>>)
        %add3A_124 = arith.constant 2 : i32
        %add3A_125 = arith.addi %add3A_117, %add3A_124 : i32
        %mul3A_126 = arith.constant 128 : i32
        %mul3A_127 = arith.muli %add3A_125, %mul3A_126 : i32
        %add3A_128 = arith.addi %mul3A_29, %mul3A_127 : i32
        %dma_start3A_129 = tpu.memref_slice %arg4[%add3A_128] : memref<327936xi32, #tpu.memory_space<hbm>> -> memref<128xi32, #tpu.memory_space<hbm>>
        %dma_start3A_130 = tpu.memref_slice %arg4[%add3A_128] : memref<327936xi32, #tpu.memory_space<hbm>> -> memref<128xi32, #tpu.memory_space<hbm>>
        tpu.enqueue_dma source(%dma_start3A_130 : memref<128xi32, #tpu.memory_space<hbm>>) target(%arg9 : memref<128xi32, #tpu.memory_space<vmem>>) target_semaphore(%arg22 : memref<!tpu.dma_semaphore, #tpu.memory_space<semaphore_mem>>)
        %dma_start3A_131 = tpu.memref_slice %arg5[%add3A_128] : memref<327936xi32, #tpu.memory_space<hbm>> -> memref<128xi32, #tpu.memory_space<hbm>>
        %dma_start3A_132 = tpu.memref_slice %arg5[%add3A_128] : memref<327936xi32, #tpu.memory_space<hbm>> -> memref<128xi32, #tpu.memory_space<hbm>>
        tpu.enqueue_dma source(%dma_start3A_132 : memref<128xi32, #tpu.memory_space<hbm>>) target(%arg10 : memref<128xi32, #tpu.memory_space<vmem>>) target_semaphore(%arg23 : memref<!tpu.dma_semaphore, #tpu.memory_space<semaphore_mem>>)
        %dma_wait3A_133 = arith.constant 0 : i32
        %dma_wait3A_134 = arith.constant 0 : i32
        %dma_wait3A_135 = tpu.memref_slice %arg2[%dma_wait3A_133, %dma_wait3A_134] : memref<10000x128xf32, #tpu.memory_space<hbm>> -> memref<10000x128xf32, #tpu.memory_space<hbm>>
        tpu.wait_indirect_dma semaphore(%arg20 : memref<!tpu.dma_semaphore, #tpu.memory_space<semaphore_mem>>) src(%dma_wait3A_135 : memref<10000x128xf32, #tpu.memory_space<hbm>>) dst(%arg17 : memref<128x128xf32, #tpu.memory_space<vmem>>)
        %dma_start3A_136 = arith.constant 0 : i32
        %dma_start3A_137 = arith.constant 0 : i32
        %dma_start3A_138 = tpu.memref_slice %arg19[%dma_start3A_136, %dma_start3A_137] : memref<10112x128xf32, #tpu.memory_space<vmem_shared>> -> memref<10112x128xf32, #tpu.memory_space<vmem_shared>>
        tpu.enqueue_indirect_dma source(%arg17 : memref<128x128xf32, #tpu.memory_space<vmem>>) target(%dma_start3A_138 : memref<10112x128xf32, #tpu.memory_space<vmem_shared>>) offsets(%arg14 : memref<128xi32, #tpu.memory_space<vmem>>) semaphore(%arg24 : memref<!tpu.dma_semaphore, #tpu.memory_space<semaphore_mem>>) {add = true}
        %dma_wait3A_139 = tpu.memref_slice %arg4[%add3A_128] : memref<327936xi32, #tpu.memory_space<hbm>> -> memref<128xi32, #tpu.memory_space<hbm>>
        %dma_wait3A_140 = tpu.memref_slice %arg4[%add3A_128] : memref<327936xi32, #tpu.memory_space<hbm>> -> memref<128xi32, #tpu.memory_space<hbm>>
        tpu.wait_dma2 semaphore(%arg22 : memref<!tpu.dma_semaphore, #tpu.memory_space<semaphore_mem>>) src(%dma_wait3A_140 : memref<128xi32, #tpu.memory_space<hbm>>) dst(%arg9 : memref<128xi32, #tpu.memory_space<vmem>>)
        %dma_wait3A_141 = tpu.memref_slice %arg5[%add3A_128] : memref<327936xi32, #tpu.memory_space<hbm>> -> memref<128xi32, #tpu.memory_space<hbm>>
        %dma_wait3A_142 = tpu.memref_slice %arg5[%add3A_128] : memref<327936xi32, #tpu.memory_space<hbm>> -> memref<128xi32, #tpu.memory_space<hbm>>
        tpu.wait_dma2 semaphore(%arg23 : memref<!tpu.dma_semaphore, #tpu.memory_space<semaphore_mem>>) src(%dma_wait3A_142 : memref<128xi32, #tpu.memory_space<hbm>>) dst(%arg10 : memref<128xi32, #tpu.memory_space<vmem>>)
        %mul3A_143 = arith.constant 4 : i32
        %mul3A_144 = arith.muli %mul3A_143, %scan3A_55 : i32
        %add3A_145 = arith.constant 3 : i32
        %add3A_146 = arith.addi %mul3A_144, %add3A_145 : i32
        %dma_wait3A_147 = arith.constant 0 : i32
        %dma_wait3A_148 = arith.constant 0 : i32
        %dma_wait3A_149 = tpu.memref_slice %arg19[%dma_wait3A_147, %dma_wait3A_148] : memref<10112x128xf32, #tpu.memory_space<vmem_shared>> -> memref<10112x128xf32, #tpu.memory_space<vmem_shared>>
        tpu.wait_indirect_dma semaphore(%arg24 : memref<!tpu.dma_semaphore, #tpu.memory_space<semaphore_mem>>) src(%arg17 : memref<128x128xf32, #tpu.memory_space<vmem>>) dst(%dma_wait3A_149 : memref<10112x128xf32, #tpu.memory_space<vmem_shared>>)
        %dma_start3A_150 = arith.constant 0 : i32
        %dma_start3A_151 = arith.constant 0 : i32
        %dma_start3A_152 = tpu.memref_slice %arg2[%dma_start3A_150, %dma_start3A_151] : memref<10000x128xf32, #tpu.memory_space<hbm>> -> memref<10000x128xf32, #tpu.memory_space<hbm>>
        tpu.enqueue_indirect_dma source(%dma_start3A_152 : memref<10000x128xf32, #tpu.memory_space<hbm>>) target(%arg17 : memref<128x128xf32, #tpu.memory_space<vmem>>) offsets(%arg9 : memref<128xi32, #tpu.memory_space<vmem>>) semaphore(%arg20 : memref<!tpu.dma_semaphore, #tpu.memory_space<semaphore_mem>>)
        %add3A_153 = arith.constant 2 : i32
        %add3A_154 = arith.addi %add3A_146, %add3A_153 : i32
        %mul3A_155 = arith.constant 128 : i32
        %mul3A_156 = arith.muli %add3A_154, %mul3A_155 : i32
        %add3A_157 = arith.addi %mul3A_29, %mul3A_156 : i32
        %dma_start3A_158 = tpu.memref_slice %arg4[%add3A_157] : memref<327936xi32, #tpu.memory_space<hbm>> -> memref<128xi32, #tpu.memory_space<hbm>>
        %dma_start3A_159 = tpu.memref_slice %arg4[%add3A_157] : memref<327936xi32, #tpu.memory_space<hbm>> -> memref<128xi32, #tpu.memory_space<hbm>>
        tpu.enqueue_dma source(%dma_start3A_159 : memref<128xi32, #tpu.memory_space<hbm>>) target(%arg11 : memref<128xi32, #tpu.memory_space<vmem>>) target_semaphore(%arg22 : memref<!tpu.dma_semaphore, #tpu.memory_space<semaphore_mem>>)
        %dma_start3A_160 = tpu.memref_slice %arg5[%add3A_157] : memref<327936xi32, #tpu.memory_space<hbm>> -> memref<128xi32, #tpu.memory_space<hbm>>
        %dma_start3A_161 = tpu.memref_slice %arg5[%add3A_157] : memref<327936xi32, #tpu.memory_space<hbm>> -> memref<128xi32, #tpu.memory_space<hbm>>
        tpu.enqueue_dma source(%dma_start3A_161 : memref<128xi32, #tpu.memory_space<hbm>>) target(%arg12 : memref<128xi32, #tpu.memory_space<vmem>>) target_semaphore(%arg23 : memref<!tpu.dma_semaphore, #tpu.memory_space<semaphore_mem>>)
        %dma_wait3A_162 = arith.constant 0 : i32
        %dma_wait3A_163 = arith.constant 0 : i32
        %dma_wait3A_164 = tpu.memref_slice %arg2[%dma_wait3A_162, %dma_wait3A_163] : memref<10000x128xf32, #tpu.memory_space<hbm>> -> memref<10000x128xf32, #tpu.memory_space<hbm>>
        tpu.wait_indirect_dma semaphore(%arg21 : memref<!tpu.dma_semaphore, #tpu.memory_space<semaphore_mem>>) src(%dma_wait3A_164 : memref<10000x128xf32, #tpu.memory_space<hbm>>) dst(%arg18 : memref<128x128xf32, #tpu.memory_space<vmem>>)
        %dma_start3A_165 = arith.constant 0 : i32
        %dma_start3A_166 = arith.constant 0 : i32
        %dma_start3A_167 = tpu.memref_slice %arg19[%dma_start3A_165, %dma_start3A_166] : memref<10112x128xf32, #tpu.memory_space<vmem_shared>> -> memref<10112x128xf32, #tpu.memory_space<vmem_shared>>
        tpu.enqueue_indirect_dma source(%arg18 : memref<128x128xf32, #tpu.memory_space<vmem>>) target(%dma_start3A_167 : memref<10112x128xf32, #tpu.memory_space<vmem_shared>>) offsets(%arg16 : memref<128xi32, #tpu.memory_space<vmem>>) semaphore(%arg25 : memref<!tpu.dma_semaphore, #tpu.memory_space<semaphore_mem>>) {add = true}
        %dma_wait3A_168 = tpu.memref_slice %arg4[%add3A_157] : memref<327936xi32, #tpu.memory_space<hbm>> -> memref<128xi32, #tpu.memory_space<hbm>>
        %dma_wait3A_169 = tpu.memref_slice %arg4[%add3A_157] : memref<327936xi32, #tpu.memory_space<hbm>> -> memref<128xi32, #tpu.memory_space<hbm>>
        tpu.wait_dma2 semaphore(%arg22 : memref<!tpu.dma_semaphore, #tpu.memory_space<semaphore_mem>>) src(%dma_wait3A_169 : memref<128xi32, #tpu.memory_space<hbm>>) dst(%arg11 : memref<128xi32, #tpu.memory_space<vmem>>)
        %dma_wait3A_170 = tpu.memref_slice %arg5[%add3A_157] : memref<327936xi32, #tpu.memory_space<hbm>> -> memref<128xi32, #tpu.memory_space<hbm>>
        %dma_wait3A_171 = tpu.memref_slice %arg5[%add3A_157] : memref<327936xi32, #tpu.memory_space<hbm>> -> memref<128xi32, #tpu.memory_space<hbm>>
        tpu.wait_dma2 semaphore(%arg23 : memref<!tpu.dma_semaphore, #tpu.memory_space<semaphore_mem>>) src(%dma_wait3A_171 : memref<128xi32, #tpu.memory_space<hbm>>) dst(%arg12 : memref<128xi32, #tpu.memory_space<vmem>>)
      }
      %scan3A_46 = arith.constant 40 : i32
      %dma_wait3A = arith.constant 0 : i32
      %dma_wait3A_47 = arith.constant 0 : i32
      %dma_wait3A_48 = tpu.memref_slice %arg2[%dma_wait3A, %dma_wait3A_47] : memref<10000x128xf32, #tpu.memory_space<hbm>> -> memref<10000x128xf32, #tpu.memory_space<hbm>>
      tpu.wait_indirect_dma semaphore(%arg20 : memref<!tpu.dma_semaphore, #tpu.memory_space<semaphore_mem>>) src(%dma_wait3A_48 : memref<10000x128xf32, #tpu.memory_space<hbm>>) dst(%arg17 : memref<128x128xf32, #tpu.memory_space<vmem>>)
      %dma_wait3A_49 = arith.constant 0 : i32
      %dma_wait3A_50 = arith.constant 0 : i32
      %dma_wait3A_51 = tpu.memref_slice %arg19[%dma_wait3A_49, %dma_wait3A_50] : memref<10112x128xf32, #tpu.memory_space<vmem_shared>> -> memref<10112x128xf32, #tpu.memory_space<vmem_shared>>
      tpu.wait_indirect_dma semaphore(%arg24 : memref<!tpu.dma_semaphore, #tpu.memory_space<semaphore_mem>>) src(%arg17 : memref<128x128xf32, #tpu.memory_space<vmem>>) dst(%dma_wait3A_51 : memref<10112x128xf32, #tpu.memory_space<vmem_shared>>)
      %dma_wait3A_52 = arith.constant 0 : i32
      %dma_wait3A_53 = arith.constant 0 : i32
      %dma_wait3A_54 = tpu.memref_slice %arg19[%dma_wait3A_52, %dma_wait3A_53] : memref<10112x128xf32, #tpu.memory_space<vmem_shared>> -> memref<10112x128xf32, #tpu.memory_space<vmem_shared>>
      tpu.wait_indirect_dma semaphore(%arg25 : memref<!tpu.dma_semaphore, #tpu.memory_space<semaphore_mem>>) src(%arg18 : memref<128x128xf32, #tpu.memory_space<vmem>>) dst(%dma_wait3A_54 : memref<10112x128xf32, #tpu.memory_space<vmem_shared>>)
    } else {
    }
    %eq3A_12 = arith.constant 1 : i32
    %eq3A_13 = arith.cmpi eq, %arg0, %eq3A_12 : i32
    %convert_element_type3A_14 = arith.extui %eq3A_13 : i1 to i32
    %cond3A_15 = arith.constant 0 : i32
    %cond3A_16 = arith.cmpi ne, %convert_element_type3A_14, %cond3A_15 : i32
    scf.if %cond3A_16 {
      %mul3A_28 = arith.constant 20480 : i32
      %mul3A_29 = arith.muli %arg1, %mul3A_28 : i32
      "tpu.region"() ({
        %run_scoped3A = tpu.sem_alloc : memref<!tpu.dma_semaphore, #tpu.memory_space<semaphore_mem>>
        %dma_start3A_55 = tpu.memref_slice %arg4[%mul3A_29] : memref<327936xi32, #tpu.memory_space<hbm>> -> memref<128xi32, #tpu.memory_space<hbm>>
        %dma_start3A_56 = tpu.memref_slice %arg4[%mul3A_29] : memref<327936xi32, #tpu.memory_space<hbm>> -> memref<128xi32, #tpu.memory_space<hbm>>
        tpu.enqueue_dma source(%dma_start3A_56 : memref<128xi32, #tpu.memory_space<hbm>>) target(%arg9 : memref<128xi32, #tpu.memory_space<vmem>>) target_semaphore(%run_scoped3A : memref<!tpu.dma_semaphore, #tpu.memory_space<semaphore_mem>>)
        %dma_wait3A_57 = tpu.memref_slice %arg4[%mul3A_29] : memref<327936xi32, #tpu.memory_space<hbm>> -> memref<128xi32, #tpu.memory_space<hbm>>
        %dma_wait3A_58 = tpu.memref_slice %arg4[%mul3A_29] : memref<327936xi32, #tpu.memory_space<hbm>> -> memref<128xi32, #tpu.memory_space<hbm>>
        tpu.wait_dma2 semaphore(%run_scoped3A : memref<!tpu.dma_semaphore, #tpu.memory_space<semaphore_mem>>) src(%dma_wait3A_58 : memref<128xi32, #tpu.memory_space<hbm>>) dst(%arg9 : memref<128xi32, #tpu.memory_space<vmem>>)
        tpu.yield
      }) : () -> ()
      "tpu.region"() ({
        %run_scoped3A = tpu.sem_alloc : memref<!tpu.dma_semaphore, #tpu.memory_space<semaphore_mem>>
        %dma_start3A_55 = tpu.memref_slice %arg5[%mul3A_29] : memref<327936xi32, #tpu.memory_space<hbm>> -> memref<128xi32, #tpu.memory_space<hbm>>
        %dma_start3A_56 = tpu.memref_slice %arg5[%mul3A_29] : memref<327936xi32, #tpu.memory_space<hbm>> -> memref<128xi32, #tpu.memory_space<hbm>>
        tpu.enqueue_dma source(%dma_start3A_56 : memref<128xi32, #tpu.memory_space<hbm>>) target(%arg10 : memref<128xi32, #tpu.memory_space<vmem>>) target_semaphore(%run_scoped3A : memref<!tpu.dma_semaphore, #tpu.memory_space<semaphore_mem>>)
        %dma_wait3A_57 = tpu.memref_slice %arg5[%mul3A_29] : memref<327936xi32, #tpu.memory_space<hbm>> -> memref<128xi32, #tpu.memory_space<hbm>>
        %dma_wait3A_58 = tpu.memref_slice %arg5[%mul3A_29] : memref<327936xi32, #tpu.memory_space<hbm>> -> memref<128xi32, #tpu.memory_space<hbm>>
        tpu.wait_dma2 semaphore(%run_scoped3A : memref<!tpu.dma_semaphore, #tpu.memory_space<semaphore_mem>>) src(%dma_wait3A_58 : memref<128xi32, #tpu.memory_space<hbm>>) dst(%arg10 : memref<128xi32, #tpu.memory_space<vmem>>)
        tpu.yield
      }) : () -> ()
      %add3A_30 = arith.constant 128 : i32
      %add3A_31 = arith.addi %mul3A_29, %add3A_30 : i32
      "tpu.region"() ({
        %run_scoped3A = tpu.sem_alloc : memref<!tpu.dma_semaphore, #tpu.memory_space<semaphore_mem>>
        %dma_start3A_55 = tpu.memref_slice %arg4[%add3A_31] : memref<327936xi32, #tpu.memory_space<hbm>> -> memref<128xi32, #tpu.memory_space<hbm>>
        %dma_start3A_56 = tpu.memref_slice %arg4[%add3A_31] : memref<327936xi32, #tpu.memory_space<hbm>> -> memref<128xi32, #tpu.memory_space<hbm>>
        tpu.enqueue_dma source(%dma_start3A_56 : memref<128xi32, #tpu.memory_space<hbm>>) target(%arg11 : memref<128xi32, #tpu.memory_space<vmem>>) target_semaphore(%run_scoped3A : memref<!tpu.dma_semaphore, #tpu.memory_space<semaphore_mem>>)
        %dma_wait3A_57 = tpu.memref_slice %arg4[%add3A_31] : memref<327936xi32, #tpu.memory_space<hbm>> -> memref<128xi32, #tpu.memory_space<hbm>>
        %dma_wait3A_58 = tpu.memref_slice %arg4[%add3A_31] : memref<327936xi32, #tpu.memory_space<hbm>> -> memref<128xi32, #tpu.memory_space<hbm>>
        tpu.wait_dma2 semaphore(%run_scoped3A : memref<!tpu.dma_semaphore, #tpu.memory_space<semaphore_mem>>) src(%dma_wait3A_58 : memref<128xi32, #tpu.memory_space<hbm>>) dst(%arg11 : memref<128xi32, #tpu.memory_space<vmem>>)
        tpu.yield
      }) : () -> ()
      %add3A_32 = arith.constant 128 : i32
      %add3A_33 = arith.addi %mul3A_29, %add3A_32 : i32
      "tpu.region"() ({
        %run_scoped3A = tpu.sem_alloc : memref<!tpu.dma_semaphore, #tpu.memory_space<semaphore_mem>>
        %dma_start3A_55 = tpu.memref_slice %arg5[%add3A_33] : memref<327936xi32, #tpu.memory_space<hbm>> -> memref<128xi32, #tpu.memory_space<hbm>>
        %dma_start3A_56 = tpu.memref_slice %arg5[%add3A_33] : memref<327936xi32, #tpu.memory_space<hbm>> -> memref<128xi32, #tpu.memory_space<hbm>>
        tpu.enqueue_dma source(%dma_start3A_56 : memref<128xi32, #tpu.memory_space<hbm>>) target(%arg12 : memref<128xi32, #tpu.memory_space<vmem>>) target_semaphore(%run_scoped3A : memref<!tpu.dma_semaphore, #tpu.memory_space<semaphore_mem>>)
        %dma_wait3A_57 = tpu.memref_slice %arg5[%add3A_33] : memref<327936xi32, #tpu.memory_space<hbm>> -> memref<128xi32, #tpu.memory_space<hbm>>
        %dma_wait3A_58 = tpu.memref_slice %arg5[%add3A_33] : memref<327936xi32, #tpu.memory_space<hbm>> -> memref<128xi32, #tpu.memory_space<hbm>>
        tpu.wait_dma2 semaphore(%run_scoped3A : memref<!tpu.dma_semaphore, #tpu.memory_space<semaphore_mem>>) src(%dma_wait3A_58 : memref<128xi32, #tpu.memory_space<hbm>>) dst(%arg12 : memref<128xi32, #tpu.memory_space<vmem>>)
        tpu.yield
      }) : () -> ()
      %dma_start3A = arith.constant 0 : i32
      %dma_start3A_34 = arith.constant 0 : i32
      %dma_start3A_35 = tpu.memref_slice %arg19[%dma_start3A, %dma_start3A_34] : memref<10112x128xf32, #tpu.memory_space<vmem_shared>> -> memref<10112x128xf32, #tpu.memory_space<vmem_shared>>
      tpu.enqueue_indirect_dma source(%arg17 : memref<128x128xf32, #tpu.memory_space<vmem>>) target(%dma_start3A_35 : memref<10112x128xf32, #tpu.memory_space<vmem_shared>>) offsets(%arg10 : memref<128xi32, #tpu.memory_space<vmem>>) semaphore(%arg24 : memref<!tpu.dma_semaphore, #tpu.memory_space<semaphore_mem>>) {add = true}
      %dma_start3A_36 = arith.constant 0 : i32
      %dma_start3A_37 = arith.constant 0 : i32
      %dma_start3A_38 = tpu.memref_slice %arg19[%dma_start3A_36, %dma_start3A_37] : memref<10112x128xf32, #tpu.memory_space<vmem_shared>> -> memref<10112x128xf32, #tpu.memory_space<vmem_shared>>
      tpu.enqueue_indirect_dma source(%arg18 : memref<128x128xf32, #tpu.memory_space<vmem>>) target(%dma_start3A_38 : memref<10112x128xf32, #tpu.memory_space<vmem_shared>>) offsets(%arg10 : memref<128xi32, #tpu.memory_space<vmem>>) semaphore(%arg25 : memref<!tpu.dma_semaphore, #tpu.memory_space<semaphore_mem>>) {add = true}
      %dma_start3A_39 = arith.constant 0 : i32
      %dma_start3A_40 = arith.constant 0 : i32
      %dma_start3A_41 = tpu.memref_slice %arg3[%dma_start3A_39, %dma_start3A_40] : memref<10000x128xf32, #tpu.memory_space<hbm>> -> memref<10000x128xf32, #tpu.memory_space<hbm>>
      tpu.enqueue_indirect_dma source(%dma_start3A_41 : memref<10000x128xf32, #tpu.memory_space<hbm>>) target(%arg17 : memref<128x128xf32, #tpu.memory_space<vmem>>) offsets(%arg9 : memref<128xi32, #tpu.memory_space<vmem>>) semaphore(%arg20 : memref<!tpu.dma_semaphore, #tpu.memory_space<semaphore_mem>>)
      %scan3A = arith.constant 0 : i32
      %scan3A_42 = arith.constant 0 : i32
      %scan3A_43 = arith.constant 40 : i32
      %scan3A_44 = arith.addi %scan3A_42, %scan3A_43 : i32
      %scan3A_45 = arith.constant 1 : i32
      scf.for %scan3A_55 = %scan3A_42 to %scan3A_44 step %scan3A_45  : i32 {
        %mul3A_56 = arith.constant 4 : i32
        %mul3A_57 = arith.muli %mul3A_56, %scan3A_55 : i32
        %add3A_58 = arith.constant 0 : i32
        %add3A_59 = arith.addi %mul3A_57, %add3A_58 : i32
        %dma_wait3A_60 = arith.constant 0 : i32
        %dma_wait3A_61 = arith.constant 0 : i32
        %dma_wait3A_62 = tpu.memref_slice %arg19[%dma_wait3A_60, %dma_wait3A_61] : memref<10112x128xf32, #tpu.memory_space<vmem_shared>> -> memref<10112x128xf32, #tpu.memory_space<vmem_shared>>
        tpu.wait_indirect_dma semaphore(%arg25 : memref<!tpu.dma_semaphore, #tpu.memory_space<semaphore_mem>>) src(%arg18 : memref<128x128xf32, #tpu.memory_space<vmem>>) dst(%dma_wait3A_62 : memref<10112x128xf32, #tpu.memory_space<vmem_shared>>)
        %dma_start3A_63 = arith.constant 0 : i32
        %dma_start3A_64 = arith.constant 0 : i32
        %dma_start3A_65 = tpu.memref_slice %arg3[%dma_start3A_63, %dma_start3A_64] : memref<10000x128xf32, #tpu.memory_space<hbm>> -> memref<10000x128xf32, #tpu.memory_space<hbm>>
        tpu.enqueue_indirect_dma source(%dma_start3A_65 : memref<10000x128xf32, #tpu.memory_space<hbm>>) target(%arg18 : memref<128x128xf32, #tpu.memory_space<vmem>>) offsets(%arg11 : memref<128xi32, #tpu.memory_space<vmem>>) semaphore(%arg21 : memref<!tpu.dma_semaphore, #tpu.memory_space<semaphore_mem>>)
        %add3A_66 = arith.constant 2 : i32
        %add3A_67 = arith.addi %add3A_59, %add3A_66 : i32
        %mul3A_68 = arith.constant 128 : i32
        %mul3A_69 = arith.muli %add3A_67, %mul3A_68 : i32
        %add3A_70 = arith.addi %mul3A_29, %mul3A_69 : i32
        %dma_start3A_71 = tpu.memref_slice %arg4[%add3A_70] : memref<327936xi32, #tpu.memory_space<hbm>> -> memref<128xi32, #tpu.memory_space<hbm>>
        %dma_start3A_72 = tpu.memref_slice %arg4[%add3A_70] : memref<327936xi32, #tpu.memory_space<hbm>> -> memref<128xi32, #tpu.memory_space<hbm>>
        tpu.enqueue_dma source(%dma_start3A_72 : memref<128xi32, #tpu.memory_space<hbm>>) target(%arg13 : memref<128xi32, #tpu.memory_space<vmem>>) target_semaphore(%arg22 : memref<!tpu.dma_semaphore, #tpu.memory_space<semaphore_mem>>)
        %dma_start3A_73 = tpu.memref_slice %arg5[%add3A_70] : memref<327936xi32, #tpu.memory_space<hbm>> -> memref<128xi32, #tpu.memory_space<hbm>>
        %dma_start3A_74 = tpu.memref_slice %arg5[%add3A_70] : memref<327936xi32, #tpu.memory_space<hbm>> -> memref<128xi32, #tpu.memory_space<hbm>>
        tpu.enqueue_dma source(%dma_start3A_74 : memref<128xi32, #tpu.memory_space<hbm>>) target(%arg14 : memref<128xi32, #tpu.memory_space<vmem>>) target_semaphore(%arg23 : memref<!tpu.dma_semaphore, #tpu.memory_space<semaphore_mem>>)
        %dma_wait3A_75 = arith.constant 0 : i32
        %dma_wait3A_76 = arith.constant 0 : i32
        %dma_wait3A_77 = tpu.memref_slice %arg3[%dma_wait3A_75, %dma_wait3A_76] : memref<10000x128xf32, #tpu.memory_space<hbm>> -> memref<10000x128xf32, #tpu.memory_space<hbm>>
        tpu.wait_indirect_dma semaphore(%arg20 : memref<!tpu.dma_semaphore, #tpu.memory_space<semaphore_mem>>) src(%dma_wait3A_77 : memref<10000x128xf32, #tpu.memory_space<hbm>>) dst(%arg17 : memref<128x128xf32, #tpu.memory_space<vmem>>)
        %dma_start3A_78 = arith.constant 0 : i32
        %dma_start3A_79 = arith.constant 0 : i32
        %dma_start3A_80 = tpu.memref_slice %arg19[%dma_start3A_78, %dma_start3A_79] : memref<10112x128xf32, #tpu.memory_space<vmem_shared>> -> memref<10112x128xf32, #tpu.memory_space<vmem_shared>>
        tpu.enqueue_indirect_dma source(%arg17 : memref<128x128xf32, #tpu.memory_space<vmem>>) target(%dma_start3A_80 : memref<10112x128xf32, #tpu.memory_space<vmem_shared>>) offsets(%arg10 : memref<128xi32, #tpu.memory_space<vmem>>) semaphore(%arg24 : memref<!tpu.dma_semaphore, #tpu.memory_space<semaphore_mem>>) {add = true}
        %dma_wait3A_81 = tpu.memref_slice %arg4[%add3A_70] : memref<327936xi32, #tpu.memory_space<hbm>> -> memref<128xi32, #tpu.memory_space<hbm>>
        %dma_wait3A_82 = tpu.memref_slice %arg4[%add3A_70] : memref<327936xi32, #tpu.memory_space<hbm>> -> memref<128xi32, #tpu.memory_space<hbm>>
        tpu.wait_dma2 semaphore(%arg22 : memref<!tpu.dma_semaphore, #tpu.memory_space<semaphore_mem>>) src(%dma_wait3A_82 : memref<128xi32, #tpu.memory_space<hbm>>) dst(%arg13 : memref<128xi32, #tpu.memory_space<vmem>>)
        %dma_wait3A_83 = tpu.memref_slice %arg5[%add3A_70] : memref<327936xi32, #tpu.memory_space<hbm>> -> memref<128xi32, #tpu.memory_space<hbm>>
        %dma_wait3A_84 = tpu.memref_slice %arg5[%add3A_70] : memref<327936xi32, #tpu.memory_space<hbm>> -> memref<128xi32, #tpu.memory_space<hbm>>
        tpu.wait_dma2 semaphore(%arg23 : memref<!tpu.dma_semaphore, #tpu.memory_space<semaphore_mem>>) src(%dma_wait3A_84 : memref<128xi32, #tpu.memory_space<hbm>>) dst(%arg14 : memref<128xi32, #tpu.memory_space<vmem>>)
        %mul3A_85 = arith.constant 4 : i32
        %mul3A_86 = arith.muli %mul3A_85, %scan3A_55 : i32
        %add3A_87 = arith.constant 1 : i32
        %add3A_88 = arith.addi %mul3A_86, %add3A_87 : i32
        %dma_wait3A_89 = arith.constant 0 : i32
        %dma_wait3A_90 = arith.constant 0 : i32
        %dma_wait3A_91 = tpu.memref_slice %arg19[%dma_wait3A_89, %dma_wait3A_90] : memref<10112x128xf32, #tpu.memory_space<vmem_shared>> -> memref<10112x128xf32, #tpu.memory_space<vmem_shared>>
        tpu.wait_indirect_dma semaphore(%arg24 : memref<!tpu.dma_semaphore, #tpu.memory_space<semaphore_mem>>) src(%arg17 : memref<128x128xf32, #tpu.memory_space<vmem>>) dst(%dma_wait3A_91 : memref<10112x128xf32, #tpu.memory_space<vmem_shared>>)
        %dma_start3A_92 = arith.constant 0 : i32
        %dma_start3A_93 = arith.constant 0 : i32
        %dma_start3A_94 = tpu.memref_slice %arg3[%dma_start3A_92, %dma_start3A_93] : memref<10000x128xf32, #tpu.memory_space<hbm>> -> memref<10000x128xf32, #tpu.memory_space<hbm>>
        tpu.enqueue_indirect_dma source(%dma_start3A_94 : memref<10000x128xf32, #tpu.memory_space<hbm>>) target(%arg17 : memref<128x128xf32, #tpu.memory_space<vmem>>) offsets(%arg13 : memref<128xi32, #tpu.memory_space<vmem>>) semaphore(%arg20 : memref<!tpu.dma_semaphore, #tpu.memory_space<semaphore_mem>>)
        %add3A_95 = arith.constant 2 : i32
        %add3A_96 = arith.addi %add3A_88, %add3A_95 : i32
        %mul3A_97 = arith.constant 128 : i32
        %mul3A_98 = arith.muli %add3A_96, %mul3A_97 : i32
        %add3A_99 = arith.addi %mul3A_29, %mul3A_98 : i32
        %dma_start3A_100 = tpu.memref_slice %arg4[%add3A_99] : memref<327936xi32, #tpu.memory_space<hbm>> -> memref<128xi32, #tpu.memory_space<hbm>>
        %dma_start3A_101 = tpu.memref_slice %arg4[%add3A_99] : memref<327936xi32, #tpu.memory_space<hbm>> -> memref<128xi32, #tpu.memory_space<hbm>>
        tpu.enqueue_dma source(%dma_start3A_101 : memref<128xi32, #tpu.memory_space<hbm>>) target(%arg15 : memref<128xi32, #tpu.memory_space<vmem>>) target_semaphore(%arg22 : memref<!tpu.dma_semaphore, #tpu.memory_space<semaphore_mem>>)
        %dma_start3A_102 = tpu.memref_slice %arg5[%add3A_99] : memref<327936xi32, #tpu.memory_space<hbm>> -> memref<128xi32, #tpu.memory_space<hbm>>
        %dma_start3A_103 = tpu.memref_slice %arg5[%add3A_99] : memref<327936xi32, #tpu.memory_space<hbm>> -> memref<128xi32, #tpu.memory_space<hbm>>
        tpu.enqueue_dma source(%dma_start3A_103 : memref<128xi32, #tpu.memory_space<hbm>>) target(%arg16 : memref<128xi32, #tpu.memory_space<vmem>>) target_semaphore(%arg23 : memref<!tpu.dma_semaphore, #tpu.memory_space<semaphore_mem>>)
        %dma_wait3A_104 = arith.constant 0 : i32
        %dma_wait3A_105 = arith.constant 0 : i32
        %dma_wait3A_106 = tpu.memref_slice %arg3[%dma_wait3A_104, %dma_wait3A_105] : memref<10000x128xf32, #tpu.memory_space<hbm>> -> memref<10000x128xf32, #tpu.memory_space<hbm>>
        tpu.wait_indirect_dma semaphore(%arg21 : memref<!tpu.dma_semaphore, #tpu.memory_space<semaphore_mem>>) src(%dma_wait3A_106 : memref<10000x128xf32, #tpu.memory_space<hbm>>) dst(%arg18 : memref<128x128xf32, #tpu.memory_space<vmem>>)
        %dma_start3A_107 = arith.constant 0 : i32
        %dma_start3A_108 = arith.constant 0 : i32
        %dma_start3A_109 = tpu.memref_slice %arg19[%dma_start3A_107, %dma_start3A_108] : memref<10112x128xf32, #tpu.memory_space<vmem_shared>> -> memref<10112x128xf32, #tpu.memory_space<vmem_shared>>
        tpu.enqueue_indirect_dma source(%arg18 : memref<128x128xf32, #tpu.memory_space<vmem>>) target(%dma_start3A_109 : memref<10112x128xf32, #tpu.memory_space<vmem_shared>>) offsets(%arg12 : memref<128xi32, #tpu.memory_space<vmem>>) semaphore(%arg25 : memref<!tpu.dma_semaphore, #tpu.memory_space<semaphore_mem>>) {add = true}
        %dma_wait3A_110 = tpu.memref_slice %arg4[%add3A_99] : memref<327936xi32, #tpu.memory_space<hbm>> -> memref<128xi32, #tpu.memory_space<hbm>>
        %dma_wait3A_111 = tpu.memref_slice %arg4[%add3A_99] : memref<327936xi32, #tpu.memory_space<hbm>> -> memref<128xi32, #tpu.memory_space<hbm>>
        tpu.wait_dma2 semaphore(%arg22 : memref<!tpu.dma_semaphore, #tpu.memory_space<semaphore_mem>>) src(%dma_wait3A_111 : memref<128xi32, #tpu.memory_space<hbm>>) dst(%arg15 : memref<128xi32, #tpu.memory_space<vmem>>)
        %dma_wait3A_112 = tpu.memref_slice %arg5[%add3A_99] : memref<327936xi32, #tpu.memory_space<hbm>> -> memref<128xi32, #tpu.memory_space<hbm>>
        %dma_wait3A_113 = tpu.memref_slice %arg5[%add3A_99] : memref<327936xi32, #tpu.memory_space<hbm>> -> memref<128xi32, #tpu.memory_space<hbm>>
        tpu.wait_dma2 semaphore(%arg23 : memref<!tpu.dma_semaphore, #tpu.memory_space<semaphore_mem>>) src(%dma_wait3A_113 : memref<128xi32, #tpu.memory_space<hbm>>) dst(%arg16 : memref<128xi32, #tpu.memory_space<vmem>>)
        %mul3A_114 = arith.constant 4 : i32
        %mul3A_115 = arith.muli %mul3A_114, %scan3A_55 : i32
        %add3A_116 = arith.constant 2 : i32
        %add3A_117 = arith.addi %mul3A_115, %add3A_116 : i32
        %dma_wait3A_118 = arith.constant 0 : i32
        %dma_wait3A_119 = arith.constant 0 : i32
        %dma_wait3A_120 = tpu.memref_slice %arg19[%dma_wait3A_118, %dma_wait3A_119] : memref<10112x128xf32, #tpu.memory_space<vmem_shared>> -> memref<10112x128xf32, #tpu.memory_space<vmem_shared>>
        tpu.wait_indirect_dma semaphore(%arg25 : memref<!tpu.dma_semaphore, #tpu.memory_space<semaphore_mem>>) src(%arg18 : memref<128x128xf32, #tpu.memory_space<vmem>>) dst(%dma_wait3A_120 : memref<10112x128xf32, #tpu.memory_space<vmem_shared>>)
        %dma_start3A_121 = arith.constant 0 : i32
        %dma_start3A_122 = arith.constant 0 : i32
        %dma_start3A_123 = tpu.memref_slice %arg3[%dma_start3A_121, %dma_start3A_122] : memref<10000x128xf32, #tpu.memory_space<hbm>> -> memref<10000x128xf32, #tpu.memory_space<hbm>>
        tpu.enqueue_indirect_dma source(%dma_start3A_123 : memref<10000x128xf32, #tpu.memory_space<hbm>>) target(%arg18 : memref<128x128xf32, #tpu.memory_space<vmem>>) offsets(%arg15 : memref<128xi32, #tpu.memory_space<vmem>>) semaphore(%arg21 : memref<!tpu.dma_semaphore, #tpu.memory_space<semaphore_mem>>)
        %add3A_124 = arith.constant 2 : i32
        %add3A_125 = arith.addi %add3A_117, %add3A_124 : i32
        %mul3A_126 = arith.constant 128 : i32
        %mul3A_127 = arith.muli %add3A_125, %mul3A_126 : i32
        %add3A_128 = arith.addi %mul3A_29, %mul3A_127 : i32
        %dma_start3A_129 = tpu.memref_slice %arg4[%add3A_128] : memref<327936xi32, #tpu.memory_space<hbm>> -> memref<128xi32, #tpu.memory_space<hbm>>
        %dma_start3A_130 = tpu.memref_slice %arg4[%add3A_128] : memref<327936xi32, #tpu.memory_space<hbm>> -> memref<128xi32, #tpu.memory_space<hbm>>
        tpu.enqueue_dma source(%dma_start3A_130 : memref<128xi32, #tpu.memory_space<hbm>>) target(%arg9 : memref<128xi32, #tpu.memory_space<vmem>>) target_semaphore(%arg22 : memref<!tpu.dma_semaphore, #tpu.memory_space<semaphore_mem>>)
        %dma_start3A_131 = tpu.memref_slice %arg5[%add3A_128] : memref<327936xi32, #tpu.memory_space<hbm>> -> memref<128xi32, #tpu.memory_space<hbm>>
        %dma_start3A_132 = tpu.memref_slice %arg5[%add3A_128] : memref<327936xi32, #tpu.memory_space<hbm>> -> memref<128xi32, #tpu.memory_space<hbm>>
        tpu.enqueue_dma source(%dma_start3A_132 : memref<128xi32, #tpu.memory_space<hbm>>) target(%arg10 : memref<128xi32, #tpu.memory_space<vmem>>) target_semaphore(%arg23 : memref<!tpu.dma_semaphore, #tpu.memory_space<semaphore_mem>>)
        %dma_wait3A_133 = arith.constant 0 : i32
        %dma_wait3A_134 = arith.constant 0 : i32
        %dma_wait3A_135 = tpu.memref_slice %arg3[%dma_wait3A_133, %dma_wait3A_134] : memref<10000x128xf32, #tpu.memory_space<hbm>> -> memref<10000x128xf32, #tpu.memory_space<hbm>>
        tpu.wait_indirect_dma semaphore(%arg20 : memref<!tpu.dma_semaphore, #tpu.memory_space<semaphore_mem>>) src(%dma_wait3A_135 : memref<10000x128xf32, #tpu.memory_space<hbm>>) dst(%arg17 : memref<128x128xf32, #tpu.memory_space<vmem>>)
        %dma_start3A_136 = arith.constant 0 : i32
        %dma_start3A_137 = arith.constant 0 : i32
        %dma_start3A_138 = tpu.memref_slice %arg19[%dma_start3A_136, %dma_start3A_137] : memref<10112x128xf32, #tpu.memory_space<vmem_shared>> -> memref<10112x128xf32, #tpu.memory_space<vmem_shared>>
        tpu.enqueue_indirect_dma source(%arg17 : memref<128x128xf32, #tpu.memory_space<vmem>>) target(%dma_start3A_138 : memref<10112x128xf32, #tpu.memory_space<vmem_shared>>) offsets(%arg14 : memref<128xi32, #tpu.memory_space<vmem>>) semaphore(%arg24 : memref<!tpu.dma_semaphore, #tpu.memory_space<semaphore_mem>>) {add = true}
        %dma_wait3A_139 = tpu.memref_slice %arg4[%add3A_128] : memref<327936xi32, #tpu.memory_space<hbm>> -> memref<128xi32, #tpu.memory_space<hbm>>
        %dma_wait3A_140 = tpu.memref_slice %arg4[%add3A_128] : memref<327936xi32, #tpu.memory_space<hbm>> -> memref<128xi32, #tpu.memory_space<hbm>>
        tpu.wait_dma2 semaphore(%arg22 : memref<!tpu.dma_semaphore, #tpu.memory_space<semaphore_mem>>) src(%dma_wait3A_140 : memref<128xi32, #tpu.memory_space<hbm>>) dst(%arg9 : memref<128xi32, #tpu.memory_space<vmem>>)
        %dma_wait3A_141 = tpu.memref_slice %arg5[%add3A_128] : memref<327936xi32, #tpu.memory_space<hbm>> -> memref<128xi32, #tpu.memory_space<hbm>>
        %dma_wait3A_142 = tpu.memref_slice %arg5[%add3A_128] : memref<327936xi32, #tpu.memory_space<hbm>> -> memref<128xi32, #tpu.memory_space<hbm>>
        tpu.wait_dma2 semaphore(%arg23 : memref<!tpu.dma_semaphore, #tpu.memory_space<semaphore_mem>>) src(%dma_wait3A_142 : memref<128xi32, #tpu.memory_space<hbm>>) dst(%arg10 : memref<128xi32, #tpu.memory_space<vmem>>)
        %mul3A_143 = arith.constant 4 : i32
        %mul3A_144 = arith.muli %mul3A_143, %scan3A_55 : i32
        %add3A_145 = arith.constant 3 : i32
        %add3A_146 = arith.addi %mul3A_144, %add3A_145 : i32
        %dma_wait3A_147 = arith.constant 0 : i32
        %dma_wait3A_148 = arith.constant 0 : i32
        %dma_wait3A_149 = tpu.memref_slice %arg19[%dma_wait3A_147, %dma_wait3A_148] : memref<10112x128xf32, #tpu.memory_space<vmem_shared>> -> memref<10112x128xf32, #tpu.memory_space<vmem_shared>>
        tpu.wait_indirect_dma semaphore(%arg24 : memref<!tpu.dma_semaphore, #tpu.memory_space<semaphore_mem>>) src(%arg17 : memref<128x128xf32, #tpu.memory_space<vmem>>) dst(%dma_wait3A_149 : memref<10112x128xf32, #tpu.memory_space<vmem_shared>>)
        %dma_start3A_150 = arith.constant 0 : i32
        %dma_start3A_151 = arith.constant 0 : i32
        %dma_start3A_152 = tpu.memref_slice %arg3[%dma_start3A_150, %dma_start3A_151] : memref<10000x128xf32, #tpu.memory_space<hbm>> -> memref<10000x128xf32, #tpu.memory_space<hbm>>
        tpu.enqueue_indirect_dma source(%dma_start3A_152 : memref<10000x128xf32, #tpu.memory_space<hbm>>) target(%arg17 : memref<128x128xf32, #tpu.memory_space<vmem>>) offsets(%arg9 : memref<128xi32, #tpu.memory_space<vmem>>) semaphore(%arg20 : memref<!tpu.dma_semaphore, #tpu.memory_space<semaphore_mem>>)
        %add3A_153 = arith.constant 2 : i32
        %add3A_154 = arith.addi %add3A_146, %add3A_153 : i32
        %mul3A_155 = arith.constant 128 : i32
        %mul3A_156 = arith.muli %add3A_154, %mul3A_155 : i32
        %add3A_157 = arith.addi %mul3A_29, %mul3A_156 : i32
        %dma_start3A_158 = tpu.memref_slice %arg4[%add3A_157] : memref<327936xi32, #tpu.memory_space<hbm>> -> memref<128xi32, #tpu.memory_space<hbm>>
        %dma_start3A_159 = tpu.memref_slice %arg4[%add3A_157] : memref<327936xi32, #tpu.memory_space<hbm>> -> memref<128xi32, #tpu.memory_space<hbm>>
        tpu.enqueue_dma source(%dma_start3A_159 : memref<128xi32, #tpu.memory_space<hbm>>) target(%arg11 : memref<128xi32, #tpu.memory_space<vmem>>) target_semaphore(%arg22 : memref<!tpu.dma_semaphore, #tpu.memory_space<semaphore_mem>>)
        %dma_start3A_160 = tpu.memref_slice %arg5[%add3A_157] : memref<327936xi32, #tpu.memory_space<hbm>> -> memref<128xi32, #tpu.memory_space<hbm>>
        %dma_start3A_161 = tpu.memref_slice %arg5[%add3A_157] : memref<327936xi32, #tpu.memory_space<hbm>> -> memref<128xi32, #tpu.memory_space<hbm>>
        tpu.enqueue_dma source(%dma_start3A_161 : memref<128xi32, #tpu.memory_space<hbm>>) target(%arg12 : memref<128xi32, #tpu.memory_space<vmem>>) target_semaphore(%arg23 : memref<!tpu.dma_semaphore, #tpu.memory_space<semaphore_mem>>)
        %dma_wait3A_162 = arith.constant 0 : i32
        %dma_wait3A_163 = arith.constant 0 : i32
        %dma_wait3A_164 = tpu.memref_slice %arg3[%dma_wait3A_162, %dma_wait3A_163] : memref<10000x128xf32, #tpu.memory_space<hbm>> -> memref<10000x128xf32, #tpu.memory_space<hbm>>
        tpu.wait_indirect_dma semaphore(%arg21 : memref<!tpu.dma_semaphore, #tpu.memory_space<semaphore_mem>>) src(%dma_wait3A_164 : memref<10000x128xf32, #tpu.memory_space<hbm>>) dst(%arg18 : memref<128x128xf32, #tpu.memory_space<vmem>>)
        %dma_start3A_165 = arith.constant 0 : i32
        %dma_start3A_166 = arith.constant 0 : i32
        %dma_start3A_167 = tpu.memref_slice %arg19[%dma_start3A_165, %dma_start3A_166] : memref<10112x128xf32, #tpu.memory_space<vmem_shared>> -> memref<10112x128xf32, #tpu.memory_space<vmem_shared>>
        tpu.enqueue_indirect_dma source(%arg18 : memref<128x128xf32, #tpu.memory_space<vmem>>) target(%dma_start3A_167 : memref<10112x128xf32, #tpu.memory_space<vmem_shared>>) offsets(%arg16 : memref<128xi32, #tpu.memory_space<vmem>>) semaphore(%arg25 : memref<!tpu.dma_semaphore, #tpu.memory_space<semaphore_mem>>) {add = true}
        %dma_wait3A_168 = tpu.memref_slice %arg4[%add3A_157] : memref<327936xi32, #tpu.memory_space<hbm>> -> memref<128xi32, #tpu.memory_space<hbm>>
        %dma_wait3A_169 = tpu.memref_slice %arg4[%add3A_157] : memref<327936xi32, #tpu.memory_space<hbm>> -> memref<128xi32, #tpu.memory_space<hbm>>
        tpu.wait_dma2 semaphore(%arg22 : memref<!tpu.dma_semaphore, #tpu.memory_space<semaphore_mem>>) src(%dma_wait3A_169 : memref<128xi32, #tpu.memory_space<hbm>>) dst(%arg11 : memref<128xi32, #tpu.memory_space<vmem>>)
        %dma_wait3A_170 = tpu.memref_slice %arg5[%add3A_157] : memref<327936xi32, #tpu.memory_space<hbm>> -> memref<128xi32, #tpu.memory_space<hbm>>
        %dma_wait3A_171 = tpu.memref_slice %arg5[%add3A_157] : memref<327936xi32, #tpu.memory_space<hbm>> -> memref<128xi32, #tpu.memory_space<hbm>>
        tpu.wait_dma2 semaphore(%arg23 : memref<!tpu.dma_semaphore, #tpu.memory_space<semaphore_mem>>) src(%dma_wait3A_171 : memref<128xi32, #tpu.memory_space<hbm>>) dst(%arg12 : memref<128xi32, #tpu.memory_space<vmem>>)
      }
      %scan3A_46 = arith.constant 40 : i32
      %dma_wait3A = arith.constant 0 : i32
      %dma_wait3A_47 = arith.constant 0 : i32
      %dma_wait3A_48 = tpu.memref_slice %arg3[%dma_wait3A, %dma_wait3A_47] : memref<10000x128xf32, #tpu.memory_space<hbm>> -> memref<10000x128xf32, #tpu.memory_space<hbm>>
      tpu.wait_indirect_dma semaphore(%arg20 : memref<!tpu.dma_semaphore, #tpu.memory_space<semaphore_mem>>) src(%dma_wait3A_48 : memref<10000x128xf32, #tpu.memory_space<hbm>>) dst(%arg17 : memref<128x128xf32, #tpu.memory_space<vmem>>)
      %dma_wait3A_49 = arith.constant 0 : i32
      %dma_wait3A_50 = arith.constant 0 : i32
      %dma_wait3A_51 = tpu.memref_slice %arg19[%dma_wait3A_49, %dma_wait3A_50] : memref<10112x128xf32, #tpu.memory_space<vmem_shared>> -> memref<10112x128xf32, #tpu.memory_space<vmem_shared>>
      tpu.wait_indirect_dma semaphore(%arg24 : memref<!tpu.dma_semaphore, #tpu.memory_space<semaphore_mem>>) src(%arg17 : memref<128x128xf32, #tpu.memory_space<vmem>>) dst(%dma_wait3A_51 : memref<10112x128xf32, #tpu.memory_space<vmem_shared>>)
      %dma_wait3A_52 = arith.constant 0 : i32
      %dma_wait3A_53 = arith.constant 0 : i32
      %dma_wait3A_54 = tpu.memref_slice %arg19[%dma_wait3A_52, %dma_wait3A_53] : memref<10112x128xf32, #tpu.memory_space<vmem_shared>> -> memref<10112x128xf32, #tpu.memory_space<vmem_shared>>
      tpu.wait_indirect_dma semaphore(%arg25 : memref<!tpu.dma_semaphore, #tpu.memory_space<semaphore_mem>>) src(%arg18 : memref<128x128xf32, #tpu.memory_space<vmem>>) dst(%dma_wait3A_54 : memref<10112x128xf32, #tpu.memory_space<vmem_shared>>)
    } else {
    }
    %barrier3A_17 = arith.constant 0 : index
    tpu.barrier barrier_id(%barrier3A_17)
    %eq3A_18 = arith.constant 0 : i32
    %eq3A_19 = arith.cmpi eq, %arg0, %eq3A_18 : i32
    %convert_element_type3A_20 = arith.extui %eq3A_19 : i1 to i32
    %cond3A_21 = arith.constant 0 : i32
    %cond3A_22 = arith.cmpi ne, %convert_element_type3A_20, %cond3A_21 : i32
    scf.if %cond3A_22 {
      "tpu.region"() ({
        %run_scoped3A = tpu.sem_alloc : memref<!tpu.dma_semaphore, #tpu.memory_space<semaphore_mem>>
        %dma_start3A = arith.constant 0 : i32
        %dma_start3A_28 = tpu.memref_slice %arg7[%mul3A_0, %dma_start3A] : memref<10112x128xf32, #tpu.memory_space<hbm>> -> memref<632x128xf32, #tpu.memory_space<hbm>>
        %dma_start3A_29 = arith.constant 0 : i32
        %dma_start3A_30 = tpu.memref_slice %arg19[%mul3A_0, %dma_start3A_29] : memref<10112x128xf32, #tpu.memory_space<vmem_shared>> -> memref<632x128xf32, #tpu.memory_space<vmem_shared>>
        tpu.enqueue_dma source(%dma_start3A_30 : memref<632x128xf32, #tpu.memory_space<vmem_shared>>) target(%dma_start3A_28 : memref<632x128xf32, #tpu.memory_space<hbm>>) target_semaphore(%run_scoped3A : memref<!tpu.dma_semaphore, #tpu.memory_space<semaphore_mem>>)
        %dma_wait3A = arith.constant 0 : i32
        %dma_wait3A_31 = tpu.memref_slice %arg7[%mul3A_0, %dma_wait3A] : memref<10112x128xf32, #tpu.memory_space<hbm>> -> memref<632x128xf32, #tpu.memory_space<hbm>>
        %dma_wait3A_32 = arith.constant 0 : i32
        %dma_wait3A_33 = tpu.memref_slice %arg19[%mul3A_0, %dma_wait3A_32] : memref<10112x128xf32, #tpu.memory_space<vmem_shared>> -> memref<632x128xf32, #tpu.memory_space<vmem_shared>>
        tpu.wait_dma2 semaphore(%run_scoped3A : memref<!tpu.dma_semaphore, #tpu.memory_space<semaphore_mem>>) src(%dma_wait3A_33 : memref<632x128xf32, #tpu.memory_space<vmem_shared>>) dst(%dma_wait3A_31 : memref<632x128xf32, #tpu.memory_space<hbm>>)
        tpu.yield
      }) : () -> ()
    } else {
    }
    %eq3A_23 = arith.constant 1 : i32
    %eq3A_24 = arith.cmpi eq, %arg0, %eq3A_23 : i32
    %convert_element_type3A_25 = arith.extui %eq3A_24 : i1 to i32
    %cond3A_26 = arith.constant 0 : i32
    %cond3A_27 = arith.cmpi ne, %convert_element_type3A_25, %cond3A_26 : i32
    scf.if %cond3A_27 {
      "tpu.region"() ({
        %run_scoped3A = tpu.sem_alloc : memref<!tpu.dma_semaphore, #tpu.memory_space<semaphore_mem>>
        %dma_start3A = arith.constant 0 : i32
        %dma_start3A_28 = tpu.memref_slice %arg8[%mul3A_0, %dma_start3A] : memref<10112x128xf32, #tpu.memory_space<hbm>> -> memref<632x128xf32, #tpu.memory_space<hbm>>
        %dma_start3A_29 = arith.constant 0 : i32
        %dma_start3A_30 = tpu.memref_slice %arg19[%mul3A_0, %dma_start3A_29] : memref<10112x128xf32, #tpu.memory_space<vmem_shared>> -> memref<632x128xf32, #tpu.memory_space<vmem_shared>>
        tpu.enqueue_dma source(%dma_start3A_30 : memref<632x128xf32, #tpu.memory_space<vmem_shared>>) target(%dma_start3A_28 : memref<632x128xf32, #tpu.memory_space<hbm>>) target_semaphore(%run_scoped3A : memref<!tpu.dma_semaphore, #tpu.memory_space<semaphore_mem>>)
        %dma_wait3A = arith.constant 0 : i32
        %dma_wait3A_31 = tpu.memref_slice %arg8[%mul3A_0, %dma_wait3A] : memref<10112x128xf32, #tpu.memory_space<hbm>> -> memref<632x128xf32, #tpu.memory_space<hbm>>
        %dma_wait3A_32 = arith.constant 0 : i32
        %dma_wait3A_33 = tpu.memref_slice %arg19[%mul3A_0, %dma_wait3A_32] : memref<10112x128xf32, #tpu.memory_space<vmem_shared>> -> memref<632x128xf32, #tpu.memory_space<vmem_shared>>
        tpu.wait_dma2 semaphore(%run_scoped3A : memref<!tpu.dma_semaphore, #tpu.memory_space<semaphore_mem>>) src(%dma_wait3A_33 : memref<632x128xf32, #tpu.memory_space<vmem_shared>>) dst(%dma_wait3A_31 : memref<632x128xf32, #tpu.memory_space<hbm>>)
        tpu.yield
      }) : () -> ()
    } else {
    }
    return
  }
}

module attributes {stable_mosaic.version = 14 : i64} {
  func.func @_fc_body(%arg0: i32, %arg1: memref<1000x128xf32, #tpu.memory_space<vmem>>, %arg2: memref<128x128xf32, #tpu.memory_space<vmem>>, %arg3: memref<1x128xf32, #tpu.memory_space<vmem>>, %arg4: memref<1000x128xf32, #tpu.memory_space<vmem>>, %arg5: memref<1x128xf32, #tpu.memory_space<vmem>>) attributes {dimension_semantics = [#tpu.dimension_semantics<arbitrary>], iteration_bounds = array<i64: 10>, scalar_prefetch = 0 : i64, scratch_operands = 0 : i64, tpu.core_type = #tpu.core_type<tc>, window_params = [{transform_indices = @transform_0, window_bounds = array<i64: 1000, 128>}, {pipeline_mode = #tpu.pipeline_mode<synchronous>, transform_indices = @transform_1, window_bounds = array<i64: 128, 128>}, {pipeline_mode = #tpu.pipeline_mode<synchronous>, transform_indices = @transform_2, window_bounds = array<i64: 1, 128>}, {transform_indices = @transform_3, window_bounds = array<i64: 1000, 128>}, {pipeline_mode = #tpu.pipeline_mode<synchronous>, transform_indices = @transform_4, window_bounds = array<i64: 1, 128>}]} {
    %get3A = arith.constant 0 : index
    %get3A_0 = arith.constant 0 : index
    %get3A_1 = vector.load %arg1[%get3A, %get3A_0] : memref<1000x128xf32, #tpu.memory_space<vmem>>, vector<1000x128xf32>
    %get3A_2 = arith.constant 0 : index
    %get3A_3 = arith.constant 0 : index
    %get3A_4 = vector.load %arg2[%get3A_2, %get3A_3] : memref<128x128xf32, #tpu.memory_space<vmem>>, vector<128x128xf32>
    %dot_general3A = arith.constant dense<0.000000e+00> : vector<1000x128xf32>
    %dot_general3A_5 = tpu.matmul %get3A_1, %get3A_4, %dot_general3A {dimension_numbers = #tpu.dot_dimension_numbers<[1], [0], [0], [1], [0, 0, 1, 1], [], []>, transpose_lhs_hint = false} : vector<1000x128xf32>, vector<128x128xf32>, vector<1000x128xf32> -> vector<1000x128xf32>
    %get3A_6 = arith.constant 0 : index
    %get3A_7 = arith.constant 0 : index
    %get3A_8 = vector.load %arg3[%get3A_6, %get3A_7] : memref<1x128xf32, #tpu.memory_space<vmem>>, vector<1x128xf32>
    %add3A = vector.broadcast %get3A_8 : vector<1x128xf32> to vector<1000x128xf32>
    %add3A_9 = arith.addf %dot_general3A_5, %add3A : vector<1000x128xf32>
    %max3A = arith.constant 0.000000e+00 : f32
    %max3A_10 = vector.broadcast %max3A : f32 to vector<1000x128xf32>
    %max3A_11 = arith.maximumf %add3A_9, %max3A_10 : vector<1000x128xf32>
    %swap3A = arith.constant 0 : index
    %swap3A_12 = arith.constant 0 : index
    %swap3A_13 = vector.load %arg4[%swap3A, %swap3A_12] : memref<1000x128xf32, #tpu.memory_space<vmem>>, vector<1000x128xf32>
    tpu.vector_store %arg4[%swap3A, %swap3A_12], %max3A_11 {strides = array<i32>} : memref<1000x128xf32, #tpu.memory_space<vmem>>, vector<1000x128xf32>,
    %reduce_max3A = arith.constant dense<0xFF800000> : vector<128xf32>
    %reduce_max3A_14 = vector.multi_reduction <maximumf>, %max3A_11, %reduce_max3A [0] : vector<1000x128xf32> to vector<128xf32>
    %broadcast_in_dim3A = vector.shape_cast %reduce_max3A_14 : vector<128xf32> to vector<1x128xf32>
    %add3A_15 = arith.constant 1.000000e-07 : f32
    %add3A_16 = vector.broadcast %add3A_15 : f32 to vector<1x128xf32>
    %add3A_17 = arith.addf %broadcast_in_dim3A, %add3A_16 : vector<1x128xf32>
    %eq3A = arith.constant 0 : i32
    %eq3A_18 = arith.cmpi eq, %arg0, %eq3A : i32
    %convert_element_type3A = arith.extui %eq3A_18 : i1 to i32
    %cond3A = arith.constant 0 : i32
    %cond3A_19 = arith.cmpi ne, %convert_element_type3A, %cond3A : i32
    scf.if %cond3A_19 {
      %swap3A_27 = arith.constant 0 : index
      %swap3A_28 = arith.constant 0 : index
      %swap3A_29 = vector.load %arg5[%swap3A_27, %swap3A_28] : memref<1x128xf32, #tpu.memory_space<vmem>>, vector<1x128xf32>
      tpu.vector_store %arg5[%swap3A_27, %swap3A_28], %add3A_17 {strides = array<i32>} : memref<1x128xf32, #tpu.memory_space<vmem>>, vector<1x128xf32>,
    } else {
    }
    %get3A_20 = arith.constant 0 : index
    %get3A_21 = arith.constant 0 : index
    %get3A_22 = vector.load %arg5[%get3A_20, %get3A_21] : memref<1x128xf32, #tpu.memory_space<vmem>>, vector<1x128xf32>
    %max3A_23 = arith.maximumf %get3A_22, %add3A_17 : vector<1x128xf32>
    %swap3A_24 = arith.constant 0 : index
    %swap3A_25 = arith.constant 0 : index
    %swap3A_26 = vector.load %arg5[%swap3A_24, %swap3A_25] : memref<1x128xf32, #tpu.memory_space<vmem>>, vector<1x128xf32>
    tpu.vector_store %arg5[%swap3A_24, %swap3A_25], %max3A_23 {strides = array<i32>} : memref<1x128xf32, #tpu.memory_space<vmem>>, vector<1x128xf32>,
    return
  }
  func.func @transform_0(%arg0: i32) -> (i32, i32) {
    %c0_i32 = arith.constant 0 : i32
    %c0_i32_0 = arith.constant 0 : i32
    return %arg0, %c0_i32 : i32, i32
  }
  func.func @transform_1(%arg0: i32) -> (i32, i32) {
    %c0_i32 = arith.constant 0 : i32
    %c0_i32_0 = arith.constant 0 : i32
    %c0_i32_1 = arith.constant 0 : i32
    return %c0_i32, %c0_i32_0 : i32, i32
  }
  func.func @transform_2(%arg0: i32) -> (i32, i32) {
    %c0_i32 = arith.constant 0 : i32
    %c0_i32_0 = arith.constant 0 : i32
    %c0_i32_1 = arith.constant 0 : i32
    return %c0_i32, %c0_i32_0 : i32, i32
  }
  func.func @transform_3(%arg0: i32) -> (i32, i32) {
    %c0_i32 = arith.constant 0 : i32
    %c0_i32_0 = arith.constant 0 : i32
    return %arg0, %c0_i32 : i32, i32
  }
  func.func @transform_4(%arg0: i32) -> (i32, i32) {
    %c0_i32 = arith.constant 0 : i32
    %c0_i32_0 = arith.constant 0 : i32
    %c0_i32_1 = arith.constant 0 : i32
    return %c0_i32, %c0_i32_0 : i32, i32
  }
}

module attributes {stable_mosaic.version = 14 : i64} {
  func.func @_prep_body(%arg0: i32, %arg1: memref<1000x128xf32, #tpu.memory_space<vmem>>, %arg2: memref<1x128xf32, #tpu.memory_space<vmem>>, %arg3: memref<1x1xf32, #tpu.memory_space<vmem>>, %arg4: memref<1000x128xf32, #tpu.memory_space<vmem>>, %arg5: memref<1000x128xf32, #tpu.memory_space<vmem>>) attributes {dimension_semantics = [#tpu.dimension_semantics<arbitrary>], iteration_bounds = array<i64: 10>, scalar_prefetch = 0 : i64, scratch_operands = 0 : i64, tpu.core_type = #tpu.core_type<tc>, window_params = [{transform_indices = @transform_0, window_bounds = array<i64: 1000, 128>}, {pipeline_mode = #tpu.pipeline_mode<synchronous>, transform_indices = @transform_1, window_bounds = array<i64: 1, 128>}, {pipeline_mode = #tpu.pipeline_mode<synchronous>, transform_indices = @transform_2, window_bounds = array<i64: 1, 1>}, {transform_indices = @transform_3, window_bounds = array<i64: 1000, 128>}, {transform_indices = @transform_4, window_bounds = array<i64: 1000, 128>}]} {
    %get3A = arith.constant 0 : index
    %get3A_0 = arith.constant 0 : index
    %get3A_1 = vector.load %arg1[%get3A, %get3A_0] : memref<1000x128xf32, #tpu.memory_space<vmem>>, vector<1000x128xf32>
    %max3A = arith.constant 0.000000e+00 : f32
    %max3A_2 = vector.broadcast %max3A : f32 to vector<1000x128xf32>
    %max3A_3 = arith.maximumf %get3A_1, %max3A_2 : vector<1000x128xf32>
    %add3A = arith.constant 1.000000e-07 : f32
    %add3A_4 = vector.broadcast %add3A : f32 to vector<1000x128xf32>
    %add3A_5 = arith.addf %max3A_3, %add3A_4 : vector<1000x128xf32>
    %get3A_6 = arith.constant 0 : index
    %get3A_7 = arith.constant 0 : index
    %get3A_8 = vector.load %arg3[%get3A_6, %get3A_7] : memref<1x1xf32, #tpu.memory_space<vmem>>, vector<1x1xf32>
    %get3A_9 = vector.extract %get3A_8[0, 0] : f32 from vector<1x1xf32>
    %get3A_10 = arith.constant 0 : index
    %get3A_11 = arith.constant 0 : index
    %get3A_12 = vector.load %arg2[%get3A_10, %get3A_11] : memref<1x128xf32, #tpu.memory_space<vmem>>, vector<1x128xf32>
    %sub3A = vector.broadcast %get3A_12 : vector<1x128xf32> to vector<1000x128xf32>
    %sub3A_13 = arith.subf %add3A_5, %sub3A : vector<1000x128xf32>
    %mul3A = vector.broadcast %get3A_9 : f32 to vector<1000x128xf32>
    %mul3A_14 = arith.mulf %mul3A, %sub3A_13 : vector<1000x128xf32>
    %exp3A = math.exp %mul3A_14 : vector<1000x128xf32>
    %mul3A_15 = arith.mulf %add3A_5, %exp3A : vector<1000x128xf32>
    %swap3A = arith.constant 0 : index
    %swap3A_16 = arith.constant 0 : index
    %swap3A_17 = vector.load %arg4[%swap3A, %swap3A_16] : memref<1000x128xf32, #tpu.memory_space<vmem>>, vector<1000x128xf32>
    tpu.vector_store %arg4[%swap3A, %swap3A_16], %mul3A_15 {strides = array<i32>} : memref<1000x128xf32, #tpu.memory_space<vmem>>, vector<1000x128xf32>,
    %swap3A_18 = arith.constant 0 : index
    %swap3A_19 = arith.constant 0 : index
    %swap3A_20 = vector.load %arg5[%swap3A_18, %swap3A_19] : memref<1000x128xf32, #tpu.memory_space<vmem>>, vector<1000x128xf32>
    tpu.vector_store %arg5[%swap3A_18, %swap3A_19], %exp3A {strides = array<i32>} : memref<1000x128xf32, #tpu.memory_space<vmem>>, vector<1000x128xf32>,
    return
  }
  func.func @transform_0(%arg0: i32) -> (i32, i32) {
    %c0_i32 = arith.constant 0 : i32
    %c0_i32_0 = arith.constant 0 : i32
    return %arg0, %c0_i32 : i32, i32
  }
  func.func @transform_1(%arg0: i32) -> (i32, i32) {
    %c0_i32 = arith.constant 0 : i32
    %c0_i32_0 = arith.constant 0 : i32
    %c0_i32_1 = arith.constant 0 : i32
    return %c0_i32, %c0_i32_0 : i32, i32
  }
  func.func @transform_2(%arg0: i32) -> (i32, i32) {
    %c0_i32 = arith.constant 0 : i32
    %c0_i32_0 = arith.constant 0 : i32
    %c0_i32_1 = arith.constant 0 : i32
    return %c0_i32, %c0_i32_0 : i32, i32
  }
  func.func @transform_3(%arg0: i32) -> (i32, i32) {
    %c0_i32 = arith.constant 0 : i32
    %c0_i32_0 = arith.constant 0 : i32
    return %arg0, %c0_i32 : i32, i32
  }
  func.func @transform_4(%arg0: i32) -> (i32, i32) {
    %c0_i32 = arith.constant 0 : i32
    %c0_i32_0 = arith.constant 0 : i32
    return %arg0, %c0_i32 : i32, i32
  }
}

module attributes {stable_mosaic.version = 14 : i64} {
  func.func @_post_body(%arg0: i32, %arg1: memref<1000x128xf32, #tpu.memory_space<vmem>>, %arg2: memref<1000x128xf32, #tpu.memory_space<vmem>>, %arg3: memref<1000x128xf32, #tpu.memory_space<vmem>>, %arg4: memref<128x256xf32, #tpu.memory_space<vmem>>, %arg5: memref<1x256xf32, #tpu.memory_space<vmem>>, %arg6: memref<1x256xf32, #tpu.memory_space<vmem>>, %arg7: memref<1x256xf32, #tpu.memory_space<vmem>>, %arg8: memref<256x128xf32, #tpu.memory_space<vmem>>, %arg9: memref<1x128xf32, #tpu.memory_space<vmem>>, %arg10: memref<1x128xf32, #tpu.memory_space<vmem>>, %arg11: memref<1x128xf32, #tpu.memory_space<vmem>>, %arg12: memref<1000x128xf32, #tpu.memory_space<vmem>>, %arg13: memref<1x128xf32, #tpu.memory_space<vmem>>) attributes {dimension_semantics = [#tpu.dimension_semantics<arbitrary>], iteration_bounds = array<i64: 10>, scalar_prefetch = 0 : i64, scratch_operands = 0 : i64, tpu.core_type = #tpu.core_type<tc>, window_params = [{transform_indices = @transform_0, window_bounds = array<i64: 1000, 128>}, {transform_indices = @transform_1, window_bounds = array<i64: 1000, 128>}, {transform_indices = @transform_2, window_bounds = array<i64: 1000, 128>}, {pipeline_mode = #tpu.pipeline_mode<synchronous>, transform_indices = @transform_3, window_bounds = array<i64: 128, 256>}, {pipeline_mode = #tpu.pipeline_mode<synchronous>, transform_indices = @transform_4, window_bounds = array<i64: 1, 256>}, {pipeline_mode = #tpu.pipeline_mode<synchronous>, transform_indices = @transform_5, window_bounds = array<i64: 1, 256>}, {pipeline_mode = #tpu.pipeline_mode<synchronous>, transform_indices = @transform_6, window_bounds = array<i64: 1, 256>}, {pipeline_mode = #tpu.pipeline_mode<synchronous>, transform_indices = @transform_7, window_bounds = array<i64: 256, 128>}, {pipeline_mode = #tpu.pipeline_mode<synchronous>, transform_indices = @transform_8, window_bounds = array<i64: 1, 128>}, {pipeline_mode = #tpu.pipeline_mode<synchronous>, transform_indices = @transform_9, window_bounds = array<i64: 1, 128>}, {pipeline_mode = #tpu.pipeline_mode<synchronous>, transform_indices = @transform_10, window_bounds = array<i64: 1, 128>}, {transform_indices = @transform_11, window_bounds = array<i64: 1000, 128>}, {pipeline_mode = #tpu.pipeline_mode<synchronous>, transform_indices = @transform_12, window_bounds = array<i64: 1, 128>}]} {
    %get3A = arith.constant 0 : index
    %get3A_0 = arith.constant 0 : index
    %get3A_1 = vector.load %arg3[%get3A, %get3A_0] : memref<1000x128xf32, #tpu.memory_space<vmem>>, vector<1000x128xf32>
    %get3A_2 = arith.constant 0 : index
    %get3A_3 = arith.constant 0 : index
    %get3A_4 = vector.load %arg1[%get3A_2, %get3A_3] : memref<1000x128xf32, #tpu.memory_space<vmem>>, vector<1000x128xf32>
    %get3A_5 = arith.constant 0 : index
    %get3A_6 = arith.constant 0 : index
    %get3A_7 = vector.load %arg2[%get3A_5, %get3A_6] : memref<1000x128xf32, #tpu.memory_space<vmem>>, vector<1000x128xf32>
    %add3A = arith.constant 1.000000e-16 : f32
    %add3A_8 = vector.broadcast %add3A : f32 to vector<1000x128xf32>
    %add3A_9 = arith.addf %get3A_7, %add3A_8 : vector<1000x128xf32>
    %div3A = arith.divf %get3A_4, %add3A_9 : vector<1000x128xf32>
    %add3A_10 = arith.addf %div3A, %get3A_1 : vector<1000x128xf32>
    %get3A_11 = arith.constant 0 : index
    %get3A_12 = arith.constant 0 : index
    %get3A_13 = vector.load %arg4[%get3A_11, %get3A_12] : memref<128x256xf32, #tpu.memory_space<vmem>>, vector<128x256xf32>
    %dot_general3A = arith.constant dense<0.000000e+00> : vector<1000x256xf32>
    %dot_general3A_14 = tpu.matmul %add3A_10, %get3A_13, %dot_general3A {dimension_numbers = #tpu.dot_dimension_numbers<[1], [0], [0], [1], [0, 0, 1, 1], [], []>, transpose_lhs_hint = false} : vector<1000x128xf32>, vector<128x256xf32>, vector<1000x256xf32> -> vector<1000x256xf32>
    %get3A_15 = arith.constant 0 : index
    %get3A_16 = arith.constant 0 : index
    %get3A_17 = vector.load %arg5[%get3A_15, %get3A_16] : memref<1x256xf32, #tpu.memory_space<vmem>>, vector<1x256xf32>
    %add3A_18 = vector.broadcast %get3A_17 : vector<1x256xf32> to vector<1000x256xf32>
    %add3A_19 = arith.addf %dot_general3A_14, %add3A_18 : vector<1000x256xf32>
    %reduce_sum3A = arith.constant dense<0.000000e+00> : vector<1000xf32>
    %reduce_sum3A_20 = vector.multi_reduction <add>, %add3A_19, %reduce_sum3A [1] : vector<1000x256xf32> to vector<1000xf32>
    %broadcast_in_dim3A = vector.shape_cast %reduce_sum3A_20 : vector<1000xf32> to vector<1000x1xf32>
    %div3A_21 = arith.constant 2.560000e+02 : f32
    %div3A_22 = vector.broadcast %div3A_21 : f32 to vector<1000x1xf32>
    %div3A_23 = arith.divf %broadcast_in_dim3A, %div3A_22 : vector<1000x1xf32>
    %sub3A = vector.broadcast %div3A_23 : vector<1000x1xf32> to vector<1000x256xf32>
    %sub3A_24 = arith.subf %add3A_19, %sub3A : vector<1000x256xf32>
    %mul3A = arith.mulf %sub3A_24, %sub3A_24 : vector<1000x256xf32>
    %reduce_sum3A_25 = arith.constant dense<0.000000e+00> : vector<1000xf32>
    %reduce_sum3A_26 = vector.multi_reduction <add>, %mul3A, %reduce_sum3A_25 [1] : vector<1000x256xf32> to vector<1000xf32>
    %broadcast_in_dim3A_27 = vector.shape_cast %reduce_sum3A_26 : vector<1000xf32> to vector<1000x1xf32>
    %div3A_28 = arith.constant 2.560000e+02 : f32
    %div3A_29 = vector.broadcast %div3A_28 : f32 to vector<1000x1xf32>
    %div3A_30 = arith.divf %broadcast_in_dim3A_27, %div3A_29 : vector<1000x1xf32>
    %add3A_31 = arith.constant 9.99999974E-6 : f32
    %add3A_32 = vector.broadcast %add3A_31 : f32 to vector<1000x1xf32>
    %add3A_33 = arith.addf %div3A_30, %add3A_32 : vector<1000x1xf32>
    %rsqrt3A = math.rsqrt %add3A_33 : vector<1000x1xf32>
    %mul3A_34 = vector.broadcast %rsqrt3A : vector<1000x1xf32> to vector<1000x256xf32>
    %mul3A_35 = arith.mulf %sub3A_24, %mul3A_34 : vector<1000x256xf32>
    %get3A_36 = arith.constant 0 : index
    %get3A_37 = arith.constant 0 : index
    %get3A_38 = vector.load %arg6[%get3A_36, %get3A_37] : memref<1x256xf32, #tpu.memory_space<vmem>>, vector<1x256xf32>
    %mul3A_39 = vector.broadcast %get3A_38 : vector<1x256xf32> to vector<1000x256xf32>
    %mul3A_40 = arith.mulf %mul3A_35, %mul3A_39 : vector<1000x256xf32>
    %get3A_41 = arith.constant 0 : index
    %get3A_42 = arith.constant 0 : index
    %get3A_43 = vector.load %arg7[%get3A_41, %get3A_42] : memref<1x256xf32, #tpu.memory_space<vmem>>, vector<1x256xf32>
    %add3A_44 = vector.broadcast %get3A_43 : vector<1x256xf32> to vector<1000x256xf32>
    %add3A_45 = arith.addf %mul3A_40, %add3A_44 : vector<1000x256xf32>
    %max3A = arith.constant 0.000000e+00 : f32
    %max3A_46 = vector.broadcast %max3A : f32 to vector<1000x256xf32>
    %max3A_47 = arith.maximumf %add3A_45, %max3A_46 : vector<1000x256xf32>
    %get3A_48 = arith.constant 0 : index
    %get3A_49 = arith.constant 0 : index
    %get3A_50 = vector.load %arg8[%get3A_48, %get3A_49] : memref<256x128xf32, #tpu.memory_space<vmem>>, vector<256x128xf32>
    %dot_general3A_51 = arith.constant dense<0.000000e+00> : vector<1000x128xf32>
    %dot_general3A_52 = tpu.matmul %max3A_47, %get3A_50, %dot_general3A_51 {dimension_numbers = #tpu.dot_dimension_numbers<[1], [0], [0], [1], [0, 0, 1, 1], [], []>, transpose_lhs_hint = false} : vector<1000x256xf32>, vector<256x128xf32>, vector<1000x128xf32> -> vector<1000x128xf32>
    %get3A_53 = arith.constant 0 : index
    %get3A_54 = arith.constant 0 : index
    %get3A_55 = vector.load %arg9[%get3A_53, %get3A_54] : memref<1x128xf32, #tpu.memory_space<vmem>>, vector<1x128xf32>
    %add3A_56 = vector.broadcast %get3A_55 : vector<1x128xf32> to vector<1000x128xf32>
    %add3A_57 = arith.addf %dot_general3A_52, %add3A_56 : vector<1000x128xf32>
    %swap3A = arith.constant 0 : index
    %swap3A_58 = arith.constant 0 : index
    %swap3A_59 = vector.load %arg12[%swap3A, %swap3A_58] : memref<1000x128xf32, #tpu.memory_space<vmem>>, vector<1000x128xf32>
    tpu.vector_store %arg12[%swap3A, %swap3A_58], %add3A_57 {strides = array<i32>} : memref<1000x128xf32, #tpu.memory_space<vmem>>, vector<1000x128xf32>,
    %max3A_60 = arith.constant 0.000000e+00 : f32
    %max3A_61 = vector.broadcast %max3A_60 : f32 to vector<1000x128xf32>
    %max3A_62 = arith.maximumf %add3A_57, %max3A_61 : vector<1000x128xf32>
    %reduce_max3A = arith.constant dense<0xFF800000> : vector<128xf32>
    %reduce_max3A_63 = vector.multi_reduction <maximumf>, %max3A_62, %reduce_max3A [0] : vector<1000x128xf32> to vector<128xf32>
    %broadcast_in_dim3A_64 = vector.shape_cast %reduce_max3A_63 : vector<128xf32> to vector<1x128xf32>
    %add3A_65 = arith.constant 1.000000e-07 : f32
    %add3A_66 = vector.broadcast %add3A_65 : f32 to vector<1x128xf32>
    %add3A_67 = arith.addf %broadcast_in_dim3A_64, %add3A_66 : vector<1x128xf32>
    %eq3A = arith.constant 0 : i32
    %eq3A_68 = arith.cmpi eq, %arg0, %eq3A : i32
    %convert_element_type3A = arith.extui %eq3A_68 : i1 to i32
    %cond3A = arith.constant 0 : i32
    %cond3A_69 = arith.cmpi ne, %convert_element_type3A, %cond3A : i32
    scf.if %cond3A_69 {
      %swap3A_77 = arith.constant 0 : index
      %swap3A_78 = arith.constant 0 : index
      %swap3A_79 = vector.load %arg13[%swap3A_77, %swap3A_78] : memref<1x128xf32, #tpu.memory_space<vmem>>, vector<1x128xf32>
      tpu.vector_store %arg13[%swap3A_77, %swap3A_78], %add3A_67 {strides = array<i32>} : memref<1x128xf32, #tpu.memory_space<vmem>>, vector<1x128xf32>,
    } else {
    }
    %get3A_70 = arith.constant 0 : index
    %get3A_71 = arith.constant 0 : index
    %get3A_72 = vector.load %arg13[%get3A_70, %get3A_71] : memref<1x128xf32, #tpu.memory_space<vmem>>, vector<1x128xf32>
    %max3A_73 = arith.maximumf %get3A_72, %add3A_67 : vector<1x128xf32>
    %swap3A_74 = arith.constant 0 : index
    %swap3A_75 = arith.constant 0 : index
    %swap3A_76 = vector.load %arg13[%swap3A_74, %swap3A_75] : memref<1x128xf32, #tpu.memory_space<vmem>>, vector<1x128xf32>
    tpu.vector_store %arg13[%swap3A_74, %swap3A_75], %max3A_73 {strides = array<i32>} : memref<1x128xf32, #tpu.memory_space<vmem>>, vector<1x128xf32>,
    return
  }
  func.func @transform_0(%arg0: i32) -> (i32, i32) {
    %c0_i32 = arith.constant 0 : i32
    %c0_i32_0 = arith.constant 0 : i32
    return %arg0, %c0_i32 : i32, i32
  }
  func.func @transform_1(%arg0: i32) -> (i32, i32) {
    %c0_i32 = arith.constant 0 : i32
    %c0_i32_0 = arith.constant 0 : i32
    return %arg0, %c0_i32 : i32, i32
  }
  func.func @transform_2(%arg0: i32) -> (i32, i32) {
    %c0_i32 = arith.constant 0 : i32
    %c0_i32_0 = arith.constant 0 : i32
    return %arg0, %c0_i32 : i32, i32
  }
  func.func @transform_3(%arg0: i32) -> (i32, i32) {
    %c0_i32 = arith.constant 0 : i32
    %c0_i32_0 = arith.constant 0 : i32
    %c0_i32_1 = arith.constant 0 : i32
    return %c0_i32, %c0_i32_0 : i32, i32
  }
  func.func @transform_4(%arg0: i32) -> (i32, i32) {
    %c0_i32 = arith.constant 0 : i32
    %c0_i32_0 = arith.constant 0 : i32
    %c0_i32_1 = arith.constant 0 : i32
    return %c0_i32, %c0_i32_0 : i32, i32
  }
  func.func @transform_5(%arg0: i32) -> (i32, i32) {
    %c0_i32 = arith.constant 0 : i32
    %c0_i32_0 = arith.constant 0 : i32
    %c0_i32_1 = arith.constant 0 : i32
    return %c0_i32, %c0_i32_0 : i32, i32
  }
  func.func @transform_6(%arg0: i32) -> (i32, i32) {
    %c0_i32 = arith.constant 0 : i32
    %c0_i32_0 = arith.constant 0 : i32
    %c0_i32_1 = arith.constant 0 : i32
    return %c0_i32, %c0_i32_0 : i32, i32
  }
  func.func @transform_7(%arg0: i32) -> (i32, i32) {
    %c0_i32 = arith.constant 0 : i32
    %c0_i32_0 = arith.constant 0 : i32
    %c0_i32_1 = arith.constant 0 : i32
    return %c0_i32, %c0_i32_0 : i32, i32
  }
  func.func @transform_8(%arg0: i32) -> (i32, i32) {
    %c0_i32 = arith.constant 0 : i32
    %c0_i32_0 = arith.constant 0 : i32
    %c0_i32_1 = arith.constant 0 : i32
    return %c0_i32, %c0_i32_0 : i32, i32
  }
  func.func @transform_9(%arg0: i32) -> (i32, i32) {
    %c0_i32 = arith.constant 0 : i32
    %c0_i32_0 = arith.constant 0 : i32
    %c0_i32_1 = arith.constant 0 : i32
    return %c0_i32, %c0_i32_0 : i32, i32
  }
  func.func @transform_10(%arg0: i32) -> (i32, i32) {
    %c0_i32 = arith.constant 0 : i32
    %c0_i32_0 = arith.constant 0 : i32
    %c0_i32_1 = arith.constant 0 : i32
    return %c0_i32, %c0_i32_0 : i32, i32
  }
  func.func @transform_11(%arg0: i32) -> (i32, i32) {
    %c0_i32 = arith.constant 0 : i32
    %c0_i32_0 = arith.constant 0 : i32
    return %arg0, %c0_i32 : i32, i32
  }
  func.func @transform_12(%arg0: i32) -> (i32, i32) {
    %c0_i32 = arith.constant 0 : i32
    %c0_i32_0 = arith.constant 0 : i32
    %c0_i32_1 = arith.constant 0 : i32
    return %c0_i32, %c0_i32_0 : i32, i32
  }
}

module attributes {stable_mosaic.version = 14 : i64} {
  func.func @_post_body(%arg0: i32, %arg1: memref<1000x128xf32, #tpu.memory_space<vmem>>, %arg2: memref<1000x128xf32, #tpu.memory_space<vmem>>, %arg3: memref<1000x128xf32, #tpu.memory_space<vmem>>, %arg4: memref<128x256xf32, #tpu.memory_space<vmem>>, %arg5: memref<1x256xf32, #tpu.memory_space<vmem>>, %arg6: memref<1x256xf32, #tpu.memory_space<vmem>>, %arg7: memref<1x256xf32, #tpu.memory_space<vmem>>, %arg8: memref<256x128xf32, #tpu.memory_space<vmem>>, %arg9: memref<1x128xf32, #tpu.memory_space<vmem>>, %arg10: memref<1x128xf32, #tpu.memory_space<vmem>>, %arg11: memref<1x128xf32, #tpu.memory_space<vmem>>, %arg12: memref<1000x128xf32, #tpu.memory_space<vmem>>, %arg13: memref<1x128xf32, #tpu.memory_space<vmem>>) attributes {dimension_semantics = [#tpu.dimension_semantics<arbitrary>], iteration_bounds = array<i64: 10>, scalar_prefetch = 0 : i64, scratch_operands = 0 : i64, tpu.core_type = #tpu.core_type<tc>, window_params = [{transform_indices = @transform_0, window_bounds = array<i64: 1000, 128>}, {transform_indices = @transform_1, window_bounds = array<i64: 1000, 128>}, {transform_indices = @transform_2, window_bounds = array<i64: 1000, 128>}, {pipeline_mode = #tpu.pipeline_mode<synchronous>, transform_indices = @transform_3, window_bounds = array<i64: 128, 256>}, {pipeline_mode = #tpu.pipeline_mode<synchronous>, transform_indices = @transform_4, window_bounds = array<i64: 1, 256>}, {pipeline_mode = #tpu.pipeline_mode<synchronous>, transform_indices = @transform_5, window_bounds = array<i64: 1, 256>}, {pipeline_mode = #tpu.pipeline_mode<synchronous>, transform_indices = @transform_6, window_bounds = array<i64: 1, 256>}, {pipeline_mode = #tpu.pipeline_mode<synchronous>, transform_indices = @transform_7, window_bounds = array<i64: 256, 128>}, {pipeline_mode = #tpu.pipeline_mode<synchronous>, transform_indices = @transform_8, window_bounds = array<i64: 1, 128>}, {pipeline_mode = #tpu.pipeline_mode<synchronous>, transform_indices = @transform_9, window_bounds = array<i64: 1, 128>}, {pipeline_mode = #tpu.pipeline_mode<synchronous>, transform_indices = @transform_10, window_bounds = array<i64: 1, 128>}, {transform_indices = @transform_11, window_bounds = array<i64: 1000, 128>}, {pipeline_mode = #tpu.pipeline_mode<synchronous>, transform_indices = @transform_12, window_bounds = array<i64: 1, 128>}]} {
    %get3A = arith.constant 0 : index
    %get3A_0 = arith.constant 0 : index
    %get3A_1 = vector.load %arg3[%get3A, %get3A_0] : memref<1000x128xf32, #tpu.memory_space<vmem>>, vector<1000x128xf32>
    %get3A_2 = arith.constant 0 : index
    %get3A_3 = arith.constant 0 : index
    %get3A_4 = vector.load %arg1[%get3A_2, %get3A_3] : memref<1000x128xf32, #tpu.memory_space<vmem>>, vector<1000x128xf32>
    %get3A_5 = arith.constant 0 : index
    %get3A_6 = arith.constant 0 : index
    %get3A_7 = vector.load %arg2[%get3A_5, %get3A_6] : memref<1000x128xf32, #tpu.memory_space<vmem>>, vector<1000x128xf32>
    %add3A = arith.constant 1.000000e-16 : f32
    %add3A_8 = vector.broadcast %add3A : f32 to vector<1000x128xf32>
    %add3A_9 = arith.addf %get3A_7, %add3A_8 : vector<1000x128xf32>
    %div3A = arith.divf %get3A_4, %add3A_9 : vector<1000x128xf32>
    %add3A_10 = arith.addf %div3A, %get3A_1 : vector<1000x128xf32>
    %get3A_11 = arith.constant 0 : index
    %get3A_12 = arith.constant 0 : index
    %get3A_13 = vector.load %arg4[%get3A_11, %get3A_12] : memref<128x256xf32, #tpu.memory_space<vmem>>, vector<128x256xf32>
    %dot_general3A = arith.constant dense<0.000000e+00> : vector<1000x256xf32>
    %dot_general3A_14 = tpu.matmul %add3A_10, %get3A_13, %dot_general3A {dimension_numbers = #tpu.dot_dimension_numbers<[1], [0], [0], [1], [0, 0, 1, 1], [], []>, transpose_lhs_hint = false} : vector<1000x128xf32>, vector<128x256xf32>, vector<1000x256xf32> -> vector<1000x256xf32>
    %get3A_15 = arith.constant 0 : index
    %get3A_16 = arith.constant 0 : index
    %get3A_17 = vector.load %arg5[%get3A_15, %get3A_16] : memref<1x256xf32, #tpu.memory_space<vmem>>, vector<1x256xf32>
    %add3A_18 = vector.broadcast %get3A_17 : vector<1x256xf32> to vector<1000x256xf32>
    %add3A_19 = arith.addf %dot_general3A_14, %add3A_18 : vector<1000x256xf32>
    %reduce_sum3A = arith.constant dense<0.000000e+00> : vector<1000xf32>
    %reduce_sum3A_20 = vector.multi_reduction <add>, %add3A_19, %reduce_sum3A [1] : vector<1000x256xf32> to vector<1000xf32>
    %broadcast_in_dim3A = vector.shape_cast %reduce_sum3A_20 : vector<1000xf32> to vector<1000x1xf32>
    %div3A_21 = arith.constant 2.560000e+02 : f32
    %div3A_22 = vector.broadcast %div3A_21 : f32 to vector<1000x1xf32>
    %div3A_23 = arith.divf %broadcast_in_dim3A, %div3A_22 : vector<1000x1xf32>
    %sub3A = vector.broadcast %div3A_23 : vector<1000x1xf32> to vector<1000x256xf32>
    %sub3A_24 = arith.subf %add3A_19, %sub3A : vector<1000x256xf32>
    %mul3A = arith.mulf %sub3A_24, %sub3A_24 : vector<1000x256xf32>
    %reduce_sum3A_25 = arith.constant dense<0.000000e+00> : vector<1000xf32>
    %reduce_sum3A_26 = vector.multi_reduction <add>, %mul3A, %reduce_sum3A_25 [1] : vector<1000x256xf32> to vector<1000xf32>
    %broadcast_in_dim3A_27 = vector.shape_cast %reduce_sum3A_26 : vector<1000xf32> to vector<1000x1xf32>
    %div3A_28 = arith.constant 2.560000e+02 : f32
    %div3A_29 = vector.broadcast %div3A_28 : f32 to vector<1000x1xf32>
    %div3A_30 = arith.divf %broadcast_in_dim3A_27, %div3A_29 : vector<1000x1xf32>
    %add3A_31 = arith.constant 9.99999974E-6 : f32
    %add3A_32 = vector.broadcast %add3A_31 : f32 to vector<1000x1xf32>
    %add3A_33 = arith.addf %div3A_30, %add3A_32 : vector<1000x1xf32>
    %rsqrt3A = math.rsqrt %add3A_33 : vector<1000x1xf32>
    %mul3A_34 = vector.broadcast %rsqrt3A : vector<1000x1xf32> to vector<1000x256xf32>
    %mul3A_35 = arith.mulf %sub3A_24, %mul3A_34 : vector<1000x256xf32>
    %get3A_36 = arith.constant 0 : index
    %get3A_37 = arith.constant 0 : index
    %get3A_38 = vector.load %arg6[%get3A_36, %get3A_37] : memref<1x256xf32, #tpu.memory_space<vmem>>, vector<1x256xf32>
    %mul3A_39 = vector.broadcast %get3A_38 : vector<1x256xf32> to vector<1000x256xf32>
    %mul3A_40 = arith.mulf %mul3A_35, %mul3A_39 : vector<1000x256xf32>
    %get3A_41 = arith.constant 0 : index
    %get3A_42 = arith.constant 0 : index
    %get3A_43 = vector.load %arg7[%get3A_41, %get3A_42] : memref<1x256xf32, #tpu.memory_space<vmem>>, vector<1x256xf32>
    %add3A_44 = vector.broadcast %get3A_43 : vector<1x256xf32> to vector<1000x256xf32>
    %add3A_45 = arith.addf %mul3A_40, %add3A_44 : vector<1000x256xf32>
    %max3A = arith.constant 0.000000e+00 : f32
    %max3A_46 = vector.broadcast %max3A : f32 to vector<1000x256xf32>
    %max3A_47 = arith.maximumf %add3A_45, %max3A_46 : vector<1000x256xf32>
    %get3A_48 = arith.constant 0 : index
    %get3A_49 = arith.constant 0 : index
    %get3A_50 = vector.load %arg8[%get3A_48, %get3A_49] : memref<256x128xf32, #tpu.memory_space<vmem>>, vector<256x128xf32>
    %dot_general3A_51 = arith.constant dense<0.000000e+00> : vector<1000x128xf32>
    %dot_general3A_52 = tpu.matmul %max3A_47, %get3A_50, %dot_general3A_51 {dimension_numbers = #tpu.dot_dimension_numbers<[1], [0], [0], [1], [0, 0, 1, 1], [], []>, transpose_lhs_hint = false} : vector<1000x256xf32>, vector<256x128xf32>, vector<1000x128xf32> -> vector<1000x128xf32>
    %get3A_53 = arith.constant 0 : index
    %get3A_54 = arith.constant 0 : index
    %get3A_55 = vector.load %arg9[%get3A_53, %get3A_54] : memref<1x128xf32, #tpu.memory_space<vmem>>, vector<1x128xf32>
    %add3A_56 = vector.broadcast %get3A_55 : vector<1x128xf32> to vector<1000x128xf32>
    %add3A_57 = arith.addf %dot_general3A_52, %add3A_56 : vector<1000x128xf32>
    %reduce_sum3A_58 = arith.constant dense<0.000000e+00> : vector<1000xf32>
    %reduce_sum3A_59 = vector.multi_reduction <add>, %add3A_57, %reduce_sum3A_58 [1] : vector<1000x128xf32> to vector<1000xf32>
    %broadcast_in_dim3A_60 = vector.shape_cast %reduce_sum3A_59 : vector<1000xf32> to vector<1000x1xf32>
    %div3A_61 = arith.constant 1.280000e+02 : f32
    %div3A_62 = vector.broadcast %div3A_61 : f32 to vector<1000x1xf32>
    %div3A_63 = arith.divf %broadcast_in_dim3A_60, %div3A_62 : vector<1000x1xf32>
    %sub3A_64 = vector.broadcast %div3A_63 : vector<1000x1xf32> to vector<1000x128xf32>
    %sub3A_65 = arith.subf %add3A_57, %sub3A_64 : vector<1000x128xf32>
    %mul3A_66 = arith.mulf %sub3A_65, %sub3A_65 : vector<1000x128xf32>
    %reduce_sum3A_67 = arith.constant dense<0.000000e+00> : vector<1000xf32>
    %reduce_sum3A_68 = vector.multi_reduction <add>, %mul3A_66, %reduce_sum3A_67 [1] : vector<1000x128xf32> to vector<1000xf32>
    %broadcast_in_dim3A_69 = vector.shape_cast %reduce_sum3A_68 : vector<1000xf32> to vector<1000x1xf32>
    %div3A_70 = arith.constant 1.280000e+02 : f32
    %div3A_71 = vector.broadcast %div3A_70 : f32 to vector<1000x1xf32>
    %div3A_72 = arith.divf %broadcast_in_dim3A_69, %div3A_71 : vector<1000x1xf32>
    %add3A_73 = arith.constant 9.99999974E-6 : f32
    %add3A_74 = vector.broadcast %add3A_73 : f32 to vector<1000x1xf32>
    %add3A_75 = arith.addf %div3A_72, %add3A_74 : vector<1000x1xf32>
    %rsqrt3A_76 = math.rsqrt %add3A_75 : vector<1000x1xf32>
    %mul3A_77 = vector.broadcast %rsqrt3A_76 : vector<1000x1xf32> to vector<1000x128xf32>
    %mul3A_78 = arith.mulf %sub3A_65, %mul3A_77 : vector<1000x128xf32>
    %get3A_79 = arith.constant 0 : index
    %get3A_80 = arith.constant 0 : index
    %get3A_81 = vector.load %arg10[%get3A_79, %get3A_80] : memref<1x128xf32, #tpu.memory_space<vmem>>, vector<1x128xf32>
    %mul3A_82 = vector.broadcast %get3A_81 : vector<1x128xf32> to vector<1000x128xf32>
    %mul3A_83 = arith.mulf %mul3A_78, %mul3A_82 : vector<1000x128xf32>
    %get3A_84 = arith.constant 0 : index
    %get3A_85 = arith.constant 0 : index
    %get3A_86 = vector.load %arg11[%get3A_84, %get3A_85] : memref<1x128xf32, #tpu.memory_space<vmem>>, vector<1x128xf32>
    %add3A_87 = vector.broadcast %get3A_86 : vector<1x128xf32> to vector<1000x128xf32>
    %add3A_88 = arith.addf %mul3A_83, %add3A_87 : vector<1000x128xf32>
    %max3A_89 = arith.constant 0.000000e+00 : f32
    %max3A_90 = vector.broadcast %max3A_89 : f32 to vector<1000x128xf32>
    %max3A_91 = arith.maximumf %add3A_88, %max3A_90 : vector<1000x128xf32>
    %add3A_92 = arith.addf %get3A_1, %max3A_91 : vector<1000x128xf32>
    %swap3A = arith.constant 0 : index
    %swap3A_93 = arith.constant 0 : index
    %swap3A_94 = vector.load %arg12[%swap3A, %swap3A_93] : memref<1000x128xf32, #tpu.memory_space<vmem>>, vector<1000x128xf32>
    tpu.vector_store %arg12[%swap3A, %swap3A_93], %add3A_92 {strides = array<i32>} : memref<1000x128xf32, #tpu.memory_space<vmem>>, vector<1000x128xf32>,
    %max3A_95 = arith.constant 0.000000e+00 : f32
    %max3A_96 = vector.broadcast %max3A_95 : f32 to vector<1000x128xf32>
    %max3A_97 = arith.maximumf %add3A_92, %max3A_96 : vector<1000x128xf32>
    %reduce_max3A = arith.constant dense<0xFF800000> : vector<128xf32>
    %reduce_max3A_98 = vector.multi_reduction <maximumf>, %max3A_97, %reduce_max3A [0] : vector<1000x128xf32> to vector<128xf32>
    %broadcast_in_dim3A_99 = vector.shape_cast %reduce_max3A_98 : vector<128xf32> to vector<1x128xf32>
    %add3A_100 = arith.constant 1.000000e-07 : f32
    %add3A_101 = vector.broadcast %add3A_100 : f32 to vector<1x128xf32>
    %add3A_102 = arith.addf %broadcast_in_dim3A_99, %add3A_101 : vector<1x128xf32>
    %eq3A = arith.constant 0 : i32
    %eq3A_103 = arith.cmpi eq, %arg0, %eq3A : i32
    %convert_element_type3A = arith.extui %eq3A_103 : i1 to i32
    %cond3A = arith.constant 0 : i32
    %cond3A_104 = arith.cmpi ne, %convert_element_type3A, %cond3A : i32
    scf.if %cond3A_104 {
      %swap3A_112 = arith.constant 0 : index
      %swap3A_113 = arith.constant 0 : index
      %swap3A_114 = vector.load %arg13[%swap3A_112, %swap3A_113] : memref<1x128xf32, #tpu.memory_space<vmem>>, vector<1x128xf32>
      tpu.vector_store %arg13[%swap3A_112, %swap3A_113], %add3A_102 {strides = array<i32>} : memref<1x128xf32, #tpu.memory_space<vmem>>, vector<1x128xf32>,
    } else {
    }
    %get3A_105 = arith.constant 0 : index
    %get3A_106 = arith.constant 0 : index
    %get3A_107 = vector.load %arg13[%get3A_105, %get3A_106] : memref<1x128xf32, #tpu.memory_space<vmem>>, vector<1x128xf32>
    %max3A_108 = arith.maximumf %get3A_107, %add3A_102 : vector<1x128xf32>
    %swap3A_109 = arith.constant 0 : index
    %swap3A_110 = arith.constant 0 : index
    %swap3A_111 = vector.load %arg13[%swap3A_109, %swap3A_110] : memref<1x128xf32, #tpu.memory_space<vmem>>, vector<1x128xf32>
    tpu.vector_store %arg13[%swap3A_109, %swap3A_110], %max3A_108 {strides = array<i32>} : memref<1x128xf32, #tpu.memory_space<vmem>>, vector<1x128xf32>,
    return
  }
  func.func @transform_0(%arg0: i32) -> (i32, i32) {
    %c0_i32 = arith.constant 0 : i32
    %c0_i32_0 = arith.constant 0 : i32
    return %arg0, %c0_i32 : i32, i32
  }
  func.func @transform_1(%arg0: i32) -> (i32, i32) {
    %c0_i32 = arith.constant 0 : i32
    %c0_i32_0 = arith.constant 0 : i32
    return %arg0, %c0_i32 : i32, i32
  }
  func.func @transform_2(%arg0: i32) -> (i32, i32) {
    %c0_i32 = arith.constant 0 : i32
    %c0_i32_0 = arith.constant 0 : i32
    return %arg0, %c0_i32 : i32, i32
  }
  func.func @transform_3(%arg0: i32) -> (i32, i32) {
    %c0_i32 = arith.constant 0 : i32
    %c0_i32_0 = arith.constant 0 : i32
    %c0_i32_1 = arith.constant 0 : i32
    return %c0_i32, %c0_i32_0 : i32, i32
  }
  func.func @transform_4(%arg0: i32) -> (i32, i32) {
    %c0_i32 = arith.constant 0 : i32
    %c0_i32_0 = arith.constant 0 : i32
    %c0_i32_1 = arith.constant 0 : i32
    return %c0_i32, %c0_i32_0 : i32, i32
  }
  func.func @transform_5(%arg0: i32) -> (i32, i32) {
    %c0_i32 = arith.constant 0 : i32
    %c0_i32_0 = arith.constant 0 : i32
    %c0_i32_1 = arith.constant 0 : i32
    return %c0_i32, %c0_i32_0 : i32, i32
  }
  func.func @transform_6(%arg0: i32) -> (i32, i32) {
    %c0_i32 = arith.constant 0 : i32
    %c0_i32_0 = arith.constant 0 : i32
    %c0_i32_1 = arith.constant 0 : i32
    return %c0_i32, %c0_i32_0 : i32, i32
  }
  func.func @transform_7(%arg0: i32) -> (i32, i32) {
    %c0_i32 = arith.constant 0 : i32
    %c0_i32_0 = arith.constant 0 : i32
    %c0_i32_1 = arith.constant 0 : i32
    return %c0_i32, %c0_i32_0 : i32, i32
  }
  func.func @transform_8(%arg0: i32) -> (i32, i32) {
    %c0_i32 = arith.constant 0 : i32
    %c0_i32_0 = arith.constant 0 : i32
    %c0_i32_1 = arith.constant 0 : i32
    return %c0_i32, %c0_i32_0 : i32, i32
  }
  func.func @transform_9(%arg0: i32) -> (i32, i32) {
    %c0_i32 = arith.constant 0 : i32
    %c0_i32_0 = arith.constant 0 : i32
    %c0_i32_1 = arith.constant 0 : i32
    return %c0_i32, %c0_i32_0 : i32, i32
  }
  func.func @transform_10(%arg0: i32) -> (i32, i32) {
    %c0_i32 = arith.constant 0 : i32
    %c0_i32_0 = arith.constant 0 : i32
    %c0_i32_1 = arith.constant 0 : i32
    return %c0_i32, %c0_i32_0 : i32, i32
  }
  func.func @transform_11(%arg0: i32) -> (i32, i32) {
    %c0_i32 = arith.constant 0 : i32
    %c0_i32_0 = arith.constant 0 : i32
    return %arg0, %c0_i32 : i32, i32
  }
  func.func @transform_12(%arg0: i32) -> (i32, i32) {
    %c0_i32 = arith.constant 0 : i32
    %c0_i32_0 = arith.constant 0 : i32
    %c0_i32_1 = arith.constant 0 : i32
    return %c0_i32, %c0_i32_0 : i32, i32
  }
}

module attributes {stable_mosaic.version = 14 : i64} {
  func.func @_post_body(%arg0: i32, %arg1: memref<1000x128xf32, #tpu.memory_space<vmem>>, %arg2: memref<1000x128xf32, #tpu.memory_space<vmem>>, %arg3: memref<1000x128xf32, #tpu.memory_space<vmem>>, %arg4: memref<128x256xf32, #tpu.memory_space<vmem>>, %arg5: memref<1x256xf32, #tpu.memory_space<vmem>>, %arg6: memref<1x256xf32, #tpu.memory_space<vmem>>, %arg7: memref<1x256xf32, #tpu.memory_space<vmem>>, %arg8: memref<256x128xf32, #tpu.memory_space<vmem>>, %arg9: memref<1x128xf32, #tpu.memory_space<vmem>>, %arg10: memref<1x128xf32, #tpu.memory_space<vmem>>, %arg11: memref<1x128xf32, #tpu.memory_space<vmem>>, %arg12: memref<1000x128xf32, #tpu.memory_space<vmem>>, %arg13: memref<1x128xf32, #tpu.memory_space<vmem>>) attributes {dimension_semantics = [#tpu.dimension_semantics<arbitrary>], iteration_bounds = array<i64: 10>, scalar_prefetch = 0 : i64, scratch_operands = 0 : i64, tpu.core_type = #tpu.core_type<tc>, window_params = [{transform_indices = @transform_0, window_bounds = array<i64: 1000, 128>}, {transform_indices = @transform_1, window_bounds = array<i64: 1000, 128>}, {transform_indices = @transform_2, window_bounds = array<i64: 1000, 128>}, {pipeline_mode = #tpu.pipeline_mode<synchronous>, transform_indices = @transform_3, window_bounds = array<i64: 128, 256>}, {pipeline_mode = #tpu.pipeline_mode<synchronous>, transform_indices = @transform_4, window_bounds = array<i64: 1, 256>}, {pipeline_mode = #tpu.pipeline_mode<synchronous>, transform_indices = @transform_5, window_bounds = array<i64: 1, 256>}, {pipeline_mode = #tpu.pipeline_mode<synchronous>, transform_indices = @transform_6, window_bounds = array<i64: 1, 256>}, {pipeline_mode = #tpu.pipeline_mode<synchronous>, transform_indices = @transform_7, window_bounds = array<i64: 256, 128>}, {pipeline_mode = #tpu.pipeline_mode<synchronous>, transform_indices = @transform_8, window_bounds = array<i64: 1, 128>}, {pipeline_mode = #tpu.pipeline_mode<synchronous>, transform_indices = @transform_9, window_bounds = array<i64: 1, 128>}, {pipeline_mode = #tpu.pipeline_mode<synchronous>, transform_indices = @transform_10, window_bounds = array<i64: 1, 128>}, {transform_indices = @transform_11, window_bounds = array<i64: 1000, 128>}, {pipeline_mode = #tpu.pipeline_mode<synchronous>, transform_indices = @transform_12, window_bounds = array<i64: 1, 128>}]} {
    %get3A = arith.constant 0 : index
    %get3A_0 = arith.constant 0 : index
    %get3A_1 = vector.load %arg3[%get3A, %get3A_0] : memref<1000x128xf32, #tpu.memory_space<vmem>>, vector<1000x128xf32>
    %get3A_2 = arith.constant 0 : index
    %get3A_3 = arith.constant 0 : index
    %get3A_4 = vector.load %arg1[%get3A_2, %get3A_3] : memref<1000x128xf32, #tpu.memory_space<vmem>>, vector<1000x128xf32>
    %get3A_5 = arith.constant 0 : index
    %get3A_6 = arith.constant 0 : index
    %get3A_7 = vector.load %arg2[%get3A_5, %get3A_6] : memref<1000x128xf32, #tpu.memory_space<vmem>>, vector<1000x128xf32>
    %add3A = arith.constant 1.000000e-16 : f32
    %add3A_8 = vector.broadcast %add3A : f32 to vector<1000x128xf32>
    %add3A_9 = arith.addf %get3A_7, %add3A_8 : vector<1000x128xf32>
    %div3A = arith.divf %get3A_4, %add3A_9 : vector<1000x128xf32>
    %add3A_10 = arith.addf %div3A, %get3A_1 : vector<1000x128xf32>
    %get3A_11 = arith.constant 0 : index
    %get3A_12 = arith.constant 0 : index
    %get3A_13 = vector.load %arg4[%get3A_11, %get3A_12] : memref<128x256xf32, #tpu.memory_space<vmem>>, vector<128x256xf32>
    %dot_general3A = arith.constant dense<0.000000e+00> : vector<1000x256xf32>
    %dot_general3A_14 = tpu.matmul %add3A_10, %get3A_13, %dot_general3A {dimension_numbers = #tpu.dot_dimension_numbers<[1], [0], [0], [1], [0, 0, 1, 1], [], []>, transpose_lhs_hint = false} : vector<1000x128xf32>, vector<128x256xf32>, vector<1000x256xf32> -> vector<1000x256xf32>
    %get3A_15 = arith.constant 0 : index
    %get3A_16 = arith.constant 0 : index
    %get3A_17 = vector.load %arg5[%get3A_15, %get3A_16] : memref<1x256xf32, #tpu.memory_space<vmem>>, vector<1x256xf32>
    %add3A_18 = vector.broadcast %get3A_17 : vector<1x256xf32> to vector<1000x256xf32>
    %add3A_19 = arith.addf %dot_general3A_14, %add3A_18 : vector<1000x256xf32>
    %reduce_sum3A = arith.constant dense<0.000000e+00> : vector<1000xf32>
    %reduce_sum3A_20 = vector.multi_reduction <add>, %add3A_19, %reduce_sum3A [1] : vector<1000x256xf32> to vector<1000xf32>
    %broadcast_in_dim3A = vector.shape_cast %reduce_sum3A_20 : vector<1000xf32> to vector<1000x1xf32>
    %div3A_21 = arith.constant 2.560000e+02 : f32
    %div3A_22 = vector.broadcast %div3A_21 : f32 to vector<1000x1xf32>
    %div3A_23 = arith.divf %broadcast_in_dim3A, %div3A_22 : vector<1000x1xf32>
    %sub3A = vector.broadcast %div3A_23 : vector<1000x1xf32> to vector<1000x256xf32>
    %sub3A_24 = arith.subf %add3A_19, %sub3A : vector<1000x256xf32>
    %mul3A = arith.mulf %sub3A_24, %sub3A_24 : vector<1000x256xf32>
    %reduce_sum3A_25 = arith.constant dense<0.000000e+00> : vector<1000xf32>
    %reduce_sum3A_26 = vector.multi_reduction <add>, %mul3A, %reduce_sum3A_25 [1] : vector<1000x256xf32> to vector<1000xf32>
    %broadcast_in_dim3A_27 = vector.shape_cast %reduce_sum3A_26 : vector<1000xf32> to vector<1000x1xf32>
    %div3A_28 = arith.constant 2.560000e+02 : f32
    %div3A_29 = vector.broadcast %div3A_28 : f32 to vector<1000x1xf32>
    %div3A_30 = arith.divf %broadcast_in_dim3A_27, %div3A_29 : vector<1000x1xf32>
    %add3A_31 = arith.constant 9.99999974E-6 : f32
    %add3A_32 = vector.broadcast %add3A_31 : f32 to vector<1000x1xf32>
    %add3A_33 = arith.addf %div3A_30, %add3A_32 : vector<1000x1xf32>
    %rsqrt3A = math.rsqrt %add3A_33 : vector<1000x1xf32>
    %mul3A_34 = vector.broadcast %rsqrt3A : vector<1000x1xf32> to vector<1000x256xf32>
    %mul3A_35 = arith.mulf %sub3A_24, %mul3A_34 : vector<1000x256xf32>
    %get3A_36 = arith.constant 0 : index
    %get3A_37 = arith.constant 0 : index
    %get3A_38 = vector.load %arg6[%get3A_36, %get3A_37] : memref<1x256xf32, #tpu.memory_space<vmem>>, vector<1x256xf32>
    %mul3A_39 = vector.broadcast %get3A_38 : vector<1x256xf32> to vector<1000x256xf32>
    %mul3A_40 = arith.mulf %mul3A_35, %mul3A_39 : vector<1000x256xf32>
    %get3A_41 = arith.constant 0 : index
    %get3A_42 = arith.constant 0 : index
    %get3A_43 = vector.load %arg7[%get3A_41, %get3A_42] : memref<1x256xf32, #tpu.memory_space<vmem>>, vector<1x256xf32>
    %add3A_44 = vector.broadcast %get3A_43 : vector<1x256xf32> to vector<1000x256xf32>
    %add3A_45 = arith.addf %mul3A_40, %add3A_44 : vector<1000x256xf32>
    %max3A = arith.constant 0.000000e+00 : f32
    %max3A_46 = vector.broadcast %max3A : f32 to vector<1000x256xf32>
    %max3A_47 = arith.maximumf %add3A_45, %max3A_46 : vector<1000x256xf32>
    %get3A_48 = arith.constant 0 : index
    %get3A_49 = arith.constant 0 : index
    %get3A_50 = vector.load %arg8[%get3A_48, %get3A_49] : memref<256x128xf32, #tpu.memory_space<vmem>>, vector<256x128xf32>
    %dot_general3A_51 = arith.constant dense<0.000000e+00> : vector<1000x128xf32>
    %dot_general3A_52 = tpu.matmul %max3A_47, %get3A_50, %dot_general3A_51 {dimension_numbers = #tpu.dot_dimension_numbers<[1], [0], [0], [1], [0, 0, 1, 1], [], []>, transpose_lhs_hint = false} : vector<1000x256xf32>, vector<256x128xf32>, vector<1000x128xf32> -> vector<1000x128xf32>
    %get3A_53 = arith.constant 0 : index
    %get3A_54 = arith.constant 0 : index
    %get3A_55 = vector.load %arg9[%get3A_53, %get3A_54] : memref<1x128xf32, #tpu.memory_space<vmem>>, vector<1x128xf32>
    %add3A_56 = vector.broadcast %get3A_55 : vector<1x128xf32> to vector<1000x128xf32>
    %add3A_57 = arith.addf %dot_general3A_52, %add3A_56 : vector<1000x128xf32>
    %reduce_sum3A_58 = arith.constant dense<0.000000e+00> : vector<1000xf32>
    %reduce_sum3A_59 = vector.multi_reduction <add>, %add3A_57, %reduce_sum3A_58 [1] : vector<1000x128xf32> to vector<1000xf32>
    %broadcast_in_dim3A_60 = vector.shape_cast %reduce_sum3A_59 : vector<1000xf32> to vector<1000x1xf32>
    %div3A_61 = arith.constant 1.280000e+02 : f32
    %div3A_62 = vector.broadcast %div3A_61 : f32 to vector<1000x1xf32>
    %div3A_63 = arith.divf %broadcast_in_dim3A_60, %div3A_62 : vector<1000x1xf32>
    %sub3A_64 = vector.broadcast %div3A_63 : vector<1000x1xf32> to vector<1000x128xf32>
    %sub3A_65 = arith.subf %add3A_57, %sub3A_64 : vector<1000x128xf32>
    %mul3A_66 = arith.mulf %sub3A_65, %sub3A_65 : vector<1000x128xf32>
    %reduce_sum3A_67 = arith.constant dense<0.000000e+00> : vector<1000xf32>
    %reduce_sum3A_68 = vector.multi_reduction <add>, %mul3A_66, %reduce_sum3A_67 [1] : vector<1000x128xf32> to vector<1000xf32>
    %broadcast_in_dim3A_69 = vector.shape_cast %reduce_sum3A_68 : vector<1000xf32> to vector<1000x1xf32>
    %div3A_70 = arith.constant 1.280000e+02 : f32
    %div3A_71 = vector.broadcast %div3A_70 : f32 to vector<1000x1xf32>
    %div3A_72 = arith.divf %broadcast_in_dim3A_69, %div3A_71 : vector<1000x1xf32>
    %add3A_73 = arith.constant 9.99999974E-6 : f32
    %add3A_74 = vector.broadcast %add3A_73 : f32 to vector<1000x1xf32>
    %add3A_75 = arith.addf %div3A_72, %add3A_74 : vector<1000x1xf32>
    %rsqrt3A_76 = math.rsqrt %add3A_75 : vector<1000x1xf32>
    %mul3A_77 = vector.broadcast %rsqrt3A_76 : vector<1000x1xf32> to vector<1000x128xf32>
    %mul3A_78 = arith.mulf %sub3A_65, %mul3A_77 : vector<1000x128xf32>
    %get3A_79 = arith.constant 0 : index
    %get3A_80 = arith.constant 0 : index
    %get3A_81 = vector.load %arg10[%get3A_79, %get3A_80] : memref<1x128xf32, #tpu.memory_space<vmem>>, vector<1x128xf32>
    %mul3A_82 = vector.broadcast %get3A_81 : vector<1x128xf32> to vector<1000x128xf32>
    %mul3A_83 = arith.mulf %mul3A_78, %mul3A_82 : vector<1000x128xf32>
    %get3A_84 = arith.constant 0 : index
    %get3A_85 = arith.constant 0 : index
    %get3A_86 = vector.load %arg11[%get3A_84, %get3A_85] : memref<1x128xf32, #tpu.memory_space<vmem>>, vector<1x128xf32>
    %add3A_87 = vector.broadcast %get3A_86 : vector<1x128xf32> to vector<1000x128xf32>
    %add3A_88 = arith.addf %mul3A_83, %add3A_87 : vector<1000x128xf32>
    %max3A_89 = arith.constant 0.000000e+00 : f32
    %max3A_90 = vector.broadcast %max3A_89 : f32 to vector<1000x128xf32>
    %max3A_91 = arith.maximumf %add3A_88, %max3A_90 : vector<1000x128xf32>
    %add3A_92 = arith.addf %get3A_1, %max3A_91 : vector<1000x128xf32>
    %swap3A = arith.constant 0 : index
    %swap3A_93 = arith.constant 0 : index
    %swap3A_94 = vector.load %arg12[%swap3A, %swap3A_93] : memref<1000x128xf32, #tpu.memory_space<vmem>>, vector<1000x128xf32>
    tpu.vector_store %arg12[%swap3A, %swap3A_93], %add3A_92 {strides = array<i32>} : memref<1000x128xf32, #tpu.memory_space<vmem>>, vector<1000x128xf32>,
    %max3A_95 = arith.constant 0.000000e+00 : f32
    %max3A_96 = vector.broadcast %max3A_95 : f32 to vector<1000x128xf32>
    %max3A_97 = arith.maximumf %add3A_92, %max3A_96 : vector<1000x128xf32>
    %reduce_max3A = arith.constant dense<0xFF800000> : vector<128xf32>
    %reduce_max3A_98 = vector.multi_reduction <maximumf>, %max3A_97, %reduce_max3A [0] : vector<1000x128xf32> to vector<128xf32>
    %broadcast_in_dim3A_99 = vector.shape_cast %reduce_max3A_98 : vector<128xf32> to vector<1x128xf32>
    %add3A_100 = arith.constant 1.000000e-07 : f32
    %add3A_101 = vector.broadcast %add3A_100 : f32 to vector<1x128xf32>
    %add3A_102 = arith.addf %broadcast_in_dim3A_99, %add3A_101 : vector<1x128xf32>
    %eq3A = arith.constant 0 : i32
    %eq3A_103 = arith.cmpi eq, %arg0, %eq3A : i32
    %convert_element_type3A = arith.extui %eq3A_103 : i1 to i32
    %cond3A = arith.constant 0 : i32
    %cond3A_104 = arith.cmpi ne, %convert_element_type3A, %cond3A : i32
    scf.if %cond3A_104 {
      %swap3A_112 = arith.constant 0 : index
      %swap3A_113 = arith.constant 0 : index
      %swap3A_114 = vector.load %arg13[%swap3A_112, %swap3A_113] : memref<1x128xf32, #tpu.memory_space<vmem>>, vector<1x128xf32>
      tpu.vector_store %arg13[%swap3A_112, %swap3A_113], %add3A_102 {strides = array<i32>} : memref<1x128xf32, #tpu.memory_space<vmem>>, vector<1x128xf32>,
    } else {
    }
    %get3A_105 = arith.constant 0 : index
    %get3A_106 = arith.constant 0 : index
    %get3A_107 = vector.load %arg13[%get3A_105, %get3A_106] : memref<1x128xf32, #tpu.memory_space<vmem>>, vector<1x128xf32>
    %max3A_108 = arith.maximumf %get3A_107, %add3A_102 : vector<1x128xf32>
    %swap3A_109 = arith.constant 0 : index
    %swap3A_110 = arith.constant 0 : index
    %swap3A_111 = vector.load %arg13[%swap3A_109, %swap3A_110] : memref<1x128xf32, #tpu.memory_space<vmem>>, vector<1x128xf32>
    tpu.vector_store %arg13[%swap3A_109, %swap3A_110], %max3A_108 {strides = array<i32>} : memref<1x128xf32, #tpu.memory_space<vmem>>, vector<1x128xf32>,
    return
  }
  func.func @transform_0(%arg0: i32) -> (i32, i32) {
    %c0_i32 = arith.constant 0 : i32
    %c0_i32_0 = arith.constant 0 : i32
    return %arg0, %c0_i32 : i32, i32
  }
  func.func @transform_1(%arg0: i32) -> (i32, i32) {
    %c0_i32 = arith.constant 0 : i32
    %c0_i32_0 = arith.constant 0 : i32
    return %arg0, %c0_i32 : i32, i32
  }
  func.func @transform_2(%arg0: i32) -> (i32, i32) {
    %c0_i32 = arith.constant 0 : i32
    %c0_i32_0 = arith.constant 0 : i32
    return %arg0, %c0_i32 : i32, i32
  }
  func.func @transform_3(%arg0: i32) -> (i32, i32) {
    %c0_i32 = arith.constant 0 : i32
    %c0_i32_0 = arith.constant 0 : i32
    %c0_i32_1 = arith.constant 0 : i32
    return %c0_i32, %c0_i32_0 : i32, i32
  }
  func.func @transform_4(%arg0: i32) -> (i32, i32) {
    %c0_i32 = arith.constant 0 : i32
    %c0_i32_0 = arith.constant 0 : i32
    %c0_i32_1 = arith.constant 0 : i32
    return %c0_i32, %c0_i32_0 : i32, i32
  }
  func.func @transform_5(%arg0: i32) -> (i32, i32) {
    %c0_i32 = arith.constant 0 : i32
    %c0_i32_0 = arith.constant 0 : i32
    %c0_i32_1 = arith.constant 0 : i32
    return %c0_i32, %c0_i32_0 : i32, i32
  }
  func.func @transform_6(%arg0: i32) -> (i32, i32) {
    %c0_i32 = arith.constant 0 : i32
    %c0_i32_0 = arith.constant 0 : i32
    %c0_i32_1 = arith.constant 0 : i32
    return %c0_i32, %c0_i32_0 : i32, i32
  }
  func.func @transform_7(%arg0: i32) -> (i32, i32) {
    %c0_i32 = arith.constant 0 : i32
    %c0_i32_0 = arith.constant 0 : i32
    %c0_i32_1 = arith.constant 0 : i32
    return %c0_i32, %c0_i32_0 : i32, i32
  }
  func.func @transform_8(%arg0: i32) -> (i32, i32) {
    %c0_i32 = arith.constant 0 : i32
    %c0_i32_0 = arith.constant 0 : i32
    %c0_i32_1 = arith.constant 0 : i32
    return %c0_i32, %c0_i32_0 : i32, i32
  }
  func.func @transform_9(%arg0: i32) -> (i32, i32) {
    %c0_i32 = arith.constant 0 : i32
    %c0_i32_0 = arith.constant 0 : i32
    %c0_i32_1 = arith.constant 0 : i32
    return %c0_i32, %c0_i32_0 : i32, i32
  }
  func.func @transform_10(%arg0: i32) -> (i32, i32) {
    %c0_i32 = arith.constant 0 : i32
    %c0_i32_0 = arith.constant 0 : i32
    %c0_i32_1 = arith.constant 0 : i32
    return %c0_i32, %c0_i32_0 : i32, i32
  }
  func.func @transform_11(%arg0: i32) -> (i32, i32) {
    %c0_i32 = arith.constant 0 : i32
    %c0_i32_0 = arith.constant 0 : i32
    return %arg0, %c0_i32 : i32, i32
  }
  func.func @transform_12(%arg0: i32) -> (i32, i32) {
    %c0_i32 = arith.constant 0 : i32
    %c0_i32_0 = arith.constant 0 : i32
    %c0_i32_1 = arith.constant 0 : i32
    return %c0_i32, %c0_i32_0 : i32, i32
  }
}

module attributes {stable_mosaic.version = 14 : i64} {
  func.func @_pool_body(%arg0: i32, %arg1: memref<1000x128xf32, #tpu.memory_space<vmem>>, %arg2: memref<1000x128xf32, #tpu.memory_space<vmem>>, %arg3: memref<1000x128xf32, #tpu.memory_space<vmem>>, %arg4: memref<1000x128xf32, #tpu.memory_space<vmem>>, %arg5: memref<128x128xf32, #tpu.memory_space<vmem>>, %arg6: memref<128x128xf32, #tpu.memory_space<vmem>>, %arg7: memref<128x128xf32, #tpu.memory_space<vmem>>, %arg8: memref<128x128xf32, #tpu.memory_space<vmem>>, %arg9: memref<1x128xf32, #tpu.memory_space<vmem>>, %arg10: memref<128x128xf32, #tpu.memory_space<vmem>>, %arg11: memref<1x128xf32, #tpu.memory_space<vmem>>, %arg12: memref<128x128xf32, #tpu.memory_space<vmem>>, %arg13: memref<1x128xf32, #tpu.memory_space<vmem>>, %arg14: memref<128x1xf32, #tpu.memory_space<vmem>>, %arg15: memref<1x1xf32, #tpu.memory_space<vmem>>, %arg16: memref<1x128xf32, #tpu.memory_space<vmem>>, %arg17: memref<1x1xf32, #tpu.memory_space<smem>>, %arg18: memref<1x1xf32, #tpu.memory_space<smem>>, %arg19: memref<1x128xf32, #tpu.memory_space<vmem>>) attributes {dimension_semantics = [#tpu.dimension_semantics<arbitrary>], iteration_bounds = array<i64: 10>, scalar_prefetch = 0 : i64, scratch_operands = 3 : i64, tpu.core_type = #tpu.core_type<tc>, window_params = [{transform_indices = @transform_0, window_bounds = array<i64: 1000, 128>}, {transform_indices = @transform_1, window_bounds = array<i64: 1000, 128>}, {transform_indices = @transform_2, window_bounds = array<i64: 1000, 128>}, {transform_indices = @transform_3, window_bounds = array<i64: 1000, 128>}, {pipeline_mode = #tpu.pipeline_mode<synchronous>, transform_indices = @transform_4, window_bounds = array<i64: 128, 128>}, {pipeline_mode = #tpu.pipeline_mode<synchronous>, transform_indices = @transform_5, window_bounds = array<i64: 128, 128>}, {pipeline_mode = #tpu.pipeline_mode<synchronous>, transform_indices = @transform_6, window_bounds = array<i64: 128, 128>}, {pipeline_mode = #tpu.pipeline_mode<synchronous>, transform_indices = @transform_7, window_bounds = array<i64: 128, 128>}, {pipeline_mode = #tpu.pipeline_mode<synchronous>, transform_indices = @transform_8, window_bounds = array<i64: 1, 128>}, {pipeline_mode = #tpu.pipeline_mode<synchronous>, transform_indices = @transform_9, window_bounds = array<i64: 128, 128>}, {pipeline_mode = #tpu.pipeline_mode<synchronous>, transform_indices = @transform_10, window_bounds = array<i64: 1, 128>}, {pipeline_mode = #tpu.pipeline_mode<synchronous>, transform_indices = @transform_11, window_bounds = array<i64: 128, 128>}, {pipeline_mode = #tpu.pipeline_mode<synchronous>, transform_indices = @transform_12, window_bounds = array<i64: 1, 128>}, {pipeline_mode = #tpu.pipeline_mode<synchronous>, transform_indices = @transform_13, window_bounds = array<i64: 128, 1>}, {pipeline_mode = #tpu.pipeline_mode<synchronous>, transform_indices = @transform_14, window_bounds = array<i64: 1, 1>}, {pipeline_mode = #tpu.pipeline_mode<synchronous>, transform_indices = @transform_15, window_bounds = array<i64: 1, 128>}]} {
    %get3A = arith.constant 0 : index
    %get3A_0 = arith.constant 0 : index
    %get3A_1 = vector.load %arg1[%get3A, %get3A_0] : memref<1000x128xf32, #tpu.memory_space<vmem>>, vector<1000x128xf32>
    %get3A_2 = arith.constant 0 : index
    %get3A_3 = arith.constant 0 : index
    %get3A_4 = vector.load %arg5[%get3A_2, %get3A_3] : memref<128x128xf32, #tpu.memory_space<vmem>>, vector<128x128xf32>
    %dot_general3A = arith.constant dense<0.000000e+00> : vector<1000x128xf32>
    %dot_general3A_5 = tpu.matmul %get3A_1, %get3A_4, %dot_general3A {dimension_numbers = #tpu.dot_dimension_numbers<[1], [0], [0], [1], [0, 0, 1, 1], [], []>, transpose_lhs_hint = false} : vector<1000x128xf32>, vector<128x128xf32>, vector<1000x128xf32> -> vector<1000x128xf32>
    %get3A_6 = arith.constant 0 : index
    %get3A_7 = arith.constant 0 : index
    %get3A_8 = vector.load %arg2[%get3A_6, %get3A_7] : memref<1000x128xf32, #tpu.memory_space<vmem>>, vector<1000x128xf32>
    %get3A_9 = arith.constant 0 : index
    %get3A_10 = arith.constant 0 : index
    %get3A_11 = vector.load %arg6[%get3A_9, %get3A_10] : memref<128x128xf32, #tpu.memory_space<vmem>>, vector<128x128xf32>
    %dot_general3A_12 = arith.constant dense<0.000000e+00> : vector<1000x128xf32>
    %dot_general3A_13 = tpu.matmul %get3A_8, %get3A_11, %dot_general3A_12 {dimension_numbers = #tpu.dot_dimension_numbers<[1], [0], [0], [1], [0, 0, 1, 1], [], []>, transpose_lhs_hint = false} : vector<1000x128xf32>, vector<128x128xf32>, vector<1000x128xf32> -> vector<1000x128xf32>
    %add3A = arith.addf %dot_general3A_5, %dot_general3A_13 : vector<1000x128xf32>
    %get3A_14 = arith.constant 0 : index
    %get3A_15 = arith.constant 0 : index
    %get3A_16 = vector.load %arg3[%get3A_14, %get3A_15] : memref<1000x128xf32, #tpu.memory_space<vmem>>, vector<1000x128xf32>
    %get3A_17 = arith.constant 0 : index
    %get3A_18 = arith.constant 0 : index
    %get3A_19 = vector.load %arg7[%get3A_17, %get3A_18] : memref<128x128xf32, #tpu.memory_space<vmem>>, vector<128x128xf32>
    %dot_general3A_20 = arith.constant dense<0.000000e+00> : vector<1000x128xf32>
    %dot_general3A_21 = tpu.matmul %get3A_16, %get3A_19, %dot_general3A_20 {dimension_numbers = #tpu.dot_dimension_numbers<[1], [0], [0], [1], [0, 0, 1, 1], [], []>, transpose_lhs_hint = false} : vector<1000x128xf32>, vector<128x128xf32>, vector<1000x128xf32> -> vector<1000x128xf32>
    %add3A_22 = arith.addf %add3A, %dot_general3A_21 : vector<1000x128xf32>
    %get3A_23 = arith.constant 0 : index
    %get3A_24 = arith.constant 0 : index
    %get3A_25 = vector.load %arg4[%get3A_23, %get3A_24] : memref<1000x128xf32, #tpu.memory_space<vmem>>, vector<1000x128xf32>
    %get3A_26 = arith.constant 0 : index
    %get3A_27 = arith.constant 0 : index
    %get3A_28 = vector.load %arg8[%get3A_26, %get3A_27] : memref<128x128xf32, #tpu.memory_space<vmem>>, vector<128x128xf32>
    %dot_general3A_29 = arith.constant dense<0.000000e+00> : vector<1000x128xf32>
    %dot_general3A_30 = tpu.matmul %get3A_25, %get3A_28, %dot_general3A_29 {dimension_numbers = #tpu.dot_dimension_numbers<[1], [0], [0], [1], [0, 0, 1, 1], [], []>, transpose_lhs_hint = false} : vector<1000x128xf32>, vector<128x128xf32>, vector<1000x128xf32> -> vector<1000x128xf32>
    %add3A_31 = arith.addf %add3A_22, %dot_general3A_30 : vector<1000x128xf32>
    %get3A_32 = arith.constant 0 : index
    %get3A_33 = arith.constant 0 : index
    %get3A_34 = vector.load %arg9[%get3A_32, %get3A_33] : memref<1x128xf32, #tpu.memory_space<vmem>>, vector<1x128xf32>
    %add3A_35 = vector.broadcast %get3A_34 : vector<1x128xf32> to vector<1000x128xf32>
    %add3A_36 = arith.addf %add3A_31, %add3A_35 : vector<1000x128xf32>
    %max3A = arith.constant 0.000000e+00 : f32
    %max3A_37 = vector.broadcast %max3A : f32 to vector<1000x128xf32>
    %max3A_38 = arith.maximumf %add3A_36, %max3A_37 : vector<1000x128xf32>
    %get3A_39 = arith.constant 0 : index
    %get3A_40 = arith.constant 0 : index
    %get3A_41 = vector.load %arg10[%get3A_39, %get3A_40] : memref<128x128xf32, #tpu.memory_space<vmem>>, vector<128x128xf32>
    %dot_general3A_42 = arith.constant dense<0.000000e+00> : vector<1000x128xf32>
    %dot_general3A_43 = tpu.matmul %max3A_38, %get3A_41, %dot_general3A_42 {dimension_numbers = #tpu.dot_dimension_numbers<[1], [0], [0], [1], [0, 0, 1, 1], [], []>, transpose_lhs_hint = false} : vector<1000x128xf32>, vector<128x128xf32>, vector<1000x128xf32> -> vector<1000x128xf32>
    %get3A_44 = arith.constant 0 : index
    %get3A_45 = arith.constant 0 : index
    %get3A_46 = vector.load %arg11[%get3A_44, %get3A_45] : memref<1x128xf32, #tpu.memory_space<vmem>>, vector<1x128xf32>
    %add3A_47 = vector.broadcast %get3A_46 : vector<1x128xf32> to vector<1000x128xf32>
    %add3A_48 = arith.addf %dot_general3A_43, %add3A_47 : vector<1000x128xf32>
    %tanh3A = math.tanh %add3A_48 : vector<1000x128xf32>
    %get3A_49 = arith.constant 0 : index
    %get3A_50 = arith.constant 0 : index
    %get3A_51 = vector.load %arg12[%get3A_49, %get3A_50] : memref<128x128xf32, #tpu.memory_space<vmem>>, vector<128x128xf32>
    %dot_general3A_52 = arith.constant dense<0.000000e+00> : vector<1000x128xf32>
    %dot_general3A_53 = tpu.matmul %max3A_38, %get3A_51, %dot_general3A_52 {dimension_numbers = #tpu.dot_dimension_numbers<[1], [0], [0], [1], [0, 0, 1, 1], [], []>, transpose_lhs_hint = false} : vector<1000x128xf32>, vector<128x128xf32>, vector<1000x128xf32> -> vector<1000x128xf32>
    %get3A_54 = arith.constant 0 : index
    %get3A_55 = arith.constant 0 : index
    %get3A_56 = vector.load %arg13[%get3A_54, %get3A_55] : memref<1x128xf32, #tpu.memory_space<vmem>>, vector<1x128xf32>
    %add3A_57 = vector.broadcast %get3A_56 : vector<1x128xf32> to vector<1000x128xf32>
    %add3A_58 = arith.addf %dot_general3A_53, %add3A_57 : vector<1000x128xf32>
    %neg3A = arith.constant 0.000000e+00 : f32
    %neg3A_59 = vector.broadcast %neg3A : f32 to vector<1000x128xf32>
    %neg3A_60 = arith.subf %neg3A_59, %add3A_58 : vector<1000x128xf32>
    %exp3A = math.exp %neg3A_60 : vector<1000x128xf32>
    %add3A_61 = arith.constant 1.000000e+00 : f32
    %add3A_62 = vector.broadcast %add3A_61 : f32 to vector<1000x128xf32>
    %add3A_63 = arith.addf %add3A_62, %exp3A : vector<1000x128xf32>
    %div3A = arith.constant 1.000000e+00 : f32
    %div3A_64 = vector.broadcast %div3A : f32 to vector<1000x128xf32>
    %div3A_65 = arith.divf %div3A_64, %add3A_63 : vector<1000x128xf32>
    %mul3A = arith.mulf %tanh3A, %div3A_65 : vector<1000x128xf32>
    %get3A_66 = arith.constant 0 : index
    %get3A_67 = arith.constant 0 : index
    %get3A_68 = vector.load %arg14[%get3A_66, %get3A_67] : memref<128x1xf32, #tpu.memory_space<vmem>>, vector<128x1xf32>
    %dot_general3A_69 = arith.constant dense<0.000000e+00> : vector<1000x1xf32>
    %dot_general3A_70 = tpu.matmul %mul3A, %get3A_68, %dot_general3A_69 {dimension_numbers = #tpu.dot_dimension_numbers<[1], [0], [0], [1], [0, 0, 1, 1], [], []>, transpose_lhs_hint = false} : vector<1000x128xf32>, vector<128x1xf32>, vector<1000x1xf32> -> vector<1000x1xf32>
    %get3A_71 = arith.constant 0 : index
    %get3A_72 = arith.constant 0 : index
    %get3A_73 = vector.load %arg15[%get3A_71, %get3A_72] : memref<1x1xf32, #tpu.memory_space<vmem>>, vector<1x1xf32>
    %add3A_74 = vector.broadcast %get3A_73 : vector<1x1xf32> to vector<1000x1xf32>
    %add3A_75 = arith.addf %dot_general3A_70, %add3A_74 : vector<1000x1xf32>
    %eq3A = arith.constant 0 : i32
    %eq3A_76 = arith.cmpi eq, %arg0, %eq3A : i32
    %convert_element_type3A = arith.extui %eq3A_76 : i1 to i32
    %cond3A = arith.constant 0 : i32
    %cond3A_77 = arith.cmpi ne, %convert_element_type3A, %cond3A : i32
    scf.if %cond3A_77 {
      %swap3A_122 = arith.constant -1.000000e+30 : f32
      %swap3A_123 = arith.constant 0 : index
      %swap3A_124 = arith.constant 0 : index
      %swap3A_125 = memref.load %arg17[%swap3A_123, %swap3A_124] : memref<1x1xf32, #tpu.memory_space<smem>>
      memref.store %swap3A_122, %arg17[%swap3A_123, %swap3A_124] : memref<1x1xf32, #tpu.memory_space<smem>>
      %swap3A_126 = arith.constant 0.000000e+00 : f32
      %swap3A_127 = arith.constant 0 : index
      %swap3A_128 = arith.constant 0 : index
      %swap3A_129 = memref.load %arg18[%swap3A_127, %swap3A_128] : memref<1x1xf32, #tpu.memory_space<smem>>
      memref.store %swap3A_126, %arg18[%swap3A_127, %swap3A_128] : memref<1x1xf32, #tpu.memory_space<smem>>
      %broadcast_in_dim3A_130 = arith.constant 0.000000e+00 : f32
      %broadcast_in_dim3A_131 = vector.broadcast %broadcast_in_dim3A_130 : f32 to vector<1x128xf32>
      %swap3A_132 = arith.constant 0 : index
      %swap3A_133 = arith.constant 0 : index
      %swap3A_134 = vector.load %arg19[%swap3A_132, %swap3A_133] : memref<1x128xf32, #tpu.memory_space<vmem>>, vector<1x128xf32>
      tpu.vector_store %arg19[%swap3A_132, %swap3A_133], %broadcast_in_dim3A_131 {strides = array<i32>} : memref<1x128xf32, #tpu.memory_space<vmem>>, vector<1x128xf32>,
    } else {
    }
    %reduce_max3A = vector.shape_cast %add3A_75 : vector<1000x1xf32> to vector<1x1000x1xf32>
    %reduce_max3A_78 = arith.constant dense<0xFF800000> : vector<1xf32>
    %reduce_max3A_79 = vector.multi_reduction <maximumf>, %reduce_max3A, %reduce_max3A_78 [1, 2] : vector<1x1000x1xf32> to vector<1xf32>
    %reduce_max3A_80 = vector.shape_cast %reduce_max3A_79 : vector<1xf32> to vector<1x1x1xf32>
    %reduce_max3A_81 = vector.extract %reduce_max3A_80[0, 0, 0] : f32 from vector<1x1x1xf32>
    %get3A_82 = arith.constant 0 : index
    %get3A_83 = arith.constant 0 : index
    %get3A_84 = memref.load %arg17[%get3A_82, %get3A_83] : memref<1x1xf32, #tpu.memory_space<smem>>
    %max3A_85 = arith.maximumf %get3A_84, %reduce_max3A_81 : f32
    %sub3A = arith.subf %get3A_84, %max3A_85 : f32
    %exp3A_86 = math.exp %sub3A : f32
    %sub3A_87 = vector.broadcast %max3A_85 : f32 to vector<1000x1xf32>
    %sub3A_88 = arith.subf %add3A_75, %sub3A_87 : vector<1000x1xf32>
    %exp3A_89 = math.exp %sub3A_88 : vector<1000x1xf32>
    %get3A_90 = arith.constant 0 : index
    %get3A_91 = arith.constant 0 : index
    %get3A_92 = memref.load %arg18[%get3A_90, %get3A_91] : memref<1x1xf32, #tpu.memory_space<smem>>
    %mul3A_93 = arith.mulf %get3A_92, %exp3A_86 : f32
    %reduce_sum3A = vector.shape_cast %exp3A_89 : vector<1000x1xf32> to vector<1x1000x1xf32>
    %reduce_sum3A_94 = arith.constant dense<0.000000e+00> : vector<1xf32>
    %reduce_sum3A_95 = vector.multi_reduction <add>, %reduce_sum3A, %reduce_sum3A_94 [1, 2] : vector<1x1000x1xf32> to vector<1xf32>
    %reduce_sum3A_96 = vector.shape_cast %reduce_sum3A_95 : vector<1xf32> to vector<1x1x1xf32>
    %reduce_sum3A_97 = vector.extract %reduce_sum3A_96[0, 0, 0] : f32 from vector<1x1x1xf32>
    %add3A_98 = arith.addf %mul3A_93, %reduce_sum3A_97 : f32
    %swap3A = arith.constant 0 : index
    %swap3A_99 = arith.constant 0 : index
    %swap3A_100 = memref.load %arg18[%swap3A, %swap3A_99] : memref<1x1xf32, #tpu.memory_space<smem>>
    memref.store %add3A_98, %arg18[%swap3A, %swap3A_99] : memref<1x1xf32, #tpu.memory_space<smem>>
    %get3A_101 = arith.constant 0 : index
    %get3A_102 = arith.constant 0 : index
    %get3A_103 = vector.load %arg19[%get3A_101, %get3A_102] : memref<1x128xf32, #tpu.memory_space<vmem>>, vector<1x128xf32>
    %mul3A_104 = vector.broadcast %exp3A_86 : f32 to vector<1x128xf32>
    %mul3A_105 = arith.mulf %get3A_103, %mul3A_104 : vector<1x128xf32>
    %mul3A_106 = vector.broadcast %exp3A_89 : vector<1000x1xf32> to vector<1000x128xf32>
    %mul3A_107 = arith.mulf %mul3A_106, %max3A_38 : vector<1000x128xf32>
    %reduce_sum3A_108 = arith.constant dense<0.000000e+00> : vector<128xf32>
    %reduce_sum3A_109 = vector.multi_reduction <add>, %mul3A_107, %reduce_sum3A_108 [0] : vector<1000x128xf32> to vector<128xf32>
    %broadcast_in_dim3A = vector.shape_cast %reduce_sum3A_109 : vector<128xf32> to vector<1x128xf32>
    %add3A_110 = arith.addf %mul3A_105, %broadcast_in_dim3A : vector<1x128xf32>
    %swap3A_111 = arith.constant 0 : index
    %swap3A_112 = arith.constant 0 : index
    %swap3A_113 = vector.load %arg19[%swap3A_111, %swap3A_112] : memref<1x128xf32, #tpu.memory_space<vmem>>, vector<1x128xf32>
    tpu.vector_store %arg19[%swap3A_111, %swap3A_112], %add3A_110 {strides = array<i32>} : memref<1x128xf32, #tpu.memory_space<vmem>>, vector<1x128xf32>,
    %swap3A_114 = arith.constant 0 : index
    %swap3A_115 = arith.constant 0 : index
    %swap3A_116 = memref.load %arg17[%swap3A_114, %swap3A_115] : memref<1x1xf32, #tpu.memory_space<smem>>
    memref.store %max3A_85, %arg17[%swap3A_114, %swap3A_115] : memref<1x1xf32, #tpu.memory_space<smem>>
    %eq3A_117 = arith.constant 9 : i32
    %eq3A_118 = arith.cmpi eq, %arg0, %eq3A_117 : i32
    %convert_element_type3A_119 = arith.extui %eq3A_118 : i1 to i32
    %cond3A_120 = arith.constant 0 : i32
    %cond3A_121 = arith.cmpi ne, %convert_element_type3A_119, %cond3A_120 : i32
    scf.if %cond3A_121 {
      %get3A_122 = arith.constant 0 : index
      %get3A_123 = arith.constant 0 : index
      %get3A_124 = vector.load %arg19[%get3A_122, %get3A_123] : memref<1x128xf32, #tpu.memory_space<vmem>>, vector<1x128xf32>
      %get3A_125 = arith.constant 0 : index
      %get3A_126 = arith.constant 0 : index
      %get3A_127 = memref.load %arg18[%get3A_125, %get3A_126] : memref<1x1xf32, #tpu.memory_space<smem>>
      %div3A_128 = vector.broadcast %get3A_127 : f32 to vector<1x128xf32>
      %div3A_129 = arith.divf %get3A_124, %div3A_128 : vector<1x128xf32>
      %swap3A_130 = arith.constant 0 : index
      %swap3A_131 = arith.constant 0 : index
      %swap3A_132 = vector.load %arg16[%swap3A_130, %swap3A_131] : memref<1x128xf32, #tpu.memory_space<vmem>>, vector<1x128xf32>
      tpu.vector_store %arg16[%swap3A_130, %swap3A_131], %div3A_129 {strides = array<i32>} : memref<1x128xf32, #tpu.memory_space<vmem>>, vector<1x128xf32>,
    } else {
    }
    return
  }
  func.func @transform_0(%arg0: i32) -> (i32, i32) {
    %c0_i32 = arith.constant 0 : i32
    %c0_i32_0 = arith.constant 0 : i32
    return %arg0, %c0_i32 : i32, i32
  }
  func.func @transform_1(%arg0: i32) -> (i32, i32) {
    %c0_i32 = arith.constant 0 : i32
    %c0_i32_0 = arith.constant 0 : i32
    return %arg0, %c0_i32 : i32, i32
  }
  func.func @transform_2(%arg0: i32) -> (i32, i32) {
    %c0_i32 = arith.constant 0 : i32
    %c0_i32_0 = arith.constant 0 : i32
    return %arg0, %c0_i32 : i32, i32
  }
  func.func @transform_3(%arg0: i32) -> (i32, i32) {
    %c0_i32 = arith.constant 0 : i32
    %c0_i32_0 = arith.constant 0 : i32
    return %arg0, %c0_i32 : i32, i32
  }
  func.func @transform_4(%arg0: i32) -> (i32, i32) {
    %c0_i32 = arith.constant 0 : i32
    %c0_i32_0 = arith.constant 0 : i32
    %c0_i32_1 = arith.constant 0 : i32
    return %c0_i32, %c0_i32_0 : i32, i32
  }
  func.func @transform_5(%arg0: i32) -> (i32, i32) {
    %c0_i32 = arith.constant 0 : i32
    %c0_i32_0 = arith.constant 0 : i32
    %c0_i32_1 = arith.constant 0 : i32
    return %c0_i32, %c0_i32_0 : i32, i32
  }
  func.func @transform_6(%arg0: i32) -> (i32, i32) {
    %c0_i32 = arith.constant 0 : i32
    %c0_i32_0 = arith.constant 0 : i32
    %c0_i32_1 = arith.constant 0 : i32
    return %c0_i32, %c0_i32_0 : i32, i32
  }
  func.func @transform_7(%arg0: i32) -> (i32, i32) {
    %c0_i32 = arith.constant 0 : i32
    %c0_i32_0 = arith.constant 0 : i32
    %c0_i32_1 = arith.constant 0 : i32
    return %c0_i32, %c0_i32_0 : i32, i32
  }
  func.func @transform_8(%arg0: i32) -> (i32, i32) {
    %c0_i32 = arith.constant 0 : i32
    %c0_i32_0 = arith.constant 0 : i32
    %c0_i32_1 = arith.constant 0 : i32
    return %c0_i32, %c0_i32_0 : i32, i32
  }
  func.func @transform_9(%arg0: i32) -> (i32, i32) {
    %c0_i32 = arith.constant 0 : i32
    %c0_i32_0 = arith.constant 0 : i32
    %c0_i32_1 = arith.constant 0 : i32
    return %c0_i32, %c0_i32_0 : i32, i32
  }
  func.func @transform_10(%arg0: i32) -> (i32, i32) {
    %c0_i32 = arith.constant 0 : i32
    %c0_i32_0 = arith.constant 0 : i32
    %c0_i32_1 = arith.constant 0 : i32
    return %c0_i32, %c0_i32_0 : i32, i32
  }
  func.func @transform_11(%arg0: i32) -> (i32, i32) {
    %c0_i32 = arith.constant 0 : i32
    %c0_i32_0 = arith.constant 0 : i32
    %c0_i32_1 = arith.constant 0 : i32
    return %c0_i32, %c0_i32_0 : i32, i32
  }
  func.func @transform_12(%arg0: i32) -> (i32, i32) {
    %c0_i32 = arith.constant 0 : i32
    %c0_i32_0 = arith.constant 0 : i32
    %c0_i32_1 = arith.constant 0 : i32
    return %c0_i32, %c0_i32_0 : i32, i32
  }
  func.func @transform_13(%arg0: i32) -> (i32, i32) {
    %c0_i32 = arith.constant 0 : i32
    %c0_i32_0 = arith.constant 0 : i32
    %c0_i32_1 = arith.constant 0 : i32
    return %c0_i32, %c0_i32_0 : i32, i32
  }
  func.func @transform_14(%arg0: i32) -> (i32, i32) {
    %c0_i32 = arith.constant 0 : i32
    %c0_i32_0 = arith.constant 0 : i32
    %c0_i32_1 = arith.constant 0 : i32
    return %c0_i32, %c0_i32_0 : i32, i32
  }
  func.func @transform_15(%arg0: i32) -> (i32, i32) {
    %c0_i32 = arith.constant 0 : i32
    %c0_i32_0 = arith.constant 0 : i32
    %c0_i32_1 = arith.constant 0 : i32
    return %c0_i32, %c0_i32_0 : i32, i32
  }
}

</mosaic_0001>

<sc_bundles>
// kernel: kernel.13.cloned.1.call-start
scs
__scs_entry_jumppad:
0x0: {  	(pc) =	sbr.rel $0x88, $3  }
0x1: {  	(tag) =	ssettag $0x0;
	lr =	simm.s32 $0x1  }
0x2: {  	[smem:$0x3F8C] =	sst lr;
	_ =	strace $0xD0000000  }
0x3: {  	_ = 	snop  }
0x4: {  	_ = 	snop  }
0x5: {  	_ = 	snop  }
0x6: {  	_ = 	snop  }
0x7: {  	_ = 	snop  }
__scs_overlays_trampoline_lowered:
0x8: {  	[smem:$0x3F9B] =	sst s0  }
0x9: {  	[smem:$0x3F9C] =	sst s1  }
0xa: {  	[smem:$0x3F9D] =	sst s2  }
0xb: {  	[smem:$0x3F9E] =	sst s3  }
0xc: {  	[smem:$0x3F9F] =	sst s4  }
0xd: {  	[smem:$0x3FA0] =	sst s5  }
0xe: {  	[smem:$0x3FA1] =	sst s6  }
0xf: {  	[smem:$0x3FA2] =	sst s7  }
0x10: {  	[smem:$0x3FA3] =	sst s8  }
0x11: {  	[smem:$0x3FA4] =	sst s9;
	s0 =	simm.s32 @!p0 $0x0  }
0x12: {  	s1 =	sld [smem:$0x3F8A];
	s0 =	simm.s32 @p0 $0x1  }
0x13: {  	[smem:$0x3FA5] =	sst s0;
	s0 =	simm.s32 @!p1 $0x0  }
0x14: {  	s2 =	sld [smem:$0x3F89];
	s0 =	simm.s32 @p1 $0x1  }
0x15: {  	[smem:$0x3FA6] =	sst s0;
	s0 =	simm.s32 @!p2 $0x0  }
0x16: {  	s3 =	sld [smem:$0x3FDB];
	s0 =	simm.s32 @p2 $0x1  }
0x17: {  	s4 =	simm.s32 $0x1BF5;
	[smem:$0x3FA8] =	sst s0  }
0x18: {  	s0 =	sld [smem:$0x3F8B];
	_ =	swait.ge [sflag:s4], $0x0  }
0x19: {  	s7 =	sld [smem:$0x3F8C]  }
0x1a: {  	s8 =	sadd.s32 $0xFFFFE003, lr  }
0x1b: {  	s9 =	sadd.s32 $0xFFFFFEF7, lr;
	s5 =	simm.s32 $0xFFFFFFFF;
	p2 =	slt.u32 s8, $0xFFFFF086  }
0x1c: {  	p1 =	slt.u32 s9, $0xF7A;
	s5 =	simm.s32 @!p2 $0x0  }
0x1d: {  	s5 =	simm.s32 @p1 $0x1;
	p0 =	seq.s32 s7, s2  }
0x1e: {  	s7 =	smul.u32 @!p0 $0xF7A, s2;
	p2 =	seq.s32 @!p0 s5, $0x0  }
0x1f: {  	s9 =	smul.u32 $0xF7A, s1;
	s8 =	simm.s32 @!p0 $0x1BF5;
	p2 =	por !p2, p0  }
0x20: {  	[sflag:s8] =	ssyncset.s32 @!p0 $0xFFFFF086;
	s6 =	sadd.s32 @!p0 s3, s7;
	s7 =	simm.s32 @!p0 $0x108  }
0x21: {  	s3 =	sadd.s32 s3, s9;
	s6 =	sadd.s32 @!p0 $0x88, s6;
	s7 =	simm.s32 @p2 $0x1082  }
0x22: {  	[simem:s7], [sflag:s8] =	dma.local @!p0 [hbm:s6], $0xF7A  }
0x23: {  	s9 =	sor.u32 $0xD0000000, s2;
	s6 =	simm.s32 $0x108;
	_ =	swait.ge @!p0 [sflag:s8], $0x0  }
0x24: {  	s3 =	sadd.s32 $0x88, s3;
	s6 =	simm.s32 @!p1 $0x1082;
	[sflag:s4] =	ssyncset.s32 $0xFFFFF086  }
0x25: {  	[simem:s6], [sflag:s4] =	dma.local [hbm:s3], $0xF7A  }
0x26: {  	[smem:$0x3F8C] =	sst s1;
	(tag) =	ssettag s2;
	_ =	strace s9  }
0x27: {  	s1 =	sld [smem:$0x3F9C]  }
0x28: {  	s2 =	sld [smem:$0x3F9D]  }
0x29: {  	s4 =	sld [smem:$0x3F9F]  }
0x2a: {  	p0 =	seq.s32 s5, $0x0;
	s5 =	sld [smem:$0x3FA0]  }
0x2b: {  	s6 =	sld [smem:$0x3FA1]  }
0x2c: {  	s7 =	sld [smem:$0x3FA2]  }
0x2d: {  	s3 =	simm.s32 $0x108;
	s8 =	sld [smem:$0x3FA3]  }
0x2e: {  	s3 =	simm.s32 @!p0 $0x1082;
	s9 =	sld [smem:$0x3FA4]  }
0x2f: {  	lr =	sadd.s32 s0, s3;
	s0 =	sld [smem:$0x3F9B]  }
0x30: {  	s3 =	sld [smem:$0x3F9E]  }
0x31: {  	[smem:$0x3FA7] =	sst s10  }
0x32: {  	s10 =	sld [smem:$0x3FA5];
	_ =	sdelay $0x3  }
0x33: {  	p0 =	seq.s32 s10, $0x1;
	s10 =	sld [smem:$0x3FA7];
	_ =	sdelay $0x3  }
0x34: {  	[smem:$0x3FA7] =	sst s10  }
0x35: {  	s10 =	sld [smem:$0x3FA6];
	_ =	sdelay $0x3  }
0x36: {  	p1 =	seq.s32 s10, $0x1;
	s10 =	sld [smem:$0x3FA7];
	_ =	sdelay $0x3  }
0x37: {  	[smem:$0x3FA7] =	sst s10  }
0x38: {  	s10 =	sld [smem:$0x3FA8]  }
0x39: {  	_ = 	snop;
	(pc) =	sbr.ind lr, $3  }
0x3a: {  	_ = 	snop  }
0x3b: {  	_ = 	snop  }
0x3c: {  	p2 =	seq.s32 s10, $0x1;
	s10 =	sld [smem:$0x3FA7]  }
0x3d: {  	_ =	shalt  }
0x3e: {  	_ =	shalt  }
0x3f: {  	_ =	shalt  }
0x40: {  	_ =	shalt  }
0x41: {  	_ =	shalt  }
0x42: {  	_ =	shalt  }
0x43: {  	_ =	shalt  }
0x44: {  	_ =	shalt  }
0x45: {  	_ =	shalt  }
0x46: {  	_ =	shalt  }
0x47: {  	_ =	shalt  }
0x48: {  	_ =	shalt  }
0x49: {  	_ =	shalt  }
0x4a: {  	_ =	shalt  }
0x4b: {  	_ =	shalt  }
0x4c: {  	_ =	shalt  }
0x4d: {  	_ =	shalt  }
0x4e: {  	_ =	shalt  }
0x4f: {  	_ =	shalt  }
0x50: {  	_ =	shalt  }
0x51: {  	_ =	shalt  }
0x52: {  	_ =	shalt  }
0x53: {  	_ =	shalt  }
0x54: {  	_ =	shalt  }
0x55: {  	_ =	shalt  }
0x56: {  	_ =	shalt  }
0x57: {  	_ =	shalt  }
0x58: {  	_ =	shalt  }
0x59: {  	_ =	shalt  }
0x5a: {  	_ =	shalt  }
0x5b: {  	_ =	shalt  }
0x5c: {  	_ =	shalt  }
0x5d: {  	_ =	shalt  }
0x5e: {  	_ =	shalt  }
0x5f: {  	_ =	shalt  }
0x60: {  	_ =	shalt  }
0x61: {  	_ =	shalt  }
0x62: {  	_ =	shalt  }
0x63: {  	_ =	shalt  }
0x64: {  	_ =	shalt  }
0x65: {  	_ =	shalt  }
0x66: {  	_ =	shalt  }
0x67: {  	_ =	shalt  }
0x68: {  	_ =	shalt  }
0x69: {  	_ =	shalt  }
0x6a: {  	_ =	shalt  }
0x6b: {  	_ =	shalt  }
0x6c: {  	_ =	shalt  }
0x6d: {  	_ =	shalt  }
0x6e: {  	_ =	shalt  }
0x6f: {  	_ =	shalt  }
0x70: {  	_ =	shalt  }
0x71: {  	_ =	shalt  }
0x72: {  	_ =	shalt  }
0x73: {  	_ =	shalt  }
0x74: {  	_ =	shalt  }
0x75: {  	_ =	shalt  }
0x76: {  	_ =	shalt  }
0x77: {  	_ =	shalt  }
0x78: {  	_ =	shalt  }
0x79: {  	_ =	shalt  }
0x7a: {  	_ =	shalt  }
0x7b: {  	_ =	shalt  }
0x7c: {  	_ =	shalt  }
0x7d: {  	_ =	shalt  }
0x7e: {  	_ =	shalt  }
0x7f: {  	_ =	shalt  }
0x80: {  	_ =	shalt  }
0x81: {  	_ =	shalt  }
0x82: {  	_ =	shalt  }
0x83: {  	_ =	shalt  }
0x84: {  	_ =	shalt  }
0x85: {  	_ =	shalt  }
0x86: {  	_ =	shalt  }
0x87: {  	_ =	shalt  }
.Lfunc_end0:
.L_simem_size_0:
called_computation_lowered:
.L_overlay_start_0:
0x88: {  	s2 =	sld [smem:$0x3FD9]  }
0x89: {  	s3 =	sld [smem:$0x3FFE];
	_ =	sdelay $0x1  }
0x8a: {  	s1 =	srdreg.scid  }
0x8b: {  	s0 =	sand.u32 $0x1, s1  }
0x8c: {  	s16 =	sshll.u32 s0, $0xA;
	s2 =	sadd.s32 s3, s2  }
0x8d: {  	s2 =	sadd.s32 s2, s16  }
0x8e: {  	[smem:$0x3FB3] =	sst s2  }
0x8f: {  	_ = 	snop  }
0x90: {  	(tm) =	ssettm $0x1  }
0x91: {  	s17 =	sld [smem:$0x3FFB];
	_ =	sdelay $0x3  }
0x92: {  	_ =	strace s17  }
0x93: {  	s2 =	sld [smem:$0x3FFC];
	_ =	sdelay $0x3  }
0x94: {  	_ =	strace s2  }
0x95: {  	s2 =	sld [smem:$0x3FFD];
	_ =	sdelay $0x3  }
0x96: {  	_ =	strace s2  }
0x97: {  	_ =	strace $0x8FFFFFFF  }
0x98: {  	s18 =	sld [smem:$0x3FDB];
	_ =	sdelay $0x1  }
0x99: {  	s19 =	simm.s32 $_scs_section_size  }
0x9a: {  	s4 =	simm.s32 $_size__tile_overlayer_lowered;
	s5 =	simm.s32 $_tile_overlayer_lowered  }
0x9b: {  	s22 =	simm.s32 $0x1BFF;
	s21 =	sshll.u32 s5, $0x1;
	s2 =	sadd.s32 s19, s18  }
0x9c: {  	s6 =	simm.s32 $0x0;
	s20 =	sshll.u32 s4, $0x1;
	s4 =	sadd.s32 s21, s2  }
0x9d: {  	[timem:s6], [sflag:s22] =	dma.local [hbm:s4], s20  }
0x9e: {  	_ =	swait.ge [sflag:s22], s20  }
0x9f: {  	s3 =	ssub.s32 $0x0, s20;
	[sflag:s22] =	ssyncset.done $0x0  }
0xa0: {  	[sflag:s22] =	ssyncadd.s32 s3;
	_ =	sdelay $0x1  }
0xa1: {  	s23 =	simm.s32 $0x1B8B  }
0xa2: {  	_ =	swait.ge [sflag:s23], $0x1  }
0xa3: {  	[sflag:s23] =	ssyncset.done $0x0  }
0xa4: {  	s25 =	simm.s32 $0x1B8E;
	s24 =	sld [smem:$0x3FFE];
	[sflag:s23] =	ssyncadd.s32 $0xFFFFFFFF  }
0xa5: {  	s26 =	simm.s32 $execute0_lowered;
	[smem:$0x3FD2] =	sst s25  }
0xa6: {  	s4 =	sshll.u32 s26, $0x1;
	_ =	strace $0x80000046;
	[dreg:$0x1] =	wrdreg $0xFFFFFFFF  }
0xa7: {  	s28 =	simm.s32 $_size_execute0_lowered;
	s2 =	sadd.s32 s2, s4;
	[dreg:$0x0] =	wrdreg $0x0  }
0xa8: {  	s4 =	sshll.u32 s28, $0x1;
	[dreg:$0x2] =	wrdreg s2  }
0xa9: {  	[dreg:$0x3] =	wrdreg s4  }
0xaa: {  	[dreg:$0x4] =	wrdreg $0xC0  }
0xab: {  	_ =	task [dreg:s6], $0x5FFFF  }
0xac: {  	[dreg:$0x1] =	wrdreg $0xFFFFFFFF  }
0xad: {  	[dreg:$0x0] =	wrdreg $0x60  }
0xae: {  	[dreg:$0x2] =	wrdreg s24  }
0xaf: {  	[dreg:$0x3] =	wrdreg $0x84000  }
0xb0: {  	[dreg:$0x4] =	wrdreg $0x9  }
0xb1: {  	_ =	task.clear_ibuf [dreg:s6], $0x5FFFF;
	_ =	strace $0x90000046  }
0xb2: {  	s29 =	simm.s32 $0x9;
	_ =	strace $0x80000048  }
0xb3: {  	_ =	swait.ge [sflag:s29], $0x1  }
0xb4: {  	[sflag:s29] =	ssyncadd.s32 $0xFFFFFFFF  }
0xb5: {  	_ =	strace $0x90000048  }
0xb6: {  	_ =	sfence  }
0xb7: {  	s30 =	sld [smem:$0x0];
	_ =	sdelay $0x2  }
0xb8: {  	s31 =	sshll.u32 s1, $0xD;
	s1 =	sshrl.u32 s1, $0x2  }
0xb9: {  	s3 =	sand.u32 $0x4000, s31;
	s1 =	sadd.s32 s1, s30  }
0xba: {  	s0 =	sor.u32 s3, s0;
	s1 =	sshll.u32 s1, $0x11  }
0xbb: {  	s0 =	sor.u32 s1, s0  }
0xbc: {  	s0 =	sadd.s32 $0x8F2B, s0  }
0xbd: {  	[sflag:s0] =	ssyncadd.remote.s32 $0x1  }
0xbe: {  	_ =	sfence.sel $0xFFFF  }
0xbf: {  	[dreg:$0x0] =	wrdreg $0xFFFFFFFF;
	(pc) =	sbr.abs _section_cstart, $3  }
0xc0: {  	[dreg:$0x1] =	wrdreg $0xFFFFFFFF  }
0xc1: {  	_ =	task.clear_ibuf [dreg:s6], $0x2FFFF;
	_ =	strace $0x9FFFFFFF  }
0xc2: {  	(tm) =	ssettm $0x7FFFFFFF  }
0xc3: {  	_ =	shalt  }
tec
execute0_lowered:
.L_overlay_start_1:
0x0: {  	(tag) =	ssettag $0x1  }
0x1: {  	s0 =	rddreg [dreg:$0x0]  }
0x2: {  	s1 =	rddreg [dreg:$0x1];
	s2 =	simm.s32 $0x0  }
0x3: {  	s6 =	srdreg.scid;
	s13 =	stileid.u32;
	s28 =	simm.s32 $0x180  }
0x4: {  	s29 =	simm.s32 $0x6;
	s30 =	simm.s32 $0x200;
	s31 =	simm.s32 $0x280  }
0x5: {  	[smem:$0x7FF] =	sst s2;
	s4 =	sadd.s32 $0x1BC00, s0;
	s5 =	sadd.s32 $0x42E00, s0  }
0x6: {  	s3 =	sadd.s32 $0x7800, s0;
	s7 =	sadd.s32 $0x11A00, s0;
	s9 =	smul.u32 $0x4F000, s13  }
0x7: {  	s8 =	sand.u32 $0x1, s6;
	s6 =	sadd.s32 $0x6A000, s0;
	s12 =	smul.u32 $0x5000, s13  }
0x8: {  	s10 =	sadd.s32 $0x6A800, s0;
	s0 =	sadd.s32 $0x92000, s0;
	s25 =	smul.u32 $0xA00, s13  }
0x9: {  	_ =	strace $0x80000047;
	[dreg:$0x3] =	wrdreg s10;
	s16 =	ssub.s32 $0x2, s8  }
0xa: {  	[dreg:$0x4] =	wrdreg s0;
	p0 =	sne.s32 s8, $0x0;
	s0 =	simm.s32 $0x1  }
0xb: {  	s8 =	simm.s32 $0x4;
	s11 =	sshrl.u32 s16, $0x1;
	s20 =	sshrl.u32 s12, $0x3  }
0xc: {  	s9 =	sshrl.u32 s9, $0x2;
	s12 =	simm.s32 $0x2;
	s23 =	sadd.s32 s3, s20  }
0xd: {  	s9 =	sadd.s32 s9, s1;
	s24 =	sadd.s32 s7, s20;
	[dreg:$0x9] =	wrdreg s23  }
0xe: {  	s17 =	ssub.s32 s16, s11;
	s18 =	sadd.s32 $0x4000, s9;
	[dreg:$0xa] =	wrdreg s24  }
0xf: {  	s10 =	sor.u32 $0x10, s20;
	s19 =	sadd.s32 $0x8000, s9;
	[dreg:$0x5] =	wrdreg s18  }
0x10: {  	s20 =	sadd.s32 s25, s7;
	s21 =	sadd.s32 $0xC000, s9;
	[dreg:$0x6] =	wrdreg s19  }
0x11: {  	s11 =	simm.s32 $0x380;
	s22 =	sadd.s32 $0x10000, s9;
	[dreg:$0x7] =	wrdreg s21  }
0x12: {  	s26 =	sadd.s32 s3, s10;
	s10 =	sadd.s32 s7, s10;
	[dreg:$0x8] =	wrdreg s22  }
.Ltmp0:
0x13: {  	s23 =	simm.s32 $0x7;
	[dreg:$0xb] =	wrdreg s26;
	(pc) =	sbr.rel .LBB2_1-.Ltmp0, $4  }
0x14: {  	s24 =	simm.s32 $0x4400;
	s7 =	simm.s32 $0x3;
	[dreg:$0xc] =	wrdreg s10  }
0x15: {  	s18 =	smul.u32 $0x2780, s13;
	s19 =	smax.u32 s17, $0x1;
	s21 =	sadd.s32 s25, s3  }
0x16: {  	s22 =	simm.s32 $0x400;
	s25 =	simm.s32 $0x80;
	s26 =	simm.s32 $0x100  }
0x17: {  	s3 =	simm.s32 $0x5;
	s10 =	simm.s32 $0x300;
	s13 =	simm.s32 $0x0  }
.LBB2_7:
0x18: {  	[sflag:s8] =	ssyncadd.s32 $0xFFFFFF80;
	s14 =	rddreg [dreg:$0x4]  }
.LBB2_8:
0x19: {  	_ =	swait.ge [sflag:s0], $0x4000  }
0x1a: {  	[sflag:s0] =	ssyncset.done $0x0  }
0x1b: {  	[sflag:s0] =	ssyncadd.s32 $0xFFFFC000  }
0x1c: {  	_ =	swait.ge [sflag:s3], $0x4000  }
0x1d: {  	[sflag:s3] =	ssyncset.done $0x0  }
0x1e: {  	[sflag:s3] =	ssyncadd.s32 $0xFFFFC000  }
0x1f: {  	s14 =	sadd.s32 s14, s18;
	s15 =	stileid.u32;
	_ =	swait.ge [sflag:s29], $0x4000  }
0x20: {  	s16 =	sshrl.u32 s9, $0x3;
	s13 =	sadd.s32 $0x1, s13;
	[sflag:s29] =	ssyncset.done $0x0  }
0x21: {  	s15 =	sshll.u32 s15, $0x6;
	p1 =	sne.s32 s13, s19;
	[sflag:s29] =	ssyncadd.s32 $0xFFFFC000  }
.Ltmp1:
0x22: {  	s15 =	sor.u32 $0x1C07, s15;
	[bflag:$0x0] =	sbarrier.arrive $0xFFFF;
	(pc) =	sbr.rel @!p1 .LBB2_9-.Ltmp1, $4  }
0x23: {  	[hbm:s14], [sflag:s15] =	dma.local [spmem:s16], $0x2780  }
0x24: {  	_ =	swait.ge [sflag:s23], $0x2780  }
0x25: {  	[sflag:s23] =	ssyncset.done $0x0  }
0x26: {  	[sflag:s23] =	ssyncadd.s32 $0xFFFFD880  }
.LBB2_1:
0x27: {  	[tilespmem:s22], [sflag:$0x7] =	stream.linear.gather [hbm4b:s6+s2], $0x4000, $0x38;
	[tilespmem:$0x1C000] =	vst v63  }
0x28: {  	_ =	swait.ge [sflag:s23], $0x4000  }
0x29: {  	[sflag:s23] =	ssyncset.done $0x0  }
0x2a: {  	[sflag:s23] =	ssyncadd.s32 $0xFFFFC000  }
0x2b: {  	[tilespmem:s24], [sflag:$0x7] =	stream.linear.gather [hbm4b:s6+s2], $0x4000, $0x38;
	[tilespmem:$0x1C000] =	vst v63  }
0x2c: {  	_ =	swait.ge [sflag:s23], $0x4000  }
0x2d: {  	[sflag:s23] =	ssyncset.done $0x0  }
0x2e: {  	[sflag:s23] =	ssyncadd.s32 $0xFFFFC000  }
0x2f: {  	[spmem:s9] =	stream.linear.scatter [tilespmem:s22], [sflag:$0x7], $0x4000, $0x38;
	[tilespmem:$0x1C000] =	vst v63  }
0x30: {  	_ =	swait.ge [sflag:s23], $0x4000  }
0x31: {  	[sflag:s23] =	ssyncset.done $0x0  }
0x32: {  	s14 =	rddreg [dreg:$0x5];
	[sflag:s23] =	ssyncadd.s32 $0xFFFFC000  }
0x33: {  	[spmem:s14] =	stream.linear.scatter [tilespmem:s22], [sflag:$0x7], $0x4000, $0x38;
	[tilespmem:$0x1C000] =	vst v63  }
0x34: {  	_ =	swait.ge [sflag:s23], $0x4000  }
0x35: {  	[sflag:s23] =	ssyncset.done $0x0  }
0x36: {  	s17 =	rddreg [dreg:$0x6];
	[sflag:s23] =	ssyncadd.s32 $0xFFFFC000  }
0x37: {  	[spmem:s17] =	stream.linear.scatter [tilespmem:s22], [sflag:$0x7], $0x4000, $0x38;
	[tilespmem:$0x1C000] =	vst v63  }
0x38: {  	_ =	swait.ge [sflag:s23], $0x4000  }
0x39: {  	[sflag:s23] =	ssyncset.done $0x0  }
0x3a: {  	s15 =	rddreg [dreg:$0x7];
	[sflag:s23] =	ssyncadd.s32 $0xFFFFC000  }
0x3b: {  	[spmem:s15] =	stream.linear.scatter [tilespmem:s22], [sflag:$0x7], $0x4000, $0x38;
	[tilespmem:$0x1C000] =	vst v63  }
0x3c: {  	_ =	swait.ge [sflag:s23], $0x4000  }
0x3d: {  	[sflag:s23] =	ssyncset.done $0x0  }
0x3e: {  	s16 =	rddreg [dreg:$0x8];
	[sflag:s23] =	ssyncadd.s32 $0xFFFFC000  }
0x3f: {  	[spmem:s16] =	stream.linear.scatter [tilespmem:s22], [sflag:$0x7], $0x3C00, $0x38;
	[tilespmem:$0x1C000] =	vst v63  }
0x40: {  	_ =	swait.ge [sflag:s23], $0x3C00  }
0x41: {  	[sflag:s23] =	ssyncset.done $0x0  }
0x42: {  	[sflag:s23] =	ssyncadd.s32 $0xFFFFC400  }
0x43: {  	[bflag:$0x0] =	sbarrier.arrive $0xFFFF  }
0x44: {  	s17 =	rddreg [dreg:$0x9]  }
0x45: {  	[tilespmem:s2], [sflag:$0x7] =	stream.linear.gather [hbm4b:s17+s2], $0x80, $0x38;
	[tilespmem:$0x1C000] =	vst v63  }
0x46: {  	_ =	swait.ge [sflag:s23], $0x80  }
0x47: {  	[sflag:s23] =	ssyncset.done $0x0  }
0x48: {  	s15 =	rddreg [dreg:$0xa];
	[sflag:s23] =	ssyncadd.s32 $0xFFFFFF80  }
0x49: {  	[tilespmem:s25], [sflag:$0x7] =	stream.linear.gather [hbm4b:s15+s2], $0x80, $0x38;
	[tilespmem:$0x1C000] =	vst v63  }
0x4a: {  	_ =	swait.ge [sflag:s23], $0x80  }
0x4b: {  	[sflag:s23] =	ssyncset.done $0x0  }
0x4c: {  	s16 =	rddreg [dreg:$0xb];
	[sflag:s23] =	ssyncadd.s32 $0xFFFFFF80  }
0x4d: {  	[tilespmem:s26], [sflag:$0x7] =	stream.linear.gather [hbm4b:s16+s2], $0x80, $0x38;
	[tilespmem:$0x1C000] =	vst v63  }
0x4e: {  	_ =	swait.ge [sflag:s23], $0x80  }
0x4f: {  	[sflag:s23] =	ssyncset.done $0x0  }
0x50: {  	s17 =	rddreg [dreg:$0xc];
	[sflag:s23] =	ssyncadd.s32 $0xFFFFFF80  }
0x51: {  	[tilespmem:s28], [sflag:$0x7] =	stream.linear.gather [hbm4b:s17+s2], $0x80, $0x38;
	[tilespmem:$0x1C000] =	vst v63  }
0x52: {  	_ =	swait.ge [sflag:s23], $0x80  }
.Ltmp2:
0x53: {  	[sflag:s23] =	ssyncset.done $0x0;
	(pc) =	sbr.rel @p0 .LBB2_5-.Ltmp2, $4  }
0x54: {  	[sflag:s23] =	ssyncadd.s32 $0xFFFFFF80  }
0x55: {  	[spmem:s1] =	stream.indirect.scatter.add.f32 [tilespmem:s22], [sflag:$0x5], $0x80, s25, s25, $0xb8;
	[tilespmem:$0x1C000] =	vst v63  }
0x56: {  	s14 =	simm.s32 $0x0  }
0x57: {  	[spmem:s1] =	stream.indirect.scatter.add.f32 [tilespmem:s24], [sflag:$0x6], $0x80, s25, s25, $0xb8;
	[tilespmem:$0x1C000] =	vst v63  }
0x58: {  	[tilespmem:s22], [sflag:$0x1] =	stream.indirect.gather [hbm4b:s4+s25], $0x80, s14, s25, $0xb8;
	[tilespmem:$0x1C000] =	vst v63  }
0x59: {  	_ =	swait.ge [sflag:s29], $0x4000  }
0x5a: {  	[sflag:s29] =	ssyncset.done $0x0  }
0x5b: {  	s14 =	sadd.s32 $0x0, s21;
	[sflag:s29] =	ssyncadd.s32 $0xFFFFC000  }
0x5c: {  	[tilespmem:s24], [sflag:$0x2] =	stream.indirect.gather [hbm4b:s4+s25], $0x80, s26, s25, $0xb8;
	[tilespmem:$0x1C000] =	vst v63  }
0x5d: {  	s16 =	sadd.s32 $0x0, s20;
	s15 =	sadd.s32 $0x20, s14  }
0x5e: {  	[tilespmem:s30], [sflag:$0x3] =	stream.linear.gather [hbm4b:s15+s2], $0x80, $0x38;
	[tilespmem:$0x1C000] =	vst v63  }
0x5f: {  	s17 =	sadd.s32 $0x20, s16  }
0x60: {  	[tilespmem:s31], [sflag:$0x4] =	stream.linear.gather [hbm4b:s17+s2], $0x80, $0x38;
	[tilespmem:$0x1C000] =	vst v63  }
0x61: {  	_ =	swait.ge [sflag:s0], $0x4000  }
0x62: {  	[sflag:s0] =	ssyncset.done $0x0  }
0x63: {  	[sflag:s0] =	ssyncadd.s32 $0xFFFFC000  }
0x64: {  	[spmem:s1] =	stream.indirect.scatter.add.f32 [tilespmem:s22], [sflag:$0x5], $0x80, s25, s25, $0xb8;
	[tilespmem:$0x1C000] =	vst v63  }
0x65: {  	_ =	swait.ge [sflag:s7], $0x80  }
0x66: {  	[sflag:s7] =	ssyncset.done $0x0  }
0x67: {  	[sflag:s7] =	ssyncadd.s32 $0xFFFFFF80  }
0x68: {  	_ =	swait.ge [sflag:s8], $0x80  }
0x69: {  	[sflag:s8] =	ssyncset.done $0x0  }
0x6a: {  	[sflag:s8] =	ssyncadd.s32 $0xFFFFFF80  }
0x6b: {  	_ =	swait.ge [sflag:s3], $0x4000  }
0x6c: {  	[sflag:s3] =	ssyncset.done $0x0  }
0x6d: {  	[sflag:s3] =	ssyncadd.s32 $0xFFFFC000  }
0x6e: {  	[tilespmem:s22], [sflag:$0x1] =	stream.indirect.gather [hbm4b:s4+s25], $0x80, s30, s25, $0xb8;
	[tilespmem:$0x1C000] =	vst v63  }
0x6f: {  	s17 =	sadd.s32 $0x30, s14  }
0x70: {  	[tilespmem:s10], [sflag:$0x3] =	stream.linear.gather [hbm4b:s17+s2], $0x80, $0x38;
	[tilespmem:$0x1C000] =	vst v63  }
0x71: {  	s17 =	sadd.s32 $0x30, s16  }
0x72: {  	[tilespmem:s11], [sflag:$0x4] =	stream.linear.gather [hbm4b:s17+s2], $0x80, $0x38;
	[tilespmem:$0x1C000] =	vst v63  }
0x73: {  	_ =	swait.ge [sflag:s12], $0x4000  }
0x74: {  	[sflag:s12] =	ssyncset.done $0x0  }
0x75: {  	[sflag:s12] =	ssyncadd.s32 $0xFFFFC000  }
0x76: {  	[spmem:s1] =	stream.indirect.scatter.add.f32 [tilespmem:s24], [sflag:$0x6], $0x80, s28, s25, $0xb8;
	[tilespmem:$0x1C000] =	vst v63  }
0x77: {  	_ =	swait.ge [sflag:s7], $0x80  }
0x78: {  	[sflag:s7] =	ssyncset.done $0x0  }
0x79: {  	[sflag:s7] =	ssyncadd.s32 $0xFFFFFF80  }
0x7a: {  	_ =	swait.ge [sflag:s8], $0x80  }
0x7b: {  	[sflag:s8] =	ssyncset.done $0x0  }
0x7c: {  	[sflag:s8] =	ssyncadd.s32 $0xFFFFFF80  }
0x7d: {  	_ =	swait.ge [sflag:s29], $0x4000  }
0x7e: {  	[sflag:s29] =	ssyncset.done $0x0  }
0x7f: {  	[sflag:s29] =	ssyncadd.s32 $0xFFFFC000  }
0x80: {  	[tilespmem:s24], [sflag:$0x2] =	stream.indirect.gather [hbm4b:s4+s25], $0x80, s10, s25, $0xb8;
	[tilespmem:$0x1C000] =	vst v63  }
0x81: {  	s17 =	sadd.s32 $0x40, s14  }
0x82: {  	[tilespmem:s2], [sflag:$0x3] =	stream.linear.gather [hbm4b:s17+s2], $0x80, $0x38;
	[tilespmem:$0x1C000] =	vst v63  }
0x83: {  	s17 =	sadd.s32 $0x40, s16  }
0x84: {  	[tilespmem:s25], [sflag:$0x4] =	stream.linear.gather [hbm4b:s17+s2], $0x80, $0x38;
	[tilespmem:$0x1C000] =	vst v63  }
0x85: {  	_ =	swait.ge [sflag:s0], $0x4000  }
0x86: {  	[sflag:s0] =	ssyncset.done $0x0  }
0x87: {  	[sflag:s0] =	ssyncadd.s32 $0xFFFFC000  }
0x88: {  	[spmem:s1] =	stream.indirect.scatter.add.f32 [tilespmem:s22], [sflag:$0x5], $0x80, s31, s25, $0xb8;
	[tilespmem:$0x1C000] =	vst v63  }
0x89: {  	_ =	swait.ge [sflag:s7], $0x80  }
0x8a: {  	[sflag:s7] =	ssyncset.done $0x0  }
0x8b: {  	[sflag:s7] =	ssyncadd.s32 $0xFFFFFF80  }
0x8c: {  	_ =	swait.ge [sflag:s8], $0x80  }
0x8d: {  	[sflag:s8] =	ssyncset.done $0x0  }
0x8e: {  	[sflag:s8] =	ssyncadd.s32 $0xFFFFFF80  }
0x8f: {  	_ =	swait.ge [sflag:s3], $0x4000  }
0x90: {  	[sflag:s3] =	ssyncset.done $0x0  }
0x91: {  	[sflag:s3] =	ssyncadd.s32 $0xFFFFC000  }
0x92: {  	[tilespmem:s22], [sflag:$0x1] =	stream.indirect.gather [hbm4b:s4+s25], $0x80, s2, s25, $0xb8;
	[tilespmem:$0x1C000] =	vst v63  }
0x93: {  	s14 =	sadd.s32 $0x50, s14  }
0x94: {  	[tilespmem:s26], [sflag:$0x3] =	stream.linear.gather [hbm4b:s14+s2], $0x80, $0x38;
	[tilespmem:$0x1C000] =	vst v63  }
0x95: {  	s17 =	sadd.s32 $0x50, s16  }
0x96: {  	[tilespmem:s28], [sflag:$0x4] =	stream.linear.gather [hbm4b:s17+s2], $0x80, $0x38;
	[tilespmem:$0x1C000] =	vst v63  }
0x97: {  	_ =	swait.ge [sflag:s12], $0x4000  }
0x98: {  	[sflag:s12] =	ssyncset.done $0x0  }
0x99: {  	[sflag:s12] =	ssyncadd.s32 $0xFFFFC000  }
0x9a: {  	[spmem:s1] =	stream.indirect.scatter.add.f32 [tilespmem:s24], [sflag:$0x6], $0x80, s11, s25, $0xb8;
	[tilespmem:$0x1C000] =	vst v63  }
0x9b: {  	_ =	swait.ge [sflag:s7], $0x80  }
0x9c: {  	[sflag:s7] =	ssyncset.done $0x0  }
0x9d: {  	[sflag:s7] =	ssyncadd.s32 $0xFFFFFF80  }
0x9e: {  	_ =	swait.ge [sflag:s8], $0x80  }
0x9f: {  	s14 =	simm.s32 $0x40;
	[sflag:s8] =	ssyncset.done $0x0  }
.LBB2_3:
0xa0: {  	p1 =	seq.s32 s14, $0x9C0  }
0xa1: {  	[sflag:s8] =	ssyncadd.s32 $0xFFFFFF80;
	s16 =	smov.u32 s14;
	s14 =	sadd.s32 $0x40, s14  }
0xa2: {  	_ =	swait.ge [sflag:s29], $0x4000  }
0xa3: {  	[sflag:s29] =	ssyncset.done $0x0  }
0xa4: {  	s15 =	sadd.s32 s16, s21;
	[sflag:s29] =	ssyncadd.s32 $0xFFFFC000  }
0xa5: {  	[tilespmem:s24], [sflag:$0x2] =	stream.indirect.gather [hbm4b:s4+s25], $0x80, s26, s25, $0xb8;
	[tilespmem:$0x1C000] =	vst v63  }
0xa6: {  	s16 =	sadd.s32 s16, s20;
	s17 =	sadd.s32 $0x20, s15  }
0xa7: {  	[tilespmem:s30], [sflag:$0x3] =	stream.linear.gather [hbm4b:s17+s2], $0x80, $0x38;
	[tilespmem:$0x1C000] =	vst v63  }
0xa8: {  	s17 =	sadd.s32 $0x20, s16  }
0xa9: {  	[tilespmem:s31], [sflag:$0x4] =	stream.linear.gather [hbm4b:s17+s2], $0x80, $0x38;
	[tilespmem:$0x1C000] =	vst v63  }
0xaa: {  	_ =	swait.ge [sflag:s0], $0x4000  }
0xab: {  	[sflag:s0] =	ssyncset.done $0x0  }
0xac: {  	[sflag:s0] =	ssyncadd.s32 $0xFFFFC000  }
0xad: {  	[spmem:s1] =	stream.indirect.scatter.add.f32 [tilespmem:s22], [sflag:$0x5], $0x80, s25, s25, $0xb8;
	[tilespmem:$0x1C000] =	vst v63  }
0xae: {  	_ =	swait.ge [sflag:s7], $0x80  }
0xaf: {  	[sflag:s7] =	ssyncset.done $0x0  }
0xb0: {  	[sflag:s7] =	ssyncadd.s32 $0xFFFFFF80  }
0xb1: {  	_ =	swait.ge [sflag:s8], $0x80  }
0xb2: {  	[sflag:s8] =	ssyncset.done $0x0  }
0xb3: {  	[sflag:s8] =	ssyncadd.s32 $0xFFFFFF80  }
0xb4: {  	_ =	swait.ge [sflag:s3], $0x4000  }
0xb5: {  	[sflag:s3] =	ssyncset.done $0x0  }
0xb6: {  	[sflag:s3] =	ssyncadd.s32 $0xFFFFC000  }
0xb7: {  	[tilespmem:s22], [sflag:$0x1] =	stream.indirect.gather [hbm4b:s4+s25], $0x80, s30, s25, $0xb8;
	[tilespmem:$0x1C000] =	vst v63  }
0xb8: {  	s17 =	sadd.s32 $0x30, s15  }
0xb9: {  	[tilespmem:s10], [sflag:$0x3] =	stream.linear.gather [hbm4b:s17+s2], $0x80, $0x38;
	[tilespmem:$0x1C000] =	vst v63  }
0xba: {  	s17 =	sadd.s32 $0x30, s16  }
0xbb: {  	[tilespmem:s11], [sflag:$0x4] =	stream.linear.gather [hbm4b:s17+s2], $0x80, $0x38;
	[tilespmem:$0x1C000] =	vst v63  }
0xbc: {  	_ =	swait.ge [sflag:s12], $0x4000  }
0xbd: {  	[sflag:s12] =	ssyncset.done $0x0  }
0xbe: {  	[sflag:s12] =	ssyncadd.s32 $0xFFFFC000  }
0xbf: {  	[spmem:s1] =	stream.indirect.scatter.add.f32 [tilespmem:s24], [sflag:$0x6], $0x80, s28, s25, $0xb8;
	[tilespmem:$0x1C000] =	vst v63  }
0xc0: {  	_ =	swait.ge [sflag:s7], $0x80  }
0xc1: {  	[sflag:s7] =	ssyncset.done $0x0  }
0xc2: {  	[sflag:s7] =	ssyncadd.s32 $0xFFFFFF80  }
0xc3: {  	_ =	swait.ge [sflag:s8], $0x80  }
0xc4: {  	[sflag:s8] =	ssyncset.done $0x0  }
0xc5: {  	[sflag:s8] =	ssyncadd.s32 $0xFFFFFF80  }
0xc6: {  	_ =	swait.ge [sflag:s29], $0x4000  }
0xc7: {  	[sflag:s29] =	ssyncset.done $0x0  }
0xc8: {  	[sflag:s29] =	ssyncadd.s32 $0xFFFFC000  }
0xc9: {  	[tilespmem:s24], [sflag:$0x2] =	stream.indirect.gather [hbm4b:s4+s25], $0x80, s10, s25, $0xb8;
	[tilespmem:$0x1C000] =	vst v63  }
0xca: {  	s17 =	sadd.s32 $0x40, s15  }
0xcb: {  	[tilespmem:s2], [sflag:$0x3] =	stream.linear.gather [hbm4b:s17+s2], $0x80, $0x38;
	[tilespmem:$0x1C000] =	vst v63  }
0xcc: {  	s17 =	sadd.s32 $0x40, s16  }
0xcd: {  	[tilespmem:s25], [sflag:$0x4] =	stream.linear.gather [hbm4b:s17+s2], $0x80, $0x38;
	[tilespmem:$0x1C000] =	vst v63  }
0xce: {  	_ =	swait.ge [sflag:s0], $0x4000  }
0xcf: {  	[sflag:s0] =	ssyncset.done $0x0  }
0xd0: {  	[sflag:s0] =	ssyncadd.s32 $0xFFFFC000  }
0xd1: {  	[spmem:s1] =	stream.indirect.scatter.add.f32 [tilespmem:s22], [sflag:$0x5], $0x80, s31, s25, $0xb8;
	[tilespmem:$0x1C000] =	vst v63  }
0xd2: {  	_ =	swait.ge [sflag:s7], $0x80  }
0xd3: {  	[sflag:s7] =	ssyncset.done $0x0  }
0xd4: {  	[sflag:s7] =	ssyncadd.s32 $0xFFFFFF80  }
0xd5: {  	_ =	swait.ge [sflag:s8], $0x80  }
0xd6: {  	[sflag:s8] =	ssyncset.done $0x0  }
0xd7: {  	[sflag:s8] =	ssyncadd.s32 $0xFFFFFF80  }
0xd8: {  	_ =	swait.ge [sflag:s3], $0x4000  }
0xd9: {  	[sflag:s3] =	ssyncset.done $0x0  }
0xda: {  	[sflag:s3] =	ssyncadd.s32 $0xFFFFC000  }
0xdb: {  	[tilespmem:s22], [sflag:$0x1] =	stream.indirect.gather [hbm4b:s4+s25], $0x80, s2, s25, $0xb8;
	[tilespmem:$0x1C000] =	vst v63  }
0xdc: {  	s15 =	sadd.s32 $0x50, s15  }
0xdd: {  	[tilespmem:s26], [sflag:$0x3] =	stream.linear.gather [hbm4b:s15+s2], $0x80, $0x38;
	[tilespmem:$0x1C000] =	vst v63  }
0xde: {  	s15 =	sadd.s32 $0x50, s16  }
0xdf: {  	[tilespmem:s28], [sflag:$0x4] =	stream.linear.gather [hbm4b:s15+s2], $0x80, $0x38;
	[tilespmem:$0x1C000] =	vst v63  }
0xe0: {  	_ =	swait.ge [sflag:s12], $0x4000  }
0xe1: {  	[sflag:s12] =	ssyncset.done $0x0  }
0xe2: {  	[sflag:s12] =	ssyncadd.s32 $0xFFFFC000  }
0xe3: {  	[spmem:s1] =	stream.indirect.scatter.add.f32 [tilespmem:s24], [sflag:$0x6], $0x80, s11, s25, $0xb8;
	[tilespmem:$0x1C000] =	vst v63  }
.Ltmp3:
0xe4: {  	_ =	swait.ge [sflag:s7], $0x80;
	(pc) =	sbr.rel @!p1 .LBB2_3-.Ltmp3, $4  }
0xe5: {  	[sflag:s7] =	ssyncset.done $0x0  }
0xe6: {  	[sflag:s7] =	ssyncadd.s32 $0xFFFFFF80  }
0xe7: {  	_ =	swait.ge [sflag:s8], $0x80  }
0xe8: {  	[sflag:s8] =	ssyncset.done $0x0  }
.Ltmp4:
0xe9: {  	(pc) =	sbr.rel .LBB2_8-.Ltmp4, $2  }
0xea: {  	_ =	sdelay $0x2  }
0xeb: {  	[sflag:s8] =	ssyncadd.s32 $0xFFFFFF80;
	s14 =	rddreg [dreg:$0x3]  }
.LBB2_5:
0xec: {  	[tilespmem:s22], [sflag:$0x1] =	stream.indirect.gather [hbm4b:s5+s25], $0x80, s14, s25, $0xb8;
	[tilespmem:$0x1C000] =	vst v63  }
0xed: {  	_ =	swait.ge [sflag:s29], $0x4000  }
0xee: {  	[sflag:s29] =	ssyncset.done $0x0  }
0xef: {  	s14 =	sadd.s32 $0x0, s21;
	[sflag:s29] =	ssyncadd.s32 $0xFFFFC000  }
0xf0: {  	[tilespmem:s24], [sflag:$0x2] =	stream.indirect.gather [hbm4b:s5+s25], $0x80, s26, s25, $0xb8;
	[tilespmem:$0x1C000] =	vst v63  }
0xf1: {  	s16 =	sadd.s32 $0x0, s20;
	s15 =	sadd.s32 $0x20, s14  }
0xf2: {  	[tilespmem:s30], [sflag:$0x3] =	stream.linear.gather [hbm4b:s15+s2], $0x80, $0x38;
	[tilespmem:$0x1C000] =	vst v63  }
0xf3: {  	s17 =	sadd.s32 $0x20, s16  }
0xf4: {  	[tilespmem:s31], [sflag:$0x4] =	stream.linear.gather [hbm4b:s17+s2], $0x80, $0x38;
	[tilespmem:$0x1C000] =	vst v63  }
0xf5: {  	_ =	swait.ge [sflag:s0], $0x4000  }
0xf6: {  	[sflag:s0] =	ssyncset.done $0x0  }
0xf7: {  	[sflag:s0] =	ssyncadd.s32 $0xFFFFC000  }
0xf8: {  	[spmem:s1] =	stream.indirect.scatter.add.f32 [tilespmem:s22], [sflag:$0x5], $0x80, s25, s25, $0xb8;
	[tilespmem:$0x1C000] =	vst v63  }
0xf9: {  	_ =	swait.ge [sflag:s7], $0x80  }
0xfa: {  	[sflag:s7] =	ssyncset.done $0x0  }
0xfb: {  	[sflag:s7] =	ssyncadd.s32 $0xFFFFFF80  }
0xfc: {  	_ =	swait.ge [sflag:s8], $0x80  }
0xfd: {  	[sflag:s8] =	ssyncset.done $0x0  }
0xfe: {  	[sflag:s8] =	ssyncadd.s32 $0xFFFFFF80  }
0xff: {  	_ =	swait.ge [sflag:s3], $0x4000  }
0x100: {  	[sflag:s3] =	ssyncset.done $0x0  }
0x101: {  	[sflag:s3] =	ssyncadd.s32 $0xFFFFC000  }
0x102: {  	[tilespmem:s22], [sflag:$0x1] =	stream.indirect.gather [hbm4b:s5+s25], $0x80, s30, s25, $0xb8;
	[tilespmem:$0x1C000] =	vst v63  }
0x103: {  	s17 =	sadd.s32 $0x30, s14  }
0x104: {  	[tilespmem:s10], [sflag:$0x3] =	stream.linear.gather [hbm4b:s17+s2], $0x80, $0x38;
	[tilespmem:$0x1C000] =	vst v63  }
0x105: {  	s17 =	sadd.s32 $0x30, s16  }
0x106: {  	[tilespmem:s11], [sflag:$0x4] =	stream.linear.gather [hbm4b:s17+s2], $0x80, $0x38;
	[tilespmem:$0x1C000] =	vst v63  }
0x107: {  	_ =	swait.ge [sflag:s12], $0x4000  }
0x108: {  	[sflag:s12] =	ssyncset.done $0x0  }
0x109: {  	[sflag:s12] =	ssyncadd.s32 $0xFFFFC000  }
0x10a: {  	[spmem:s1] =	stream.indirect.scatter.add.f32 [tilespmem:s24], [sflag:$0x6], $0x80, s28, s25, $0xb8;
	[tilespmem:$0x1C000] =	vst v63  }
0x10b: {  	_ =	swait.ge [sflag:s7], $0x80  }
0x10c: {  	[sflag:s7] =	ssyncset.done $0x0  }
0x10d: {  	[sflag:s7] =	ssyncadd.s32 $0xFFFFFF80  }
0x10e: {  	_ =	swait.ge [sflag:s8], $0x80  }
0x10f: {  	[sflag:s8] =	ssyncset.done $0x0  }
0x110: {  	[sflag:s8] =	ssyncadd.s32 $0xFFFFFF80  }
0x111: {  	_ =	swait.ge [sflag:s29], $0x4000  }
0x112: {  	[sflag:s29] =	ssyncset.done $0x0  }
0x113: {  	[sflag:s29] =	ssyncadd.s32 $0xFFFFC000  }
0x114: {  	[tilespmem:s24], [sflag:$0x2] =	stream.indirect.gather [hbm4b:s5+s25], $0x80, s10, s25, $0xb8;
	[tilespmem:$0x1C000] =	vst v63  }
0x115: {  	s17 =	sadd.s32 $0x40, s14  }
0x116: {  	[tilespmem:s2], [sflag:$0x3] =	stream.linear.gather [hbm4b:s17+s2], $0x80, $0x38;
	[tilespmem:$0x1C000] =	vst v63  }
0x117: {  	s17 =	sadd.s32 $0x40, s16  }
0x118: {  	[tilespmem:s25], [sflag:$0x4] =	stream.linear.gather [hbm4b:s17+s2], $0x80, $0x38;
	[tilespmem:$0x1C000] =	vst v63  }
0x119: {  	_ =	swait.ge [sflag:s0], $0x4000  }
0x11a: {  	[sflag:s0] =	ssyncset.done $0x0  }
0x11b: {  	[sflag:s0] =	ssyncadd.s32 $0xFFFFC000  }
0x11c: {  	[spmem:s1] =	stream.indirect.scatter.add.f32 [tilespmem:s22], [sflag:$0x5], $0x80, s31, s25, $0xb8;
	[tilespmem:$0x1C000] =	vst v63  }
0x11d: {  	_ =	swait.ge [sflag:s7], $0x80  }
0x11e: {  	[sflag:s7] =	ssyncset.done $0x0  }
0x11f: {  	[sflag:s7] =	ssyncadd.s32 $0xFFFFFF80  }
0x120: {  	_ =	swait.ge [sflag:s8], $0x80  }
0x121: {  	[sflag:s8] =	ssyncset.done $0x0  }
0x122: {  	[sflag:s8] =	ssyncadd.s32 $0xFFFFFF80  }
0x123: {  	_ =	swait.ge [sflag:s3], $0x4000  }
0x124: {  	[sflag:s3] =	ssyncset.done $0x0  }
0x125: {  	[sflag:s3] =	ssyncadd.s32 $0xFFFFC000  }
0x126: {  	[tilespmem:s22], [sflag:$0x1] =	stream.indirect.gather [hbm4b:s5+s25], $0x80, s2, s25, $0xb8;
	[tilespmem:$0x1C000] =	vst v63  }
0x127: {  	s14 =	sadd.s32 $0x50, s14  }
0x128: {  	[tilespmem:s26], [sflag:$0x3] =	stream.linear.gather [hbm4b:s14+s2], $0x80, $0x38;
	[tilespmem:$0x1C000] =	vst v63  }
0x129: {  	s17 =	sadd.s32 $0x50, s16  }
0x12a: {  	[tilespmem:s28], [sflag:$0x4] =	stream.linear.gather [hbm4b:s17+s2], $0x80, $0x38;
	[tilespmem:$0x1C000] =	vst v63  }
0x12b: {  	_ =	swait.ge [sflag:s12], $0x4000  }
0x12c: {  	[sflag:s12] =	ssyncset.done $0x0  }
0x12d: {  	[sflag:s12] =	ssyncadd.s32 $0xFFFFC000  }
0x12e: {  	[spmem:s1] =	stream.indirect.scatter.add.f32 [tilespmem:s24], [sflag:$0x6], $0x80, s11, s25, $0xb8;
	[tilespmem:$0x1C000] =	vst v63  }
0x12f: {  	_ =	swait.ge [sflag:s7], $0x80  }
0x130: {  	[sflag:s7] =	ssyncset.done $0x0  }
0x131: {  	[sflag:s7] =	ssyncadd.s32 $0xFFFFFF80  }
0x132: {  	_ =	swait.ge [sflag:s8], $0x80  }
0x133: {  	s14 =	simm.s32 $0x40;
	[sflag:s8] =	ssyncset.done $0x0  }
.LBB2_6:
0x134: {  	p1 =	sne.s32 s14, $0x9C0  }
0x135: {  	[sflag:s8] =	ssyncadd.s32 $0xFFFFFF80;
	s16 =	smov.u32 s14;
	s14 =	sadd.s32 $0x40, s14  }
0x136: {  	_ =	swait.ge [sflag:s29], $0x4000  }
0x137: {  	[sflag:s29] =	ssyncset.done $0x0  }
0x138: {  	s15 =	sadd.s32 s16, s21;
	[sflag:s29] =	ssyncadd.s32 $0xFFFFC000  }
0x139: {  	[tilespmem:s24], [sflag:$0x2] =	stream.indirect.gather [hbm4b:s5+s25], $0x80, s26, s25, $0xb8;
	[tilespmem:$0x1C000] =	vst v63  }
0x13a: {  	s16 =	sadd.s32 s16, s20;
	s17 =	sadd.s32 $0x20, s15  }
0x13b: {  	[tilespmem:s30], [sflag:$0x3] =	stream.linear.gather [hbm4b:s17+s2], $0x80, $0x38;
	[tilespmem:$0x1C000] =	vst v63  }
0x13c: {  	s17 =	sadd.s32 $0x20, s16  }
0x13d: {  	[tilespmem:s31], [sflag:$0x4] =	stream.linear.gather [hbm4b:s17+s2], $0x80, $0x38;
	[tilespmem:$0x1C000] =	vst v63  }
0x13e: {  	_ =	swait.ge [sflag:s0], $0x4000  }
0x13f: {  	[sflag:s0] =	ssyncset.done $0x0  }
0x140: {  	[sflag:s0] =	ssyncadd.s32 $0xFFFFC000  }
0x141: {  	[spmem:s1] =	stream.indirect.scatter.add.f32 [tilespmem:s22], [sflag:$0x5], $0x80, s25, s25, $0xb8;
	[tilespmem:$0x1C000] =	vst v63  }
0x142: {  	_ =	swait.ge [sflag:s7], $0x80  }
0x143: {  	[sflag:s7] =	ssyncset.done $0x0  }
0x144: {  	[sflag:s7] =	ssyncadd.s32 $0xFFFFFF80  }
0x145: {  	_ =	swait.ge [sflag:s8], $0x80  }
0x146: {  	[sflag:s8] =	ssyncset.done $0x0  }
0x147: {  	[sflag:s8] =	ssyncadd.s32 $0xFFFFFF80  }
0x148: {  	_ =	swait.ge [sflag:s3], $0x4000  }
0x149: {  	[sflag:s3] =	ssyncset.done $0x0  }
0x14a: {  	[sflag:s3] =	ssyncadd.s32 $0xFFFFC000  }
0x14b: {  	[tilespmem:s22], [sflag:$0x1] =	stream.indirect.gather [hbm4b:s5+s25], $0x80, s30, s25, $0xb8;
	[tilespmem:$0x1C000] =	vst v63  }
0x14c: {  	s17 =	sadd.s32 $0x30, s15  }
0x14d: {  	[tilespmem:s10], [sflag:$0x3] =	stream.linear.gather [hbm4b:s17+s2], $0x80, $0x38;
	[tilespmem:$0x1C000] =	vst v63  }
0x14e: {  	s17 =	sadd.s32 $0x30, s16  }
0x14f: {  	[tilespmem:s11], [sflag:$0x4] =	stream.linear.gather [hbm4b:s17+s2], $0x80, $0x38;
	[tilespmem:$0x1C000] =	vst v63  }
0x150: {  	_ =	swait.ge [sflag:s12], $0x4000  }
0x151: {  	[sflag:s12] =	ssyncset.done $0x0  }
0x152: {  	[sflag:s12] =	ssyncadd.s32 $0xFFFFC000  }
0x153: {  	[spmem:s1] =	stream.indirect.scatter.add.f32 [tilespmem:s24], [sflag:$0x6], $0x80, s28, s25, $0xb8;
	[tilespmem:$0x1C000] =	vst v63  }
0x154: {  	_ =	swait.ge [sflag:s7], $0x80  }
0x155: {  	[sflag:s7] =	ssyncset.done $0x0  }
0x156: {  	[sflag:s7] =	ssyncadd.s32 $0xFFFFFF80  }
0x157: {  	_ =	swait.ge [sflag:s8], $0x80  }
0x158: {  	[sflag:s8] =	ssyncset.done $0x0  }
0x159: {  	[sflag:s8] =	ssyncadd.s32 $0xFFFFFF80  }
0x15a: {  	_ =	swait.ge [sflag:s29], $0x4000  }
0x15b: {  	[sflag:s29] =	ssyncset.done $0x0  }
0x15c: {  	[sflag:s29] =	ssyncadd.s32 $0xFFFFC000  }
0x15d: {  	[tilespmem:s24], [sflag:$0x2] =	stream.indirect.gather [hbm4b:s5+s25], $0x80, s10, s25, $0xb8;
	[tilespmem:$0x1C000] =	vst v63  }
0x15e: {  	s17 =	sadd.s32 $0x40, s15  }
0x15f: {  	[tilespmem:s2], [sflag:$0x3] =	stream.linear.gather [hbm4b:s17+s2], $0x80, $0x38;
	[tilespmem:$0x1C000] =	vst v63  }
0x160: {  	s17 =	sadd.s32 $0x40, s16  }
0x161: {  	[tilespmem:s25], [sflag:$0x4] =	stream.linear.gather [hbm4b:s17+s2], $0x80, $0x38;
	[tilespmem:$0x1C000] =	vst v63  }
0x162: {  	_ =	swait.ge [sflag:s0], $0x4000  }
0x163: {  	[sflag:s0] =	ssyncset.done $0x0  }
0x164: {  	[sflag:s0] =	ssyncadd.s32 $0xFFFFC000  }
0x165: {  	[spmem:s1] =	stream.indirect.scatter.add.f32 [tilespmem:s22], [sflag:$0x5], $0x80, s31, s25, $0xb8;
	[tilespmem:$0x1C000] =	vst v63  }
0x166: {  	_ =	swait.ge [sflag:s7], $0x80  }
0x167: {  	[sflag:s7] =	ssyncset.done $0x0  }
0x168: {  	[sflag:s7] =	ssyncadd.s32 $0xFFFFFF80  }
0x169: {  	_ =	swait.ge [sflag:s8], $0x80  }
0x16a: {  	[sflag:s8] =	ssyncset.done $0x0  }
0x16b: {  	[sflag:s8] =	ssyncadd.s32 $0xFFFFFF80  }
0x16c: {  	_ =	swait.ge [sflag:s3], $0x4000  }
0x16d: {  	[sflag:s3] =	ssyncset.done $0x0  }
0x16e: {  	[sflag:s3] =	ssyncadd.s32 $0xFFFFC000  }
0x16f: {  	[tilespmem:s22], [sflag:$0x1] =	stream.indirect.gather [hbm4b:s5+s25], $0x80, s2, s25, $0xb8;
	[tilespmem:$0x1C000] =	vst v63  }
0x170: {  	s15 =	sadd.s32 $0x50, s15  }
0x171: {  	[tilespmem:s26], [sflag:$0x3] =	stream.linear.gather [hbm4b:s15+s2], $0x80, $0x38;
	[tilespmem:$0x1C000] =	vst v63  }
0x172: {  	s15 =	sadd.s32 $0x50, s16  }
0x173: {  	[tilespmem:s28], [sflag:$0x4] =	stream.linear.gather [hbm4b:s15+s2], $0x80, $0x38;
	[tilespmem:$0x1C000] =	vst v63  }
0x174: {  	_ =	swait.ge [sflag:s12], $0x4000  }
0x175: {  	[sflag:s12] =	ssyncset.done $0x0  }
0x176: {  	[sflag:s12] =	ssyncadd.s32 $0xFFFFC000  }
0x177: {  	[spmem:s1] =	stream.indirect.scatter.add.f32 [tilespmem:s24], [sflag:$0x6], $0x80, s11, s25, $0xb8;
	[tilespmem:$0x1C000] =	vst v63  }
.Ltmp5:
0x178: {  	_ =	swait.ge [sflag:s7], $0x80;
	(pc) =	sbr.rel @p1 .LBB2_6-.Ltmp5, $4  }
0x179: {  	[sflag:s7] =	ssyncset.done $0x0  }
0x17a: {  	[sflag:s7] =	ssyncadd.s32 $0xFFFFFF80  }
0x17b: {  	_ =	swait.ge [sflag:s8], $0x80  }
0x17c: {  	[sflag:s8] =	ssyncset.done $0x0  }
.Ltmp6:
0x17d: {  	_ = 	snop;
	(pc) =	sbr.rel .LBB2_7-.Ltmp6, $1  }
0x17e: {  	_ =	sdelay $0x3  }
.LBB2_9:
0x17f: {  	_ =	sfence.sel $0x180000  }
0x180: {  	[bflag:$0x0] =	sbarrier.arrive $0xFFFF  }
0x181: {  	_ =	strace $0x90000047  }
0x182: {  	s0 =	stileid.u32;
	[bflag:$0x2] =	sbarrier.arrive $0xFFFF  }
0x183: {  	p0 =	sne.s32 s0, $0x0;
	s0 =	rddreg [dreg:$0x2]  }
0x184: {  	s0 =	sadd.s32 @!p0 $0x100000, s0  }
0x185: {  	[sflag:s0] =	ssyncadd.tile.s32 @!p0 $0x1;
	_ =	shalt  }
.Lfunc_end2:
_tile_overlayer_lowered:
.L_overlay_start_2:
0x186: {  	(tag) =	ssettag $0x2  }
0x187: {  	s0 =	rddreg [dreg:$0x0];
	s2 =	stileid.u32  }
0x188: {  	s1 =	rddreg [dreg:$0x1];
	p0 =	sne.s32 s2, $0x0  }
0x189: {  	s3 =	rddreg [dreg:$0x2];
	[bflag:$0x3] =	sbarrier.arrive $0xFFFF;
	s2 =	simm.s32 @!p0 $0x1C07  }
0x18a: {  	[timem:s3], [sflag:s2] =	dma.local @!p0 [hbm:s0], s1  }
0x18b: {  	s0 =	simm.s32 @!p0 $0x7  }
0x18c: {  	_ =	swait.ge @!p0 [sflag:s0], s1  }
0x18d: {  	s1 =	ssub.s32 @!p0 $0x0, s1;
	[sflag:s0] =	ssyncset.done @!p0 $0x0  }
0x18e: {  	[sflag:s0] =	ssyncadd.s32 @!p0 s1  }
0x18f: {  	[bflag:$0x3] =	sbarrier.arrive $0xFFFF  }
0x190: {  	_ =	shalt  }

// kernel: kernel.16.cloned.1.call-start
scs
__scs_entry_jumppad:
0x0: {  	(pc) =	sbr.rel $0x88, $3  }
0x1: {  	(tag) =	ssettag $0x0;
	lr =	simm.s32 $0x1  }
0x2: {  	[smem:$0x3F8C] =	sst lr;
	_ =	strace $0xD0000000  }
0x3: {  	_ = 	snop  }
0x4: {  	_ = 	snop  }
0x5: {  	_ = 	snop  }
0x6: {  	_ = 	snop  }
0x7: {  	_ = 	snop  }
__scs_overlays_trampoline_lowered:
0x8: {  	[smem:$0x3F9B] =	sst s0  }
0x9: {  	[smem:$0x3F9C] =	sst s1  }
0xa: {  	[smem:$0x3F9D] =	sst s2  }
0xb: {  	[smem:$0x3F9E] =	sst s3  }
0xc: {  	[smem:$0x3F9F] =	sst s4  }
0xd: {  	[smem:$0x3FA0] =	sst s5  }
0xe: {  	[smem:$0x3FA1] =	sst s6  }
0xf: {  	[smem:$0x3FA2] =	sst s7  }
0x10: {  	[smem:$0x3FA3] =	sst s8  }
0x11: {  	[smem:$0x3FA4] =	sst s9;
	s0 =	simm.s32 @!p0 $0x0  }
0x12: {  	s1 =	sld [smem:$0x3F8A];
	s0 =	simm.s32 @p0 $0x1  }
0x13: {  	[smem:$0x3FA5] =	sst s0;
	s0 =	simm.s32 @!p1 $0x0  }
0x14: {  	s2 =	sld [smem:$0x3F89];
	s0 =	simm.s32 @p1 $0x1  }
0x15: {  	[smem:$0x3FA6] =	sst s0;
	s0 =	simm.s32 @!p2 $0x0  }
0x16: {  	s3 =	sld [smem:$0x3FDB];
	s0 =	simm.s32 @p2 $0x1  }
0x17: {  	s4 =	simm.s32 $0x1BF5;
	[smem:$0x3FA8] =	sst s0  }
0x18: {  	s0 =	sld [smem:$0x3F8B];
	_ =	swait.ge [sflag:s4], $0x0  }
0x19: {  	s7 =	sld [smem:$0x3F8C]  }
0x1a: {  	s8 =	sadd.s32 $0xFFFFE003, lr  }
0x1b: {  	s9 =	sadd.s32 $0xFFFFFEF7, lr;
	s5 =	simm.s32 $0xFFFFFFFF;
	p2 =	slt.u32 s8, $0xFFFFF086  }
0x1c: {  	p1 =	slt.u32 s9, $0xF7A;
	s5 =	simm.s32 @!p2 $0x0  }
0x1d: {  	s5 =	simm.s32 @p1 $0x1;
	p0 =	seq.s32 s7, s2  }
0x1e: {  	s7 =	smul.u32 @!p0 $0xF7A, s2;
	p2 =	seq.s32 @!p0 s5, $0x0  }
0x1f: {  	s9 =	smul.u32 $0xF7A, s1;
	s8 =	simm.s32 @!p0 $0x1BF5;
	p2 =	por !p2, p0  }
0x20: {  	[sflag:s8] =	ssyncset.s32 @!p0 $0xFFFFF086;
	s6 =	sadd.s32 @!p0 s3, s7;
	s7 =	simm.s32 @!p0 $0x108  }
0x21: {  	s3 =	sadd.s32 s3, s9;
	s6 =	sadd.s32 @!p0 $0x88, s6;
	s7 =	simm.s32 @p2 $0x1082  }
0x22: {  	[simem:s7], [sflag:s8] =	dma.local @!p0 [hbm:s6], $0xF7A  }
0x23: {  	s9 =	sor.u32 $0xD0000000, s2;
	s6 =	simm.s32 $0x108;
	_ =	swait.ge @!p0 [sflag:s8], $0x0  }
0x24: {  	s3 =	sadd.s32 $0x88, s3;
	s6 =	simm.s32 @!p1 $0x1082;
	[sflag:s4] =	ssyncset.s32 $0xFFFFF086  }
0x25: {  	[simem:s6], [sflag:s4] =	dma.local [hbm:s3], $0xF7A  }
0x26: {  	[smem:$0x3F8C] =	sst s1;
	(tag) =	ssettag s2;
	_ =	strace s9  }
0x27: {  	s1 =	sld [smem:$0x3F9C]  }
0x28: {  	s2 =	sld [smem:$0x3F9D]  }
0x29: {  	s4 =	sld [smem:$0x3F9F]  }
0x2a: {  	p0 =	seq.s32 s5, $0x0;
	s5 =	sld [smem:$0x3FA0]  }
0x2b: {  	s6 =	sld [smem:$0x3FA1]  }
0x2c: {  	s7 =	sld [smem:$0x3FA2]  }
0x2d: {  	s3 =	simm.s32 $0x108;
	s8 =	sld [smem:$0x3FA3]  }
0x2e: {  	s3 =	simm.s32 @!p0 $0x1082;
	s9 =	sld [smem:$0x3FA4]  }
0x2f: {  	lr =	sadd.s32 s0, s3;
	s0 =	sld [smem:$0x3F9B]  }
0x30: {  	s3 =	sld [smem:$0x3F9E]  }
0x31: {  	[smem:$0x3FA7] =	sst s10  }
0x32: {  	s10 =	sld [smem:$0x3FA5];
	_ =	sdelay $0x3  }
0x33: {  	p0 =	seq.s32 s10, $0x1;
	s10 =	sld [smem:$0x3FA7];
	_ =	sdelay $0x3  }
0x34: {  	[smem:$0x3FA7] =	sst s10  }
0x35: {  	s10 =	sld [smem:$0x3FA6];
	_ =	sdelay $0x3  }
0x36: {  	p1 =	seq.s32 s10, $0x1;
	s10 =	sld [smem:$0x3FA7];
	_ =	sdelay $0x3  }
0x37: {  	[smem:$0x3FA7] =	sst s10  }
0x38: {  	s10 =	sld [smem:$0x3FA8]  }
0x39: {  	_ = 	snop;
	(pc) =	sbr.ind lr, $3  }
0x3a: {  	_ = 	snop  }
0x3b: {  	_ = 	snop  }
0x3c: {  	p2 =	seq.s32 s10, $0x1;
	s10 =	sld [smem:$0x3FA7]  }
0x3d: {  	_ =	shalt  }
0x3e: {  	_ =	shalt  }
0x3f: {  	_ =	shalt  }
0x40: {  	_ =	shalt  }
0x41: {  	_ =	shalt  }
0x42: {  	_ =	shalt  }
0x43: {  	_ =	shalt  }
0x44: {  	_ =	shalt  }
0x45: {  	_ =	shalt  }
0x46: {  	_ =	shalt  }
0x47: {  	_ =	shalt  }
0x48: {  	_ =	shalt  }
0x49: {  	_ =	shalt  }
0x4a: {  	_ =	shalt  }
0x4b: {  	_ =	shalt  }
0x4c: {  	_ =	shalt  }
0x4d: {  	_ =	shalt  }
0x4e: {  	_ =	shalt  }
0x4f: {  	_ =	shalt  }
0x50: {  	_ =	shalt  }
0x51: {  	_ =	shalt  }
0x52: {  	_ =	shalt  }
0x53: {  	_ =	shalt  }
0x54: {  	_ =	shalt  }
0x55: {  	_ =	shalt  }
0x56: {  	_ =	shalt  }
0x57: {  	_ =	shalt  }
0x58: {  	_ =	shalt  }
0x59: {  	_ =	shalt  }
0x5a: {  	_ =	shalt  }
0x5b: {  	_ =	shalt  }
0x5c: {  	_ =	shalt  }
0x5d: {  	_ =	shalt  }
0x5e: {  	_ =	shalt  }
0x5f: {  	_ =	shalt  }
0x60: {  	_ =	shalt  }
0x61: {  	_ =	shalt  }
0x62: {  	_ =	shalt  }
0x63: {  	_ =	shalt  }
0x64: {  	_ =	shalt  }
0x65: {  	_ =	shalt  }
0x66: {  	_ =	shalt  }
0x67: {  	_ =	shalt  }
0x68: {  	_ =	shalt  }
0x69: {  	_ =	shalt  }
0x6a: {  	_ =	shalt  }
0x6b: {  	_ =	shalt  }
0x6c: {  	_ =	shalt  }
0x6d: {  	_ =	shalt  }
0x6e: {  	_ =	shalt  }
0x6f: {  	_ =	shalt  }
0x70: {  	_ =	shalt  }
0x71: {  	_ =	shalt  }
0x72: {  	_ =	shalt  }
0x73: {  	_ =	shalt  }
0x74: {  	_ =	shalt  }
0x75: {  	_ =	shalt  }
0x76: {  	_ =	shalt  }
0x77: {  	_ =	shalt  }
0x78: {  	_ =	shalt  }
0x79: {  	_ =	shalt  }
0x7a: {  	_ =	shalt  }
0x7b: {  	_ =	shalt  }
0x7c: {  	_ =	shalt  }
0x7d: {  	_ =	shalt  }
0x7e: {  	_ =	shalt  }
0x7f: {  	_ =	shalt  }
0x80: {  	_ =	shalt  }
0x81: {  	_ =	shalt  }
0x82: {  	_ =	shalt  }
0x83: {  	_ =	shalt  }
0x84: {  	_ =	shalt  }
0x85: {  	_ =	shalt  }
0x86: {  	_ =	shalt  }
0x87: {  	_ =	shalt  }
.Lfunc_end0:
.L_simem_size_0:
called_computation.1_lowered:
.L_overlay_start_0:
0x88: {  	s2 =	sld [smem:$0x3FD9]  }
0x89: {  	s3 =	sld [smem:$0x3FFE];
	_ =	sdelay $0x1  }
0x8a: {  	s1 =	srdreg.scid  }
0x8b: {  	s0 =	sand.u32 $0x1, s1  }
0x8c: {  	s16 =	sshll.u32 s0, $0xA;
	s2 =	sadd.s32 s3, s2  }
0x8d: {  	s2 =	sadd.s32 s2, s16  }
0x8e: {  	[smem:$0x3FB3] =	sst s2  }
0x8f: {  	_ = 	snop  }
0x90: {  	(tm) =	ssettm $0x1  }
0x91: {  	s17 =	sld [smem:$0x3FFB];
	_ =	sdelay $0x3  }
0x92: {  	_ =	strace s17  }
0x93: {  	s2 =	sld [smem:$0x3FFC];
	_ =	sdelay $0x3  }
0x94: {  	_ =	strace s2  }
0x95: {  	s2 =	sld [smem:$0x3FFD];
	_ =	sdelay $0x3  }
0x96: {  	_ =	strace s2  }
0x97: {  	_ =	strace $0x8FFFFFFF  }
0x98: {  	s18 =	sld [smem:$0x3FDB];
	_ =	sdelay $0x1  }
0x99: {  	s19 =	simm.s32 $_scs_section_size  }
0x9a: {  	s4 =	simm.s32 $_size__tile_overlayer_lowered;
	s5 =	simm.s32 $_tile_overlayer_lowered  }
0x9b: {  	s22 =	simm.s32 $0x1BFF;
	s21 =	sshll.u32 s5, $0x1;
	s2 =	sadd.s32 s19, s18  }
0x9c: {  	s6 =	simm.s32 $0x0;
	s20 =	sshll.u32 s4, $0x1;
	s4 =	sadd.s32 s21, s2  }
0x9d: {  	[timem:s6], [sflag:s22] =	dma.local [hbm:s4], s20  }
0x9e: {  	_ =	swait.ge [sflag:s22], s20  }
0x9f: {  	s3 =	ssub.s32 $0x0, s20;
	[sflag:s22] =	ssyncset.done $0x0  }
0xa0: {  	[sflag:s22] =	ssyncadd.s32 s3;
	_ =	sdelay $0x1  }
0xa1: {  	s23 =	simm.s32 $0x1B8B  }
0xa2: {  	_ =	swait.ge [sflag:s23], $0x1  }
0xa3: {  	[sflag:s23] =	ssyncset.done $0x0  }
0xa4: {  	s25 =	simm.s32 $0x1B8E;
	s24 =	sld [smem:$0x3FFE];
	[sflag:s23] =	ssyncadd.s32 $0xFFFFFFFF  }
0xa5: {  	s26 =	simm.s32 $execute0_lowered;
	[smem:$0x3FD2] =	sst s25  }
0xa6: {  	s4 =	sshll.u32 s26, $0x1;
	_ =	strace $0x80000049;
	[dreg:$0x1] =	wrdreg $0xFFFFFFFF  }
0xa7: {  	s28 =	simm.s32 $_size_execute0_lowered;
	s2 =	sadd.s32 s2, s4;
	[dreg:$0x0] =	wrdreg $0x0  }
0xa8: {  	s4 =	sshll.u32 s28, $0x1;
	[dreg:$0x2] =	wrdreg s2  }
0xa9: {  	[dreg:$0x3] =	wrdreg s4  }
0xaa: {  	[dreg:$0x4] =	wrdreg $0xC0  }
0xab: {  	_ =	task [dreg:s6], $0x5FFFF  }
0xac: {  	[dreg:$0x1] =	wrdreg $0xFFFFFFFF  }
0xad: {  	[dreg:$0x0] =	wrdreg $0x60  }
0xae: {  	[dreg:$0x2] =	wrdreg s24  }
0xaf: {  	[dreg:$0x3] =	wrdreg $0x84000  }
0xb0: {  	[dreg:$0x4] =	wrdreg $0x9  }
0xb1: {  	_ =	task.clear_ibuf [dreg:s6], $0x5FFFF;
	_ =	strace $0x90000049  }
0xb2: {  	s29 =	simm.s32 $0x9;
	_ =	strace $0x8000004B  }
0xb3: {  	_ =	swait.ge [sflag:s29], $0x1  }
0xb4: {  	[sflag:s29] =	ssyncadd.s32 $0xFFFFFFFF  }
0xb5: {  	_ =	strace $0x9000004B  }
0xb6: {  	_ =	sfence  }
0xb7: {  	s30 =	sld [smem:$0x0];
	_ =	sdelay $0x2  }
0xb8: {  	s31 =	sshll.u32 s1, $0xD;
	s1 =	sshrl.u32 s1, $0x2  }
0xb9: {  	s3 =	sand.u32 $0x4000, s31;
	s1 =	sadd.s32 s1, s30  }
0xba: {  	s0 =	sor.u32 s3, s0;
	s1 =	sshll.u32 s1, $0x11  }
0xbb: {  	s0 =	sor.u32 s1, s0  }
0xbc: {  	s0 =	sadd.s32 $0x8F2B, s0  }
0xbd: {  	[sflag:s0] =	ssyncadd.remote.s32 $0x1  }
0xbe: {  	_ =	sfence.sel $0xFFFF  }
0xbf: {  	[dreg:$0x0] =	wrdreg $0xFFFFFFFF;
	(pc) =	sbr.abs _section_cstart, $3  }
0xc0: {  	[dreg:$0x1] =	wrdreg $0xFFFFFFFF  }
0xc1: {  	_ =	task.clear_ibuf [dreg:s6], $0x2FFFF;
	_ =	strace $0x9FFFFFFF  }
0xc2: {  	(tm) =	ssettm $0x7FFFFFFF  }
0xc3: {  	_ =	shalt  }
tec
execute0_lowered:
.L_overlay_start_1:
0x0: {  	(tag) =	ssettag $0x1  }
0x1: {  	s0 =	rddreg [dreg:$0x0]  }
0x2: {  	s1 =	rddreg [dreg:$0x1];
	s2 =	simm.s32 $0x0  }
0x3: {  	s6 =	srdreg.scid;
	s13 =	stileid.u32;
	s28 =	simm.s32 $0x180  }
0x4: {  	s29 =	simm.s32 $0x6;
	s30 =	simm.s32 $0x200;
	s31 =	simm.s32 $0x280  }
0x5: {  	[smem:$0x7FF] =	sst s2;
	s4 =	sadd.s32 $0x1BC00, s0;
	s5 =	sadd.s32 $0x42E00, s0  }
0x6: {  	s3 =	sadd.s32 $0x7800, s0;
	s7 =	sadd.s32 $0x11A00, s0;
	s9 =	smul.u32 $0x4F000, s13  }
0x7: {  	s8 =	sand.u32 $0x1, s6;
	s6 =	sadd.s32 $0x6A000, s0;
	s12 =	smul.u32 $0x5000, s13  }
0x8: {  	s10 =	sadd.s32 $0x6A800, s0;
	s0 =	sadd.s32 $0x92000, s0;
	s25 =	smul.u32 $0xA00, s13  }
0x9: {  	_ =	strace $0x8000004A;
	[dreg:$0x3] =	wrdreg s10;
	s16 =	ssub.s32 $0x2, s8  }
0xa: {  	[dreg:$0x4] =	wrdreg s0;
	p0 =	sne.s32 s8, $0x0;
	s0 =	simm.s32 $0x1  }
0xb: {  	s8 =	simm.s32 $0x4;
	s11 =	sshrl.u32 s16, $0x1;
	s20 =	sshrl.u32 s12, $0x3  }
0xc: {  	s9 =	sshrl.u32 s9, $0x2;
	s12 =	simm.s32 $0x2;
	s23 =	sadd.s32 s3, s20  }
0xd: {  	s9 =	sadd.s32 s9, s1;
	s24 =	sadd.s32 s7, s20;
	[dreg:$0x9] =	wrdreg s23  }
0xe: {  	s17 =	ssub.s32 s16, s11;
	s18 =	sadd.s32 $0x4000, s9;
	[dreg:$0xa] =	wrdreg s24  }
0xf: {  	s10 =	sor.u32 $0x10, s20;
	s19 =	sadd.s32 $0x8000, s9;
	[dreg:$0x5] =	wrdreg s18  }
0x10: {  	s20 =	sadd.s32 s25, s7;
	s21 =	sadd.s32 $0xC000, s9;
	[dreg:$0x6] =	wrdreg s19  }
0x11: {  	s11 =	simm.s32 $0x380;
	s22 =	sadd.s32 $0x10000, s9;
	[dreg:$0x7] =	wrdreg s21  }
0x12: {  	s26 =	sadd.s32 s3, s10;
	s10 =	sadd.s32 s7, s10;
	[dreg:$0x8] =	wrdreg s22  }
.Ltmp0:
0x13: {  	s23 =	simm.s32 $0x7;
	[dreg:$0xb] =	wrdreg s26;
	(pc) =	sbr.rel .LBB2_1-.Ltmp0, $4  }
0x14: {  	s24 =	simm.s32 $0x4400;
	s7 =	simm.s32 $0x3;
	[dreg:$0xc] =	wrdreg s10  }
0x15: {  	s18 =	smul.u32 $0x2780, s13;
	s19 =	smax.u32 s17, $0x1;
	s21 =	sadd.s32 s25, s3  }
0x16: {  	s22 =	simm.s32 $0x400;
	s25 =	simm.s32 $0x80;
	s26 =	simm.s32 $0x100  }
0x17: {  	s3 =	simm.s32 $0x5;
	s10 =	simm.s32 $0x300;
	s13 =	simm.s32 $0x0  }
.LBB2_7:
0x18: {  	[sflag:s8] =	ssyncadd.s32 $0xFFFFFF80;
	s14 =	rddreg [dreg:$0x4]  }
.LBB2_8:
0x19: {  	_ =	swait.ge [sflag:s0], $0x4000  }
0x1a: {  	[sflag:s0] =	ssyncset.done $0x0  }
0x1b: {  	[sflag:s0] =	ssyncadd.s32 $0xFFFFC000  }
0x1c: {  	_ =	swait.ge [sflag:s3], $0x4000  }
0x1d: {  	[sflag:s3] =	ssyncset.done $0x0  }
0x1e: {  	[sflag:s3] =	ssyncadd.s32 $0xFFFFC000  }
0x1f: {  	s14 =	sadd.s32 s14, s18;
	s15 =	stileid.u32;
	_ =	swait.ge [sflag:s29], $0x4000  }
0x20: {  	s16 =	sshrl.u32 s9, $0x3;
	s13 =	sadd.s32 $0x1, s13;
	[sflag:s29] =	ssyncset.done $0x0  }
0x21: {  	s15 =	sshll.u32 s15, $0x6;
	p1 =	sne.s32 s13, s19;
	[sflag:s29] =	ssyncadd.s32 $0xFFFFC000  }
.Ltmp1:
0x22: {  	s15 =	sor.u32 $0x1C07, s15;
	[bflag:$0x0] =	sbarrier.arrive $0xFFFF;
	(pc) =	sbr.rel @!p1 .LBB2_9-.Ltmp1, $4  }
0x23: {  	[hbm:s14], [sflag:s15] =	dma.local [spmem:s16], $0x2780  }
0x24: {  	_ =	swait.ge [sflag:s23], $0x2780  }
0x25: {  	[sflag:s23] =	ssyncset.done $0x0  }
0x26: {  	[sflag:s23] =	ssyncadd.s32 $0xFFFFD880  }
.LBB2_1:
0x27: {  	[tilespmem:s22], [sflag:$0x7] =	stream.linear.gather [hbm4b:s6+s2], $0x4000, $0x38;
	[tilespmem:$0x1C000] =	vst v63  }
0x28: {  	_ =	swait.ge [sflag:s23], $0x4000  }
0x29: {  	[sflag:s23] =	ssyncset.done $0x0  }
0x2a: {  	[sflag:s23] =	ssyncadd.s32 $0xFFFFC000  }
0x2b: {  	[tilespmem:s24], [sflag:$0x7] =	stream.linear.gather [hbm4b:s6+s2], $0x4000, $0x38;
	[tilespmem:$0x1C000] =	vst v63  }
0x2c: {  	_ =	swait.ge [sflag:s23], $0x4000  }
0x2d: {  	[sflag:s23] =	ssyncset.done $0x0  }
0x2e: {  	[sflag:s23] =	ssyncadd.s32 $0xFFFFC000  }
0x2f: {  	[spmem:s9] =	stream.linear.scatter [tilespmem:s22], [sflag:$0x7], $0x4000, $0x38;
	[tilespmem:$0x1C000] =	vst v63  }
0x30: {  	_ =	swait.ge [sflag:s23], $0x4000  }
0x31: {  	[sflag:s23] =	ssyncset.done $0x0  }
0x32: {  	s14 =	rddreg [dreg:$0x5];
	[sflag:s23] =	ssyncadd.s32 $0xFFFFC000  }
0x33: {  	[spmem:s14] =	stream.linear.scatter [tilespmem:s22], [sflag:$0x7], $0x4000, $0x38;
	[tilespmem:$0x1C000] =	vst v63  }
0x34: {  	_ =	swait.ge [sflag:s23], $0x4000  }
0x35: {  	[sflag:s23] =	ssyncset.done $0x0  }
0x36: {  	s17 =	rddreg [dreg:$0x6];
	[sflag:s23] =	ssyncadd.s32 $0xFFFFC000  }
0x37: {  	[spmem:s17] =	stream.linear.scatter [tilespmem:s22], [sflag:$0x7], $0x4000, $0x38;
	[tilespmem:$0x1C000] =	vst v63  }
0x38: {  	_ =	swait.ge [sflag:s23], $0x4000  }
0x39: {  	[sflag:s23] =	ssyncset.done $0x0  }
0x3a: {  	s15 =	rddreg [dreg:$0x7];
	[sflag:s23] =	ssyncadd.s32 $0xFFFFC000  }
0x3b: {  	[spmem:s15] =	stream.linear.scatter [tilespmem:s22], [sflag:$0x7], $0x4000, $0x38;
	[tilespmem:$0x1C000] =	vst v63  }
0x3c: {  	_ =	swait.ge [sflag:s23], $0x4000  }
0x3d: {  	[sflag:s23] =	ssyncset.done $0x0  }
0x3e: {  	s16 =	rddreg [dreg:$0x8];
	[sflag:s23] =	ssyncadd.s32 $0xFFFFC000  }
0x3f: {  	[spmem:s16] =	stream.linear.scatter [tilespmem:s22], [sflag:$0x7], $0x3C00, $0x38;
	[tilespmem:$0x1C000] =	vst v63  }
0x40: {  	_ =	swait.ge [sflag:s23], $0x3C00  }
0x41: {  	[sflag:s23] =	ssyncset.done $0x0  }
0x42: {  	[sflag:s23] =	ssyncadd.s32 $0xFFFFC400  }
0x43: {  	[bflag:$0x0] =	sbarrier.arrive $0xFFFF  }
0x44: {  	s17 =	rddreg [dreg:$0x9]  }
0x45: {  	[tilespmem:s2], [sflag:$0x7] =	stream.linear.gather [hbm4b:s17+s2], $0x80, $0x38;
	[tilespmem:$0x1C000] =	vst v63  }
0x46: {  	_ =	swait.ge [sflag:s23], $0x80  }
0x47: {  	[sflag:s23] =	ssyncset.done $0x0  }
0x48: {  	s15 =	rddreg [dreg:$0xa];
	[sflag:s23] =	ssyncadd.s32 $0xFFFFFF80  }
0x49: {  	[tilespmem:s25], [sflag:$0x7] =	stream.linear.gather [hbm4b:s15+s2], $0x80, $0x38;
	[tilespmem:$0x1C000] =	vst v63  }
0x4a: {  	_ =	swait.ge [sflag:s23], $0x80  }
0x4b: {  	[sflag:s23] =	ssyncset.done $0x0  }
0x4c: {  	s16 =	rddreg [dreg:$0xb];
	[sflag:s23] =	ssyncadd.s32 $0xFFFFFF80  }
0x4d: {  	[tilespmem:s26], [sflag:$0x7] =	stream.linear.gather [hbm4b:s16+s2], $0x80, $0x38;
	[tilespmem:$0x1C000] =	vst v63  }
0x4e: {  	_ =	swait.ge [sflag:s23], $0x80  }
0x4f: {  	[sflag:s23] =	ssyncset.done $0x0  }
0x50: {  	s17 =	rddreg [dreg:$0xc];
	[sflag:s23] =	ssyncadd.s32 $0xFFFFFF80  }
0x51: {  	[tilespmem:s28], [sflag:$0x7] =	stream.linear.gather [hbm4b:s17+s2], $0x80, $0x38;
	[tilespmem:$0x1C000] =	vst v63  }
0x52: {  	_ =	swait.ge [sflag:s23], $0x80  }
.Ltmp2:
0x53: {  	[sflag:s23] =	ssyncset.done $0x0;
	(pc) =	sbr.rel @p0 .LBB2_5-.Ltmp2, $4  }
0x54: {  	[sflag:s23] =	ssyncadd.s32 $0xFFFFFF80  }
0x55: {  	[spmem:s1] =	stream.indirect.scatter.add.f32 [tilespmem:s22], [sflag:$0x5], $0x80, s25, s25, $0xb8;
	[tilespmem:$0x1C000] =	vst v63  }
0x56: {  	s14 =	simm.s32 $0x0  }
0x57: {  	[spmem:s1] =	stream.indirect.scatter.add.f32 [tilespmem:s24], [sflag:$0x6], $0x80, s25, s25, $0xb8;
	[tilespmem:$0x1C000] =	vst v63  }
0x58: {  	[tilespmem:s22], [sflag:$0x1] =	stream.indirect.gather [hbm4b:s4+s25], $0x80, s14, s25, $0xb8;
	[tilespmem:$0x1C000] =	vst v63  }
0x59: {  	_ =	swait.ge [sflag:s29], $0x4000  }
0x5a: {  	[sflag:s29] =	ssyncset.done $0x0  }
0x5b: {  	s14 =	sadd.s32 $0x0, s21;
	[sflag:s29] =	ssyncadd.s32 $0xFFFFC000  }
0x5c: {  	[tilespmem:s24], [sflag:$0x2] =	stream.indirect.gather [hbm4b:s4+s25], $0x80, s26, s25, $0xb8;
	[tilespmem:$0x1C000] =	vst v63  }
0x5d: {  	s16 =	sadd.s32 $0x0, s20;
	s15 =	sadd.s32 $0x20, s14  }
0x5e: {  	[tilespmem:s30], [sflag:$0x3] =	stream.linear.gather [hbm4b:s15+s2], $0x80, $0x38;
	[tilespmem:$0x1C000] =	vst v63  }
0x5f: {  	s17 =	sadd.s32 $0x20, s16  }
0x60: {  	[tilespmem:s31], [sflag:$0x4] =	stream.linear.gather [hbm4b:s17+s2], $0x80, $0x38;
	[tilespmem:$0x1C000] =	vst v63  }
0x61: {  	_ =	swait.ge [sflag:s0], $0x4000  }
0x62: {  	[sflag:s0] =	ssyncset.done $0x0  }
0x63: {  	[sflag:s0] =	ssyncadd.s32 $0xFFFFC000  }
0x64: {  	[spmem:s1] =	stream.indirect.scatter.add.f32 [tilespmem:s22], [sflag:$0x5], $0x80, s25, s25, $0xb8;
	[tilespmem:$0x1C000] =	vst v63  }
0x65: {  	_ =	swait.ge [sflag:s7], $0x80  }
0x66: {  	[sflag:s7] =	ssyncset.done $0x0  }
0x67: {  	[sflag:s7] =	ssyncadd.s32 $0xFFFFFF80  }
0x68: {  	_ =	swait.ge [sflag:s8], $0x80  }
0x69: {  	[sflag:s8] =	ssyncset.done $0x0  }
0x6a: {  	[sflag:s8] =	ssyncadd.s32 $0xFFFFFF80  }
0x6b: {  	_ =	swait.ge [sflag:s3], $0x4000  }
0x6c: {  	[sflag:s3] =	ssyncset.done $0x0  }
0x6d: {  	[sflag:s3] =	ssyncadd.s32 $0xFFFFC000  }
0x6e: {  	[tilespmem:s22], [sflag:$0x1] =	stream.indirect.gather [hbm4b:s4+s25], $0x80, s30, s25, $0xb8;
	[tilespmem:$0x1C000] =	vst v63  }
0x6f: {  	s17 =	sadd.s32 $0x30, s14  }
0x70: {  	[tilespmem:s10], [sflag:$0x3] =	stream.linear.gather [hbm4b:s17+s2], $0x80, $0x38;
	[tilespmem:$0x1C000] =	vst v63  }
0x71: {  	s17 =	sadd.s32 $0x30, s16  }
0x72: {  	[tilespmem:s11], [sflag:$0x4] =	stream.linear.gather [hbm4b:s17+s2], $0x80, $0x38;
	[tilespmem:$0x1C000] =	vst v63  }
0x73: {  	_ =	swait.ge [sflag:s12], $0x4000  }
0x74: {  	[sflag:s12] =	ssyncset.done $0x0  }
0x75: {  	[sflag:s12] =	ssyncadd.s32 $0xFFFFC000  }
0x76: {  	[spmem:s1] =	stream.indirect.scatter.add.f32 [tilespmem:s24], [sflag:$0x6], $0x80, s28, s25, $0xb8;
	[tilespmem:$0x1C000] =	vst v63  }
0x77: {  	_ =	swait.ge [sflag:s7], $0x80  }
0x78: {  	[sflag:s7] =	ssyncset.done $0x0  }
0x79: {  	[sflag:s7] =	ssyncadd.s32 $0xFFFFFF80  }
0x7a: {  	_ =	swait.ge [sflag:s8], $0x80  }
0x7b: {  	[sflag:s8] =	ssyncset.done $0x0  }
0x7c: {  	[sflag:s8] =	ssyncadd.s32 $0xFFFFFF80  }
0x7d: {  	_ =	swait.ge [sflag:s29], $0x4000  }
0x7e: {  	[sflag:s29] =	ssyncset.done $0x0  }
0x7f: {  	[sflag:s29] =	ssyncadd.s32 $0xFFFFC000  }
0x80: {  	[tilespmem:s24], [sflag:$0x2] =	stream.indirect.gather [hbm4b:s4+s25], $0x80, s10, s25, $0xb8;
	[tilespmem:$0x1C000] =	vst v63  }
0x81: {  	s17 =	sadd.s32 $0x40, s14  }
0x82: {  	[tilespmem:s2], [sflag:$0x3] =	stream.linear.gather [hbm4b:s17+s2], $0x80, $0x38;
	[tilespmem:$0x1C000] =	vst v63  }
0x83: {  	s17 =	sadd.s32 $0x40, s16  }
0x84: {  	[tilespmem:s25], [sflag:$0x4] =	stream.linear.gather [hbm4b:s17+s2], $0x80, $0x38;
	[tilespmem:$0x1C000] =	vst v63  }
0x85: {  	_ =	swait.ge [sflag:s0], $0x4000  }
0x86: {  	[sflag:s0] =	ssyncset.done $0x0  }
0x87: {  	[sflag:s0] =	ssyncadd.s32 $0xFFFFC000  }
0x88: {  	[spmem:s1] =	stream.indirect.scatter.add.f32 [tilespmem:s22], [sflag:$0x5], $0x80, s31, s25, $0xb8;
	[tilespmem:$0x1C000] =	vst v63  }
0x89: {  	_ =	swait.ge [sflag:s7], $0x80  }
0x8a: {  	[sflag:s7] =	ssyncset.done $0x0  }
0x8b: {  	[sflag:s7] =	ssyncadd.s32 $0xFFFFFF80  }
0x8c: {  	_ =	swait.ge [sflag:s8], $0x80  }
0x8d: {  	[sflag:s8] =	ssyncset.done $0x0  }
0x8e: {  	[sflag:s8] =	ssyncadd.s32 $0xFFFFFF80  }
0x8f: {  	_ =	swait.ge [sflag:s3], $0x4000  }
0x90: {  	[sflag:s3] =	ssyncset.done $0x0  }
0x91: {  	[sflag:s3] =	ssyncadd.s32 $0xFFFFC000  }
0x92: {  	[tilespmem:s22], [sflag:$0x1] =	stream.indirect.gather [hbm4b:s4+s25], $0x80, s2, s25, $0xb8;
	[tilespmem:$0x1C000] =	vst v63  }
0x93: {  	s14 =	sadd.s32 $0x50, s14  }
0x94: {  	[tilespmem:s26], [sflag:$0x3] =	stream.linear.gather [hbm4b:s14+s2], $0x80, $0x38;
	[tilespmem:$0x1C000] =	vst v63  }
0x95: {  	s17 =	sadd.s32 $0x50, s16  }
0x96: {  	[tilespmem:s28], [sflag:$0x4] =	stream.linear.gather [hbm4b:s17+s2], $0x80, $0x38;
	[tilespmem:$0x1C000] =	vst v63  }
0x97: {  	_ =	swait.ge [sflag:s12], $0x4000  }
0x98: {  	[sflag:s12] =	ssyncset.done $0x0  }
0x99: {  	[sflag:s12] =	ssyncadd.s32 $0xFFFFC000  }
0x9a: {  	[spmem:s1] =	stream.indirect.scatter.add.f32 [tilespmem:s24], [sflag:$0x6], $0x80, s11, s25, $0xb8;
	[tilespmem:$0x1C000] =	vst v63  }
0x9b: {  	_ =	swait.ge [sflag:s7], $0x80  }
0x9c: {  	[sflag:s7] =	ssyncset.done $0x0  }
0x9d: {  	[sflag:s7] =	ssyncadd.s32 $0xFFFFFF80  }
0x9e: {  	_ =	swait.ge [sflag:s8], $0x80  }
0x9f: {  	s14 =	simm.s32 $0x40;
	[sflag:s8] =	ssyncset.done $0x0  }
.LBB2_3:
0xa0: {  	p1 =	seq.s32 s14, $0x9C0  }
0xa1: {  	[sflag:s8] =	ssyncadd.s32 $0xFFFFFF80;
	s16 =	smov.u32 s14;
	s14 =	sadd.s32 $0x40, s14  }
0xa2: {  	_ =	swait.ge [sflag:s29], $0x4000  }
0xa3: {  	[sflag:s29] =	ssyncset.done $0x0  }
0xa4: {  	s15 =	sadd.s32 s16, s21;
	[sflag:s29] =	ssyncadd.s32 $0xFFFFC000  }
0xa5: {  	[tilespmem:s24], [sflag:$0x2] =	stream.indirect.gather [hbm4b:s4+s25], $0x80, s26, s25, $0xb8;
	[tilespmem:$0x1C000] =	vst v63  }
0xa6: {  	s16 =	sadd.s32 s16, s20;
	s17 =	sadd.s32 $0x20, s15  }
0xa7: {  	[tilespmem:s30], [sflag:$0x3] =	stream.linear.gather [hbm4b:s17+s2], $0x80, $0x38;
	[tilespmem:$0x1C000] =	vst v63  }
0xa8: {  	s17 =	sadd.s32 $0x20, s16  }
0xa9: {  	[tilespmem:s31], [sflag:$0x4] =	stream.linear.gather [hbm4b:s17+s2], $0x80, $0x38;
	[tilespmem:$0x1C000] =	vst v63  }
0xaa: {  	_ =	swait.ge [sflag:s0], $0x4000  }
0xab: {  	[sflag:s0] =	ssyncset.done $0x0  }
0xac: {  	[sflag:s0] =	ssyncadd.s32 $0xFFFFC000  }
0xad: {  	[spmem:s1] =	stream.indirect.scatter.add.f32 [tilespmem:s22], [sflag:$0x5], $0x80, s25, s25, $0xb8;
	[tilespmem:$0x1C000] =	vst v63  }
0xae: {  	_ =	swait.ge [sflag:s7], $0x80  }
0xaf: {  	[sflag:s7] =	ssyncset.done $0x0  }
0xb0: {  	[sflag:s7] =	ssyncadd.s32 $0xFFFFFF80  }
0xb1: {  	_ =	swait.ge [sflag:s8], $0x80  }
0xb2: {  	[sflag:s8] =	ssyncset.done $0x0  }
0xb3: {  	[sflag:s8] =	ssyncadd.s32 $0xFFFFFF80  }
0xb4: {  	_ =	swait.ge [sflag:s3], $0x4000  }
0xb5: {  	[sflag:s3] =	ssyncset.done $0x0  }
0xb6: {  	[sflag:s3] =	ssyncadd.s32 $0xFFFFC000  }
0xb7: {  	[tilespmem:s22], [sflag:$0x1] =	stream.indirect.gather [hbm4b:s4+s25], $0x80, s30, s25, $0xb8;
	[tilespmem:$0x1C000] =	vst v63  }
0xb8: {  	s17 =	sadd.s32 $0x30, s15  }
0xb9: {  	[tilespmem:s10], [sflag:$0x3] =	stream.linear.gather [hbm4b:s17+s2], $0x80, $0x38;
	[tilespmem:$0x1C000] =	vst v63  }
0xba: {  	s17 =	sadd.s32 $0x30, s16  }
0xbb: {  	[tilespmem:s11], [sflag:$0x4] =	stream.linear.gather [hbm4b:s17+s2], $0x80, $0x38;
	[tilespmem:$0x1C000] =	vst v63  }
0xbc: {  	_ =	swait.ge [sflag:s12], $0x4000  }
0xbd: {  	[sflag:s12] =	ssyncset.done $0x0  }
0xbe: {  	[sflag:s12] =	ssyncadd.s32 $0xFFFFC000  }
0xbf: {  	[spmem:s1] =	stream.indirect.scatter.add.f32 [tilespmem:s24], [sflag:$0x6], $0x80, s28, s25, $0xb8;
	[tilespmem:$0x1C000] =	vst v63  }
0xc0: {  	_ =	swait.ge [sflag:s7], $0x80  }
0xc1: {  	[sflag:s7] =	ssyncset.done $0x0  }
0xc2: {  	[sflag:s7] =	ssyncadd.s32 $0xFFFFFF80  }
0xc3: {  	_ =	swait.ge [sflag:s8], $0x80  }
0xc4: {  	[sflag:s8] =	ssyncset.done $0x0  }
0xc5: {  	[sflag:s8] =	ssyncadd.s32 $0xFFFFFF80  }
0xc6: {  	_ =	swait.ge [sflag:s29], $0x4000  }
0xc7: {  	[sflag:s29] =	ssyncset.done $0x0  }
0xc8: {  	[sflag:s29] =	ssyncadd.s32 $0xFFFFC000  }
0xc9: {  	[tilespmem:s24], [sflag:$0x2] =	stream.indirect.gather [hbm4b:s4+s25], $0x80, s10, s25, $0xb8;
	[tilespmem:$0x1C000] =	vst v63  }
0xca: {  	s17 =	sadd.s32 $0x40, s15  }
0xcb: {  	[tilespmem:s2], [sflag:$0x3] =	stream.linear.gather [hbm4b:s17+s2], $0x80, $0x38;
	[tilespmem:$0x1C000] =	vst v63  }
0xcc: {  	s17 =	sadd.s32 $0x40, s16  }
0xcd: {  	[tilespmem:s25], [sflag:$0x4] =	stream.linear.gather [hbm4b:s17+s2], $0x80, $0x38;
	[tilespmem:$0x1C000] =	vst v63  }
0xce: {  	_ =	swait.ge [sflag:s0], $0x4000  }
0xcf: {  	[sflag:s0] =	ssyncset.done $0x0  }
0xd0: {  	[sflag:s0] =	ssyncadd.s32 $0xFFFFC000  }
0xd1: {  	[spmem:s1] =	stream.indirect.scatter.add.f32 [tilespmem:s22], [sflag:$0x5], $0x80, s31, s25, $0xb8;
	[tilespmem:$0x1C000] =	vst v63  }
0xd2: {  	_ =	swait.ge [sflag:s7], $0x80  }
0xd3: {  	[sflag:s7] =	ssyncset.done $0x0  }
0xd4: {  	[sflag:s7] =	ssyncadd.s32 $0xFFFFFF80  }
0xd5: {  	_ =	swait.ge [sflag:s8], $0x80  }
0xd6: {  	[sflag:s8] =	ssyncset.done $0x0  }
0xd7: {  	[sflag:s8] =	ssyncadd.s32 $0xFFFFFF80  }
0xd8: {  	_ =	swait.ge [sflag:s3], $0x4000  }
0xd9: {  	[sflag:s3] =	ssyncset.done $0x0  }
0xda: {  	[sflag:s3] =	ssyncadd.s32 $0xFFFFC000  }
0xdb: {  	[tilespmem:s22], [sflag:$0x1] =	stream.indirect.gather [hbm4b:s4+s25], $0x80, s2, s25, $0xb8;
	[tilespmem:$0x1C000] =	vst v63  }
0xdc: {  	s15 =	sadd.s32 $0x50, s15  }
0xdd: {  	[tilespmem:s26], [sflag:$0x3] =	stream.linear.gather [hbm4b:s15+s2], $0x80, $0x38;
	[tilespmem:$0x1C000] =	vst v63  }
0xde: {  	s15 =	sadd.s32 $0x50, s16  }
0xdf: {  	[tilespmem:s28], [sflag:$0x4] =	stream.linear.gather [hbm4b:s15+s2], $0x80, $0x38;
	[tilespmem:$0x1C000] =	vst v63  }
0xe0: {  	_ =	swait.ge [sflag:s12], $0x4000  }
0xe1: {  	[sflag:s12] =	ssyncset.done $0x0  }
0xe2: {  	[sflag:s12] =	ssyncadd.s32 $0xFFFFC000  }
0xe3: {  	[spmem:s1] =	stream.indirect.scatter.add.f32 [tilespmem:s24], [sflag:$0x6], $0x80, s11, s25, $0xb8;
	[tilespmem:$0x1C000] =	vst v63  }
.Ltmp3:
0xe4: {  	_ =	swait.ge [sflag:s7], $0x80;
	(pc) =	sbr.rel @!p1 .LBB2_3-.Ltmp3, $4  }
0xe5: {  	[sflag:s7] =	ssyncset.done $0x0  }
0xe6: {  	[sflag:s7] =	ssyncadd.s32 $0xFFFFFF80  }
0xe7: {  	_ =	swait.ge [sflag:s8], $0x80  }
0xe8: {  	[sflag:s8] =	ssyncset.done $0x0  }
.Ltmp4:
0xe9: {  	(pc) =	sbr.rel .LBB2_8-.Ltmp4, $2  }
0xea: {  	_ =	sdelay $0x2  }
0xeb: {  	[sflag:s8] =	ssyncadd.s32 $0xFFFFFF80;
	s14 =	rddreg [dreg:$0x3]  }
.LBB2_5:
0xec: {  	[tilespmem:s22], [sflag:$0x1] =	stream.indirect.gather [hbm4b:s5+s25], $0x80, s14, s25, $0xb8;
	[tilespmem:$0x1C000] =	vst v63  }
0xed: {  	_ =	swait.ge [sflag:s29], $0x4000  }
0xee: {  	[sflag:s29] =	ssyncset.done $0x0  }
0xef: {  	s14 =	sadd.s32 $0x0, s21;
	[sflag:s29] =	ssyncadd.s32 $0xFFFFC000  }
0xf0: {  	[tilespmem:s24], [sflag:$0x2] =	stream.indirect.gather [hbm4b:s5+s25], $0x80, s26, s25, $0xb8;
	[tilespmem:$0x1C000] =	vst v63  }
0xf1: {  	s16 =	sadd.s32 $0x0, s20;
	s15 =	sadd.s32 $0x20, s14  }
0xf2: {  	[tilespmem:s30], [sflag:$0x3] =	stream.linear.gather [hbm4b:s15+s2], $0x80, $0x38;
	[tilespmem:$0x1C000] =	vst v63  }
0xf3: {  	s17 =	sadd.s32 $0x20, s16  }
0xf4: {  	[tilespmem:s31], [sflag:$0x4] =	stream.linear.gather [hbm4b:s17+s2], $0x80, $0x38;
	[tilespmem:$0x1C000] =	vst v63  }
0xf5: {  	_ =	swait.ge [sflag:s0], $0x4000  }
0xf6: {  	[sflag:s0] =	ssyncset.done $0x0  }
0xf7: {  	[sflag:s0] =	ssyncadd.s32 $0xFFFFC000  }
0xf8: {  	[spmem:s1] =	stream.indirect.scatter.add.f32 [tilespmem:s22], [sflag:$0x5], $0x80, s25, s25, $0xb8;
	[tilespmem:$0x1C000] =	vst v63  }
0xf9: {  	_ =	swait.ge [sflag:s7], $0x80  }
0xfa: {  	[sflag:s7] =	ssyncset.done $0x0  }
0xfb: {  	[sflag:s7] =	ssyncadd.s32 $0xFFFFFF80  }
0xfc: {  	_ =	swait.ge [sflag:s8], $0x80  }
0xfd: {  	[sflag:s8] =	ssyncset.done $0x0  }
0xfe: {  	[sflag:s8] =	ssyncadd.s32 $0xFFFFFF80  }
0xff: {  	_ =	swait.ge [sflag:s3], $0x4000  }
0x100: {  	[sflag:s3] =	ssyncset.done $0x0  }
0x101: {  	[sflag:s3] =	ssyncadd.s32 $0xFFFFC000  }
0x102: {  	[tilespmem:s22], [sflag:$0x1] =	stream.indirect.gather [hbm4b:s5+s25], $0x80, s30, s25, $0xb8;
	[tilespmem:$0x1C000] =	vst v63  }
0x103: {  	s17 =	sadd.s32 $0x30, s14  }
0x104: {  	[tilespmem:s10], [sflag:$0x3] =	stream.linear.gather [hbm4b:s17+s2], $0x80, $0x38;
	[tilespmem:$0x1C000] =	vst v63  }
0x105: {  	s17 =	sadd.s32 $0x30, s16  }
0x106: {  	[tilespmem:s11], [sflag:$0x4] =	stream.linear.gather [hbm4b:s17+s2], $0x80, $0x38;
	[tilespmem:$0x1C000] =	vst v63  }
0x107: {  	_ =	swait.ge [sflag:s12], $0x4000  }
0x108: {  	[sflag:s12] =	ssyncset.done $0x0  }
0x109: {  	[sflag:s12] =	ssyncadd.s32 $0xFFFFC000  }
0x10a: {  	[spmem:s1] =	stream.indirect.scatter.add.f32 [tilespmem:s24], [sflag:$0x6], $0x80, s28, s25, $0xb8;
	[tilespmem:$0x1C000] =	vst v63  }
0x10b: {  	_ =	swait.ge [sflag:s7], $0x80  }
0x10c: {  	[sflag:s7] =	ssyncset.done $0x0  }
0x10d: {  	[sflag:s7] =	ssyncadd.s32 $0xFFFFFF80  }
0x10e: {  	_ =	swait.ge [sflag:s8], $0x80  }
0x10f: {  	[sflag:s8] =	ssyncset.done $0x0  }
0x110: {  	[sflag:s8] =	ssyncadd.s32 $0xFFFFFF80  }
0x111: {  	_ =	swait.ge [sflag:s29], $0x4000  }
0x112: {  	[sflag:s29] =	ssyncset.done $0x0  }
0x113: {  	[sflag:s29] =	ssyncadd.s32 $0xFFFFC000  }
0x114: {  	[tilespmem:s24], [sflag:$0x2] =	stream.indirect.gather [hbm4b:s5+s25], $0x80, s10, s25, $0xb8;
	[tilespmem:$0x1C000] =	vst v63  }
0x115: {  	s17 =	sadd.s32 $0x40, s14  }
0x116: {  	[tilespmem:s2], [sflag:$0x3] =	stream.linear.gather [hbm4b:s17+s2], $0x80, $0x38;
	[tilespmem:$0x1C000] =	vst v63  }
0x117: {  	s17 =	sadd.s32 $0x40, s16  }
0x118: {  	[tilespmem:s25], [sflag:$0x4] =	stream.linear.gather [hbm4b:s17+s2], $0x80, $0x38;
	[tilespmem:$0x1C000] =	vst v63  }
0x119: {  	_ =	swait.ge [sflag:s0], $0x4000  }
0x11a: {  	[sflag:s0] =	ssyncset.done $0x0  }
0x11b: {  	[sflag:s0] =	ssyncadd.s32 $0xFFFFC000  }
0x11c: {  	[spmem:s1] =	stream.indirect.scatter.add.f32 [tilespmem:s22], [sflag:$0x5], $0x80, s31, s25, $0xb8;
	[tilespmem:$0x1C000] =	vst v63  }
0x11d: {  	_ =	swait.ge [sflag:s7], $0x80  }
0x11e: {  	[sflag:s7] =	ssyncset.done $0x0  }
0x11f: {  	[sflag:s7] =	ssyncadd.s32 $0xFFFFFF80  }
0x120: {  	_ =	swait.ge [sflag:s8], $0x80  }
0x121: {  	[sflag:s8] =	ssyncset.done $0x0  }
0x122: {  	[sflag:s8] =	ssyncadd.s32 $0xFFFFFF80  }
0x123: {  	_ =	swait.ge [sflag:s3], $0x4000  }
0x124: {  	[sflag:s3] =	ssyncset.done $0x0  }
0x125: {  	[sflag:s3] =	ssyncadd.s32 $0xFFFFC000  }
0x126: {  	[tilespmem:s22], [sflag:$0x1] =	stream.indirect.gather [hbm4b:s5+s25], $0x80, s2, s25, $0xb8;
	[tilespmem:$0x1C000] =	vst v63  }
0x127: {  	s14 =	sadd.s32 $0x50, s14  }
0x128: {  	[tilespmem:s26], [sflag:$0x3] =	stream.linear.gather [hbm4b:s14+s2], $0x80, $0x38;
	[tilespmem:$0x1C000] =	vst v63  }
0x129: {  	s17 =	sadd.s32 $0x50, s16  }
0x12a: {  	[tilespmem:s28], [sflag:$0x4] =	stream.linear.gather [hbm4b:s17+s2], $0x80, $0x38;
	[tilespmem:$0x1C000] =	vst v63  }
0x12b: {  	_ =	swait.ge [sflag:s12], $0x4000  }
0x12c: {  	[sflag:s12] =	ssyncset.done $0x0  }
0x12d: {  	[sflag:s12] =	ssyncadd.s32 $0xFFFFC000  }
0x12e: {  	[spmem:s1] =	stream.indirect.scatter.add.f32 [tilespmem:s24], [sflag:$0x6], $0x80, s11, s25, $0xb8;
	[tilespmem:$0x1C000] =	vst v63  }
0x12f: {  	_ =	swait.ge [sflag:s7], $0x80  }
0x130: {  	[sflag:s7] =	ssyncset.done $0x0  }
0x131: {  	[sflag:s7] =	ssyncadd.s32 $0xFFFFFF80  }
0x132: {  	_ =	swait.ge [sflag:s8], $0x80  }
0x133: {  	s14 =	simm.s32 $0x40;
	[sflag:s8] =	ssyncset.done $0x0  }
.LBB2_6:
0x134: {  	p1 =	sne.s32 s14, $0x9C0  }
0x135: {  	[sflag:s8] =	ssyncadd.s32 $0xFFFFFF80;
	s16 =	smov.u32 s14;
	s14 =	sadd.s32 $0x40, s14  }
0x136: {  	_ =	swait.ge [sflag:s29], $0x4000  }
0x137: {  	[sflag:s29] =	ssyncset.done $0x0  }
0x138: {  	s15 =	sadd.s32 s16, s21;
	[sflag:s29] =	ssyncadd.s32 $0xFFFFC000  }
0x139: {  	[tilespmem:s24], [sflag:$0x2] =	stream.indirect.gather [hbm4b:s5+s25], $0x80, s26, s25, $0xb8;
	[tilespmem:$0x1C000] =	vst v63  }
0x13a: {  	s16 =	sadd.s32 s16, s20;
	s17 =	sadd.s32 $0x20, s15  }
0x13b: {  	[tilespmem:s30], [sflag:$0x3] =	stream.linear.gather [hbm4b:s17+s2], $0x80, $0x38;
	[tilespmem:$0x1C000] =	vst v63  }
0x13c: {  	s17 =	sadd.s32 $0x20, s16  }
0x13d: {  	[tilespmem:s31], [sflag:$0x4] =	stream.linear.gather [hbm4b:s17+s2], $0x80, $0x38;
	[tilespmem:$0x1C000] =	vst v63  }
0x13e: {  	_ =	swait.ge [sflag:s0], $0x4000  }
0x13f: {  	[sflag:s0] =	ssyncset.done $0x0  }
0x140: {  	[sflag:s0] =	ssyncadd.s32 $0xFFFFC000  }
0x141: {  	[spmem:s1] =	stream.indirect.scatter.add.f32 [tilespmem:s22], [sflag:$0x5], $0x80, s25, s25, $0xb8;
	[tilespmem:$0x1C000] =	vst v63  }
0x142: {  	_ =	swait.ge [sflag:s7], $0x80  }
0x143: {  	[sflag:s7] =	ssyncset.done $0x0  }
0x144: {  	[sflag:s7] =	ssyncadd.s32 $0xFFFFFF80  }
0x145: {  	_ =	swait.ge [sflag:s8], $0x80  }
0x146: {  	[sflag:s8] =	ssyncset.done $0x0  }
0x147: {  	[sflag:s8] =	ssyncadd.s32 $0xFFFFFF80  }
0x148: {  	_ =	swait.ge [sflag:s3], $0x4000  }
0x149: {  	[sflag:s3] =	ssyncset.done $0x0  }
0x14a: {  	[sflag:s3] =	ssyncadd.s32 $0xFFFFC000  }
0x14b: {  	[tilespmem:s22], [sflag:$0x1] =	stream.indirect.gather [hbm4b:s5+s25], $0x80, s30, s25, $0xb8;
	[tilespmem:$0x1C000] =	vst v63  }
0x14c: {  	s17 =	sadd.s32 $0x30, s15  }
0x14d: {  	[tilespmem:s10], [sflag:$0x3] =	stream.linear.gather [hbm4b:s17+s2], $0x80, $0x38;
	[tilespmem:$0x1C000] =	vst v63  }
0x14e: {  	s17 =	sadd.s32 $0x30, s16  }
0x14f: {  	[tilespmem:s11], [sflag:$0x4] =	stream.linear.gather [hbm4b:s17+s2], $0x80, $0x38;
	[tilespmem:$0x1C000] =	vst v63  }
0x150: {  	_ =	swait.ge [sflag:s12], $0x4000  }
0x151: {  	[sflag:s12] =	ssyncset.done $0x0  }
0x152: {  	[sflag:s12] =	ssyncadd.s32 $0xFFFFC000  }
0x153: {  	[spmem:s1] =	stream.indirect.scatter.add.f32 [tilespmem:s24], [sflag:$0x6], $0x80, s28, s25, $0xb8;
	[tilespmem:$0x1C000] =	vst v63  }
0x154: {  	_ =	swait.ge [sflag:s7], $0x80  }
0x155: {  	[sflag:s7] =	ssyncset.done $0x0  }
0x156: {  	[sflag:s7] =	ssyncadd.s32 $0xFFFFFF80  }
0x157: {  	_ =	swait.ge [sflag:s8], $0x80  }
0x158: {  	[sflag:s8] =	ssyncset.done $0x0  }
0x159: {  	[sflag:s8] =	ssyncadd.s32 $0xFFFFFF80  }
0x15a: {  	_ =	swait.ge [sflag:s29], $0x4000  }
0x15b: {  	[sflag:s29] =	ssyncset.done $0x0  }
0x15c: {  	[sflag:s29] =	ssyncadd.s32 $0xFFFFC000  }
0x15d: {  	[tilespmem:s24], [sflag:$0x2] =	stream.indirect.gather [hbm4b:s5+s25], $0x80, s10, s25, $0xb8;
	[tilespmem:$0x1C000] =	vst v63  }
0x15e: {  	s17 =	sadd.s32 $0x40, s15  }
0x15f: {  	[tilespmem:s2], [sflag:$0x3] =	stream.linear.gather [hbm4b:s17+s2], $0x80, $0x38;
	[tilespmem:$0x1C000] =	vst v63  }
0x160: {  	s17 =	sadd.s32 $0x40, s16  }
0x161: {  	[tilespmem:s25], [sflag:$0x4] =	stream.linear.gather [hbm4b:s17+s2], $0x80, $0x38;
	[tilespmem:$0x1C000] =	vst v63  }
0x162: {  	_ =	swait.ge [sflag:s0], $0x4000  }
0x163: {  	[sflag:s0] =	ssyncset.done $0x0  }
0x164: {  	[sflag:s0] =	ssyncadd.s32 $0xFFFFC000  }
0x165: {  	[spmem:s1] =	stream.indirect.scatter.add.f32 [tilespmem:s22], [sflag:$0x5], $0x80, s31, s25, $0xb8;
	[tilespmem:$0x1C000] =	vst v63  }
0x166: {  	_ =	swait.ge [sflag:s7], $0x80  }
0x167: {  	[sflag:s7] =	ssyncset.done $0x0  }
0x168: {  	[sflag:s7] =	ssyncadd.s32 $0xFFFFFF80  }
0x169: {  	_ =	swait.ge [sflag:s8], $0x80  }
0x16a: {  	[sflag:s8] =	ssyncset.done $0x0  }
0x16b: {  	[sflag:s8] =	ssyncadd.s32 $0xFFFFFF80  }
0x16c: {  	_ =	swait.ge [sflag:s3], $0x4000  }
0x16d: {  	[sflag:s3] =	ssyncset.done $0x0  }
0x16e: {  	[sflag:s3] =	ssyncadd.s32 $0xFFFFC000  }
0x16f: {  	[tilespmem:s22], [sflag:$0x1] =	stream.indirect.gather [hbm4b:s5+s25], $0x80, s2, s25, $0xb8;
	[tilespmem:$0x1C000] =	vst v63  }
0x170: {  	s15 =	sadd.s32 $0x50, s15  }
0x171: {  	[tilespmem:s26], [sflag:$0x3] =	stream.linear.gather [hbm4b:s15+s2], $0x80, $0x38;
	[tilespmem:$0x1C000] =	vst v63  }
0x172: {  	s15 =	sadd.s32 $0x50, s16  }
0x173: {  	[tilespmem:s28], [sflag:$0x4] =	stream.linear.gather [hbm4b:s15+s2], $0x80, $0x38;
	[tilespmem:$0x1C000] =	vst v63  }
0x174: {  	_ =	swait.ge [sflag:s12], $0x4000  }
0x175: {  	[sflag:s12] =	ssyncset.done $0x0  }
0x176: {  	[sflag:s12] =	ssyncadd.s32 $0xFFFFC000  }
0x177: {  	[spmem:s1] =	stream.indirect.scatter.add.f32 [tilespmem:s24], [sflag:$0x6], $0x80, s11, s25, $0xb8;
	[tilespmem:$0x1C000] =	vst v63  }
.Ltmp5:
0x178: {  	_ =	swait.ge [sflag:s7], $0x80;
	(pc) =	sbr.rel @p1 .LBB2_6-.Ltmp5, $4  }
0x179: {  	[sflag:s7] =	ssyncset.done $0x0  }
0x17a: {  	[sflag:s7] =	ssyncadd.s32 $0xFFFFFF80  }
0x17b: {  	_ =	swait.ge [sflag:s8], $0x80  }
0x17c: {  	[sflag:s8] =	ssyncset.done $0x0  }
.Ltmp6:
0x17d: {  	_ = 	snop;
	(pc) =	sbr.rel .LBB2_7-.Ltmp6, $1  }
0x17e: {  	_ =	sdelay $0x3  }
.LBB2_9:
0x17f: {  	_ =	sfence.sel $0x180000  }
0x180: {  	[bflag:$0x0] =	sbarrier.arrive $0xFFFF  }
0x181: {  	_ =	strace $0x9000004A  }
0x182: {  	s0 =	stileid.u32;
	[bflag:$0x2] =	sbarrier.arrive $0xFFFF  }
0x183: {  	p0 =	sne.s32 s0, $0x0;
	s0 =	rddreg [dreg:$0x2]  }
0x184: {  	s0 =	sadd.s32 @!p0 $0x100000, s0  }
0x185: {  	[sflag:s0] =	ssyncadd.tile.s32 @!p0 $0x1;
	_ =	shalt  }
.Lfunc_end2:
_tile_overlayer_lowered:
.L_overlay_start_2:
0x186: {  	(tag) =	ssettag $0x2  }
0x187: {  	s0 =	rddreg [dreg:$0x0];
	s2 =	stileid.u32  }
0x188: {  	s1 =	rddreg [dreg:$0x1];
	p0 =	sne.s32 s2, $0x0  }
0x189: {  	s3 =	rddreg [dreg:$0x2];
	[bflag:$0x3] =	sbarrier.arrive $0xFFFF;
	s2 =	simm.s32 @!p0 $0x1C07  }
0x18a: {  	[timem:s3], [sflag:s2] =	dma.local @!p0 [hbm:s0], s1  }
0x18b: {  	s0 =	simm.s32 @!p0 $0x7  }
0x18c: {  	_ =	swait.ge @!p0 [sflag:s0], s1  }
0x18d: {  	s1 =	ssub.s32 @!p0 $0x0, s1;
	[sflag:s0] =	ssyncset.done @!p0 $0x0  }
0x18e: {  	[sflag:s0] =	ssyncadd.s32 @!p0 s1  }
0x18f: {  	[bflag:$0x3] =	sbarrier.arrive $0xFFFF  }
0x190: {  	_ =	shalt  }

// kernel: kernel.19.cloned.1.call-start
scs
__scs_entry_jumppad:
0x0: {  	(pc) =	sbr.rel $0x88, $3  }
0x1: {  	(tag) =	ssettag $0x0;
	lr =	simm.s32 $0x1  }
0x2: {  	[smem:$0x3F8C] =	sst lr;
	_ =	strace $0xD0000000  }
0x3: {  	_ = 	snop  }
0x4: {  	_ = 	snop  }
0x5: {  	_ = 	snop  }
0x6: {  	_ = 	snop  }
0x7: {  	_ = 	snop  }
__scs_overlays_trampoline_lowered:
0x8: {  	[smem:$0x3F9B] =	sst s0  }
0x9: {  	[smem:$0x3F9C] =	sst s1  }
0xa: {  	[smem:$0x3F9D] =	sst s2  }
0xb: {  	[smem:$0x3F9E] =	sst s3  }
0xc: {  	[smem:$0x3F9F] =	sst s4  }
0xd: {  	[smem:$0x3FA0] =	sst s5  }
0xe: {  	[smem:$0x3FA1] =	sst s6  }
0xf: {  	[smem:$0x3FA2] =	sst s7  }
0x10: {  	[smem:$0x3FA3] =	sst s8  }
0x11: {  	[smem:$0x3FA4] =	sst s9;
	s0 =	simm.s32 @!p0 $0x0  }
0x12: {  	s1 =	sld [smem:$0x3F8A];
	s0 =	simm.s32 @p0 $0x1  }
0x13: {  	[smem:$0x3FA5] =	sst s0;
	s0 =	simm.s32 @!p1 $0x0  }
0x14: {  	s2 =	sld [smem:$0x3F89];
	s0 =	simm.s32 @p1 $0x1  }
0x15: {  	[smem:$0x3FA6] =	sst s0;
	s0 =	simm.s32 @!p2 $0x0  }
0x16: {  	s3 =	sld [smem:$0x3FDB];
	s0 =	simm.s32 @p2 $0x1  }
0x17: {  	s4 =	simm.s32 $0x1BF5;
	[smem:$0x3FA8] =	sst s0  }
0x18: {  	s0 =	sld [smem:$0x3F8B];
	_ =	swait.ge [sflag:s4], $0x0  }
0x19: {  	s7 =	sld [smem:$0x3F8C]  }
0x1a: {  	s8 =	sadd.s32 $0xFFFFE003, lr  }
0x1b: {  	s9 =	sadd.s32 $0xFFFFFEF7, lr;
	s5 =	simm.s32 $0xFFFFFFFF;
	p2 =	slt.u32 s8, $0xFFFFF086  }
0x1c: {  	p1 =	slt.u32 s9, $0xF7A;
	s5 =	simm.s32 @!p2 $0x0  }
0x1d: {  	s5 =	simm.s32 @p1 $0x1;
	p0 =	seq.s32 s7, s2  }
0x1e: {  	s7 =	smul.u32 @!p0 $0xF7A, s2;
	p2 =	seq.s32 @!p0 s5, $0x0  }
0x1f: {  	s9 =	smul.u32 $0xF7A, s1;
	s8 =	simm.s32 @!p0 $0x1BF5;
	p2 =	por !p2, p0  }
0x20: {  	[sflag:s8] =	ssyncset.s32 @!p0 $0xFFFFF086;
	s6 =	sadd.s32 @!p0 s3, s7;
	s7 =	simm.s32 @!p0 $0x108  }
0x21: {  	s3 =	sadd.s32 s3, s9;
	s6 =	sadd.s32 @!p0 $0x88, s6;
	s7 =	simm.s32 @p2 $0x1082  }
0x22: {  	[simem:s7], [sflag:s8] =	dma.local @!p0 [hbm:s6], $0xF7A  }
0x23: {  	s9 =	sor.u32 $0xD0000000, s2;
	s6 =	simm.s32 $0x108;
	_ =	swait.ge @!p0 [sflag:s8], $0x0  }
0x24: {  	s3 =	sadd.s32 $0x88, s3;
	s6 =	simm.s32 @!p1 $0x1082;
	[sflag:s4] =	ssyncset.s32 $0xFFFFF086  }
0x25: {  	[simem:s6], [sflag:s4] =	dma.local [hbm:s3], $0xF7A  }
0x26: {  	[smem:$0x3F8C] =	sst s1;
	(tag) =	ssettag s2;
	_ =	strace s9  }
0x27: {  	s1 =	sld [smem:$0x3F9C]  }
0x28: {  	s2 =	sld [smem:$0x3F9D]  }
0x29: {  	s4 =	sld [smem:$0x3F9F]  }
0x2a: {  	p0 =	seq.s32 s5, $0x0;
	s5 =	sld [smem:$0x3FA0]  }
0x2b: {  	s6 =	sld [smem:$0x3FA1]  }
0x2c: {  	s7 =	sld [smem:$0x3FA2]  }
0x2d: {  	s3 =	simm.s32 $0x108;
	s8 =	sld [smem:$0x3FA3]  }
0x2e: {  	s3 =	simm.s32 @!p0 $0x1082;
	s9 =	sld [smem:$0x3FA4]  }
0x2f: {  	lr =	sadd.s32 s0, s3;
	s0 =	sld [smem:$0x3F9B]  }
0x30: {  	s3 =	sld [smem:$0x3F9E]  }
0x31: {  	[smem:$0x3FA7] =	sst s10  }
0x32: {  	s10 =	sld [smem:$0x3FA5];
	_ =	sdelay $0x3  }
0x33: {  	p0 =	seq.s32 s10, $0x1;
	s10 =	sld [smem:$0x3FA7];
	_ =	sdelay $0x3  }
0x34: {  	[smem:$0x3FA7] =	sst s10  }
0x35: {  	s10 =	sld [smem:$0x3FA6];
	_ =	sdelay $0x3  }
0x36: {  	p1 =	seq.s32 s10, $0x1;
	s10 =	sld [smem:$0x3FA7];
	_ =	sdelay $0x3  }
0x37: {  	[smem:$0x3FA7] =	sst s10  }
0x38: {  	s10 =	sld [smem:$0x3FA8]  }
0x39: {  	_ = 	snop;
	(pc) =	sbr.ind lr, $3  }
0x3a: {  	_ = 	snop  }
0x3b: {  	_ = 	snop  }
0x3c: {  	p2 =	seq.s32 s10, $0x1;
	s10 =	sld [smem:$0x3FA7]  }
0x3d: {  	_ =	shalt  }
0x3e: {  	_ =	shalt  }
0x3f: {  	_ =	shalt  }
0x40: {  	_ =	shalt  }
0x41: {  	_ =	shalt  }
0x42: {  	_ =	shalt  }
0x43: {  	_ =	shalt  }
0x44: {  	_ =	shalt  }
0x45: {  	_ =	shalt  }
0x46: {  	_ =	shalt  }
0x47: {  	_ =	shalt  }
0x48: {  	_ =	shalt  }
0x49: {  	_ =	shalt  }
0x4a: {  	_ =	shalt  }
0x4b: {  	_ =	shalt  }
0x4c: {  	_ =	shalt  }
0x4d: {  	_ =	shalt  }
0x4e: {  	_ =	shalt  }
0x4f: {  	_ =	shalt  }
0x50: {  	_ =	shalt  }
0x51: {  	_ =	shalt  }
0x52: {  	_ =	shalt  }
0x53: {  	_ =	shalt  }
0x54: {  	_ =	shalt  }
0x55: {  	_ =	shalt  }
0x56: {  	_ =	shalt  }
0x57: {  	_ =	shalt  }
0x58: {  	_ =	shalt  }
0x59: {  	_ =	shalt  }
0x5a: {  	_ =	shalt  }
0x5b: {  	_ =	shalt  }
0x5c: {  	_ =	shalt  }
0x5d: {  	_ =	shalt  }
0x5e: {  	_ =	shalt  }
0x5f: {  	_ =	shalt  }
0x60: {  	_ =	shalt  }
0x61: {  	_ =	shalt  }
0x62: {  	_ =	shalt  }
0x63: {  	_ =	shalt  }
0x64: {  	_ =	shalt  }
0x65: {  	_ =	shalt  }
0x66: {  	_ =	shalt  }
0x67: {  	_ =	shalt  }
0x68: {  	_ =	shalt  }
0x69: {  	_ =	shalt  }
0x6a: {  	_ =	shalt  }
0x6b: {  	_ =	shalt  }
0x6c: {  	_ =	shalt  }
0x6d: {  	_ =	shalt  }
0x6e: {  	_ =	shalt  }
0x6f: {  	_ =	shalt  }
0x70: {  	_ =	shalt  }
0x71: {  	_ =	shalt  }
0x72: {  	_ =	shalt  }
0x73: {  	_ =	shalt  }
0x74: {  	_ =	shalt  }
0x75: {  	_ =	shalt  }
0x76: {  	_ =	shalt  }
0x77: {  	_ =	shalt  }
0x78: {  	_ =	shalt  }
0x79: {  	_ =	shalt  }
0x7a: {  	_ =	shalt  }
0x7b: {  	_ =	shalt  }
0x7c: {  	_ =	shalt  }
0x7d: {  	_ =	shalt  }
0x7e: {  	_ =	shalt  }
0x7f: {  	_ =	shalt  }
0x80: {  	_ =	shalt  }
0x81: {  	_ =	shalt  }
0x82: {  	_ =	shalt  }
0x83: {  	_ =	shalt  }
0x84: {  	_ =	shalt  }
0x85: {  	_ =	shalt  }
0x86: {  	_ =	shalt  }
0x87: {  	_ =	shalt  }
.Lfunc_end0:
.L_simem_size_0:
called_computation.2_lowered:
.L_overlay_start_0:
0x88: {  	s2 =	sld [smem:$0x3FD9]  }
0x89: {  	s3 =	sld [smem:$0x3FFE];
	_ =	sdelay $0x1  }
0x8a: {  	s1 =	srdreg.scid  }
0x8b: {  	s0 =	sand.u32 $0x1, s1  }
0x8c: {  	s16 =	sshll.u32 s0, $0xA;
	s2 =	sadd.s32 s3, s2  }
0x8d: {  	s2 =	sadd.s32 s2, s16  }
0x8e: {  	[smem:$0x3FB3] =	sst s2  }
0x8f: {  	_ = 	snop  }
0x90: {  	(tm) =	ssettm $0x1  }
0x91: {  	s17 =	sld [smem:$0x3FFB];
	_ =	sdelay $0x3  }
0x92: {  	_ =	strace s17  }
0x93: {  	s2 =	sld [smem:$0x3FFC];
	_ =	sdelay $0x3  }
0x94: {  	_ =	strace s2  }
0x95: {  	s2 =	sld [smem:$0x3FFD];
	_ =	sdelay $0x3  }
0x96: {  	_ =	strace s2  }
0x97: {  	_ =	strace $0x8FFFFFFF  }
0x98: {  	s18 =	sld [smem:$0x3FDB];
	_ =	sdelay $0x1  }
0x99: {  	s19 =	simm.s32 $_scs_section_size  }
0x9a: {  	s4 =	simm.s32 $_size__tile_overlayer_lowered;
	s5 =	simm.s32 $_tile_overlayer_lowered  }
0x9b: {  	s22 =	simm.s32 $0x1BFF;
	s21 =	sshll.u32 s5, $0x1;
	s2 =	sadd.s32 s19, s18  }
0x9c: {  	s6 =	simm.s32 $0x0;
	s20 =	sshll.u32 s4, $0x1;
	s4 =	sadd.s32 s21, s2  }
0x9d: {  	[timem:s6], [sflag:s22] =	dma.local [hbm:s4], s20  }
0x9e: {  	_ =	swait.ge [sflag:s22], s20  }
0x9f: {  	s3 =	ssub.s32 $0x0, s20;
	[sflag:s22] =	ssyncset.done $0x0  }
0xa0: {  	[sflag:s22] =	ssyncadd.s32 s3;
	_ =	sdelay $0x1  }
0xa1: {  	s23 =	simm.s32 $0x1B8B  }
0xa2: {  	_ =	swait.ge [sflag:s23], $0x1  }
0xa3: {  	[sflag:s23] =	ssyncset.done $0x0  }
0xa4: {  	s25 =	simm.s32 $0x1B8E;
	s24 =	sld [smem:$0x3FFE];
	[sflag:s23] =	ssyncadd.s32 $0xFFFFFFFF  }
0xa5: {  	s26 =	simm.s32 $execute0_lowered;
	[smem:$0x3FD2] =	sst s25  }
0xa6: {  	s4 =	sshll.u32 s26, $0x1;
	_ =	strace $0x8000004C;
	[dreg:$0x1] =	wrdreg $0xFFFFFFFF  }
0xa7: {  	s28 =	simm.s32 $_size_execute0_lowered;
	s2 =	sadd.s32 s2, s4;
	[dreg:$0x0] =	wrdreg $0x0  }
0xa8: {  	s4 =	sshll.u32 s28, $0x1;
	[dreg:$0x2] =	wrdreg s2  }
0xa9: {  	[dreg:$0x3] =	wrdreg s4  }
0xaa: {  	[dreg:$0x4] =	wrdreg $0xC0  }
0xab: {  	_ =	task [dreg:s6], $0x5FFFF  }
0xac: {  	[dreg:$0x1] =	wrdreg $0xFFFFFFFF  }
0xad: {  	[dreg:$0x0] =	wrdreg $0x60  }
0xae: {  	[dreg:$0x2] =	wrdreg s24  }
0xaf: {  	[dreg:$0x3] =	wrdreg $0x84000  }
0xb0: {  	[dreg:$0x4] =	wrdreg $0x9  }
0xb1: {  	_ =	task.clear_ibuf [dreg:s6], $0x5FFFF;
	_ =	strace $0x9000004C  }
0xb2: {  	s29 =	simm.s32 $0x9;
	_ =	strace $0x8000004E  }
0xb3: {  	_ =	swait.ge [sflag:s29], $0x1  }
0xb4: {  	[sflag:s29] =	ssyncadd.s32 $0xFFFFFFFF  }
0xb5: {  	_ =	strace $0x9000004E  }
0xb6: {  	_ =	sfence  }
0xb7: {  	s30 =	sld [smem:$0x0];
	_ =	sdelay $0x2  }
0xb8: {  	s31 =	sshll.u32 s1, $0xD;
	s1 =	sshrl.u32 s1, $0x2  }
0xb9: {  	s3 =	sand.u32 $0x4000, s31;
	s1 =	sadd.s32 s1, s30  }
0xba: {  	s0 =	sor.u32 s3, s0;
	s1 =	sshll.u32 s1, $0x11  }
0xbb: {  	s0 =	sor.u32 s1, s0  }
0xbc: {  	s0 =	sadd.s32 $0x8F2B, s0  }
0xbd: {  	[sflag:s0] =	ssyncadd.remote.s32 $0x1  }
0xbe: {  	_ =	sfence.sel $0xFFFF  }
0xbf: {  	[dreg:$0x0] =	wrdreg $0xFFFFFFFF;
	(pc) =	sbr.abs _section_cstart, $3  }
0xc0: {  	[dreg:$0x1] =	wrdreg $0xFFFFFFFF  }
0xc1: {  	_ =	task.clear_ibuf [dreg:s6], $0x2FFFF;
	_ =	strace $0x9FFFFFFF  }
0xc2: {  	(tm) =	ssettm $0x7FFFFFFF  }
0xc3: {  	_ =	shalt  }
tec
execute0_lowered:
.L_overlay_start_1:
0x0: {  	(tag) =	ssettag $0x1  }
0x1: {  	s0 =	rddreg [dreg:$0x0]  }
0x2: {  	s1 =	rddreg [dreg:$0x1];
	s2 =	simm.s32 $0x0  }
0x3: {  	s6 =	srdreg.scid;
	s13 =	stileid.u32;
	s28 =	simm.s32 $0x180  }
0x4: {  	s29 =	simm.s32 $0x6;
	s30 =	simm.s32 $0x200;
	s31 =	simm.s32 $0x280  }
0x5: {  	[smem:$0x7FF] =	sst s2;
	s4 =	sadd.s32 $0x42E00, s0;
	s5 =	sadd.s32 $0x6A800, s0  }
0x6: {  	s3 =	sadd.s32 $0x7800, s0;
	s7 =	sadd.s32 $0x11A00, s0;
	s9 =	smul.u32 $0x4F000, s13  }
0x7: {  	s8 =	sand.u32 $0x1, s6;
	s6 =	sadd.s32 $0x6A000, s0;
	s12 =	smul.u32 $0x5000, s13  }
0x8: {  	s10 =	sadd.s32 $0x91A00, s0;
	s0 =	sadd.s32 $0xB9200, s0;
	s25 =	smul.u32 $0xA00, s13  }
0x9: {  	_ =	strace $0x8000004D;
	[dreg:$0x3] =	wrdreg s10;
	s16 =	ssub.s32 $0x2, s8  }
0xa: {  	[dreg:$0x4] =	wrdreg s0;
	p0 =	sne.s32 s8, $0x0;
	s0 =	simm.s32 $0x1  }
0xb: {  	s8 =	simm.s32 $0x4;
	s11 =	sshrl.u32 s16, $0x1;
	s20 =	sshrl.u32 s12, $0x3  }
0xc: {  	s9 =	sshrl.u32 s9, $0x2;
	s12 =	simm.s32 $0x2;
	s23 =	sadd.s32 s3, s20  }
0xd: {  	s9 =	sadd.s32 s9, s1;
	s24 =	sadd.s32 s7, s20;
	[dreg:$0x9] =	wrdreg s23  }
0xe: {  	s17 =	ssub.s32 s16, s11;
	s18 =	sadd.s32 $0x4000, s9;
	[dreg:$0xa] =	wrdreg s24  }
0xf: {  	s10 =	sor.u32 $0x10, s20;
	s19 =	sadd.s32 $0x8000, s9;
	[dreg:$0x5] =	wrdreg s18  }
0x10: {  	s20 =	sadd.s32 s25, s7;
	s21 =	sadd.s32 $0xC000, s9;
	[dreg:$0x6] =	wrdreg s19  }
0x11: {  	s11 =	simm.s32 $0x380;
	s22 =	sadd.s32 $0x10000, s9;
	[dreg:$0x7] =	wrdreg s21  }
0x12: {  	s26 =	sadd.s32 s3, s10;
	s10 =	sadd.s32 s7, s10;
	[dreg:$0x8] =	wrdreg s22  }
.Ltmp0:
0x13: {  	s23 =	simm.s32 $0x7;
	[dreg:$0xb] =	wrdreg s26;
	(pc) =	sbr.rel .LBB2_1-.Ltmp0, $4  }
0x14: {  	s24 =	simm.s32 $0x4400;
	s7 =	simm.s32 $0x3;
	[dreg:$0xc] =	wrdreg s10  }
0x15: {  	s18 =	smul.u32 $0x2780, s13;
	s19 =	smax.u32 s17, $0x1;
	s21 =	sadd.s32 s25, s3  }
0x16: {  	s22 =	simm.s32 $0x400;
	s25 =	simm.s32 $0x80;
	s26 =	simm.s32 $0x100  }
0x17: {  	s3 =	simm.s32 $0x5;
	s10 =	simm.s32 $0x300;
	s13 =	simm.s32 $0x0  }
.LBB2_7:
0x18: {  	[sflag:s8] =	ssyncadd.s32 $0xFFFFFF80;
	s14 =	rddreg [dreg:$0x4]  }
.LBB2_8:
0x19: {  	_ =	swait.ge [sflag:s0], $0x4000  }
0x1a: {  	[sflag:s0] =	ssyncset.done $0x0  }
0x1b: {  	[sflag:s0] =	ssyncadd.s32 $0xFFFFC000  }
0x1c: {  	_ =	swait.ge [sflag:s3], $0x4000  }
0x1d: {  	[sflag:s3] =	ssyncset.done $0x0  }
0x1e: {  	[sflag:s3] =	ssyncadd.s32 $0xFFFFC000  }
0x1f: {  	s14 =	sadd.s32 s14, s18;
	s15 =	stileid.u32;
	_ =	swait.ge [sflag:s29], $0x4000  }
0x20: {  	s16 =	sshrl.u32 s9, $0x3;
	s13 =	sadd.s32 $0x1, s13;
	[sflag:s29] =	ssyncset.done $0x0  }
0x21: {  	s15 =	sshll.u32 s15, $0x6;
	p1 =	sne.s32 s13, s19;
	[sflag:s29] =	ssyncadd.s32 $0xFFFFC000  }
.Ltmp1:
0x22: {  	s15 =	sor.u32 $0x1C07, s15;
	[bflag:$0x0] =	sbarrier.arrive $0xFFFF;
	(pc) =	sbr.rel @!p1 .LBB2_9-.Ltmp1, $4  }
0x23: {  	[hbm:s14], [sflag:s15] =	dma.local [spmem:s16], $0x2780  }
0x24: {  	_ =	swait.ge [sflag:s23], $0x2780  }
0x25: {  	[sflag:s23] =	ssyncset.done $0x0  }
0x26: {  	[sflag:s23] =	ssyncadd.s32 $0xFFFFD880  }
.LBB2_1:
0x27: {  	[tilespmem:s22], [sflag:$0x7] =	stream.linear.gather [hbm4b:s6+s2], $0x4000, $0x38;
	[tilespmem:$0x1C000] =	vst v63  }
0x28: {  	_ =	swait.ge [sflag:s23], $0x4000  }
0x29: {  	[sflag:s23] =	ssyncset.done $0x0  }
0x2a: {  	[sflag:s23] =	ssyncadd.s32 $0xFFFFC000  }
0x2b: {  	[tilespmem:s24], [sflag:$0x7] =	stream.linear.gather [hbm4b:s6+s2], $0x4000, $0x38;
	[tilespmem:$0x1C000] =	vst v63  }
0x2c: {  	_ =	swait.ge [sflag:s23], $0x4000  }
0x2d: {  	[sflag:s23] =	ssyncset.done $0x0  }
0x2e: {  	[sflag:s23] =	ssyncadd.s32 $0xFFFFC000  }
0x2f: {  	[spmem:s9] =	stream.linear.scatter [tilespmem:s22], [sflag:$0x7], $0x4000, $0x38;
	[tilespmem:$0x1C000] =	vst v63  }
0x30: {  	_ =	swait.ge [sflag:s23], $0x4000  }
0x31: {  	[sflag:s23] =	ssyncset.done $0x0  }
0x32: {  	s14 =	rddreg [dreg:$0x5];
	[sflag:s23] =	ssyncadd.s32 $0xFFFFC000  }
0x33: {  	[spmem:s14] =	stream.linear.scatter [tilespmem:s22], [sflag:$0x7], $0x4000, $0x38;
	[tilespmem:$0x1C000] =	vst v63  }
0x34: {  	_ =	swait.ge [sflag:s23], $0x4000  }
0x35: {  	[sflag:s23] =	ssyncset.done $0x0  }
0x36: {  	s17 =	rddreg [dreg:$0x6];
	[sflag:s23] =	ssyncadd.s32 $0xFFFFC000  }
0x37: {  	[spmem:s17] =	stream.linear.scatter [tilespmem:s22], [sflag:$0x7], $0x4000, $0x38;
	[tilespmem:$0x1C000] =	vst v63  }
0x38: {  	_ =	swait.ge [sflag:s23], $0x4000  }
0x39: {  	[sflag:s23] =	ssyncset.done $0x0  }
0x3a: {  	s15 =	rddreg [dreg:$0x7];
	[sflag:s23] =	ssyncadd.s32 $0xFFFFC000  }
0x3b: {  	[spmem:s15] =	stream.linear.scatter [tilespmem:s22], [sflag:$0x7], $0x4000, $0x38;
	[tilespmem:$0x1C000] =	vst v63  }
0x3c: {  	_ =	swait.ge [sflag:s23], $0x4000  }
0x3d: {  	[sflag:s23] =	ssyncset.done $0x0  }
0x3e: {  	s16 =	rddreg [dreg:$0x8];
	[sflag:s23] =	ssyncadd.s32 $0xFFFFC000  }
0x3f: {  	[spmem:s16] =	stream.linear.scatter [tilespmem:s22], [sflag:$0x7], $0x3C00, $0x38;
	[tilespmem:$0x1C000] =	vst v63  }
0x40: {  	_ =	swait.ge [sflag:s23], $0x3C00  }
0x41: {  	[sflag:s23] =	ssyncset.done $0x0  }
0x42: {  	[sflag:s23] =	ssyncadd.s32 $0xFFFFC400  }
0x43: {  	[bflag:$0x0] =	sbarrier.arrive $0xFFFF  }
0x44: {  	s17 =	rddreg [dreg:$0x9]  }
0x45: {  	[tilespmem:s2], [sflag:$0x7] =	stream.linear.gather [hbm4b:s17+s2], $0x80, $0x38;
	[tilespmem:$0x1C000] =	vst v63  }
0x46: {  	_ =	swait.ge [sflag:s23], $0x80  }
0x47: {  	[sflag:s23] =	ssyncset.done $0x0  }
0x48: {  	s15 =	rddreg [dreg:$0xa];
	[sflag:s23] =	ssyncadd.s32 $0xFFFFFF80  }
0x49: {  	[tilespmem:s25], [sflag:$0x7] =	stream.linear.gather [hbm4b:s15+s2], $0x80, $0x38;
	[tilespmem:$0x1C000] =	vst v63  }
0x4a: {  	_ =	swait.ge [sflag:s23], $0x80  }
0x4b: {  	[sflag:s23] =	ssyncset.done $0x0  }
0x4c: {  	s16 =	rddreg [dreg:$0xb];
	[sflag:s23] =	ssyncadd.s32 $0xFFFFFF80  }
0x4d: {  	[tilespmem:s26], [sflag:$0x7] =	stream.linear.gather [hbm4b:s16+s2], $0x80, $0x38;
	[tilespmem:$0x1C000] =	vst v63  }
0x4e: {  	_ =	swait.ge [sflag:s23], $0x80  }
0x4f: {  	[sflag:s23] =	ssyncset.done $0x0  }
0x50: {  	s17 =	rddreg [dreg:$0xc];
	[sflag:s23] =	ssyncadd.s32 $0xFFFFFF80  }
0x51: {  	[tilespmem:s28], [sflag:$0x7] =	stream.linear.gather [hbm4b:s17+s2], $0x80, $0x38;
	[tilespmem:$0x1C000] =	vst v63  }
0x52: {  	_ =	swait.ge [sflag:s23], $0x80  }
.Ltmp2:
0x53: {  	[sflag:s23] =	ssyncset.done $0x0;
	(pc) =	sbr.rel @p0 .LBB2_5-.Ltmp2, $4  }
0x54: {  	[sflag:s23] =	ssyncadd.s32 $0xFFFFFF80  }
0x55: {  	[spmem:s1] =	stream.indirect.scatter.add.f32 [tilespmem:s22], [sflag:$0x5], $0x80, s25, s25, $0xb8;
	[tilespmem:$0x1C000] =	vst v63  }
0x56: {  	s14 =	simm.s32 $0x0  }
0x57: {  	[spmem:s1] =	stream.indirect.scatter.add.f32 [tilespmem:s24], [sflag:$0x6], $0x80, s25, s25, $0xb8;
	[tilespmem:$0x1C000] =	vst v63  }
0x58: {  	[tilespmem:s22], [sflag:$0x1] =	stream.indirect.gather [hbm4b:s4+s25], $0x80, s14, s25, $0xb8;
	[tilespmem:$0x1C000] =	vst v63  }
0x59: {  	_ =	swait.ge [sflag:s29], $0x4000  }
0x5a: {  	[sflag:s29] =	ssyncset.done $0x0  }
0x5b: {  	s14 =	sadd.s32 $0x0, s21;
	[sflag:s29] =	ssyncadd.s32 $0xFFFFC000  }
0x5c: {  	[tilespmem:s24], [sflag:$0x2] =	stream.indirect.gather [hbm4b:s4+s25], $0x80, s26, s25, $0xb8;
	[tilespmem:$0x1C000] =	vst v63  }
0x5d: {  	s16 =	sadd.s32 $0x0, s20;
	s15 =	sadd.s32 $0x20, s14  }
0x5e: {  	[tilespmem:s30], [sflag:$0x3] =	stream.linear.gather [hbm4b:s15+s2], $0x80, $0x38;
	[tilespmem:$0x1C000] =	vst v63  }
0x5f: {  	s17 =	sadd.s32 $0x20, s16  }
0x60: {  	[tilespmem:s31], [sflag:$0x4] =	stream.linear.gather [hbm4b:s17+s2], $0x80, $0x38;
	[tilespmem:$0x1C000] =	vst v63  }
0x61: {  	_ =	swait.ge [sflag:s0], $0x4000  }
0x62: {  	[sflag:s0] =	ssyncset.done $0x0  }
0x63: {  	[sflag:s0] =	ssyncadd.s32 $0xFFFFC000  }
0x64: {  	[spmem:s1] =	stream.indirect.scatter.add.f32 [tilespmem:s22], [sflag:$0x5], $0x80, s25, s25, $0xb8;
	[tilespmem:$0x1C000] =	vst v63  }
0x65: {  	_ =	swait.ge [sflag:s7], $0x80  }
0x66: {  	[sflag:s7] =	ssyncset.done $0x0  }
0x67: {  	[sflag:s7] =	ssyncadd.s32 $0xFFFFFF80  }
0x68: {  	_ =	swait.ge [sflag:s8], $0x80  }
0x69: {  	[sflag:s8] =	ssyncset.done $0x0  }
0x6a: {  	[sflag:s8] =	ssyncadd.s32 $0xFFFFFF80  }
0x6b: {  	_ =	swait.ge [sflag:s3], $0x4000  }
0x6c: {  	[sflag:s3] =	ssyncset.done $0x0  }
0x6d: {  	[sflag:s3] =	ssyncadd.s32 $0xFFFFC000  }
0x6e: {  	[tilespmem:s22], [sflag:$0x1] =	stream.indirect.gather [hbm4b:s4+s25], $0x80, s30, s25, $0xb8;
	[tilespmem:$0x1C000] =	vst v63  }
0x6f: {  	s17 =	sadd.s32 $0x30, s14  }
0x70: {  	[tilespmem:s10], [sflag:$0x3] =	stream.linear.gather [hbm4b:s17+s2], $0x80, $0x38;
	[tilespmem:$0x1C000] =	vst v63  }
0x71: {  	s17 =	sadd.s32 $0x30, s16  }
0x72: {  	[tilespmem:s11], [sflag:$0x4] =	stream.linear.gather [hbm4b:s17+s2], $0x80, $0x38;
	[tilespmem:$0x1C000] =	vst v63  }
0x73: {  	_ =	swait.ge [sflag:s12], $0x4000  }
0x74: {  	[sflag:s12] =	ssyncset.done $0x0  }
0x75: {  	[sflag:s12] =	ssyncadd.s32 $0xFFFFC000  }
0x76: {  	[spmem:s1] =	stream.indirect.scatter.add.f32 [tilespmem:s24], [sflag:$0x6], $0x80, s28, s25, $0xb8;
	[tilespmem:$0x1C000] =	vst v63  }
0x77: {  	_ =	swait.ge [sflag:s7], $0x80  }
0x78: {  	[sflag:s7] =	ssyncset.done $0x0  }
0x79: {  	[sflag:s7] =	ssyncadd.s32 $0xFFFFFF80  }
0x7a: {  	_ =	swait.ge [sflag:s8], $0x80  }
0x7b: {  	[sflag:s8] =	ssyncset.done $0x0  }
0x7c: {  	[sflag:s8] =	ssyncadd.s32 $0xFFFFFF80  }
0x7d: {  	_ =	swait.ge [sflag:s29], $0x4000  }
0x7e: {  	[sflag:s29] =	ssyncset.done $0x0  }
0x7f: {  	[sflag:s29] =	ssyncadd.s32 $0xFFFFC000  }
0x80: {  	[tilespmem:s24], [sflag:$0x2] =	stream.indirect.gather [hbm4b:s4+s25], $0x80, s10, s25, $0xb8;
	[tilespmem:$0x1C000] =	vst v63  }
0x81: {  	s17 =	sadd.s32 $0x40, s14  }
0x82: {  	[tilespmem:s2], [sflag:$0x3] =	stream.linear.gather [hbm4b:s17+s2], $0x80, $0x38;
	[tilespmem:$0x1C000] =	vst v63  }
0x83: {  	s17 =	sadd.s32 $0x40, s16  }
0x84: {  	[tilespmem:s25], [sflag:$0x4] =	stream.linear.gather [hbm4b:s17+s2], $0x80, $0x38;
	[tilespmem:$0x1C000] =	vst v63  }
0x85: {  	_ =	swait.ge [sflag:s0], $0x4000  }
0x86: {  	[sflag:s0] =	ssyncset.done $0x0  }
0x87: {  	[sflag:s0] =	ssyncadd.s32 $0xFFFFC000  }
0x88: {  	[spmem:s1] =	stream.indirect.scatter.add.f32 [tilespmem:s22], [sflag:$0x5], $0x80, s31, s25, $0xb8;
	[tilespmem:$0x1C000] =	vst v63  }
0x89: {  	_ =	swait.ge [sflag:s7], $0x80  }
0x8a: {  	[sflag:s7] =	ssyncset.done $0x0  }
0x8b: {  	[sflag:s7] =	ssyncadd.s32 $0xFFFFFF80  }
0x8c: {  	_ =	swait.ge [sflag:s8], $0x80  }
0x8d: {  	[sflag:s8] =	ssyncset.done $0x0  }
0x8e: {  	[sflag:s8] =	ssyncadd.s32 $0xFFFFFF80  }
0x8f: {  	_ =	swait.ge [sflag:s3], $0x4000  }
0x90: {  	[sflag:s3] =	ssyncset.done $0x0  }
0x91: {  	[sflag:s3] =	ssyncadd.s32 $0xFFFFC000  }
0x92: {  	[tilespmem:s22], [sflag:$0x1] =	stream.indirect.gather [hbm4b:s4+s25], $0x80, s2, s25, $0xb8;
	[tilespmem:$0x1C000] =	vst v63  }
0x93: {  	s14 =	sadd.s32 $0x50, s14  }
0x94: {  	[tilespmem:s26], [sflag:$0x3] =	stream.linear.gather [hbm4b:s14+s2], $0x80, $0x38;
	[tilespmem:$0x1C000] =	vst v63  }
0x95: {  	s17 =	sadd.s32 $0x50, s16  }
0x96: {  	[tilespmem:s28], [sflag:$0x4] =	stream.linear.gather [hbm4b:s17+s2], $0x80, $0x38;
	[tilespmem:$0x1C000] =	vst v63  }
0x97: {  	_ =	swait.ge [sflag:s12], $0x4000  }
0x98: {  	[sflag:s12] =	ssyncset.done $0x0  }
0x99: {  	[sflag:s12] =	ssyncadd.s32 $0xFFFFC000  }
0x9a: {  	[spmem:s1] =	stream.indirect.scatter.add.f32 [tilespmem:s24], [sflag:$0x6], $0x80, s11, s25, $0xb8;
	[tilespmem:$0x1C000] =	vst v63  }
0x9b: {  	_ =	swait.ge [sflag:s7], $0x80  }
0x9c: {  	[sflag:s7] =	ssyncset.done $0x0  }
0x9d: {  	[sflag:s7] =	ssyncadd.s32 $0xFFFFFF80  }
0x9e: {  	_ =	swait.ge [sflag:s8], $0x80  }
0x9f: {  	s14 =	simm.s32 $0x40;
	[sflag:s8] =	ssyncset.done $0x0  }
.LBB2_3:
0xa0: {  	p1 =	seq.s32 s14, $0x9C0  }
0xa1: {  	[sflag:s8] =	ssyncadd.s32 $0xFFFFFF80;
	s16 =	smov.u32 s14;
	s14 =	sadd.s32 $0x40, s14  }
0xa2: {  	_ =	swait.ge [sflag:s29], $0x4000  }
0xa3: {  	[sflag:s29] =	ssyncset.done $0x0  }
0xa4: {  	s15 =	sadd.s32 s16, s21;
	[sflag:s29] =	ssyncadd.s32 $0xFFFFC000  }
0xa5: {  	[tilespmem:s24], [sflag:$0x2] =	stream.indirect.gather [hbm4b:s4+s25], $0x80, s26, s25, $0xb8;
	[tilespmem:$0x1C000] =	vst v63  }
0xa6: {  	s16 =	sadd.s32 s16, s20;
	s17 =	sadd.s32 $0x20, s15  }
0xa7: {  	[tilespmem:s30], [sflag:$0x3] =	stream.linear.gather [hbm4b:s17+s2], $0x80, $0x38;
	[tilespmem:$0x1C000] =	vst v63  }
0xa8: {  	s17 =	sadd.s32 $0x20, s16  }
0xa9: {  	[tilespmem:s31], [sflag:$0x4] =	stream.linear.gather [hbm4b:s17+s2], $0x80, $0x38;
	[tilespmem:$0x1C000] =	vst v63  }
0xaa: {  	_ =	swait.ge [sflag:s0], $0x4000  }
0xab: {  	[sflag:s0] =	ssyncset.done $0x0  }
0xac: {  	[sflag:s0] =	ssyncadd.s32 $0xFFFFC000  }
0xad: {  	[spmem:s1] =	stream.indirect.scatter.add.f32 [tilespmem:s22], [sflag:$0x5], $0x80, s25, s25, $0xb8;
	[tilespmem:$0x1C000] =	vst v63  }
0xae: {  	_ =	swait.ge [sflag:s7], $0x80  }
0xaf: {  	[sflag:s7] =	ssyncset.done $0x0  }
0xb0: {  	[sflag:s7] =	ssyncadd.s32 $0xFFFFFF80  }
0xb1: {  	_ =	swait.ge [sflag:s8], $0x80  }
0xb2: {  	[sflag:s8] =	ssyncset.done $0x0  }
0xb3: {  	[sflag:s8] =	ssyncadd.s32 $0xFFFFFF80  }
0xb4: {  	_ =	swait.ge [sflag:s3], $0x4000  }
0xb5: {  	[sflag:s3] =	ssyncset.done $0x0  }
0xb6: {  	[sflag:s3] =	ssyncadd.s32 $0xFFFFC000  }
0xb7: {  	[tilespmem:s22], [sflag:$0x1] =	stream.indirect.gather [hbm4b:s4+s25], $0x80, s30, s25, $0xb8;
	[tilespmem:$0x1C000] =	vst v63  }
0xb8: {  	s17 =	sadd.s32 $0x30, s15  }
0xb9: {  	[tilespmem:s10], [sflag:$0x3] =	stream.linear.gather [hbm4b:s17+s2], $0x80, $0x38;
	[tilespmem:$0x1C000] =	vst v63  }
0xba: {  	s17 =	sadd.s32 $0x30, s16  }
0xbb: {  	[tilespmem:s11], [sflag:$0x4] =	stream.linear.gather [hbm4b:s17+s2], $0x80, $0x38;
	[tilespmem:$0x1C000] =	vst v63  }
0xbc: {  	_ =	swait.ge [sflag:s12], $0x4000  }
0xbd: {  	[sflag:s12] =	ssyncset.done $0x0  }
0xbe: {  	[sflag:s12] =	ssyncadd.s32 $0xFFFFC000  }
0xbf: {  	[spmem:s1] =	stream.indirect.scatter.add.f32 [tilespmem:s24], [sflag:$0x6], $0x80, s28, s25, $0xb8;
	[tilespmem:$0x1C000] =	vst v63  }
0xc0: {  	_ =	swait.ge [sflag:s7], $0x80  }
0xc1: {  	[sflag:s7] =	ssyncset.done $0x0  }
0xc2: {  	[sflag:s7] =	ssyncadd.s32 $0xFFFFFF80  }
0xc3: {  	_ =	swait.ge [sflag:s8], $0x80  }
0xc4: {  	[sflag:s8] =	ssyncset.done $0x0  }
0xc5: {  	[sflag:s8] =	ssyncadd.s32 $0xFFFFFF80  }
0xc6: {  	_ =	swait.ge [sflag:s29], $0x4000  }
0xc7: {  	[sflag:s29] =	ssyncset.done $0x0  }
0xc8: {  	[sflag:s29] =	ssyncadd.s32 $0xFFFFC000  }
0xc9: {  	[tilespmem:s24], [sflag:$0x2] =	stream.indirect.gather [hbm4b:s4+s25], $0x80, s10, s25, $0xb8;
	[tilespmem:$0x1C000] =	vst v63  }
0xca: {  	s17 =	sadd.s32 $0x40, s15  }
0xcb: {  	[tilespmem:s2], [sflag:$0x3] =	stream.linear.gather [hbm4b:s17+s2], $0x80, $0x38;
	[tilespmem:$0x1C000] =	vst v63  }
0xcc: {  	s17 =	sadd.s32 $0x40, s16  }
0xcd: {  	[tilespmem:s25], [sflag:$0x4] =	stream.linear.gather [hbm4b:s17+s2], $0x80, $0x38;
	[tilespmem:$0x1C000] =	vst v63  }
0xce: {  	_ =	swait.ge [sflag:s0], $0x4000  }
0xcf: {  	[sflag:s0] =	ssyncset.done $0x0  }
0xd0: {  	[sflag:s0] =	ssyncadd.s32 $0xFFFFC000  }
0xd1: {  	[spmem:s1] =	stream.indirect.scatter.add.f32 [tilespmem:s22], [sflag:$0x5], $0x80, s31, s25, $0xb8;
	[tilespmem:$0x1C000] =	vst v63  }
0xd2: {  	_ =	swait.ge [sflag:s7], $0x80  }
0xd3: {  	[sflag:s7] =	ssyncset.done $0x0  }
0xd4: {  	[sflag:s7] =	ssyncadd.s32 $0xFFFFFF80  }
0xd5: {  	_ =	swait.ge [sflag:s8], $0x80  }
0xd6: {  	[sflag:s8] =	ssyncset.done $0x0  }
0xd7: {  	[sflag:s8] =	ssyncadd.s32 $0xFFFFFF80  }
0xd8: {  	_ =	swait.ge [sflag:s3], $0x4000  }
0xd9: {  	[sflag:s3] =	ssyncset.done $0x0  }
0xda: {  	[sflag:s3] =	ssyncadd.s32 $0xFFFFC000  }
0xdb: {  	[tilespmem:s22], [sflag:$0x1] =	stream.indirect.gather [hbm4b:s4+s25], $0x80, s2, s25, $0xb8;
	[tilespmem:$0x1C000] =	vst v63  }
0xdc: {  	s15 =	sadd.s32 $0x50, s15  }
0xdd: {  	[tilespmem:s26], [sflag:$0x3] =	stream.linear.gather [hbm4b:s15+s2], $0x80, $0x38;
	[tilespmem:$0x1C000] =	vst v63  }
0xde: {  	s15 =	sadd.s32 $0x50, s16  }
0xdf: {  	[tilespmem:s28], [sflag:$0x4] =	stream.linear.gather [hbm4b:s15+s2], $0x80, $0x38;
	[tilespmem:$0x1C000] =	vst v63  }
0xe0: {  	_ =	swait.ge [sflag:s12], $0x4000  }
0xe1: {  	[sflag:s12] =	ssyncset.done $0x0  }
0xe2: {  	[sflag:s12] =	ssyncadd.s32 $0xFFFFC000  }
0xe3: {  	[spmem:s1] =	stream.indirect.scatter.add.f32 [tilespmem:s24], [sflag:$0x6], $0x80, s11, s25, $0xb8;
	[tilespmem:$0x1C000] =	vst v63  }
.Ltmp3:
0xe4: {  	_ =	swait.ge [sflag:s7], $0x80;
	(pc) =	sbr.rel @!p1 .LBB2_3-.Ltmp3, $4  }
0xe5: {  	[sflag:s7] =	ssyncset.done $0x0  }
0xe6: {  	[sflag:s7] =	ssyncadd.s32 $0xFFFFFF80  }
0xe7: {  	_ =	swait.ge [sflag:s8], $0x80  }
0xe8: {  	[sflag:s8] =	ssyncset.done $0x0  }
.Ltmp4:
0xe9: {  	(pc) =	sbr.rel .LBB2_8-.Ltmp4, $2  }
0xea: {  	_ =	sdelay $0x2  }
0xeb: {  	[sflag:s8] =	ssyncadd.s32 $0xFFFFFF80;
	s14 =	rddreg [dreg:$0x3]  }
.LBB2_5:
0xec: {  	[tilespmem:s22], [sflag:$0x1] =	stream.indirect.gather [hbm4b:s5+s25], $0x80, s14, s25, $0xb8;
	[tilespmem:$0x1C000] =	vst v63  }
0xed: {  	_ =	swait.ge [sflag:s29], $0x4000  }
0xee: {  	[sflag:s29] =	ssyncset.done $0x0  }
0xef: {  	s14 =	sadd.s32 $0x0, s21;
	[sflag:s29] =	ssyncadd.s32 $0xFFFFC000  }
0xf0: {  	[tilespmem:s24], [sflag:$0x2] =	stream.indirect.gather [hbm4b:s5+s25], $0x80, s26, s25, $0xb8;
	[tilespmem:$0x1C000] =	vst v63  }
0xf1: {  	s16 =	sadd.s32 $0x0, s20;
	s15 =	sadd.s32 $0x20, s14  }
0xf2: {  	[tilespmem:s30], [sflag:$0x3] =	stream.linear.gather [hbm4b:s15+s2], $0x80, $0x38;
	[tilespmem:$0x1C000] =	vst v63  }
0xf3: {  	s17 =	sadd.s32 $0x20, s16  }
0xf4: {  	[tilespmem:s31], [sflag:$0x4] =	stream.linear.gather [hbm4b:s17+s2], $0x80, $0x38;
	[tilespmem:$0x1C000] =	vst v63  }
0xf5: {  	_ =	swait.ge [sflag:s0], $0x4000  }
0xf6: {  	[sflag:s0] =	ssyncset.done $0x0  }
0xf7: {  	[sflag:s0] =	ssyncadd.s32 $0xFFFFC000  }
0xf8: {  	[spmem:s1] =	stream.indirect.scatter.add.f32 [tilespmem:s22], [sflag:$0x5], $0x80, s25, s25, $0xb8;
	[tilespmem:$0x1C000] =	vst v63  }
0xf9: {  	_ =	swait.ge [sflag:s7], $0x80  }
0xfa: {  	[sflag:s7] =	ssyncset.done $0x0  }
0xfb: {  	[sflag:s7] =	ssyncadd.s32 $0xFFFFFF80  }
0xfc: {  	_ =	swait.ge [sflag:s8], $0x80  }
0xfd: {  	[sflag:s8] =	ssyncset.done $0x0  }
0xfe: {  	[sflag:s8] =	ssyncadd.s32 $0xFFFFFF80  }
0xff: {  	_ =	swait.ge [sflag:s3], $0x4000  }
0x100: {  	[sflag:s3] =	ssyncset.done $0x0  }
0x101: {  	[sflag:s3] =	ssyncadd.s32 $0xFFFFC000  }
0x102: {  	[tilespmem:s22], [sflag:$0x1] =	stream.indirect.gather [hbm4b:s5+s25], $0x80, s30, s25, $0xb8;
	[tilespmem:$0x1C000] =	vst v63  }
0x103: {  	s17 =	sadd.s32 $0x30, s14  }
0x104: {  	[tilespmem:s10], [sflag:$0x3] =	stream.linear.gather [hbm4b:s17+s2], $0x80, $0x38;
	[tilespmem:$0x1C000] =	vst v63  }
0x105: {  	s17 =	sadd.s32 $0x30, s16  }
0x106: {  	[tilespmem:s11], [sflag:$0x4] =	stream.linear.gather [hbm4b:s17+s2], $0x80, $0x38;
	[tilespmem:$0x1C000] =	vst v63  }
0x107: {  	_ =	swait.ge [sflag:s12], $0x4000  }
0x108: {  	[sflag:s12] =	ssyncset.done $0x0  }
0x109: {  	[sflag:s12] =	ssyncadd.s32 $0xFFFFC000  }
0x10a: {  	[spmem:s1] =	stream.indirect.scatter.add.f32 [tilespmem:s24], [sflag:$0x6], $0x80, s28, s25, $0xb8;
	[tilespmem:$0x1C000] =	vst v63  }
0x10b: {  	_ =	swait.ge [sflag:s7], $0x80  }
0x10c: {  	[sflag:s7] =	ssyncset.done $0x0  }
0x10d: {  	[sflag:s7] =	ssyncadd.s32 $0xFFFFFF80  }
0x10e: {  	_ =	swait.ge [sflag:s8], $0x80  }
0x10f: {  	[sflag:s8] =	ssyncset.done $0x0  }
0x110: {  	[sflag:s8] =	ssyncadd.s32 $0xFFFFFF80  }
0x111: {  	_ =	swait.ge [sflag:s29], $0x4000  }
0x112: {  	[sflag:s29] =	ssyncset.done $0x0  }
0x113: {  	[sflag:s29] =	ssyncadd.s32 $0xFFFFC000  }
0x114: {  	[tilespmem:s24], [sflag:$0x2] =	stream.indirect.gather [hbm4b:s5+s25], $0x80, s10, s25, $0xb8;
	[tilespmem:$0x1C000] =	vst v63  }
0x115: {  	s17 =	sadd.s32 $0x40, s14  }
0x116: {  	[tilespmem:s2], [sflag:$0x3] =	stream.linear.gather [hbm4b:s17+s2], $0x80, $0x38;
	[tilespmem:$0x1C000] =	vst v63  }
0x117: {  	s17 =	sadd.s32 $0x40, s16  }
0x118: {  	[tilespmem:s25], [sflag:$0x4] =	stream.linear.gather [hbm4b:s17+s2], $0x80, $0x38;
	[tilespmem:$0x1C000] =	vst v63  }
0x119: {  	_ =	swait.ge [sflag:s0], $0x4000  }
0x11a: {  	[sflag:s0] =	ssyncset.done $0x0  }
0x11b: {  	[sflag:s0] =	ssyncadd.s32 $0xFFFFC000  }
0x11c: {  	[spmem:s1] =	stream.indirect.scatter.add.f32 [tilespmem:s22], [sflag:$0x5], $0x80, s31, s25, $0xb8;
	[tilespmem:$0x1C000] =	vst v63  }
0x11d: {  	_ =	swait.ge [sflag:s7], $0x80  }
0x11e: {  	[sflag:s7] =	ssyncset.done $0x0  }
0x11f: {  	[sflag:s7] =	ssyncadd.s32 $0xFFFFFF80  }
0x120: {  	_ =	swait.ge [sflag:s8], $0x80  }
0x121: {  	[sflag:s8] =	ssyncset.done $0x0  }
0x122: {  	[sflag:s8] =	ssyncadd.s32 $0xFFFFFF80  }
0x123: {  	_ =	swait.ge [sflag:s3], $0x4000  }
0x124: {  	[sflag:s3] =	ssyncset.done $0x0  }
0x125: {  	[sflag:s3] =	ssyncadd.s32 $0xFFFFC000  }
0x126: {  	[tilespmem:s22], [sflag:$0x1] =	stream.indirect.gather [hbm4b:s5+s25], $0x80, s2, s25, $0xb8;
	[tilespmem:$0x1C000] =	vst v63  }
0x127: {  	s14 =	sadd.s32 $0x50, s14  }
0x128: {  	[tilespmem:s26], [sflag:$0x3] =	stream.linear.gather [hbm4b:s14+s2], $0x80, $0x38;
	[tilespmem:$0x1C000] =	vst v63  }
0x129: {  	s17 =	sadd.s32 $0x50, s16  }
0x12a: {  	[tilespmem:s28], [sflag:$0x4] =	stream.linear.gather [hbm4b:s17+s2], $0x80, $0x38;
	[tilespmem:$0x1C000] =	vst v63  }
0x12b: {  	_ =	swait.ge [sflag:s12], $0x4000  }
0x12c: {  	[sflag:s12] =	ssyncset.done $0x0  }
0x12d: {  	[sflag:s12] =	ssyncadd.s32 $0xFFFFC000  }
0x12e: {  	[spmem:s1] =	stream.indirect.scatter.add.f32 [tilespmem:s24], [sflag:$0x6], $0x80, s11, s25, $0xb8;
	[tilespmem:$0x1C000] =	vst v63  }
0x12f: {  	_ =	swait.ge [sflag:s7], $0x80  }
0x130: {  	[sflag:s7] =	ssyncset.done $0x0  }
0x131: {  	[sflag:s7] =	ssyncadd.s32 $0xFFFFFF80  }
0x132: {  	_ =	swait.ge [sflag:s8], $0x80  }
0x133: {  	s14 =	simm.s32 $0x40;
	[sflag:s8] =	ssyncset.done $0x0  }
.LBB2_6:
0x134: {  	p1 =	sne.s32 s14, $0x9C0  }
0x135: {  	[sflag:s8] =	ssyncadd.s32 $0xFFFFFF80;
	s16 =	smov.u32 s14;
	s14 =	sadd.s32 $0x40, s14  }
0x136: {  	_ =	swait.ge [sflag:s29], $0x4000  }
0x137: {  	[sflag:s29] =	ssyncset.done $0x0  }
0x138: {  	s15 =	sadd.s32 s16, s21;
	[sflag:s29] =	ssyncadd.s32 $0xFFFFC000  }
0x139: {  	[tilespmem:s24], [sflag:$0x2] =	stream.indirect.gather [hbm4b:s5+s25], $0x80, s26, s25, $0xb8;
	[tilespmem:$0x1C000] =	vst v63  }
0x13a: {  	s16 =	sadd.s32 s16, s20;
	s17 =	sadd.s32 $0x20, s15  }
0x13b: {  	[tilespmem:s30], [sflag:$0x3] =	stream.linear.gather [hbm4b:s17+s2], $0x80, $0x38;
	[tilespmem:$0x1C000] =	vst v63  }
0x13c: {  	s17 =	sadd.s32 $0x20, s16  }
0x13d: {  	[tilespmem:s31], [sflag:$0x4] =	stream.linear.gather [hbm4b:s17+s2], $0x80, $0x38;
	[tilespmem:$0x1C000] =	vst v63  }
0x13e: {  	_ =	swait.ge [sflag:s0], $0x4000  }
0x13f: {  	[sflag:s0] =	ssyncset.done $0x0  }
0x140: {  	[sflag:s0] =	ssyncadd.s32 $0xFFFFC000  }
0x141: {  	[spmem:s1] =	stream.indirect.scatter.add.f32 [tilespmem:s22], [sflag:$0x5], $0x80, s25, s25, $0xb8;
	[tilespmem:$0x1C000] =	vst v63  }
0x142: {  	_ =	swait.ge [sflag:s7], $0x80  }
0x143: {  	[sflag:s7] =	ssyncset.done $0x0  }
0x144: {  	[sflag:s7] =	ssyncadd.s32 $0xFFFFFF80  }
0x145: {  	_ =	swait.ge [sflag:s8], $0x80  }
0x146: {  	[sflag:s8] =	ssyncset.done $0x0  }
0x147: {  	[sflag:s8] =	ssyncadd.s32 $0xFFFFFF80  }
0x148: {  	_ =	swait.ge [sflag:s3], $0x4000  }
0x149: {  	[sflag:s3] =	ssyncset.done $0x0  }
0x14a: {  	[sflag:s3] =	ssyncadd.s32 $0xFFFFC000  }
0x14b: {  	[tilespmem:s22], [sflag:$0x1] =	stream.indirect.gather [hbm4b:s5+s25], $0x80, s30, s25, $0xb8;
	[tilespmem:$0x1C000] =	vst v63  }
0x14c: {  	s17 =	sadd.s32 $0x30, s15  }
0x14d: {  	[tilespmem:s10], [sflag:$0x3] =	stream.linear.gather [hbm4b:s17+s2], $0x80, $0x38;
	[tilespmem:$0x1C000] =	vst v63  }
0x14e: {  	s17 =	sadd.s32 $0x30, s16  }
0x14f: {  	[tilespmem:s11], [sflag:$0x4] =	stream.linear.gather [hbm4b:s17+s2], $0x80, $0x38;
	[tilespmem:$0x1C000] =	vst v63  }
0x150: {  	_ =	swait.ge [sflag:s12], $0x4000  }
0x151: {  	[sflag:s12] =	ssyncset.done $0x0  }
0x152: {  	[sflag:s12] =	ssyncadd.s32 $0xFFFFC000  }
0x153: {  	[spmem:s1] =	stream.indirect.scatter.add.f32 [tilespmem:s24], [sflag:$0x6], $0x80, s28, s25, $0xb8;
	[tilespmem:$0x1C000] =	vst v63  }
0x154: {  	_ =	swait.ge [sflag:s7], $0x80  }
0x155: {  	[sflag:s7] =	ssyncset.done $0x0  }
0x156: {  	[sflag:s7] =	ssyncadd.s32 $0xFFFFFF80  }
0x157: {  	_ =	swait.ge [sflag:s8], $0x80  }
0x158: {  	[sflag:s8] =	ssyncset.done $0x0  }
0x159: {  	[sflag:s8] =	ssyncadd.s32 $0xFFFFFF80  }
0x15a: {  	_ =	swait.ge [sflag:s29], $0x4000  }
0x15b: {  	[sflag:s29] =	ssyncset.done $0x0  }
0x15c: {  	[sflag:s29] =	ssyncadd.s32 $0xFFFFC000  }
0x15d: {  	[tilespmem:s24], [sflag:$0x2] =	stream.indirect.gather [hbm4b:s5+s25], $0x80, s10, s25, $0xb8;
	[tilespmem:$0x1C000] =	vst v63  }
0x15e: {  	s17 =	sadd.s32 $0x40, s15  }
0x15f: {  	[tilespmem:s2], [sflag:$0x3] =	stream.linear.gather [hbm4b:s17+s2], $0x80, $0x38;
	[tilespmem:$0x1C000] =	vst v63  }
0x160: {  	s17 =	sadd.s32 $0x40, s16  }
0x161: {  	[tilespmem:s25], [sflag:$0x4] =	stream.linear.gather [hbm4b:s17+s2], $0x80, $0x38;
	[tilespmem:$0x1C000] =	vst v63  }
0x162: {  	_ =	swait.ge [sflag:s0], $0x4000  }
0x163: {  	[sflag:s0] =	ssyncset.done $0x0  }
0x164: {  	[sflag:s0] =	ssyncadd.s32 $0xFFFFC000  }
0x165: {  	[spmem:s1] =	stream.indirect.scatter.add.f32 [tilespmem:s22], [sflag:$0x5], $0x80, s31, s25, $0xb8;
	[tilespmem:$0x1C000] =	vst v63  }
0x166: {  	_ =	swait.ge [sflag:s7], $0x80  }
0x167: {  	[sflag:s7] =	ssyncset.done $0x0  }
0x168: {  	[sflag:s7] =	ssyncadd.s32 $0xFFFFFF80  }
0x169: {  	_ =	swait.ge [sflag:s8], $0x80  }
0x16a: {  	[sflag:s8] =	ssyncset.done $0x0  }
0x16b: {  	[sflag:s8] =	ssyncadd.s32 $0xFFFFFF80  }
0x16c: {  	_ =	swait.ge [sflag:s3], $0x4000  }
0x16d: {  	[sflag:s3] =	ssyncset.done $0x0  }
0x16e: {  	[sflag:s3] =	ssyncadd.s32 $0xFFFFC000  }
0x16f: {  	[tilespmem:s22], [sflag:$0x1] =	stream.indirect.gather [hbm4b:s5+s25], $0x80, s2, s25, $0xb8;
	[tilespmem:$0x1C000] =	vst v63  }
0x170: {  	s15 =	sadd.s32 $0x50, s15  }
0x171: {  	[tilespmem:s26], [sflag:$0x3] =	stream.linear.gather [hbm4b:s15+s2], $0x80, $0x38;
	[tilespmem:$0x1C000] =	vst v63  }
0x172: {  	s15 =	sadd.s32 $0x50, s16  }
0x173: {  	[tilespmem:s28], [sflag:$0x4] =	stream.linear.gather [hbm4b:s15+s2], $0x80, $0x38;
	[tilespmem:$0x1C000] =	vst v63  }
0x174: {  	_ =	swait.ge [sflag:s12], $0x4000  }
0x175: {  	[sflag:s12] =	ssyncset.done $0x0  }
0x176: {  	[sflag:s12] =	ssyncadd.s32 $0xFFFFC000  }
0x177: {  	[spmem:s1] =	stream.indirect.scatter.add.f32 [tilespmem:s24], [sflag:$0x6], $0x80, s11, s25, $0xb8;
	[tilespmem:$0x1C000] =	vst v63  }
.Ltmp5:
0x178: {  	_ =	swait.ge [sflag:s7], $0x80;
	(pc) =	sbr.rel @p1 .LBB2_6-.Ltmp5, $4  }
0x179: {  	[sflag:s7] =	ssyncset.done $0x0  }
0x17a: {  	[sflag:s7] =	ssyncadd.s32 $0xFFFFFF80  }
0x17b: {  	_ =	swait.ge [sflag:s8], $0x80  }
0x17c: {  	[sflag:s8] =	ssyncset.done $0x0  }
.Ltmp6:
0x17d: {  	_ = 	snop;
	(pc) =	sbr.rel .LBB2_7-.Ltmp6, $1  }
0x17e: {  	_ =	sdelay $0x3  }
.LBB2_9:
0x17f: {  	_ =	sfence.sel $0x180000  }
0x180: {  	[bflag:$0x0] =	sbarrier.arrive $0xFFFF  }
0x181: {  	_ =	strace $0x9000004D  }
0x182: {  	s0 =	stileid.u32;
	[bflag:$0x2] =	sbarrier.arrive $0xFFFF  }
0x183: {  	p0 =	sne.s32 s0, $0x0;
	s0 =	rddreg [dreg:$0x2]  }
0x184: {  	s0 =	sadd.s32 @!p0 $0x100000, s0  }
0x185: {  	[sflag:s0] =	ssyncadd.tile.s32 @!p0 $0x1;
	_ =	shalt  }
.Lfunc_end2:
_tile_overlayer_lowered:
.L_overlay_start_2:
0x186: {  	(tag) =	ssettag $0x2  }
0x187: {  	s0 =	rddreg [dreg:$0x0];
	s2 =	stileid.u32  }
0x188: {  	s1 =	rddreg [dreg:$0x1];
	p0 =	sne.s32 s2, $0x0  }
0x189: {  	s3 =	rddreg [dreg:$0x2];
	[bflag:$0x3] =	sbarrier.arrive $0xFFFF;
	s2 =	simm.s32 @!p0 $0x1C07  }
0x18a: {  	[timem:s3], [sflag:s2] =	dma.local @!p0 [hbm:s0], s1  }
0x18b: {  	s0 =	simm.s32 @!p0 $0x7  }
0x18c: {  	_ =	swait.ge @!p0 [sflag:s0], s1  }
0x18d: {  	s1 =	ssub.s32 @!p0 $0x0, s1;
	[sflag:s0] =	ssyncset.done @!p0 $0x0  }
0x18e: {  	[sflag:s0] =	ssyncadd.s32 @!p0 s1  }
0x18f: {  	[bflag:$0x3] =	sbarrier.arrive $0xFFFF  }
0x190: {  	_ =	shalt  }

</sc_bundles>
